<compile_context>
chip_gen: v7x
topology: tpu7x:2x2x1
jax: 0.10.2.dev20260603
libtpu: 0.0.44.dev20260713+nightly
codegen_flags: <defaults>
</compile_context>

<pallas_src>
import functools

import jax
import jax.numpy as jnp
from jax import lax
from jax.experimental import pallas as pl
from jax.experimental.pallas import tpu as pltpu
from jax.experimental.pallas import tpu_sc as plsc

N = 10000
E = 160000
IN = 128
OUT = 32
FE = 4

RPC = 128
NUM_CHUNKS = E // RPC
NW = 32
NTILE = 16
CHUNKS_PER_CORE = NUM_CHUNKS // 2
NP = 10240
TILE_ROWS = NP // NTILE
MW = 128

C = 1600
OIN = OUT * IN


def _mesh():
    return plsc.VectorSubcoreMesh(core_axis_name="c", subcore_axis_name="s")


def _sc_gather_body(nchunks, x_hbm, src_hbm, out_hbm, idx_v, rows_v, sem):
    c = lax.axis_index("c")
    s = lax.axis_index("s")
    wid = s * 2 + c

    def body(t, carry):
        ch = wid + NW * t

        @pl.when(ch < nchunks)
        def _():
            pltpu.sync_copy(src_hbm.at[pl.ds(ch * RPC, RPC)], idx_v)
            pltpu.async_copy(x_hbm.at[idx_v], rows_v, sem).wait()
            pltpu.sync_copy(rows_v, out_hbm.at[pl.ds(ch * RPC, RPC)])

        return carry

    lax.fori_loop(0, (nchunks + NW - 1) // NW, body, 0)


@functools.cache
def _gather_call(es):
    return pl.kernel(
        functools.partial(_sc_gather_body, es // RPC),
        out_type=jax.ShapeDtypeStruct((es, IN), jnp.float32),
        mesh=_mesh(),
        scratch_types=[
            pltpu.VMEM((RPC,), jnp.int32),
            pltpu.VMEM((RPC, IN), jnp.float32),
            pltpu.SemaphoreType.DMA,
        ],
    )


def _sc_scatter_body(nchunks, msg_hbm, dst_hbm, zrows_hbm, agg_hbm,
                     idx_v, msg_v, agg_sh):
    c = lax.axis_index("c")
    s = lax.axis_index("s")
    half = nchunks // 2
    sl = pl.ds(s * TILE_ROWS, TILE_ROWS)
    pltpu.sync_copy(zrows_hbm, agg_sh.at[sl])
    plsc.subcore_barrier()
    base = c * half
    limit = jnp.where(c == 0, half, nchunks - half)

    def body(t, carry):
        ch = s + NTILE * t

        @pl.when(ch < limit)
        def _():
            g = base + ch
            pltpu.sync_copy(dst_hbm.at[pl.ds(g * RPC, RPC)], idx_v.at[0])
            pltpu.sync_copy(msg_hbm.at[pl.ds(g * RPC, RPC)], msg_v)
            pltpu.sync_copy(msg_v, agg_sh.at[idx_v.at[0]], add=True)

        return carry

    lax.fori_loop(0, (nchunks - half + NTILE - 1) // NTILE, body, 0)
    plsc.subcore_barrier()
    pltpu.sync_copy(agg_sh.at[sl], agg_hbm.at[c, sl])


@functools.cache
def _scatter_call(es):
    return pl.kernel(
        functools.partial(_sc_scatter_body, es // RPC),
        out_type=jax.ShapeDtypeStruct((2, NP, MW), jnp.float32),
        mesh=_mesh(),
        scratch_types=[
            pltpu.VMEM((1, RPC), jnp.int32),
            pltpu.VMEM((RPC, MW), jnp.float32),
            pltpu.VMEM_SHARED((NP, MW), jnp.float32),
        ],
    )


NH = 2


def _tc_msg_body(ea_ref, xs_ref, w2_ref, r_ref, out_ref):
    w2 = w2_ref[...]
    r = r_ref[...]
    ohe = (lax.broadcasted_iota(jnp.int32, (1, MW), 1) == OUT
           ).astype(jnp.float32)
    H = C // NH
    for h in range(NH):
        rows = pl.ds(h * H, H)
        ea = ea_ref[rows, :]
        xs = xs_ref[rows, :].astype(jnp.bfloat16)
        z = jnp.dot(ea, w2, preferred_element_type=jnp.float32
                    ).astype(jnp.bfloat16)
        zero = jnp.zeros((), jnp.bfloat16)
        cols = [jnp.maximum(z[:, o * IN:(o + 1) * IN], zero) * xs
                for o in range(OUT)]
        p = jnp.concatenate(cols, axis=1)
        red = jnp.dot(p, r, preferred_element_type=jnp.float32)
        out_ref[rows, :] = red + ohe


def _msg_call(ea5, xsrc, w25, rmat):
    es = ea5.shape[0]
    return pl.pallas_call(
        _tc_msg_body,
        grid=(es // C,),
        in_specs=[
            pl.BlockSpec((C, FE + 1), lambda k: (k, 0)),
            pl.BlockSpec((C, IN), lambda k: (k, 0)),
            pl.BlockSpec((FE + 1, OIN), lambda k: (0, 0)),
            pl.BlockSpec((OIN, MW), lambda k: (0, 0)),
        ],
        out_specs=pl.BlockSpec((C, MW), lambda k: (k, 0)),
        out_shape=jax.ShapeDtypeStruct((es, MW), jnp.float32),
        compiler_params=pltpu.CompilerParams(
            dimension_semantics=("parallel",)),
    )(ea5, xsrc, w25, rmat)


FR = 2000


def _tc_final_body(x_ref, root_ref, bias_ref, *refs):
    agg_refs, out_ref = refs[:-1], refs[-1]
    acc = agg_refs[0][0] + agg_refs[0][1]
    for r in agg_refs[1:]:
        acc = acc + r[0] + r[1]
    agg = acc[:, :OUT]
    cnt = acc[:, OUT:OUT + 1]
    inv = 1.0 / jnp.maximum(cnt, 1.0)
    out_ref[...] = (agg * inv
                    + jnp.dot(x_ref[...], root_ref[...],
                              preferred_element_type=jnp.float32)
                    + bias_ref[...])


def _final_call(x, root, bias2, aggs):
    agg_spec = pl.BlockSpec((2, FR, MW), lambda k: (0, k, 0))
    return pl.pallas_call(
        _tc_final_body,
        grid=(N // FR,),
        in_specs=[
            pl.BlockSpec((FR, IN), lambda k: (k, 0)),
            pl.BlockSpec((IN, OUT), lambda k: (0, 0)),
            pl.BlockSpec((1, OUT), lambda k: (0, 0)),
        ] + [agg_spec] * len(aggs),
        out_specs=pl.BlockSpec((FR, OUT), lambda k: (k, 0)),
        out_shape=jax.ShapeDtypeStruct((N, OUT), jnp.float32),
    )(x, root, bias2, *aggs)


def kernel(x, edge_index, edge_attr, nn_w, nn_b, root, bias):
    src = edge_index[0]
    dst = edge_index[1]
    w2 = nn_w.reshape(IN, OUT, FE).transpose(1, 0, 2).reshape(OIN, FE).T
    b2 = nn_b.reshape(IN, OUT).T.reshape(1, OIN)
    w25 = jnp.concatenate([w2, b2], axis=0).astype(jnp.bfloat16)
    ea5 = jnp.concatenate(
        [edge_attr, jnp.ones((E, 1), jnp.float32)],
        axis=1).astype(jnp.bfloat16)
    rmat = (jnp.arange(OIN)[:, None] // IN
            == jnp.arange(MW)[None, :]).astype(jnp.bfloat16)

    zrows = jnp.zeros((TILE_ROWS, MW), jnp.float32)

    NS = 5
    ES = E // NS
    xsrcs = [_gather_call(ES)(x, src[k * ES:(k + 1) * ES])
             for k in range(NS)]
    msgs = [_msg_call(ea5[k * ES:(k + 1) * ES], xsrcs[k], w25, rmat)
            for k in range(NS)]
    aggs = [_scatter_call(ES)(msgs[k], dst[k * ES:(k + 1) * ES], zrows)
            for k in range(NS)]

    return _final_call(x, root, bias.reshape(1, OUT), aggs)

# --- scband reference (transcript-rebuilt; emitter-appended) ---
"""Pipeline reference for scband-net-conv-73839077753051 (READ-ONLY COPY).

The authoritative reference and input builder live on the scoring server;
editing this copy changes nothing except your own understanding.
"""

import jax, jax.numpy as jnp
import numpy as np

N = 10000
E = 160000
IN = 128
OUT = 32
FE = 4
CHUNKS = 32


def setup_inputs(seed: int = 0) -> dict:
    key = jax.random.key(seed)
    ks = jax.random.split(key, 8)
    x = jax.random.normal(ks[0], (N, IN), dtype=jnp.float32)
    edge_index = jax.random.randint(ks[1], (2, E), 0, N, dtype=jnp.int32)
    edge_attr = jax.random.uniform(ks[2], (E, FE), dtype=jnp.float32)
    # edge-conditioned filter generator: Linear(FE -> IN*OUT) + ReLU (ff_unit)
    nn_w = jax.random.normal(ks[3], (IN * OUT, FE), dtype=jnp.float32) * (1.0 / np.sqrt(FE))
    nn_b = jnp.zeros((IN * OUT,), dtype=jnp.float32)
    # NNConv root weight and bias
    root = jax.random.normal(ks[4], (IN, OUT), dtype=jnp.float32) * (1.0 / np.sqrt(IN))
    bias = jnp.zeros((OUT,), dtype=jnp.float32)
    return {"x": x, "edge_index": edge_index, "edge_attr": edge_attr,
            "nn_w": nn_w, "nn_b": nn_b, "root": root, "bias": bias}


def reference(x, edge_index, edge_attr, nn_w, nn_b, root, bias):
    src = edge_index[0]
    dst = edge_index[1]
    x_src = jnp.take(x, src, axis=0)  # gather source node features [E, IN]
    # chunk edges to bound the [e, IN, OUT] per-edge weight materialization
    xs = x_src.reshape(CHUNKS, E // CHUNKS, IN)
    eas = edge_attr.reshape(CHUNKS, E // CHUNKS, FE)

    def f(args):
        xc, ec = args
        w = jax.nn.relu(ec @ nn_w.T + nn_b)          # [c, IN*OUT]
        w = w.reshape(-1, IN, OUT)                   # [c, IN, OUT]
        return jnp.einsum('ci,cio->co', xc, w)       # per-edge message

    msg = jax.lax.map(f, (xs, eas)).reshape(E, OUT)
    # aggr='mean' at destination nodes
    agg = jax.ops.segment_sum(msg, dst, num_segments=N)
    deg = jax.ops.segment_sum(jnp.ones((E,), jnp.float32), dst, num_segments=N)
    agg = agg / jnp.maximum(deg, 1.0)[:, None]
    out = agg + x @ root + bias
    return out

if __name__ == "__main__":
    import jax
    _d = setup_inputs()
    print(jax.jit(kernel)(*tuple(_d.values())))

</pallas_src>

<mosaic_0001>
#map = affine_map<(d0, d1) -> (0, 0)>
#map1 = affine_map<(d0, d1) -> (0)>
module attributes {stable_mosaic.version = 14 : i64} {
  func.func @_sc_gather_body(%arg0: i32, %arg1: i32, %arg2: memref<10000x128xf32, #tpu.memory_space<hbm>>, %arg3: memref<32000xi32, #tpu.memory_space<hbm>>, %arg4: memref<32000x128xf32, #tpu.memory_space<hbm>>, %arg5: memref<128xi32, #tpu.memory_space<vmem>>, %arg6: memref<128x128xf32, #tpu.memory_space<vmem>>, %arg7: memref<!tpu.dma_semaphore, #tpu.memory_space<semaphore_mem>>) attributes {dimension_semantics = [#tpu.dimension_semantics<core_parallel>, #tpu.dimension_semantics<subcore_parallel>], iteration_bounds = array<i64: 2, 16>, scalar_prefetch = 0 : i64, scratch_operands = 3 : i64, tpu.core_type = #tpu.core_type<sc_vector_subcore>, window_params = [{transform_indices = #map}, {transform_indices = #map1}, {transform_indices = #map}]} {
    %mul3A = arith.constant 2 : i32
    %mul3A_0 = arith.muli %arg1, %mul3A : i32
    %add3A = arith.addi %mul3A_0, %arg0 : i32
    %scan3A = arith.constant 0 : i32
    %scan3A_1 = arith.constant 0 : i32
    %scan3A_2 = arith.constant 8 : i32
    %scan3A_3 = arith.addi %scan3A_1, %scan3A_2 : i32
    %scan3A_4 = arith.constant 1 : i32
    scf.for %scan3A_6 = %scan3A_1 to %scan3A_3 step %scan3A_4  : i32 {
      %mul3A_7 = arith.constant 32 : i32
      %mul3A_8 = arith.muli %mul3A_7, %scan3A_6 : i32
      %add3A_9 = arith.addi %add3A, %mul3A_8 : i32
      %lt3A = arith.constant 250 : i32
      %lt3A_10 = arith.cmpi slt, %add3A_9, %lt3A : i32
      %convert_element_type3A = arith.extui %lt3A_10 : i1 to i32
      %cond3A = arith.constant 0 : i32
      %cond3A_11 = arith.cmpi ne, %convert_element_type3A, %cond3A : i32
      scf.if %cond3A_11 {
        %mul3A_12 = arith.constant 128 : i32
        %mul3A_13 = arith.muli %add3A_9, %mul3A_12 : i32
        "tpu.region"() ({
          %run_scoped3A = tpu.sem_alloc : memref<!tpu.dma_semaphore, #tpu.memory_space<semaphore_mem>>
          %dma_start3A_20 = tpu.memref_slice %arg3[%mul3A_13] : memref<32000xi32, #tpu.memory_space<hbm>> -> memref<128xi32, #tpu.memory_space<hbm>>
          %dma_start3A_21 = tpu.memref_slice %arg3[%mul3A_13] : memref<32000xi32, #tpu.memory_space<hbm>> -> memref<128xi32, #tpu.memory_space<hbm>>
          tpu.enqueue_dma source(%dma_start3A_21 : memref<128xi32, #tpu.memory_space<hbm>>) target(%arg5 : memref<128xi32, #tpu.memory_space<vmem>>) target_semaphore(%run_scoped3A : memref<!tpu.dma_semaphore, #tpu.memory_space<semaphore_mem>>)
          %dma_wait3A_22 = tpu.memref_slice %arg3[%mul3A_13] : memref<32000xi32, #tpu.memory_space<hbm>> -> memref<128xi32, #tpu.memory_space<hbm>>
          %dma_wait3A_23 = tpu.memref_slice %arg3[%mul3A_13] : memref<32000xi32, #tpu.memory_space<hbm>> -> memref<128xi32, #tpu.memory_space<hbm>>
          tpu.wait_dma2 semaphore(%run_scoped3A : memref<!tpu.dma_semaphore, #tpu.memory_space<semaphore_mem>>) src(%dma_wait3A_23 : memref<128xi32, #tpu.memory_space<hbm>>) dst(%arg5 : memref<128xi32, #tpu.memory_space<vmem>>)
          tpu.yield
        }) : () -> ()
        %dma_start3A = arith.constant 0 : i32
        %dma_start3A_14 = arith.constant 0 : i32
        %dma_start3A_15 = tpu.memref_slice %arg2[%dma_start3A, %dma_start3A_14] : memref<10000x128xf32, #tpu.memory_space<hbm>> -> memref<10000x128xf32, #tpu.memory_space<hbm>>
        tpu.enqueue_indirect_dma source(%dma_start3A_15 : memref<10000x128xf32, #tpu.memory_space<hbm>>) target(%arg6 : memref<128x128xf32, #tpu.memory_space<vmem>>) offsets(%arg5 : memref<128xi32, #tpu.memory_space<vmem>>) semaphore(%arg7 : memref<!tpu.dma_semaphore, #tpu.memory_space<semaphore_mem>>)
        %dma_wait3A = arith.constant 0 : i32
        %dma_wait3A_16 = arith.constant 0 : i32
        %dma_wait3A_17 = tpu.memref_slice %arg2[%dma_wait3A, %dma_wait3A_16] : memref<10000x128xf32, #tpu.memory_space<hbm>> -> memref<10000x128xf32, #tpu.memory_space<hbm>>
        tpu.wait_indirect_dma semaphore(%arg7 : memref<!tpu.dma_semaphore, #tpu.memory_space<semaphore_mem>>) src(%dma_wait3A_17 : memref<10000x128xf32, #tpu.memory_space<hbm>>) dst(%arg6 : memref<128x128xf32, #tpu.memory_space<vmem>>)
        %mul3A_18 = arith.constant 128 : i32
        %mul3A_19 = arith.muli %add3A_9, %mul3A_18 : i32
        "tpu.region"() ({
          %run_scoped3A = tpu.sem_alloc : memref<!tpu.dma_semaphore, #tpu.memory_space<semaphore_mem>>
          %dma_start3A_20 = arith.constant 0 : i32
          %dma_start3A_21 = tpu.memref_slice %arg4[%mul3A_19, %dma_start3A_20] : memref<32000x128xf32, #tpu.memory_space<hbm>> -> memref<128x128xf32, #tpu.memory_space<hbm>>
          %dma_start3A_22 = arith.constant 0 : i32
          %dma_start3A_23 = tpu.memref_slice %arg4[%mul3A_19, %dma_start3A_22] : memref<32000x128xf32, #tpu.memory_space<hbm>> -> memref<128x128xf32, #tpu.memory_space<hbm>>
          tpu.enqueue_dma source(%arg6 : memref<128x128xf32, #tpu.memory_space<vmem>>) target(%dma_start3A_23 : memref<128x128xf32, #tpu.memory_space<hbm>>) target_semaphore(%run_scoped3A : memref<!tpu.dma_semaphore, #tpu.memory_space<semaphore_mem>>)
          %dma_wait3A_24 = arith.constant 0 : i32
          %dma_wait3A_25 = tpu.memref_slice %arg4[%mul3A_19, %dma_wait3A_24] : memref<32000x128xf32, #tpu.memory_space<hbm>> -> memref<128x128xf32, #tpu.memory_space<hbm>>
          %dma_wait3A_26 = arith.constant 0 : i32
          %dma_wait3A_27 = tpu.memref_slice %arg4[%mul3A_19, %dma_wait3A_26] : memref<32000x128xf32, #tpu.memory_space<hbm>> -> memref<128x128xf32, #tpu.memory_space<hbm>>
          tpu.wait_dma2 semaphore(%run_scoped3A : memref<!tpu.dma_semaphore, #tpu.memory_space<semaphore_mem>>) src(%arg6 : memref<128x128xf32, #tpu.memory_space<vmem>>) dst(%dma_wait3A_27 : memref<128x128xf32, #tpu.memory_space<hbm>>)
          tpu.yield
        }) : () -> ()
      } else {
      }
    }
    %scan3A_5 = arith.constant 8 : i32
    return
  }
}

#map = affine_map<(d0, d1) -> (0, 0)>
#map1 = affine_map<(d0, d1) -> (0)>
module attributes {stable_mosaic.version = 14 : i64} {
  func.func @_sc_gather_body(%arg0: i32, %arg1: i32, %arg2: memref<10000x128xf32, #tpu.memory_space<hbm>>, %arg3: memref<32000xi32, #tpu.memory_space<hbm>>, %arg4: memref<32000x128xf32, #tpu.memory_space<hbm>>, %arg5: memref<128xi32, #tpu.memory_space<vmem>>, %arg6: memref<128x128xf32, #tpu.memory_space<vmem>>, %arg7: memref<!tpu.dma_semaphore, #tpu.memory_space<semaphore_mem>>) attributes {dimension_semantics = [#tpu.dimension_semantics<core_parallel>, #tpu.dimension_semantics<subcore_parallel>], iteration_bounds = array<i64: 2, 16>, scalar_prefetch = 0 : i64, scratch_operands = 3 : i64, tpu.core_type = #tpu.core_type<sc_vector_subcore>, window_params = [{transform_indices = #map}, {transform_indices = #map1}, {transform_indices = #map}]} {
    %mul3A = arith.constant 2 : i32
    %mul3A_0 = arith.muli %arg1, %mul3A : i32
    %add3A = arith.addi %mul3A_0, %arg0 : i32
    %scan3A = arith.constant 0 : i32
    %scan3A_1 = arith.constant 0 : i32
    %scan3A_2 = arith.constant 8 : i32
    %scan3A_3 = arith.addi %scan3A_1, %scan3A_2 : i32
    %scan3A_4 = arith.constant 1 : i32
    scf.for %scan3A_6 = %scan3A_1 to %scan3A_3 step %scan3A_4  : i32 {
      %mul3A_7 = arith.constant 32 : i32
      %mul3A_8 = arith.muli %mul3A_7, %scan3A_6 : i32
      %add3A_9 = arith.addi %add3A, %mul3A_8 : i32
      %lt3A = arith.constant 250 : i32
      %lt3A_10 = arith.cmpi slt, %add3A_9, %lt3A : i32
      %convert_element_type3A = arith.extui %lt3A_10 : i1 to i32
      %cond3A = arith.constant 0 : i32
      %cond3A_11 = arith.cmpi ne, %convert_element_type3A, %cond3A : i32
      scf.if %cond3A_11 {
        %mul3A_12 = arith.constant 128 : i32
        %mul3A_13 = arith.muli %add3A_9, %mul3A_12 : i32
        "tpu.region"() ({
          %run_scoped3A = tpu.sem_alloc : memref<!tpu.dma_semaphore, #tpu.memory_space<semaphore_mem>>
          %dma_start3A_20 = tpu.memref_slice %arg3[%mul3A_13] : memref<32000xi32, #tpu.memory_space<hbm>> -> memref<128xi32, #tpu.memory_space<hbm>>
          %dma_start3A_21 = tpu.memref_slice %arg3[%mul3A_13] : memref<32000xi32, #tpu.memory_space<hbm>> -> memref<128xi32, #tpu.memory_space<hbm>>
          tpu.enqueue_dma source(%dma_start3A_21 : memref<128xi32, #tpu.memory_space<hbm>>) target(%arg5 : memref<128xi32, #tpu.memory_space<vmem>>) target_semaphore(%run_scoped3A : memref<!tpu.dma_semaphore, #tpu.memory_space<semaphore_mem>>)
          %dma_wait3A_22 = tpu.memref_slice %arg3[%mul3A_13] : memref<32000xi32, #tpu.memory_space<hbm>> -> memref<128xi32, #tpu.memory_space<hbm>>
          %dma_wait3A_23 = tpu.memref_slice %arg3[%mul3A_13] : memref<32000xi32, #tpu.memory_space<hbm>> -> memref<128xi32, #tpu.memory_space<hbm>>
          tpu.wait_dma2 semaphore(%run_scoped3A : memref<!tpu.dma_semaphore, #tpu.memory_space<semaphore_mem>>) src(%dma_wait3A_23 : memref<128xi32, #tpu.memory_space<hbm>>) dst(%arg5 : memref<128xi32, #tpu.memory_space<vmem>>)
          tpu.yield
        }) : () -> ()
        %dma_start3A = arith.constant 0 : i32
        %dma_start3A_14 = arith.constant 0 : i32
        %dma_start3A_15 = tpu.memref_slice %arg2[%dma_start3A, %dma_start3A_14] : memref<10000x128xf32, #tpu.memory_space<hbm>> -> memref<10000x128xf32, #tpu.memory_space<hbm>>
        tpu.enqueue_indirect_dma source(%dma_start3A_15 : memref<10000x128xf32, #tpu.memory_space<hbm>>) target(%arg6 : memref<128x128xf32, #tpu.memory_space<vmem>>) offsets(%arg5 : memref<128xi32, #tpu.memory_space<vmem>>) semaphore(%arg7 : memref<!tpu.dma_semaphore, #tpu.memory_space<semaphore_mem>>)
        %dma_wait3A = arith.constant 0 : i32
        %dma_wait3A_16 = arith.constant 0 : i32
        %dma_wait3A_17 = tpu.memref_slice %arg2[%dma_wait3A, %dma_wait3A_16] : memref<10000x128xf32, #tpu.memory_space<hbm>> -> memref<10000x128xf32, #tpu.memory_space<hbm>>
        tpu.wait_indirect_dma semaphore(%arg7 : memref<!tpu.dma_semaphore, #tpu.memory_space<semaphore_mem>>) src(%dma_wait3A_17 : memref<10000x128xf32, #tpu.memory_space<hbm>>) dst(%arg6 : memref<128x128xf32, #tpu.memory_space<vmem>>)
        %mul3A_18 = arith.constant 128 : i32
        %mul3A_19 = arith.muli %add3A_9, %mul3A_18 : i32
        "tpu.region"() ({
          %run_scoped3A = tpu.sem_alloc : memref<!tpu.dma_semaphore, #tpu.memory_space<semaphore_mem>>
          %dma_start3A_20 = arith.constant 0 : i32
          %dma_start3A_21 = tpu.memref_slice %arg4[%mul3A_19, %dma_start3A_20] : memref<32000x128xf32, #tpu.memory_space<hbm>> -> memref<128x128xf32, #tpu.memory_space<hbm>>
          %dma_start3A_22 = arith.constant 0 : i32
          %dma_start3A_23 = tpu.memref_slice %arg4[%mul3A_19, %dma_start3A_22] : memref<32000x128xf32, #tpu.memory_space<hbm>> -> memref<128x128xf32, #tpu.memory_space<hbm>>
          tpu.enqueue_dma source(%arg6 : memref<128x128xf32, #tpu.memory_space<vmem>>) target(%dma_start3A_23 : memref<128x128xf32, #tpu.memory_space<hbm>>) target_semaphore(%run_scoped3A : memref<!tpu.dma_semaphore, #tpu.memory_space<semaphore_mem>>)
          %dma_wait3A_24 = arith.constant 0 : i32
          %dma_wait3A_25 = tpu.memref_slice %arg4[%mul3A_19, %dma_wait3A_24] : memref<32000x128xf32, #tpu.memory_space<hbm>> -> memref<128x128xf32, #tpu.memory_space<hbm>>
          %dma_wait3A_26 = arith.constant 0 : i32
          %dma_wait3A_27 = tpu.memref_slice %arg4[%mul3A_19, %dma_wait3A_26] : memref<32000x128xf32, #tpu.memory_space<hbm>> -> memref<128x128xf32, #tpu.memory_space<hbm>>
          tpu.wait_dma2 semaphore(%run_scoped3A : memref<!tpu.dma_semaphore, #tpu.memory_space<semaphore_mem>>) src(%arg6 : memref<128x128xf32, #tpu.memory_space<vmem>>) dst(%dma_wait3A_27 : memref<128x128xf32, #tpu.memory_space<hbm>>)
          tpu.yield
        }) : () -> ()
      } else {
      }
    }
    %scan3A_5 = arith.constant 8 : i32
    return
  }
}

#map = affine_map<(d0, d1) -> (0, 0)>
#map1 = affine_map<(d0, d1) -> (0)>
module attributes {stable_mosaic.version = 14 : i64} {
  func.func @_sc_gather_body(%arg0: i32, %arg1: i32, %arg2: memref<10000x128xf32, #tpu.memory_space<hbm>>, %arg3: memref<32000xi32, #tpu.memory_space<hbm>>, %arg4: memref<32000x128xf32, #tpu.memory_space<hbm>>, %arg5: memref<128xi32, #tpu.memory_space<vmem>>, %arg6: memref<128x128xf32, #tpu.memory_space<vmem>>, %arg7: memref<!tpu.dma_semaphore, #tpu.memory_space<semaphore_mem>>) attributes {dimension_semantics = [#tpu.dimension_semantics<core_parallel>, #tpu.dimension_semantics<subcore_parallel>], iteration_bounds = array<i64: 2, 16>, scalar_prefetch = 0 : i64, scratch_operands = 3 : i64, tpu.core_type = #tpu.core_type<sc_vector_subcore>, window_params = [{transform_indices = #map}, {transform_indices = #map1}, {transform_indices = #map}]} {
    %mul3A = arith.constant 2 : i32
    %mul3A_0 = arith.muli %arg1, %mul3A : i32
    %add3A = arith.addi %mul3A_0, %arg0 : i32
    %scan3A = arith.constant 0 : i32
    %scan3A_1 = arith.constant 0 : i32
    %scan3A_2 = arith.constant 8 : i32
    %scan3A_3 = arith.addi %scan3A_1, %scan3A_2 : i32
    %scan3A_4 = arith.constant 1 : i32
    scf.for %scan3A_6 = %scan3A_1 to %scan3A_3 step %scan3A_4  : i32 {
      %mul3A_7 = arith.constant 32 : i32
      %mul3A_8 = arith.muli %mul3A_7, %scan3A_6 : i32
      %add3A_9 = arith.addi %add3A, %mul3A_8 : i32
      %lt3A = arith.constant 250 : i32
      %lt3A_10 = arith.cmpi slt, %add3A_9, %lt3A : i32
      %convert_element_type3A = arith.extui %lt3A_10 : i1 to i32
      %cond3A = arith.constant 0 : i32
      %cond3A_11 = arith.cmpi ne, %convert_element_type3A, %cond3A : i32
      scf.if %cond3A_11 {
        %mul3A_12 = arith.constant 128 : i32
        %mul3A_13 = arith.muli %add3A_9, %mul3A_12 : i32
        "tpu.region"() ({
          %run_scoped3A = tpu.sem_alloc : memref<!tpu.dma_semaphore, #tpu.memory_space<semaphore_mem>>
          %dma_start3A_20 = tpu.memref_slice %arg3[%mul3A_13] : memref<32000xi32, #tpu.memory_space<hbm>> -> memref<128xi32, #tpu.memory_space<hbm>>
          %dma_start3A_21 = tpu.memref_slice %arg3[%mul3A_13] : memref<32000xi32, #tpu.memory_space<hbm>> -> memref<128xi32, #tpu.memory_space<hbm>>
          tpu.enqueue_dma source(%dma_start3A_21 : memref<128xi32, #tpu.memory_space<hbm>>) target(%arg5 : memref<128xi32, #tpu.memory_space<vmem>>) target_semaphore(%run_scoped3A : memref<!tpu.dma_semaphore, #tpu.memory_space<semaphore_mem>>)
          %dma_wait3A_22 = tpu.memref_slice %arg3[%mul3A_13] : memref<32000xi32, #tpu.memory_space<hbm>> -> memref<128xi32, #tpu.memory_space<hbm>>
          %dma_wait3A_23 = tpu.memref_slice %arg3[%mul3A_13] : memref<32000xi32, #tpu.memory_space<hbm>> -> memref<128xi32, #tpu.memory_space<hbm>>
          tpu.wait_dma2 semaphore(%run_scoped3A : memref<!tpu.dma_semaphore, #tpu.memory_space<semaphore_mem>>) src(%dma_wait3A_23 : memref<128xi32, #tpu.memory_space<hbm>>) dst(%arg5 : memref<128xi32, #tpu.memory_space<vmem>>)
          tpu.yield
        }) : () -> ()
        %dma_start3A = arith.constant 0 : i32
        %dma_start3A_14 = arith.constant 0 : i32
        %dma_start3A_15 = tpu.memref_slice %arg2[%dma_start3A, %dma_start3A_14] : memref<10000x128xf32, #tpu.memory_space<hbm>> -> memref<10000x128xf32, #tpu.memory_space<hbm>>
        tpu.enqueue_indirect_dma source(%dma_start3A_15 : memref<10000x128xf32, #tpu.memory_space<hbm>>) target(%arg6 : memref<128x128xf32, #tpu.memory_space<vmem>>) offsets(%arg5 : memref<128xi32, #tpu.memory_space<vmem>>) semaphore(%arg7 : memref<!tpu.dma_semaphore, #tpu.memory_space<semaphore_mem>>)
        %dma_wait3A = arith.constant 0 : i32
        %dma_wait3A_16 = arith.constant 0 : i32
        %dma_wait3A_17 = tpu.memref_slice %arg2[%dma_wait3A, %dma_wait3A_16] : memref<10000x128xf32, #tpu.memory_space<hbm>> -> memref<10000x128xf32, #tpu.memory_space<hbm>>
        tpu.wait_indirect_dma semaphore(%arg7 : memref<!tpu.dma_semaphore, #tpu.memory_space<semaphore_mem>>) src(%dma_wait3A_17 : memref<10000x128xf32, #tpu.memory_space<hbm>>) dst(%arg6 : memref<128x128xf32, #tpu.memory_space<vmem>>)
        %mul3A_18 = arith.constant 128 : i32
        %mul3A_19 = arith.muli %add3A_9, %mul3A_18 : i32
        "tpu.region"() ({
          %run_scoped3A = tpu.sem_alloc : memref<!tpu.dma_semaphore, #tpu.memory_space<semaphore_mem>>
          %dma_start3A_20 = arith.constant 0 : i32
          %dma_start3A_21 = tpu.memref_slice %arg4[%mul3A_19, %dma_start3A_20] : memref<32000x128xf32, #tpu.memory_space<hbm>> -> memref<128x128xf32, #tpu.memory_space<hbm>>
          %dma_start3A_22 = arith.constant 0 : i32
          %dma_start3A_23 = tpu.memref_slice %arg4[%mul3A_19, %dma_start3A_22] : memref<32000x128xf32, #tpu.memory_space<hbm>> -> memref<128x128xf32, #tpu.memory_space<hbm>>
          tpu.enqueue_dma source(%arg6 : memref<128x128xf32, #tpu.memory_space<vmem>>) target(%dma_start3A_23 : memref<128x128xf32, #tpu.memory_space<hbm>>) target_semaphore(%run_scoped3A : memref<!tpu.dma_semaphore, #tpu.memory_space<semaphore_mem>>)
          %dma_wait3A_24 = arith.constant 0 : i32
          %dma_wait3A_25 = tpu.memref_slice %arg4[%mul3A_19, %dma_wait3A_24] : memref<32000x128xf32, #tpu.memory_space<hbm>> -> memref<128x128xf32, #tpu.memory_space<hbm>>
          %dma_wait3A_26 = arith.constant 0 : i32
          %dma_wait3A_27 = tpu.memref_slice %arg4[%mul3A_19, %dma_wait3A_26] : memref<32000x128xf32, #tpu.memory_space<hbm>> -> memref<128x128xf32, #tpu.memory_space<hbm>>
          tpu.wait_dma2 semaphore(%run_scoped3A : memref<!tpu.dma_semaphore, #tpu.memory_space<semaphore_mem>>) src(%arg6 : memref<128x128xf32, #tpu.memory_space<vmem>>) dst(%dma_wait3A_27 : memref<128x128xf32, #tpu.memory_space<hbm>>)
          tpu.yield
        }) : () -> ()
      } else {
      }
    }
    %scan3A_5 = arith.constant 8 : i32
    return
  }
}

#map = affine_map<(d0, d1) -> (0, 0)>
#map1 = affine_map<(d0, d1) -> (0)>
module attributes {stable_mosaic.version = 14 : i64} {
  func.func @_sc_gather_body(%arg0: i32, %arg1: i32, %arg2: memref<10000x128xf32, #tpu.memory_space<hbm>>, %arg3: memref<32000xi32, #tpu.memory_space<hbm>>, %arg4: memref<32000x128xf32, #tpu.memory_space<hbm>>, %arg5: memref<128xi32, #tpu.memory_space<vmem>>, %arg6: memref<128x128xf32, #tpu.memory_space<vmem>>, %arg7: memref<!tpu.dma_semaphore, #tpu.memory_space<semaphore_mem>>) attributes {dimension_semantics = [#tpu.dimension_semantics<core_parallel>, #tpu.dimension_semantics<subcore_parallel>], iteration_bounds = array<i64: 2, 16>, scalar_prefetch = 0 : i64, scratch_operands = 3 : i64, tpu.core_type = #tpu.core_type<sc_vector_subcore>, window_params = [{transform_indices = #map}, {transform_indices = #map1}, {transform_indices = #map}]} {
    %mul3A = arith.constant 2 : i32
    %mul3A_0 = arith.muli %arg1, %mul3A : i32
    %add3A = arith.addi %mul3A_0, %arg0 : i32
    %scan3A = arith.constant 0 : i32
    %scan3A_1 = arith.constant 0 : i32
    %scan3A_2 = arith.constant 8 : i32
    %scan3A_3 = arith.addi %scan3A_1, %scan3A_2 : i32
    %scan3A_4 = arith.constant 1 : i32
    scf.for %scan3A_6 = %scan3A_1 to %scan3A_3 step %scan3A_4  : i32 {
      %mul3A_7 = arith.constant 32 : i32
      %mul3A_8 = arith.muli %mul3A_7, %scan3A_6 : i32
      %add3A_9 = arith.addi %add3A, %mul3A_8 : i32
      %lt3A = arith.constant 250 : i32
      %lt3A_10 = arith.cmpi slt, %add3A_9, %lt3A : i32
      %convert_element_type3A = arith.extui %lt3A_10 : i1 to i32
      %cond3A = arith.constant 0 : i32
      %cond3A_11 = arith.cmpi ne, %convert_element_type3A, %cond3A : i32
      scf.if %cond3A_11 {
        %mul3A_12 = arith.constant 128 : i32
        %mul3A_13 = arith.muli %add3A_9, %mul3A_12 : i32
        "tpu.region"() ({
          %run_scoped3A = tpu.sem_alloc : memref<!tpu.dma_semaphore, #tpu.memory_space<semaphore_mem>>
          %dma_start3A_20 = tpu.memref_slice %arg3[%mul3A_13] : memref<32000xi32, #tpu.memory_space<hbm>> -> memref<128xi32, #tpu.memory_space<hbm>>
          %dma_start3A_21 = tpu.memref_slice %arg3[%mul3A_13] : memref<32000xi32, #tpu.memory_space<hbm>> -> memref<128xi32, #tpu.memory_space<hbm>>
          tpu.enqueue_dma source(%dma_start3A_21 : memref<128xi32, #tpu.memory_space<hbm>>) target(%arg5 : memref<128xi32, #tpu.memory_space<vmem>>) target_semaphore(%run_scoped3A : memref<!tpu.dma_semaphore, #tpu.memory_space<semaphore_mem>>)
          %dma_wait3A_22 = tpu.memref_slice %arg3[%mul3A_13] : memref<32000xi32, #tpu.memory_space<hbm>> -> memref<128xi32, #tpu.memory_space<hbm>>
          %dma_wait3A_23 = tpu.memref_slice %arg3[%mul3A_13] : memref<32000xi32, #tpu.memory_space<hbm>> -> memref<128xi32, #tpu.memory_space<hbm>>
          tpu.wait_dma2 semaphore(%run_scoped3A : memref<!tpu.dma_semaphore, #tpu.memory_space<semaphore_mem>>) src(%dma_wait3A_23 : memref<128xi32, #tpu.memory_space<hbm>>) dst(%arg5 : memref<128xi32, #tpu.memory_space<vmem>>)
          tpu.yield
        }) : () -> ()
        %dma_start3A = arith.constant 0 : i32
        %dma_start3A_14 = arith.constant 0 : i32
        %dma_start3A_15 = tpu.memref_slice %arg2[%dma_start3A, %dma_start3A_14] : memref<10000x128xf32, #tpu.memory_space<hbm>> -> memref<10000x128xf32, #tpu.memory_space<hbm>>
        tpu.enqueue_indirect_dma source(%dma_start3A_15 : memref<10000x128xf32, #tpu.memory_space<hbm>>) target(%arg6 : memref<128x128xf32, #tpu.memory_space<vmem>>) offsets(%arg5 : memref<128xi32, #tpu.memory_space<vmem>>) semaphore(%arg7 : memref<!tpu.dma_semaphore, #tpu.memory_space<semaphore_mem>>)
        %dma_wait3A = arith.constant 0 : i32
        %dma_wait3A_16 = arith.constant 0 : i32
        %dma_wait3A_17 = tpu.memref_slice %arg2[%dma_wait3A, %dma_wait3A_16] : memref<10000x128xf32, #tpu.memory_space<hbm>> -> memref<10000x128xf32, #tpu.memory_space<hbm>>
        tpu.wait_indirect_dma semaphore(%arg7 : memref<!tpu.dma_semaphore, #tpu.memory_space<semaphore_mem>>) src(%dma_wait3A_17 : memref<10000x128xf32, #tpu.memory_space<hbm>>) dst(%arg6 : memref<128x128xf32, #tpu.memory_space<vmem>>)
        %mul3A_18 = arith.constant 128 : i32
        %mul3A_19 = arith.muli %add3A_9, %mul3A_18 : i32
        "tpu.region"() ({
          %run_scoped3A = tpu.sem_alloc : memref<!tpu.dma_semaphore, #tpu.memory_space<semaphore_mem>>
          %dma_start3A_20 = arith.constant 0 : i32
          %dma_start3A_21 = tpu.memref_slice %arg4[%mul3A_19, %dma_start3A_20] : memref<32000x128xf32, #tpu.memory_space<hbm>> -> memref<128x128xf32, #tpu.memory_space<hbm>>
          %dma_start3A_22 = arith.constant 0 : i32
          %dma_start3A_23 = tpu.memref_slice %arg4[%mul3A_19, %dma_start3A_22] : memref<32000x128xf32, #tpu.memory_space<hbm>> -> memref<128x128xf32, #tpu.memory_space<hbm>>
          tpu.enqueue_dma source(%arg6 : memref<128x128xf32, #tpu.memory_space<vmem>>) target(%dma_start3A_23 : memref<128x128xf32, #tpu.memory_space<hbm>>) target_semaphore(%run_scoped3A : memref<!tpu.dma_semaphore, #tpu.memory_space<semaphore_mem>>)
          %dma_wait3A_24 = arith.constant 0 : i32
          %dma_wait3A_25 = tpu.memref_slice %arg4[%mul3A_19, %dma_wait3A_24] : memref<32000x128xf32, #tpu.memory_space<hbm>> -> memref<128x128xf32, #tpu.memory_space<hbm>>
          %dma_wait3A_26 = arith.constant 0 : i32
          %dma_wait3A_27 = tpu.memref_slice %arg4[%mul3A_19, %dma_wait3A_26] : memref<32000x128xf32, #tpu.memory_space<hbm>> -> memref<128x128xf32, #tpu.memory_space<hbm>>
          tpu.wait_dma2 semaphore(%run_scoped3A : memref<!tpu.dma_semaphore, #tpu.memory_space<semaphore_mem>>) src(%arg6 : memref<128x128xf32, #tpu.memory_space<vmem>>) dst(%dma_wait3A_27 : memref<128x128xf32, #tpu.memory_space<hbm>>)
          tpu.yield
        }) : () -> ()
      } else {
      }
    }
    %scan3A_5 = arith.constant 8 : i32
    return
  }
}

#map = affine_map<(d0, d1) -> (0, 0)>
#map1 = affine_map<(d0, d1) -> (0)>
module attributes {stable_mosaic.version = 14 : i64} {
  func.func @_sc_gather_body(%arg0: i32, %arg1: i32, %arg2: memref<10000x128xf32, #tpu.memory_space<hbm>>, %arg3: memref<32000xi32, #tpu.memory_space<hbm>>, %arg4: memref<32000x128xf32, #tpu.memory_space<hbm>>, %arg5: memref<128xi32, #tpu.memory_space<vmem>>, %arg6: memref<128x128xf32, #tpu.memory_space<vmem>>, %arg7: memref<!tpu.dma_semaphore, #tpu.memory_space<semaphore_mem>>) attributes {dimension_semantics = [#tpu.dimension_semantics<core_parallel>, #tpu.dimension_semantics<subcore_parallel>], iteration_bounds = array<i64: 2, 16>, scalar_prefetch = 0 : i64, scratch_operands = 3 : i64, tpu.core_type = #tpu.core_type<sc_vector_subcore>, window_params = [{transform_indices = #map}, {transform_indices = #map1}, {transform_indices = #map}]} {
    %mul3A = arith.constant 2 : i32
    %mul3A_0 = arith.muli %arg1, %mul3A : i32
    %add3A = arith.addi %mul3A_0, %arg0 : i32
    %scan3A = arith.constant 0 : i32
    %scan3A_1 = arith.constant 0 : i32
    %scan3A_2 = arith.constant 8 : i32
    %scan3A_3 = arith.addi %scan3A_1, %scan3A_2 : i32
    %scan3A_4 = arith.constant 1 : i32
    scf.for %scan3A_6 = %scan3A_1 to %scan3A_3 step %scan3A_4  : i32 {
      %mul3A_7 = arith.constant 32 : i32
      %mul3A_8 = arith.muli %mul3A_7, %scan3A_6 : i32
      %add3A_9 = arith.addi %add3A, %mul3A_8 : i32
      %lt3A = arith.constant 250 : i32
      %lt3A_10 = arith.cmpi slt, %add3A_9, %lt3A : i32
      %convert_element_type3A = arith.extui %lt3A_10 : i1 to i32
      %cond3A = arith.constant 0 : i32
      %cond3A_11 = arith.cmpi ne, %convert_element_type3A, %cond3A : i32
      scf.if %cond3A_11 {
        %mul3A_12 = arith.constant 128 : i32
        %mul3A_13 = arith.muli %add3A_9, %mul3A_12 : i32
        "tpu.region"() ({
          %run_scoped3A = tpu.sem_alloc : memref<!tpu.dma_semaphore, #tpu.memory_space<semaphore_mem>>
          %dma_start3A_20 = tpu.memref_slice %arg3[%mul3A_13] : memref<32000xi32, #tpu.memory_space<hbm>> -> memref<128xi32, #tpu.memory_space<hbm>>
          %dma_start3A_21 = tpu.memref_slice %arg3[%mul3A_13] : memref<32000xi32, #tpu.memory_space<hbm>> -> memref<128xi32, #tpu.memory_space<hbm>>
          tpu.enqueue_dma source(%dma_start3A_21 : memref<128xi32, #tpu.memory_space<hbm>>) target(%arg5 : memref<128xi32, #tpu.memory_space<vmem>>) target_semaphore(%run_scoped3A : memref<!tpu.dma_semaphore, #tpu.memory_space<semaphore_mem>>)
          %dma_wait3A_22 = tpu.memref_slice %arg3[%mul3A_13] : memref<32000xi32, #tpu.memory_space<hbm>> -> memref<128xi32, #tpu.memory_space<hbm>>
          %dma_wait3A_23 = tpu.memref_slice %arg3[%mul3A_13] : memref<32000xi32, #tpu.memory_space<hbm>> -> memref<128xi32, #tpu.memory_space<hbm>>
          tpu.wait_dma2 semaphore(%run_scoped3A : memref<!tpu.dma_semaphore, #tpu.memory_space<semaphore_mem>>) src(%dma_wait3A_23 : memref<128xi32, #tpu.memory_space<hbm>>) dst(%arg5 : memref<128xi32, #tpu.memory_space<vmem>>)
          tpu.yield
        }) : () -> ()
        %dma_start3A = arith.constant 0 : i32
        %dma_start3A_14 = arith.constant 0 : i32
        %dma_start3A_15 = tpu.memref_slice %arg2[%dma_start3A, %dma_start3A_14] : memref<10000x128xf32, #tpu.memory_space<hbm>> -> memref<10000x128xf32, #tpu.memory_space<hbm>>
        tpu.enqueue_indirect_dma source(%dma_start3A_15 : memref<10000x128xf32, #tpu.memory_space<hbm>>) target(%arg6 : memref<128x128xf32, #tpu.memory_space<vmem>>) offsets(%arg5 : memref<128xi32, #tpu.memory_space<vmem>>) semaphore(%arg7 : memref<!tpu.dma_semaphore, #tpu.memory_space<semaphore_mem>>)
        %dma_wait3A = arith.constant 0 : i32
        %dma_wait3A_16 = arith.constant 0 : i32
        %dma_wait3A_17 = tpu.memref_slice %arg2[%dma_wait3A, %dma_wait3A_16] : memref<10000x128xf32, #tpu.memory_space<hbm>> -> memref<10000x128xf32, #tpu.memory_space<hbm>>
        tpu.wait_indirect_dma semaphore(%arg7 : memref<!tpu.dma_semaphore, #tpu.memory_space<semaphore_mem>>) src(%dma_wait3A_17 : memref<10000x128xf32, #tpu.memory_space<hbm>>) dst(%arg6 : memref<128x128xf32, #tpu.memory_space<vmem>>)
        %mul3A_18 = arith.constant 128 : i32
        %mul3A_19 = arith.muli %add3A_9, %mul3A_18 : i32
        "tpu.region"() ({
          %run_scoped3A = tpu.sem_alloc : memref<!tpu.dma_semaphore, #tpu.memory_space<semaphore_mem>>
          %dma_start3A_20 = arith.constant 0 : i32
          %dma_start3A_21 = tpu.memref_slice %arg4[%mul3A_19, %dma_start3A_20] : memref<32000x128xf32, #tpu.memory_space<hbm>> -> memref<128x128xf32, #tpu.memory_space<hbm>>
          %dma_start3A_22 = arith.constant 0 : i32
          %dma_start3A_23 = tpu.memref_slice %arg4[%mul3A_19, %dma_start3A_22] : memref<32000x128xf32, #tpu.memory_space<hbm>> -> memref<128x128xf32, #tpu.memory_space<hbm>>
          tpu.enqueue_dma source(%arg6 : memref<128x128xf32, #tpu.memory_space<vmem>>) target(%dma_start3A_23 : memref<128x128xf32, #tpu.memory_space<hbm>>) target_semaphore(%run_scoped3A : memref<!tpu.dma_semaphore, #tpu.memory_space<semaphore_mem>>)
          %dma_wait3A_24 = arith.constant 0 : i32
          %dma_wait3A_25 = tpu.memref_slice %arg4[%mul3A_19, %dma_wait3A_24] : memref<32000x128xf32, #tpu.memory_space<hbm>> -> memref<128x128xf32, #tpu.memory_space<hbm>>
          %dma_wait3A_26 = arith.constant 0 : i32
          %dma_wait3A_27 = tpu.memref_slice %arg4[%mul3A_19, %dma_wait3A_26] : memref<32000x128xf32, #tpu.memory_space<hbm>> -> memref<128x128xf32, #tpu.memory_space<hbm>>
          tpu.wait_dma2 semaphore(%run_scoped3A : memref<!tpu.dma_semaphore, #tpu.memory_space<semaphore_mem>>) src(%arg6 : memref<128x128xf32, #tpu.memory_space<vmem>>) dst(%dma_wait3A_27 : memref<128x128xf32, #tpu.memory_space<hbm>>)
          tpu.yield
        }) : () -> ()
      } else {
      }
    }
    %scan3A_5 = arith.constant 8 : i32
    return
  }
}

#map = affine_map<(d0, d1) -> (0, 0)>
#map1 = affine_map<(d0, d1) -> (0)>
#map2 = affine_map<(d0, d1) -> (0, 0, 0)>
module attributes {stable_mosaic.version = 14 : i64} {
  func.func @_sc_scatter_body(%arg0: i32, %arg1: i32, %arg2: memref<32000x128xf32, #tpu.memory_space<hbm>>, %arg3: memref<32000xi32, #tpu.memory_space<hbm>>, %arg4: memref<640x128xf32, #tpu.memory_space<hbm>>, %arg5: memref<2x10240x128xf32, #tpu.memory_space<hbm>>, %arg6: memref<1x128xi32, #tpu.memory_space<vmem>>, %arg7: memref<128x128xf32, #tpu.memory_space<vmem>>, %arg8: memref<10240x128xf32, #tpu.memory_space<vmem_shared>>) attributes {dimension_semantics = [#tpu.dimension_semantics<core_parallel>, #tpu.dimension_semantics<subcore_parallel>], iteration_bounds = array<i64: 2, 16>, scalar_prefetch = 0 : i64, scratch_operands = 3 : i64, tpu.core_type = #tpu.core_type<sc_vector_subcore>, window_params = [{transform_indices = #map}, {transform_indices = #map1}, {transform_indices = #map}, {transform_indices = #map2}]} {
    %mul3A = arith.constant 640 : i32
    %mul3A_0 = arith.muli %arg1, %mul3A : i32
    "tpu.region"() ({
      %run_scoped3A = tpu.sem_alloc : memref<!tpu.dma_semaphore, #tpu.memory_space<semaphore_mem>>
      %dma_start3A = arith.constant 0 : i32
      %dma_start3A_11 = tpu.memref_slice %arg8[%mul3A_0, %dma_start3A] : memref<10240x128xf32, #tpu.memory_space<vmem_shared>> -> memref<640x128xf32, #tpu.memory_space<vmem_shared>>
      tpu.enqueue_dma source(%arg4 : memref<640x128xf32, #tpu.memory_space<hbm>>) target(%dma_start3A_11 : memref<640x128xf32, #tpu.memory_space<vmem_shared>>) target_semaphore(%run_scoped3A : memref<!tpu.dma_semaphore, #tpu.memory_space<semaphore_mem>>)
      %dma_wait3A = arith.constant 0 : i32
      %dma_wait3A_12 = tpu.memref_slice %arg8[%mul3A_0, %dma_wait3A] : memref<10240x128xf32, #tpu.memory_space<vmem_shared>> -> memref<640x128xf32, #tpu.memory_space<vmem_shared>>
      tpu.wait_dma2 semaphore(%run_scoped3A : memref<!tpu.dma_semaphore, #tpu.memory_space<semaphore_mem>>) src(%arg4 : memref<640x128xf32, #tpu.memory_space<hbm>>) dst(%dma_wait3A_12 : memref<640x128xf32, #tpu.memory_space<vmem_shared>>)
      tpu.yield
    }) : () -> ()
    %barrier3A = arith.constant 0 : index
    tpu.barrier barrier_id(%barrier3A)
    %mul3A_1 = arith.constant 125 : i32
    %mul3A_2 = arith.muli %arg0, %mul3A_1 : i32
    %eq3A = arith.constant 0 : i32
    %eq3A_3 = arith.cmpi eq, %arg0, %eq3A : i32
    %jit3A = arith.constant 125 : i32
    %jit3A_4 = arith.constant 125 : i32
    %select_n3A = arith.select %eq3A_3, %jit3A, %jit3A_4 : i32
    %scan3A = arith.constant 0 : i32
    %scan3A_5 = arith.constant 0 : i32
    %scan3A_6 = arith.constant 8 : i32
    %scan3A_7 = arith.addi %scan3A_5, %scan3A_6 : i32
    %scan3A_8 = arith.constant 1 : i32
    scf.for %scan3A_11 = %scan3A_5 to %scan3A_7 step %scan3A_8  : i32 {
      %mul3A_12 = arith.constant 16 : i32
      %mul3A_13 = arith.muli %mul3A_12, %scan3A_11 : i32
      %add3A = arith.addi %arg1, %mul3A_13 : i32
      %lt3A = arith.cmpi slt, %add3A, %select_n3A : i32
      %convert_element_type3A = arith.extui %lt3A : i1 to i32
      %cond3A = arith.constant 0 : i32
      %cond3A_14 = arith.cmpi ne, %convert_element_type3A, %cond3A : i32
      scf.if %cond3A_14 {
        %add3A_15 = arith.addi %mul3A_2, %add3A : i32
        %mul3A_16 = arith.constant 128 : i32
        %mul3A_17 = arith.muli %add3A_15, %mul3A_16 : i32
        %run_scoped3A = arith.constant 0 : i32
        "tpu.region"() ({
          %run_scoped3A_21 = tpu.sem_alloc : memref<!tpu.dma_semaphore, #tpu.memory_space<semaphore_mem>>
          %dma_start3A = arith.constant 0 : i32
          %dma_start3A_22 = tpu.memref_slice %arg6[%run_scoped3A, %dma_start3A] : memref<1x128xi32, #tpu.memory_space<vmem>> -> memref<1x128xi32, #tpu.memory_space<vmem>>
          %dma_start3A_23 = tpu.memref_squeeze %dma_start3A_22 : memref<1x128xi32, #tpu.memory_space<vmem>> -> memref<128xi32, #tpu.memory_space<vmem>>
          %dma_start3A_24 = tpu.memref_slice %arg3[%mul3A_17] : memref<32000xi32, #tpu.memory_space<hbm>> -> memref<128xi32, #tpu.memory_space<hbm>>
          %dma_start3A_25 = arith.constant 0 : i32
          %dma_start3A_26 = tpu.memref_slice %arg6[%run_scoped3A, %dma_start3A_25] : memref<1x128xi32, #tpu.memory_space<vmem>> -> memref<1x128xi32, #tpu.memory_space<vmem>>
          %dma_start3A_27 = tpu.memref_squeeze %dma_start3A_26 : memref<1x128xi32, #tpu.memory_space<vmem>> -> memref<128xi32, #tpu.memory_space<vmem>>
          %dma_start3A_28 = tpu.memref_slice %arg3[%mul3A_17] : memref<32000xi32, #tpu.memory_space<hbm>> -> memref<128xi32, #tpu.memory_space<hbm>>
          tpu.enqueue_dma source(%dma_start3A_28 : memref<128xi32, #tpu.memory_space<hbm>>) target(%dma_start3A_27 : memref<128xi32, #tpu.memory_space<vmem>>) target_semaphore(%run_scoped3A_21 : memref<!tpu.dma_semaphore, #tpu.memory_space<semaphore_mem>>)
          %dma_wait3A = arith.constant 0 : i32
          %dma_wait3A_29 = tpu.memref_slice %arg6[%run_scoped3A, %dma_wait3A] : memref<1x128xi32, #tpu.memory_space<vmem>> -> memref<1x128xi32, #tpu.memory_space<vmem>>
          %dma_wait3A_30 = tpu.memref_squeeze %dma_wait3A_29 : memref<1x128xi32, #tpu.memory_space<vmem>> -> memref<128xi32, #tpu.memory_space<vmem>>
          %dma_wait3A_31 = tpu.memref_slice %arg3[%mul3A_17] : memref<32000xi32, #tpu.memory_space<hbm>> -> memref<128xi32, #tpu.memory_space<hbm>>
          %dma_wait3A_32 = arith.constant 0 : i32
          %dma_wait3A_33 = tpu.memref_slice %arg6[%run_scoped3A, %dma_wait3A_32] : memref<1x128xi32, #tpu.memory_space<vmem>> -> memref<1x128xi32, #tpu.memory_space<vmem>>
          %dma_wait3A_34 = tpu.memref_squeeze %dma_wait3A_33 : memref<1x128xi32, #tpu.memory_space<vmem>> -> memref<128xi32, #tpu.memory_space<vmem>>
          %dma_wait3A_35 = tpu.memref_slice %arg3[%mul3A_17] : memref<32000xi32, #tpu.memory_space<hbm>> -> memref<128xi32, #tpu.memory_space<hbm>>
          tpu.wait_dma2 semaphore(%run_scoped3A_21 : memref<!tpu.dma_semaphore, #tpu.memory_space<semaphore_mem>>) src(%dma_wait3A_35 : memref<128xi32, #tpu.memory_space<hbm>>) dst(%dma_wait3A_34 : memref<128xi32, #tpu.memory_space<vmem>>)
          tpu.yield
        }) : () -> ()
        %mul3A_18 = arith.constant 128 : i32
        %mul3A_19 = arith.muli %add3A_15, %mul3A_18 : i32
        "tpu.region"() ({
          %run_scoped3A_21 = tpu.sem_alloc : memref<!tpu.dma_semaphore, #tpu.memory_space<semaphore_mem>>
          %dma_start3A = arith.constant 0 : i32
          %dma_start3A_22 = tpu.memref_slice %arg2[%mul3A_19, %dma_start3A] : memref<32000x128xf32, #tpu.memory_space<hbm>> -> memref<128x128xf32, #tpu.memory_space<hbm>>
          %dma_start3A_23 = arith.constant 0 : i32
          %dma_start3A_24 = tpu.memref_slice %arg2[%mul3A_19, %dma_start3A_23] : memref<32000x128xf32, #tpu.memory_space<hbm>> -> memref<128x128xf32, #tpu.memory_space<hbm>>
          tpu.enqueue_dma source(%dma_start3A_24 : memref<128x128xf32, #tpu.memory_space<hbm>>) target(%arg7 : memref<128x128xf32, #tpu.memory_space<vmem>>) target_semaphore(%run_scoped3A_21 : memref<!tpu.dma_semaphore, #tpu.memory_space<semaphore_mem>>)
          %dma_wait3A = arith.constant 0 : i32
          %dma_wait3A_25 = tpu.memref_slice %arg2[%mul3A_19, %dma_wait3A] : memref<32000x128xf32, #tpu.memory_space<hbm>> -> memref<128x128xf32, #tpu.memory_space<hbm>>
          %dma_wait3A_26 = arith.constant 0 : i32
          %dma_wait3A_27 = tpu.memref_slice %arg2[%mul3A_19, %dma_wait3A_26] : memref<32000x128xf32, #tpu.memory_space<hbm>> -> memref<128x128xf32, #tpu.memory_space<hbm>>
          tpu.wait_dma2 semaphore(%run_scoped3A_21 : memref<!tpu.dma_semaphore, #tpu.memory_space<semaphore_mem>>) src(%dma_wait3A_27 : memref<128x128xf32, #tpu.memory_space<hbm>>) dst(%arg7 : memref<128x128xf32, #tpu.memory_space<vmem>>)
          tpu.yield
        }) : () -> ()
        %run_scoped3A_20 = arith.constant 0 : i32
        "tpu.region"() ({
          %run_scoped3A_21 = tpu.sem_alloc : memref<!tpu.dma_semaphore, #tpu.memory_space<semaphore_mem>>
          %dma_start3A = arith.constant 0 : i32
          %dma_start3A_22 = tpu.memref_slice %arg6[%run_scoped3A_20, %dma_start3A] : memref<1x128xi32, #tpu.memory_space<vmem>> -> memref<1x128xi32, #tpu.memory_space<vmem>>
          %dma_start3A_23 = tpu.memref_squeeze %dma_start3A_22 : memref<1x128xi32, #tpu.memory_space<vmem>> -> memref<128xi32, #tpu.memory_space<vmem>>
          %dma_start3A_24 = arith.constant 0 : i32
          %dma_start3A_25 = arith.constant 0 : i32
          %dma_start3A_26 = tpu.memref_slice %arg8[%dma_start3A_24, %dma_start3A_25] : memref<10240x128xf32, #tpu.memory_space<vmem_shared>> -> memref<10240x128xf32, #tpu.memory_space<vmem_shared>>
          tpu.enqueue_indirect_dma source(%arg7 : memref<128x128xf32, #tpu.memory_space<vmem>>) target(%dma_start3A_26 : memref<10240x128xf32, #tpu.memory_space<vmem_shared>>) offsets(%dma_start3A_23 : memref<128xi32, #tpu.memory_space<vmem>>) semaphore(%run_scoped3A_21 : memref<!tpu.dma_semaphore, #tpu.memory_space<semaphore_mem>>) {add = true}
          %dma_wait3A = arith.constant 0 : i32
          %dma_wait3A_27 = tpu.memref_slice %arg6[%run_scoped3A_20, %dma_wait3A] : memref<1x128xi32, #tpu.memory_space<vmem>> -> memref<1x128xi32, #tpu.memory_space<vmem>>
          %dma_wait3A_28 = tpu.memref_squeeze %dma_wait3A_27 : memref<1x128xi32, #tpu.memory_space<vmem>> -> memref<128xi32, #tpu.memory_space<vmem>>
          %dma_wait3A_29 = arith.constant 0 : i32
          %dma_wait3A_30 = arith.constant 0 : i32
          %dma_wait3A_31 = tpu.memref_slice %arg8[%dma_wait3A_29, %dma_wait3A_30] : memref<10240x128xf32, #tpu.memory_space<vmem_shared>> -> memref<10240x128xf32, #tpu.memory_space<vmem_shared>>
          tpu.wait_indirect_dma semaphore(%run_scoped3A_21 : memref<!tpu.dma_semaphore, #tpu.memory_space<semaphore_mem>>) src(%arg7 : memref<128x128xf32, #tpu.memory_space<vmem>>) dst(%dma_wait3A_31 : memref<10240x128xf32, #tpu.memory_space<vmem_shared>>)
          tpu.yield
        }) : () -> ()
      } else {
      }
    }
    %scan3A_9 = arith.constant 8 : i32
    %barrier3A_10 = arith.constant 0 : index
    tpu.barrier barrier_id(%barrier3A_10)
    "tpu.region"() ({
      %run_scoped3A = tpu.sem_alloc : memref<!tpu.dma_semaphore, #tpu.memory_space<semaphore_mem>>
      %dma_start3A = arith.constant 0 : i32
      %dma_start3A_11 = tpu.memref_slice %arg5[%arg0, %mul3A_0, %dma_start3A] : memref<2x10240x128xf32, #tpu.memory_space<hbm>> -> memref<1x640x128xf32, #tpu.memory_space<hbm>>
      %dma_start3A_12 = tpu.memref_squeeze %dma_start3A_11 : memref<1x640x128xf32, #tpu.memory_space<hbm>> -> memref<640x128xf32, #tpu.memory_space<hbm>>
      %dma_start3A_13 = arith.constant 0 : i32
      %dma_start3A_14 = tpu.memref_slice %arg8[%mul3A_0, %dma_start3A_13] : memref<10240x128xf32, #tpu.memory_space<vmem_shared>> -> memref<640x128xf32, #tpu.memory_space<vmem_shared>>
      tpu.enqueue_dma source(%dma_start3A_14 : memref<640x128xf32, #tpu.memory_space<vmem_shared>>) target(%dma_start3A_12 : memref<640x128xf32, #tpu.memory_space<hbm>>) target_semaphore(%run_scoped3A : memref<!tpu.dma_semaphore, #tpu.memory_space<semaphore_mem>>)
      %dma_wait3A = arith.constant 0 : i32
      %dma_wait3A_15 = tpu.memref_slice %arg5[%arg0, %mul3A_0, %dma_wait3A] : memref<2x10240x128xf32, #tpu.memory_space<hbm>> -> memref<1x640x128xf32, #tpu.memory_space<hbm>>
      %dma_wait3A_16 = tpu.memref_squeeze %dma_wait3A_15 : memref<1x640x128xf32, #tpu.memory_space<hbm>> -> memref<640x128xf32, #tpu.memory_space<hbm>>
      %dma_wait3A_17 = arith.constant 0 : i32
      %dma_wait3A_18 = tpu.memref_slice %arg8[%mul3A_0, %dma_wait3A_17] : memref<10240x128xf32, #tpu.memory_space<vmem_shared>> -> memref<640x128xf32, #tpu.memory_space<vmem_shared>>
      tpu.wait_dma2 semaphore(%run_scoped3A : memref<!tpu.dma_semaphore, #tpu.memory_space<semaphore_mem>>) src(%dma_wait3A_18 : memref<640x128xf32, #tpu.memory_space<vmem_shared>>) dst(%dma_wait3A_16 : memref<640x128xf32, #tpu.memory_space<hbm>>)
      tpu.yield
    }) : () -> ()
    return
  }
}

#map = affine_map<(d0, d1) -> (0, 0)>
#map1 = affine_map<(d0, d1) -> (0)>
#map2 = affine_map<(d0, d1) -> (0, 0, 0)>
module attributes {stable_mosaic.version = 14 : i64} {
  func.func @_sc_scatter_body(%arg0: i32, %arg1: i32, %arg2: memref<32000x128xf32, #tpu.memory_space<hbm>>, %arg3: memref<32000xi32, #tpu.memory_space<hbm>>, %arg4: memref<640x128xf32, #tpu.memory_space<hbm>>, %arg5: memref<2x10240x128xf32, #tpu.memory_space<hbm>>, %arg6: memref<1x128xi32, #tpu.memory_space<vmem>>, %arg7: memref<128x128xf32, #tpu.memory_space<vmem>>, %arg8: memref<10240x128xf32, #tpu.memory_space<vmem_shared>>) attributes {dimension_semantics = [#tpu.dimension_semantics<core_parallel>, #tpu.dimension_semantics<subcore_parallel>], iteration_bounds = array<i64: 2, 16>, scalar_prefetch = 0 : i64, scratch_operands = 3 : i64, tpu.core_type = #tpu.core_type<sc_vector_subcore>, window_params = [{transform_indices = #map}, {transform_indices = #map1}, {transform_indices = #map}, {transform_indices = #map2}]} {
    %mul3A = arith.constant 640 : i32
    %mul3A_0 = arith.muli %arg1, %mul3A : i32
    "tpu.region"() ({
      %run_scoped3A = tpu.sem_alloc : memref<!tpu.dma_semaphore, #tpu.memory_space<semaphore_mem>>
      %dma_start3A = arith.constant 0 : i32
      %dma_start3A_11 = tpu.memref_slice %arg8[%mul3A_0, %dma_start3A] : memref<10240x128xf32, #tpu.memory_space<vmem_shared>> -> memref<640x128xf32, #tpu.memory_space<vmem_shared>>
      tpu.enqueue_dma source(%arg4 : memref<640x128xf32, #tpu.memory_space<hbm>>) target(%dma_start3A_11 : memref<640x128xf32, #tpu.memory_space<vmem_shared>>) target_semaphore(%run_scoped3A : memref<!tpu.dma_semaphore, #tpu.memory_space<semaphore_mem>>)
      %dma_wait3A = arith.constant 0 : i32
      %dma_wait3A_12 = tpu.memref_slice %arg8[%mul3A_0, %dma_wait3A] : memref<10240x128xf32, #tpu.memory_space<vmem_shared>> -> memref<640x128xf32, #tpu.memory_space<vmem_shared>>
      tpu.wait_dma2 semaphore(%run_scoped3A : memref<!tpu.dma_semaphore, #tpu.memory_space<semaphore_mem>>) src(%arg4 : memref<640x128xf32, #tpu.memory_space<hbm>>) dst(%dma_wait3A_12 : memref<640x128xf32, #tpu.memory_space<vmem_shared>>)
      tpu.yield
    }) : () -> ()
    %barrier3A = arith.constant 0 : index
    tpu.barrier barrier_id(%barrier3A)
    %mul3A_1 = arith.constant 125 : i32
    %mul3A_2 = arith.muli %arg0, %mul3A_1 : i32
    %eq3A = arith.constant 0 : i32
    %eq3A_3 = arith.cmpi eq, %arg0, %eq3A : i32
    %jit3A = arith.constant 125 : i32
    %jit3A_4 = arith.constant 125 : i32
    %select_n3A = arith.select %eq3A_3, %jit3A, %jit3A_4 : i32
    %scan3A = arith.constant 0 : i32
    %scan3A_5 = arith.constant 0 : i32
    %scan3A_6 = arith.constant 8 : i32
    %scan3A_7 = arith.addi %scan3A_5, %scan3A_6 : i32
    %scan3A_8 = arith.constant 1 : i32
    scf.for %scan3A_11 = %scan3A_5 to %scan3A_7 step %scan3A_8  : i32 {
      %mul3A_12 = arith.constant 16 : i32
      %mul3A_13 = arith.muli %mul3A_12, %scan3A_11 : i32
      %add3A = arith.addi %arg1, %mul3A_13 : i32
      %lt3A = arith.cmpi slt, %add3A, %select_n3A : i32
      %convert_element_type3A = arith.extui %lt3A : i1 to i32
      %cond3A = arith.constant 0 : i32
      %cond3A_14 = arith.cmpi ne, %convert_element_type3A, %cond3A : i32
      scf.if %cond3A_14 {
        %add3A_15 = arith.addi %mul3A_2, %add3A : i32
        %mul3A_16 = arith.constant 128 : i32
        %mul3A_17 = arith.muli %add3A_15, %mul3A_16 : i32
        %run_scoped3A = arith.constant 0 : i32
        "tpu.region"() ({
          %run_scoped3A_21 = tpu.sem_alloc : memref<!tpu.dma_semaphore, #tpu.memory_space<semaphore_mem>>
          %dma_start3A = arith.constant 0 : i32
          %dma_start3A_22 = tpu.memref_slice %arg6[%run_scoped3A, %dma_start3A] : memref<1x128xi32, #tpu.memory_space<vmem>> -> memref<1x128xi32, #tpu.memory_space<vmem>>
          %dma_start3A_23 = tpu.memref_squeeze %dma_start3A_22 : memref<1x128xi32, #tpu.memory_space<vmem>> -> memref<128xi32, #tpu.memory_space<vmem>>
          %dma_start3A_24 = tpu.memref_slice %arg3[%mul3A_17] : memref<32000xi32, #tpu.memory_space<hbm>> -> memref<128xi32, #tpu.memory_space<hbm>>
          %dma_start3A_25 = arith.constant 0 : i32
          %dma_start3A_26 = tpu.memref_slice %arg6[%run_scoped3A, %dma_start3A_25] : memref<1x128xi32, #tpu.memory_space<vmem>> -> memref<1x128xi32, #tpu.memory_space<vmem>>
          %dma_start3A_27 = tpu.memref_squeeze %dma_start3A_26 : memref<1x128xi32, #tpu.memory_space<vmem>> -> memref<128xi32, #tpu.memory_space<vmem>>
          %dma_start3A_28 = tpu.memref_slice %arg3[%mul3A_17] : memref<32000xi32, #tpu.memory_space<hbm>> -> memref<128xi32, #tpu.memory_space<hbm>>
          tpu.enqueue_dma source(%dma_start3A_28 : memref<128xi32, #tpu.memory_space<hbm>>) target(%dma_start3A_27 : memref<128xi32, #tpu.memory_space<vmem>>) target_semaphore(%run_scoped3A_21 : memref<!tpu.dma_semaphore, #tpu.memory_space<semaphore_mem>>)
          %dma_wait3A = arith.constant 0 : i32
          %dma_wait3A_29 = tpu.memref_slice %arg6[%run_scoped3A, %dma_wait3A] : memref<1x128xi32, #tpu.memory_space<vmem>> -> memref<1x128xi32, #tpu.memory_space<vmem>>
          %dma_wait3A_30 = tpu.memref_squeeze %dma_wait3A_29 : memref<1x128xi32, #tpu.memory_space<vmem>> -> memref<128xi32, #tpu.memory_space<vmem>>
          %dma_wait3A_31 = tpu.memref_slice %arg3[%mul3A_17] : memref<32000xi32, #tpu.memory_space<hbm>> -> memref<128xi32, #tpu.memory_space<hbm>>
          %dma_wait3A_32 = arith.constant 0 : i32
          %dma_wait3A_33 = tpu.memref_slice %arg6[%run_scoped3A, %dma_wait3A_32] : memref<1x128xi32, #tpu.memory_space<vmem>> -> memref<1x128xi32, #tpu.memory_space<vmem>>
          %dma_wait3A_34 = tpu.memref_squeeze %dma_wait3A_33 : memref<1x128xi32, #tpu.memory_space<vmem>> -> memref<128xi32, #tpu.memory_space<vmem>>
          %dma_wait3A_35 = tpu.memref_slice %arg3[%mul3A_17] : memref<32000xi32, #tpu.memory_space<hbm>> -> memref<128xi32, #tpu.memory_space<hbm>>
          tpu.wait_dma2 semaphore(%run_scoped3A_21 : memref<!tpu.dma_semaphore, #tpu.memory_space<semaphore_mem>>) src(%dma_wait3A_35 : memref<128xi32, #tpu.memory_space<hbm>>) dst(%dma_wait3A_34 : memref<128xi32, #tpu.memory_space<vmem>>)
          tpu.yield
        }) : () -> ()
        %mul3A_18 = arith.constant 128 : i32
        %mul3A_19 = arith.muli %add3A_15, %mul3A_18 : i32
        "tpu.region"() ({
          %run_scoped3A_21 = tpu.sem_alloc : memref<!tpu.dma_semaphore, #tpu.memory_space<semaphore_mem>>
          %dma_start3A = arith.constant 0 : i32
          %dma_start3A_22 = tpu.memref_slice %arg2[%mul3A_19, %dma_start3A] : memref<32000x128xf32, #tpu.memory_space<hbm>> -> memref<128x128xf32, #tpu.memory_space<hbm>>
          %dma_start3A_23 = arith.constant 0 : i32
          %dma_start3A_24 = tpu.memref_slice %arg2[%mul3A_19, %dma_start3A_23] : memref<32000x128xf32, #tpu.memory_space<hbm>> -> memref<128x128xf32, #tpu.memory_space<hbm>>
          tpu.enqueue_dma source(%dma_start3A_24 : memref<128x128xf32, #tpu.memory_space<hbm>>) target(%arg7 : memref<128x128xf32, #tpu.memory_space<vmem>>) target_semaphore(%run_scoped3A_21 : memref<!tpu.dma_semaphore, #tpu.memory_space<semaphore_mem>>)
          %dma_wait3A = arith.constant 0 : i32
          %dma_wait3A_25 = tpu.memref_slice %arg2[%mul3A_19, %dma_wait3A] : memref<32000x128xf32, #tpu.memory_space<hbm>> -> memref<128x128xf32, #tpu.memory_space<hbm>>
          %dma_wait3A_26 = arith.constant 0 : i32
          %dma_wait3A_27 = tpu.memref_slice %arg2[%mul3A_19, %dma_wait3A_26] : memref<32000x128xf32, #tpu.memory_space<hbm>> -> memref<128x128xf32, #tpu.memory_space<hbm>>
          tpu.wait_dma2 semaphore(%run_scoped3A_21 : memref<!tpu.dma_semaphore, #tpu.memory_space<semaphore_mem>>) src(%dma_wait3A_27 : memref<128x128xf32, #tpu.memory_space<hbm>>) dst(%arg7 : memref<128x128xf32, #tpu.memory_space<vmem>>)
          tpu.yield
        }) : () -> ()
        %run_scoped3A_20 = arith.constant 0 : i32
        "tpu.region"() ({
          %run_scoped3A_21 = tpu.sem_alloc : memref<!tpu.dma_semaphore, #tpu.memory_space<semaphore_mem>>
          %dma_start3A = arith.constant 0 : i32
          %dma_start3A_22 = tpu.memref_slice %arg6[%run_scoped3A_20, %dma_start3A] : memref<1x128xi32, #tpu.memory_space<vmem>> -> memref<1x128xi32, #tpu.memory_space<vmem>>
          %dma_start3A_23 = tpu.memref_squeeze %dma_start3A_22 : memref<1x128xi32, #tpu.memory_space<vmem>> -> memref<128xi32, #tpu.memory_space<vmem>>
          %dma_start3A_24 = arith.constant 0 : i32
          %dma_start3A_25 = arith.constant 0 : i32
          %dma_start3A_26 = tpu.memref_slice %arg8[%dma_start3A_24, %dma_start3A_25] : memref<10240x128xf32, #tpu.memory_space<vmem_shared>> -> memref<10240x128xf32, #tpu.memory_space<vmem_shared>>
          tpu.enqueue_indirect_dma source(%arg7 : memref<128x128xf32, #tpu.memory_space<vmem>>) target(%dma_start3A_26 : memref<10240x128xf32, #tpu.memory_space<vmem_shared>>) offsets(%dma_start3A_23 : memref<128xi32, #tpu.memory_space<vmem>>) semaphore(%run_scoped3A_21 : memref<!tpu.dma_semaphore, #tpu.memory_space<semaphore_mem>>) {add = true}
          %dma_wait3A = arith.constant 0 : i32
          %dma_wait3A_27 = tpu.memref_slice %arg6[%run_scoped3A_20, %dma_wait3A] : memref<1x128xi32, #tpu.memory_space<vmem>> -> memref<1x128xi32, #tpu.memory_space<vmem>>
          %dma_wait3A_28 = tpu.memref_squeeze %dma_wait3A_27 : memref<1x128xi32, #tpu.memory_space<vmem>> -> memref<128xi32, #tpu.memory_space<vmem>>
          %dma_wait3A_29 = arith.constant 0 : i32
          %dma_wait3A_30 = arith.constant 0 : i32
          %dma_wait3A_31 = tpu.memref_slice %arg8[%dma_wait3A_29, %dma_wait3A_30] : memref<10240x128xf32, #tpu.memory_space<vmem_shared>> -> memref<10240x128xf32, #tpu.memory_space<vmem_shared>>
          tpu.wait_indirect_dma semaphore(%run_scoped3A_21 : memref<!tpu.dma_semaphore, #tpu.memory_space<semaphore_mem>>) src(%arg7 : memref<128x128xf32, #tpu.memory_space<vmem>>) dst(%dma_wait3A_31 : memref<10240x128xf32, #tpu.memory_space<vmem_shared>>)
          tpu.yield
        }) : () -> ()
      } else {
      }
    }
    %scan3A_9 = arith.constant 8 : i32
    %barrier3A_10 = arith.constant 0 : index
    tpu.barrier barrier_id(%barrier3A_10)
    "tpu.region"() ({
      %run_scoped3A = tpu.sem_alloc : memref<!tpu.dma_semaphore, #tpu.memory_space<semaphore_mem>>
      %dma_start3A = arith.constant 0 : i32
      %dma_start3A_11 = tpu.memref_slice %arg5[%arg0, %mul3A_0, %dma_start3A] : memref<2x10240x128xf32, #tpu.memory_space<hbm>> -> memref<1x640x128xf32, #tpu.memory_space<hbm>>
      %dma_start3A_12 = tpu.memref_squeeze %dma_start3A_11 : memref<1x640x128xf32, #tpu.memory_space<hbm>> -> memref<640x128xf32, #tpu.memory_space<hbm>>
      %dma_start3A_13 = arith.constant 0 : i32
      %dma_start3A_14 = tpu.memref_slice %arg8[%mul3A_0, %dma_start3A_13] : memref<10240x128xf32, #tpu.memory_space<vmem_shared>> -> memref<640x128xf32, #tpu.memory_space<vmem_shared>>
      tpu.enqueue_dma source(%dma_start3A_14 : memref<640x128xf32, #tpu.memory_space<vmem_shared>>) target(%dma_start3A_12 : memref<640x128xf32, #tpu.memory_space<hbm>>) target_semaphore(%run_scoped3A : memref<!tpu.dma_semaphore, #tpu.memory_space<semaphore_mem>>)
      %dma_wait3A = arith.constant 0 : i32
      %dma_wait3A_15 = tpu.memref_slice %arg5[%arg0, %mul3A_0, %dma_wait3A] : memref<2x10240x128xf32, #tpu.memory_space<hbm>> -> memref<1x640x128xf32, #tpu.memory_space<hbm>>
      %dma_wait3A_16 = tpu.memref_squeeze %dma_wait3A_15 : memref<1x640x128xf32, #tpu.memory_space<hbm>> -> memref<640x128xf32, #tpu.memory_space<hbm>>
      %dma_wait3A_17 = arith.constant 0 : i32
      %dma_wait3A_18 = tpu.memref_slice %arg8[%mul3A_0, %dma_wait3A_17] : memref<10240x128xf32, #tpu.memory_space<vmem_shared>> -> memref<640x128xf32, #tpu.memory_space<vmem_shared>>
      tpu.wait_dma2 semaphore(%run_scoped3A : memref<!tpu.dma_semaphore, #tpu.memory_space<semaphore_mem>>) src(%dma_wait3A_18 : memref<640x128xf32, #tpu.memory_space<vmem_shared>>) dst(%dma_wait3A_16 : memref<640x128xf32, #tpu.memory_space<hbm>>)
      tpu.yield
    }) : () -> ()
    return
  }
}

#map = affine_map<(d0, d1) -> (0, 0)>
#map1 = affine_map<(d0, d1) -> (0)>
#map2 = affine_map<(d0, d1) -> (0, 0, 0)>
module attributes {stable_mosaic.version = 14 : i64} {
  func.func @_sc_scatter_body(%arg0: i32, %arg1: i32, %arg2: memref<32000x128xf32, #tpu.memory_space<hbm>>, %arg3: memref<32000xi32, #tpu.memory_space<hbm>>, %arg4: memref<640x128xf32, #tpu.memory_space<hbm>>, %arg5: memref<2x10240x128xf32, #tpu.memory_space<hbm>>, %arg6: memref<1x128xi32, #tpu.memory_space<vmem>>, %arg7: memref<128x128xf32, #tpu.memory_space<vmem>>, %arg8: memref<10240x128xf32, #tpu.memory_space<vmem_shared>>) attributes {dimension_semantics = [#tpu.dimension_semantics<core_parallel>, #tpu.dimension_semantics<subcore_parallel>], iteration_bounds = array<i64: 2, 16>, scalar_prefetch = 0 : i64, scratch_operands = 3 : i64, tpu.core_type = #tpu.core_type<sc_vector_subcore>, window_params = [{transform_indices = #map}, {transform_indices = #map1}, {transform_indices = #map}, {transform_indices = #map2}]} {
    %mul3A = arith.constant 640 : i32
    %mul3A_0 = arith.muli %arg1, %mul3A : i32
    "tpu.region"() ({
      %run_scoped3A = tpu.sem_alloc : memref<!tpu.dma_semaphore, #tpu.memory_space<semaphore_mem>>
      %dma_start3A = arith.constant 0 : i32
      %dma_start3A_11 = tpu.memref_slice %arg8[%mul3A_0, %dma_start3A] : memref<10240x128xf32, #tpu.memory_space<vmem_shared>> -> memref<640x128xf32, #tpu.memory_space<vmem_shared>>
      tpu.enqueue_dma source(%arg4 : memref<640x128xf32, #tpu.memory_space<hbm>>) target(%dma_start3A_11 : memref<640x128xf32, #tpu.memory_space<vmem_shared>>) target_semaphore(%run_scoped3A : memref<!tpu.dma_semaphore, #tpu.memory_space<semaphore_mem>>)
      %dma_wait3A = arith.constant 0 : i32
      %dma_wait3A_12 = tpu.memref_slice %arg8[%mul3A_0, %dma_wait3A] : memref<10240x128xf32, #tpu.memory_space<vmem_shared>> -> memref<640x128xf32, #tpu.memory_space<vmem_shared>>
      tpu.wait_dma2 semaphore(%run_scoped3A : memref<!tpu.dma_semaphore, #tpu.memory_space<semaphore_mem>>) src(%arg4 : memref<640x128xf32, #tpu.memory_space<hbm>>) dst(%dma_wait3A_12 : memref<640x128xf32, #tpu.memory_space<vmem_shared>>)
      tpu.yield
    }) : () -> ()
    %barrier3A = arith.constant 0 : index
    tpu.barrier barrier_id(%barrier3A)
    %mul3A_1 = arith.constant 125 : i32
    %mul3A_2 = arith.muli %arg0, %mul3A_1 : i32
    %eq3A = arith.constant 0 : i32
    %eq3A_3 = arith.cmpi eq, %arg0, %eq3A : i32
    %jit3A = arith.constant 125 : i32
    %jit3A_4 = arith.constant 125 : i32
    %select_n3A = arith.select %eq3A_3, %jit3A, %jit3A_4 : i32
    %scan3A = arith.constant 0 : i32
    %scan3A_5 = arith.constant 0 : i32
    %scan3A_6 = arith.constant 8 : i32
    %scan3A_7 = arith.addi %scan3A_5, %scan3A_6 : i32
    %scan3A_8 = arith.constant 1 : i32
    scf.for %scan3A_11 = %scan3A_5 to %scan3A_7 step %scan3A_8  : i32 {
      %mul3A_12 = arith.constant 16 : i32
      %mul3A_13 = arith.muli %mul3A_12, %scan3A_11 : i32
      %add3A = arith.addi %arg1, %mul3A_13 : i32
      %lt3A = arith.cmpi slt, %add3A, %select_n3A : i32
      %convert_element_type3A = arith.extui %lt3A : i1 to i32
      %cond3A = arith.constant 0 : i32
      %cond3A_14 = arith.cmpi ne, %convert_element_type3A, %cond3A : i32
      scf.if %cond3A_14 {
        %add3A_15 = arith.addi %mul3A_2, %add3A : i32
        %mul3A_16 = arith.constant 128 : i32
        %mul3A_17 = arith.muli %add3A_15, %mul3A_16 : i32
        %run_scoped3A = arith.constant 0 : i32
        "tpu.region"() ({
          %run_scoped3A_21 = tpu.sem_alloc : memref<!tpu.dma_semaphore, #tpu.memory_space<semaphore_mem>>
          %dma_start3A = arith.constant 0 : i32
          %dma_start3A_22 = tpu.memref_slice %arg6[%run_scoped3A, %dma_start3A] : memref<1x128xi32, #tpu.memory_space<vmem>> -> memref<1x128xi32, #tpu.memory_space<vmem>>
          %dma_start3A_23 = tpu.memref_squeeze %dma_start3A_22 : memref<1x128xi32, #tpu.memory_space<vmem>> -> memref<128xi32, #tpu.memory_space<vmem>>
          %dma_start3A_24 = tpu.memref_slice %arg3[%mul3A_17] : memref<32000xi32, #tpu.memory_space<hbm>> -> memref<128xi32, #tpu.memory_space<hbm>>
          %dma_start3A_25 = arith.constant 0 : i32
          %dma_start3A_26 = tpu.memref_slice %arg6[%run_scoped3A, %dma_start3A_25] : memref<1x128xi32, #tpu.memory_space<vmem>> -> memref<1x128xi32, #tpu.memory_space<vmem>>
          %dma_start3A_27 = tpu.memref_squeeze %dma_start3A_26 : memref<1x128xi32, #tpu.memory_space<vmem>> -> memref<128xi32, #tpu.memory_space<vmem>>
          %dma_start3A_28 = tpu.memref_slice %arg3[%mul3A_17] : memref<32000xi32, #tpu.memory_space<hbm>> -> memref<128xi32, #tpu.memory_space<hbm>>
          tpu.enqueue_dma source(%dma_start3A_28 : memref<128xi32, #tpu.memory_space<hbm>>) target(%dma_start3A_27 : memref<128xi32, #tpu.memory_space<vmem>>) target_semaphore(%run_scoped3A_21 : memref<!tpu.dma_semaphore, #tpu.memory_space<semaphore_mem>>)
          %dma_wait3A = arith.constant 0 : i32
          %dma_wait3A_29 = tpu.memref_slice %arg6[%run_scoped3A, %dma_wait3A] : memref<1x128xi32, #tpu.memory_space<vmem>> -> memref<1x128xi32, #tpu.memory_space<vmem>>
          %dma_wait3A_30 = tpu.memref_squeeze %dma_wait3A_29 : memref<1x128xi32, #tpu.memory_space<vmem>> -> memref<128xi32, #tpu.memory_space<vmem>>
          %dma_wait3A_31 = tpu.memref_slice %arg3[%mul3A_17] : memref<32000xi32, #tpu.memory_space<hbm>> -> memref<128xi32, #tpu.memory_space<hbm>>
          %dma_wait3A_32 = arith.constant 0 : i32
          %dma_wait3A_33 = tpu.memref_slice %arg6[%run_scoped3A, %dma_wait3A_32] : memref<1x128xi32, #tpu.memory_space<vmem>> -> memref<1x128xi32, #tpu.memory_space<vmem>>
          %dma_wait3A_34 = tpu.memref_squeeze %dma_wait3A_33 : memref<1x128xi32, #tpu.memory_space<vmem>> -> memref<128xi32, #tpu.memory_space<vmem>>
          %dma_wait3A_35 = tpu.memref_slice %arg3[%mul3A_17] : memref<32000xi32, #tpu.memory_space<hbm>> -> memref<128xi32, #tpu.memory_space<hbm>>
          tpu.wait_dma2 semaphore(%run_scoped3A_21 : memref<!tpu.dma_semaphore, #tpu.memory_space<semaphore_mem>>) src(%dma_wait3A_35 : memref<128xi32, #tpu.memory_space<hbm>>) dst(%dma_wait3A_34 : memref<128xi32, #tpu.memory_space<vmem>>)
          tpu.yield
        }) : () -> ()
        %mul3A_18 = arith.constant 128 : i32
        %mul3A_19 = arith.muli %add3A_15, %mul3A_18 : i32
        "tpu.region"() ({
          %run_scoped3A_21 = tpu.sem_alloc : memref<!tpu.dma_semaphore, #tpu.memory_space<semaphore_mem>>
          %dma_start3A = arith.constant 0 : i32
          %dma_start3A_22 = tpu.memref_slice %arg2[%mul3A_19, %dma_start3A] : memref<32000x128xf32, #tpu.memory_space<hbm>> -> memref<128x128xf32, #tpu.memory_space<hbm>>
          %dma_start3A_23 = arith.constant 0 : i32
          %dma_start3A_24 = tpu.memref_slice %arg2[%mul3A_19, %dma_start3A_23] : memref<32000x128xf32, #tpu.memory_space<hbm>> -> memref<128x128xf32, #tpu.memory_space<hbm>>
          tpu.enqueue_dma source(%dma_start3A_24 : memref<128x128xf32, #tpu.memory_space<hbm>>) target(%arg7 : memref<128x128xf32, #tpu.memory_space<vmem>>) target_semaphore(%run_scoped3A_21 : memref<!tpu.dma_semaphore, #tpu.memory_space<semaphore_mem>>)
          %dma_wait3A = arith.constant 0 : i32
          %dma_wait3A_25 = tpu.memref_slice %arg2[%mul3A_19, %dma_wait3A] : memref<32000x128xf32, #tpu.memory_space<hbm>> -> memref<128x128xf32, #tpu.memory_space<hbm>>
          %dma_wait3A_26 = arith.constant 0 : i32
          %dma_wait3A_27 = tpu.memref_slice %arg2[%mul3A_19, %dma_wait3A_26] : memref<32000x128xf32, #tpu.memory_space<hbm>> -> memref<128x128xf32, #tpu.memory_space<hbm>>
          tpu.wait_dma2 semaphore(%run_scoped3A_21 : memref<!tpu.dma_semaphore, #tpu.memory_space<semaphore_mem>>) src(%dma_wait3A_27 : memref<128x128xf32, #tpu.memory_space<hbm>>) dst(%arg7 : memref<128x128xf32, #tpu.memory_space<vmem>>)
          tpu.yield
        }) : () -> ()
        %run_scoped3A_20 = arith.constant 0 : i32
        "tpu.region"() ({
          %run_scoped3A_21 = tpu.sem_alloc : memref<!tpu.dma_semaphore, #tpu.memory_space<semaphore_mem>>
          %dma_start3A = arith.constant 0 : i32
          %dma_start3A_22 = tpu.memref_slice %arg6[%run_scoped3A_20, %dma_start3A] : memref<1x128xi32, #tpu.memory_space<vmem>> -> memref<1x128xi32, #tpu.memory_space<vmem>>
          %dma_start3A_23 = tpu.memref_squeeze %dma_start3A_22 : memref<1x128xi32, #tpu.memory_space<vmem>> -> memref<128xi32, #tpu.memory_space<vmem>>
          %dma_start3A_24 = arith.constant 0 : i32
          %dma_start3A_25 = arith.constant 0 : i32
          %dma_start3A_26 = tpu.memref_slice %arg8[%dma_start3A_24, %dma_start3A_25] : memref<10240x128xf32, #tpu.memory_space<vmem_shared>> -> memref<10240x128xf32, #tpu.memory_space<vmem_shared>>
          tpu.enqueue_indirect_dma source(%arg7 : memref<128x128xf32, #tpu.memory_space<vmem>>) target(%dma_start3A_26 : memref<10240x128xf32, #tpu.memory_space<vmem_shared>>) offsets(%dma_start3A_23 : memref<128xi32, #tpu.memory_space<vmem>>) semaphore(%run_scoped3A_21 : memref<!tpu.dma_semaphore, #tpu.memory_space<semaphore_mem>>) {add = true}
          %dma_wait3A = arith.constant 0 : i32
          %dma_wait3A_27 = tpu.memref_slice %arg6[%run_scoped3A_20, %dma_wait3A] : memref<1x128xi32, #tpu.memory_space<vmem>> -> memref<1x128xi32, #tpu.memory_space<vmem>>
          %dma_wait3A_28 = tpu.memref_squeeze %dma_wait3A_27 : memref<1x128xi32, #tpu.memory_space<vmem>> -> memref<128xi32, #tpu.memory_space<vmem>>
          %dma_wait3A_29 = arith.constant 0 : i32
          %dma_wait3A_30 = arith.constant 0 : i32
          %dma_wait3A_31 = tpu.memref_slice %arg8[%dma_wait3A_29, %dma_wait3A_30] : memref<10240x128xf32, #tpu.memory_space<vmem_shared>> -> memref<10240x128xf32, #tpu.memory_space<vmem_shared>>
          tpu.wait_indirect_dma semaphore(%run_scoped3A_21 : memref<!tpu.dma_semaphore, #tpu.memory_space<semaphore_mem>>) src(%arg7 : memref<128x128xf32, #tpu.memory_space<vmem>>) dst(%dma_wait3A_31 : memref<10240x128xf32, #tpu.memory_space<vmem_shared>>)
          tpu.yield
        }) : () -> ()
      } else {
      }
    }
    %scan3A_9 = arith.constant 8 : i32
    %barrier3A_10 = arith.constant 0 : index
    tpu.barrier barrier_id(%barrier3A_10)
    "tpu.region"() ({
      %run_scoped3A = tpu.sem_alloc : memref<!tpu.dma_semaphore, #tpu.memory_space<semaphore_mem>>
      %dma_start3A = arith.constant 0 : i32
      %dma_start3A_11 = tpu.memref_slice %arg5[%arg0, %mul3A_0, %dma_start3A] : memref<2x10240x128xf32, #tpu.memory_space<hbm>> -> memref<1x640x128xf32, #tpu.memory_space<hbm>>
      %dma_start3A_12 = tpu.memref_squeeze %dma_start3A_11 : memref<1x640x128xf32, #tpu.memory_space<hbm>> -> memref<640x128xf32, #tpu.memory_space<hbm>>
      %dma_start3A_13 = arith.constant 0 : i32
      %dma_start3A_14 = tpu.memref_slice %arg8[%mul3A_0, %dma_start3A_13] : memref<10240x128xf32, #tpu.memory_space<vmem_shared>> -> memref<640x128xf32, #tpu.memory_space<vmem_shared>>
      tpu.enqueue_dma source(%dma_start3A_14 : memref<640x128xf32, #tpu.memory_space<vmem_shared>>) target(%dma_start3A_12 : memref<640x128xf32, #tpu.memory_space<hbm>>) target_semaphore(%run_scoped3A : memref<!tpu.dma_semaphore, #tpu.memory_space<semaphore_mem>>)
      %dma_wait3A = arith.constant 0 : i32
      %dma_wait3A_15 = tpu.memref_slice %arg5[%arg0, %mul3A_0, %dma_wait3A] : memref<2x10240x128xf32, #tpu.memory_space<hbm>> -> memref<1x640x128xf32, #tpu.memory_space<hbm>>
      %dma_wait3A_16 = tpu.memref_squeeze %dma_wait3A_15 : memref<1x640x128xf32, #tpu.memory_space<hbm>> -> memref<640x128xf32, #tpu.memory_space<hbm>>
      %dma_wait3A_17 = arith.constant 0 : i32
      %dma_wait3A_18 = tpu.memref_slice %arg8[%mul3A_0, %dma_wait3A_17] : memref<10240x128xf32, #tpu.memory_space<vmem_shared>> -> memref<640x128xf32, #tpu.memory_space<vmem_shared>>
      tpu.wait_dma2 semaphore(%run_scoped3A : memref<!tpu.dma_semaphore, #tpu.memory_space<semaphore_mem>>) src(%dma_wait3A_18 : memref<640x128xf32, #tpu.memory_space<vmem_shared>>) dst(%dma_wait3A_16 : memref<640x128xf32, #tpu.memory_space<hbm>>)
      tpu.yield
    }) : () -> ()
    return
  }
}

#map = affine_map<(d0, d1) -> (0, 0)>
#map1 = affine_map<(d0, d1) -> (0)>
#map2 = affine_map<(d0, d1) -> (0, 0, 0)>
module attributes {stable_mosaic.version = 14 : i64} {
  func.func @_sc_scatter_body(%arg0: i32, %arg1: i32, %arg2: memref<32000x128xf32, #tpu.memory_space<hbm>>, %arg3: memref<32000xi32, #tpu.memory_space<hbm>>, %arg4: memref<640x128xf32, #tpu.memory_space<hbm>>, %arg5: memref<2x10240x128xf32, #tpu.memory_space<hbm>>, %arg6: memref<1x128xi32, #tpu.memory_space<vmem>>, %arg7: memref<128x128xf32, #tpu.memory_space<vmem>>, %arg8: memref<10240x128xf32, #tpu.memory_space<vmem_shared>>) attributes {dimension_semantics = [#tpu.dimension_semantics<core_parallel>, #tpu.dimension_semantics<subcore_parallel>], iteration_bounds = array<i64: 2, 16>, scalar_prefetch = 0 : i64, scratch_operands = 3 : i64, tpu.core_type = #tpu.core_type<sc_vector_subcore>, window_params = [{transform_indices = #map}, {transform_indices = #map1}, {transform_indices = #map}, {transform_indices = #map2}]} {
    %mul3A = arith.constant 640 : i32
    %mul3A_0 = arith.muli %arg1, %mul3A : i32
    "tpu.region"() ({
      %run_scoped3A = tpu.sem_alloc : memref<!tpu.dma_semaphore, #tpu.memory_space<semaphore_mem>>
      %dma_start3A = arith.constant 0 : i32
      %dma_start3A_11 = tpu.memref_slice %arg8[%mul3A_0, %dma_start3A] : memref<10240x128xf32, #tpu.memory_space<vmem_shared>> -> memref<640x128xf32, #tpu.memory_space<vmem_shared>>
      tpu.enqueue_dma source(%arg4 : memref<640x128xf32, #tpu.memory_space<hbm>>) target(%dma_start3A_11 : memref<640x128xf32, #tpu.memory_space<vmem_shared>>) target_semaphore(%run_scoped3A : memref<!tpu.dma_semaphore, #tpu.memory_space<semaphore_mem>>)
      %dma_wait3A = arith.constant 0 : i32
      %dma_wait3A_12 = tpu.memref_slice %arg8[%mul3A_0, %dma_wait3A] : memref<10240x128xf32, #tpu.memory_space<vmem_shared>> -> memref<640x128xf32, #tpu.memory_space<vmem_shared>>
      tpu.wait_dma2 semaphore(%run_scoped3A : memref<!tpu.dma_semaphore, #tpu.memory_space<semaphore_mem>>) src(%arg4 : memref<640x128xf32, #tpu.memory_space<hbm>>) dst(%dma_wait3A_12 : memref<640x128xf32, #tpu.memory_space<vmem_shared>>)
      tpu.yield
    }) : () -> ()
    %barrier3A = arith.constant 0 : index
    tpu.barrier barrier_id(%barrier3A)
    %mul3A_1 = arith.constant 125 : i32
    %mul3A_2 = arith.muli %arg0, %mul3A_1 : i32
    %eq3A = arith.constant 0 : i32
    %eq3A_3 = arith.cmpi eq, %arg0, %eq3A : i32
    %jit3A = arith.constant 125 : i32
    %jit3A_4 = arith.constant 125 : i32
    %select_n3A = arith.select %eq3A_3, %jit3A, %jit3A_4 : i32
    %scan3A = arith.constant 0 : i32
    %scan3A_5 = arith.constant 0 : i32
    %scan3A_6 = arith.constant 8 : i32
    %scan3A_7 = arith.addi %scan3A_5, %scan3A_6 : i32
    %scan3A_8 = arith.constant 1 : i32
    scf.for %scan3A_11 = %scan3A_5 to %scan3A_7 step %scan3A_8  : i32 {
      %mul3A_12 = arith.constant 16 : i32
      %mul3A_13 = arith.muli %mul3A_12, %scan3A_11 : i32
      %add3A = arith.addi %arg1, %mul3A_13 : i32
      %lt3A = arith.cmpi slt, %add3A, %select_n3A : i32
      %convert_element_type3A = arith.extui %lt3A : i1 to i32
      %cond3A = arith.constant 0 : i32
      %cond3A_14 = arith.cmpi ne, %convert_element_type3A, %cond3A : i32
      scf.if %cond3A_14 {
        %add3A_15 = arith.addi %mul3A_2, %add3A : i32
        %mul3A_16 = arith.constant 128 : i32
        %mul3A_17 = arith.muli %add3A_15, %mul3A_16 : i32
        %run_scoped3A = arith.constant 0 : i32
        "tpu.region"() ({
          %run_scoped3A_21 = tpu.sem_alloc : memref<!tpu.dma_semaphore, #tpu.memory_space<semaphore_mem>>
          %dma_start3A = arith.constant 0 : i32
          %dma_start3A_22 = tpu.memref_slice %arg6[%run_scoped3A, %dma_start3A] : memref<1x128xi32, #tpu.memory_space<vmem>> -> memref<1x128xi32, #tpu.memory_space<vmem>>
          %dma_start3A_23 = tpu.memref_squeeze %dma_start3A_22 : memref<1x128xi32, #tpu.memory_space<vmem>> -> memref<128xi32, #tpu.memory_space<vmem>>
          %dma_start3A_24 = tpu.memref_slice %arg3[%mul3A_17] : memref<32000xi32, #tpu.memory_space<hbm>> -> memref<128xi32, #tpu.memory_space<hbm>>
          %dma_start3A_25 = arith.constant 0 : i32
          %dma_start3A_26 = tpu.memref_slice %arg6[%run_scoped3A, %dma_start3A_25] : memref<1x128xi32, #tpu.memory_space<vmem>> -> memref<1x128xi32, #tpu.memory_space<vmem>>
          %dma_start3A_27 = tpu.memref_squeeze %dma_start3A_26 : memref<1x128xi32, #tpu.memory_space<vmem>> -> memref<128xi32, #tpu.memory_space<vmem>>
          %dma_start3A_28 = tpu.memref_slice %arg3[%mul3A_17] : memref<32000xi32, #tpu.memory_space<hbm>> -> memref<128xi32, #tpu.memory_space<hbm>>
          tpu.enqueue_dma source(%dma_start3A_28 : memref<128xi32, #tpu.memory_space<hbm>>) target(%dma_start3A_27 : memref<128xi32, #tpu.memory_space<vmem>>) target_semaphore(%run_scoped3A_21 : memref<!tpu.dma_semaphore, #tpu.memory_space<semaphore_mem>>)
          %dma_wait3A = arith.constant 0 : i32
          %dma_wait3A_29 = tpu.memref_slice %arg6[%run_scoped3A, %dma_wait3A] : memref<1x128xi32, #tpu.memory_space<vmem>> -> memref<1x128xi32, #tpu.memory_space<vmem>>
          %dma_wait3A_30 = tpu.memref_squeeze %dma_wait3A_29 : memref<1x128xi32, #tpu.memory_space<vmem>> -> memref<128xi32, #tpu.memory_space<vmem>>
          %dma_wait3A_31 = tpu.memref_slice %arg3[%mul3A_17] : memref<32000xi32, #tpu.memory_space<hbm>> -> memref<128xi32, #tpu.memory_space<hbm>>
          %dma_wait3A_32 = arith.constant 0 : i32
          %dma_wait3A_33 = tpu.memref_slice %arg6[%run_scoped3A, %dma_wait3A_32] : memref<1x128xi32, #tpu.memory_space<vmem>> -> memref<1x128xi32, #tpu.memory_space<vmem>>
          %dma_wait3A_34 = tpu.memref_squeeze %dma_wait3A_33 : memref<1x128xi32, #tpu.memory_space<vmem>> -> memref<128xi32, #tpu.memory_space<vmem>>
          %dma_wait3A_35 = tpu.memref_slice %arg3[%mul3A_17] : memref<32000xi32, #tpu.memory_space<hbm>> -> memref<128xi32, #tpu.memory_space<hbm>>
          tpu.wait_dma2 semaphore(%run_scoped3A_21 : memref<!tpu.dma_semaphore, #tpu.memory_space<semaphore_mem>>) src(%dma_wait3A_35 : memref<128xi32, #tpu.memory_space<hbm>>) dst(%dma_wait3A_34 : memref<128xi32, #tpu.memory_space<vmem>>)
          tpu.yield
        }) : () -> ()
        %mul3A_18 = arith.constant 128 : i32
        %mul3A_19 = arith.muli %add3A_15, %mul3A_18 : i32
        "tpu.region"() ({
          %run_scoped3A_21 = tpu.sem_alloc : memref<!tpu.dma_semaphore, #tpu.memory_space<semaphore_mem>>
          %dma_start3A = arith.constant 0 : i32
          %dma_start3A_22 = tpu.memref_slice %arg2[%mul3A_19, %dma_start3A] : memref<32000x128xf32, #tpu.memory_space<hbm>> -> memref<128x128xf32, #tpu.memory_space<hbm>>
          %dma_start3A_23 = arith.constant 0 : i32
          %dma_start3A_24 = tpu.memref_slice %arg2[%mul3A_19, %dma_start3A_23] : memref<32000x128xf32, #tpu.memory_space<hbm>> -> memref<128x128xf32, #tpu.memory_space<hbm>>
          tpu.enqueue_dma source(%dma_start3A_24 : memref<128x128xf32, #tpu.memory_space<hbm>>) target(%arg7 : memref<128x128xf32, #tpu.memory_space<vmem>>) target_semaphore(%run_scoped3A_21 : memref<!tpu.dma_semaphore, #tpu.memory_space<semaphore_mem>>)
          %dma_wait3A = arith.constant 0 : i32
          %dma_wait3A_25 = tpu.memref_slice %arg2[%mul3A_19, %dma_wait3A] : memref<32000x128xf32, #tpu.memory_space<hbm>> -> memref<128x128xf32, #tpu.memory_space<hbm>>
          %dma_wait3A_26 = arith.constant 0 : i32
          %dma_wait3A_27 = tpu.memref_slice %arg2[%mul3A_19, %dma_wait3A_26] : memref<32000x128xf32, #tpu.memory_space<hbm>> -> memref<128x128xf32, #tpu.memory_space<hbm>>
          tpu.wait_dma2 semaphore(%run_scoped3A_21 : memref<!tpu.dma_semaphore, #tpu.memory_space<semaphore_mem>>) src(%dma_wait3A_27 : memref<128x128xf32, #tpu.memory_space<hbm>>) dst(%arg7 : memref<128x128xf32, #tpu.memory_space<vmem>>)
          tpu.yield
        }) : () -> ()
        %run_scoped3A_20 = arith.constant 0 : i32
        "tpu.region"() ({
          %run_scoped3A_21 = tpu.sem_alloc : memref<!tpu.dma_semaphore, #tpu.memory_space<semaphore_mem>>
          %dma_start3A = arith.constant 0 : i32
          %dma_start3A_22 = tpu.memref_slice %arg6[%run_scoped3A_20, %dma_start3A] : memref<1x128xi32, #tpu.memory_space<vmem>> -> memref<1x128xi32, #tpu.memory_space<vmem>>
          %dma_start3A_23 = tpu.memref_squeeze %dma_start3A_22 : memref<1x128xi32, #tpu.memory_space<vmem>> -> memref<128xi32, #tpu.memory_space<vmem>>
          %dma_start3A_24 = arith.constant 0 : i32
          %dma_start3A_25 = arith.constant 0 : i32
          %dma_start3A_26 = tpu.memref_slice %arg8[%dma_start3A_24, %dma_start3A_25] : memref<10240x128xf32, #tpu.memory_space<vmem_shared>> -> memref<10240x128xf32, #tpu.memory_space<vmem_shared>>
          tpu.enqueue_indirect_dma source(%arg7 : memref<128x128xf32, #tpu.memory_space<vmem>>) target(%dma_start3A_26 : memref<10240x128xf32, #tpu.memory_space<vmem_shared>>) offsets(%dma_start3A_23 : memref<128xi32, #tpu.memory_space<vmem>>) semaphore(%run_scoped3A_21 : memref<!tpu.dma_semaphore, #tpu.memory_space<semaphore_mem>>) {add = true}
          %dma_wait3A = arith.constant 0 : i32
          %dma_wait3A_27 = tpu.memref_slice %arg6[%run_scoped3A_20, %dma_wait3A] : memref<1x128xi32, #tpu.memory_space<vmem>> -> memref<1x128xi32, #tpu.memory_space<vmem>>
          %dma_wait3A_28 = tpu.memref_squeeze %dma_wait3A_27 : memref<1x128xi32, #tpu.memory_space<vmem>> -> memref<128xi32, #tpu.memory_space<vmem>>
          %dma_wait3A_29 = arith.constant 0 : i32
          %dma_wait3A_30 = arith.constant 0 : i32
          %dma_wait3A_31 = tpu.memref_slice %arg8[%dma_wait3A_29, %dma_wait3A_30] : memref<10240x128xf32, #tpu.memory_space<vmem_shared>> -> memref<10240x128xf32, #tpu.memory_space<vmem_shared>>
          tpu.wait_indirect_dma semaphore(%run_scoped3A_21 : memref<!tpu.dma_semaphore, #tpu.memory_space<semaphore_mem>>) src(%arg7 : memref<128x128xf32, #tpu.memory_space<vmem>>) dst(%dma_wait3A_31 : memref<10240x128xf32, #tpu.memory_space<vmem_shared>>)
          tpu.yield
        }) : () -> ()
      } else {
      }
    }
    %scan3A_9 = arith.constant 8 : i32
    %barrier3A_10 = arith.constant 0 : index
    tpu.barrier barrier_id(%barrier3A_10)
    "tpu.region"() ({
      %run_scoped3A = tpu.sem_alloc : memref<!tpu.dma_semaphore, #tpu.memory_space<semaphore_mem>>
      %dma_start3A = arith.constant 0 : i32
      %dma_start3A_11 = tpu.memref_slice %arg5[%arg0, %mul3A_0, %dma_start3A] : memref<2x10240x128xf32, #tpu.memory_space<hbm>> -> memref<1x640x128xf32, #tpu.memory_space<hbm>>
      %dma_start3A_12 = tpu.memref_squeeze %dma_start3A_11 : memref<1x640x128xf32, #tpu.memory_space<hbm>> -> memref<640x128xf32, #tpu.memory_space<hbm>>
      %dma_start3A_13 = arith.constant 0 : i32
      %dma_start3A_14 = tpu.memref_slice %arg8[%mul3A_0, %dma_start3A_13] : memref<10240x128xf32, #tpu.memory_space<vmem_shared>> -> memref<640x128xf32, #tpu.memory_space<vmem_shared>>
      tpu.enqueue_dma source(%dma_start3A_14 : memref<640x128xf32, #tpu.memory_space<vmem_shared>>) target(%dma_start3A_12 : memref<640x128xf32, #tpu.memory_space<hbm>>) target_semaphore(%run_scoped3A : memref<!tpu.dma_semaphore, #tpu.memory_space<semaphore_mem>>)
      %dma_wait3A = arith.constant 0 : i32
      %dma_wait3A_15 = tpu.memref_slice %arg5[%arg0, %mul3A_0, %dma_wait3A] : memref<2x10240x128xf32, #tpu.memory_space<hbm>> -> memref<1x640x128xf32, #tpu.memory_space<hbm>>
      %dma_wait3A_16 = tpu.memref_squeeze %dma_wait3A_15 : memref<1x640x128xf32, #tpu.memory_space<hbm>> -> memref<640x128xf32, #tpu.memory_space<hbm>>
      %dma_wait3A_17 = arith.constant 0 : i32
      %dma_wait3A_18 = tpu.memref_slice %arg8[%mul3A_0, %dma_wait3A_17] : memref<10240x128xf32, #tpu.memory_space<vmem_shared>> -> memref<640x128xf32, #tpu.memory_space<vmem_shared>>
      tpu.wait_dma2 semaphore(%run_scoped3A : memref<!tpu.dma_semaphore, #tpu.memory_space<semaphore_mem>>) src(%dma_wait3A_18 : memref<640x128xf32, #tpu.memory_space<vmem_shared>>) dst(%dma_wait3A_16 : memref<640x128xf32, #tpu.memory_space<hbm>>)
      tpu.yield
    }) : () -> ()
    return
  }
}

#map = affine_map<(d0, d1) -> (0, 0)>
#map1 = affine_map<(d0, d1) -> (0)>
#map2 = affine_map<(d0, d1) -> (0, 0, 0)>
module attributes {stable_mosaic.version = 14 : i64} {
  func.func @_sc_scatter_body(%arg0: i32, %arg1: i32, %arg2: memref<32000x128xf32, #tpu.memory_space<hbm>>, %arg3: memref<32000xi32, #tpu.memory_space<hbm>>, %arg4: memref<640x128xf32, #tpu.memory_space<hbm>>, %arg5: memref<2x10240x128xf32, #tpu.memory_space<hbm>>, %arg6: memref<1x128xi32, #tpu.memory_space<vmem>>, %arg7: memref<128x128xf32, #tpu.memory_space<vmem>>, %arg8: memref<10240x128xf32, #tpu.memory_space<vmem_shared>>) attributes {dimension_semantics = [#tpu.dimension_semantics<core_parallel>, #tpu.dimension_semantics<subcore_parallel>], iteration_bounds = array<i64: 2, 16>, scalar_prefetch = 0 : i64, scratch_operands = 3 : i64, tpu.core_type = #tpu.core_type<sc_vector_subcore>, window_params = [{transform_indices = #map}, {transform_indices = #map1}, {transform_indices = #map}, {transform_indices = #map2}]} {
    %mul3A = arith.constant 640 : i32
    %mul3A_0 = arith.muli %arg1, %mul3A : i32
    "tpu.region"() ({
      %run_scoped3A = tpu.sem_alloc : memref<!tpu.dma_semaphore, #tpu.memory_space<semaphore_mem>>
      %dma_start3A = arith.constant 0 : i32
      %dma_start3A_11 = tpu.memref_slice %arg8[%mul3A_0, %dma_start3A] : memref<10240x128xf32, #tpu.memory_space<vmem_shared>> -> memref<640x128xf32, #tpu.memory_space<vmem_shared>>
      tpu.enqueue_dma source(%arg4 : memref<640x128xf32, #tpu.memory_space<hbm>>) target(%dma_start3A_11 : memref<640x128xf32, #tpu.memory_space<vmem_shared>>) target_semaphore(%run_scoped3A : memref<!tpu.dma_semaphore, #tpu.memory_space<semaphore_mem>>)
      %dma_wait3A = arith.constant 0 : i32
      %dma_wait3A_12 = tpu.memref_slice %arg8[%mul3A_0, %dma_wait3A] : memref<10240x128xf32, #tpu.memory_space<vmem_shared>> -> memref<640x128xf32, #tpu.memory_space<vmem_shared>>
      tpu.wait_dma2 semaphore(%run_scoped3A : memref<!tpu.dma_semaphore, #tpu.memory_space<semaphore_mem>>) src(%arg4 : memref<640x128xf32, #tpu.memory_space<hbm>>) dst(%dma_wait3A_12 : memref<640x128xf32, #tpu.memory_space<vmem_shared>>)
      tpu.yield
    }) : () -> ()
    %barrier3A = arith.constant 0 : index
    tpu.barrier barrier_id(%barrier3A)
    %mul3A_1 = arith.constant 125 : i32
    %mul3A_2 = arith.muli %arg0, %mul3A_1 : i32
    %eq3A = arith.constant 0 : i32
    %eq3A_3 = arith.cmpi eq, %arg0, %eq3A : i32
    %jit3A = arith.constant 125 : i32
    %jit3A_4 = arith.constant 125 : i32
    %select_n3A = arith.select %eq3A_3, %jit3A, %jit3A_4 : i32
    %scan3A = arith.constant 0 : i32
    %scan3A_5 = arith.constant 0 : i32
    %scan3A_6 = arith.constant 8 : i32
    %scan3A_7 = arith.addi %scan3A_5, %scan3A_6 : i32
    %scan3A_8 = arith.constant 1 : i32
    scf.for %scan3A_11 = %scan3A_5 to %scan3A_7 step %scan3A_8  : i32 {
      %mul3A_12 = arith.constant 16 : i32
      %mul3A_13 = arith.muli %mul3A_12, %scan3A_11 : i32
      %add3A = arith.addi %arg1, %mul3A_13 : i32
      %lt3A = arith.cmpi slt, %add3A, %select_n3A : i32
      %convert_element_type3A = arith.extui %lt3A : i1 to i32
      %cond3A = arith.constant 0 : i32
      %cond3A_14 = arith.cmpi ne, %convert_element_type3A, %cond3A : i32
      scf.if %cond3A_14 {
        %add3A_15 = arith.addi %mul3A_2, %add3A : i32
        %mul3A_16 = arith.constant 128 : i32
        %mul3A_17 = arith.muli %add3A_15, %mul3A_16 : i32
        %run_scoped3A = arith.constant 0 : i32
        "tpu.region"() ({
          %run_scoped3A_21 = tpu.sem_alloc : memref<!tpu.dma_semaphore, #tpu.memory_space<semaphore_mem>>
          %dma_start3A = arith.constant 0 : i32
          %dma_start3A_22 = tpu.memref_slice %arg6[%run_scoped3A, %dma_start3A] : memref<1x128xi32, #tpu.memory_space<vmem>> -> memref<1x128xi32, #tpu.memory_space<vmem>>
          %dma_start3A_23 = tpu.memref_squeeze %dma_start3A_22 : memref<1x128xi32, #tpu.memory_space<vmem>> -> memref<128xi32, #tpu.memory_space<vmem>>
          %dma_start3A_24 = tpu.memref_slice %arg3[%mul3A_17] : memref<32000xi32, #tpu.memory_space<hbm>> -> memref<128xi32, #tpu.memory_space<hbm>>
          %dma_start3A_25 = arith.constant 0 : i32
          %dma_start3A_26 = tpu.memref_slice %arg6[%run_scoped3A, %dma_start3A_25] : memref<1x128xi32, #tpu.memory_space<vmem>> -> memref<1x128xi32, #tpu.memory_space<vmem>>
          %dma_start3A_27 = tpu.memref_squeeze %dma_start3A_26 : memref<1x128xi32, #tpu.memory_space<vmem>> -> memref<128xi32, #tpu.memory_space<vmem>>
          %dma_start3A_28 = tpu.memref_slice %arg3[%mul3A_17] : memref<32000xi32, #tpu.memory_space<hbm>> -> memref<128xi32, #tpu.memory_space<hbm>>
          tpu.enqueue_dma source(%dma_start3A_28 : memref<128xi32, #tpu.memory_space<hbm>>) target(%dma_start3A_27 : memref<128xi32, #tpu.memory_space<vmem>>) target_semaphore(%run_scoped3A_21 : memref<!tpu.dma_semaphore, #tpu.memory_space<semaphore_mem>>)
          %dma_wait3A = arith.constant 0 : i32
          %dma_wait3A_29 = tpu.memref_slice %arg6[%run_scoped3A, %dma_wait3A] : memref<1x128xi32, #tpu.memory_space<vmem>> -> memref<1x128xi32, #tpu.memory_space<vmem>>
          %dma_wait3A_30 = tpu.memref_squeeze %dma_wait3A_29 : memref<1x128xi32, #tpu.memory_space<vmem>> -> memref<128xi32, #tpu.memory_space<vmem>>
          %dma_wait3A_31 = tpu.memref_slice %arg3[%mul3A_17] : memref<32000xi32, #tpu.memory_space<hbm>> -> memref<128xi32, #tpu.memory_space<hbm>>
          %dma_wait3A_32 = arith.constant 0 : i32
          %dma_wait3A_33 = tpu.memref_slice %arg6[%run_scoped3A, %dma_wait3A_32] : memref<1x128xi32, #tpu.memory_space<vmem>> -> memref<1x128xi32, #tpu.memory_space<vmem>>
          %dma_wait3A_34 = tpu.memref_squeeze %dma_wait3A_33 : memref<1x128xi32, #tpu.memory_space<vmem>> -> memref<128xi32, #tpu.memory_space<vmem>>
          %dma_wait3A_35 = tpu.memref_slice %arg3[%mul3A_17] : memref<32000xi32, #tpu.memory_space<hbm>> -> memref<128xi32, #tpu.memory_space<hbm>>
          tpu.wait_dma2 semaphore(%run_scoped3A_21 : memref<!tpu.dma_semaphore, #tpu.memory_space<semaphore_mem>>) src(%dma_wait3A_35 : memref<128xi32, #tpu.memory_space<hbm>>) dst(%dma_wait3A_34 : memref<128xi32, #tpu.memory_space<vmem>>)
          tpu.yield
        }) : () -> ()
        %mul3A_18 = arith.constant 128 : i32
        %mul3A_19 = arith.muli %add3A_15, %mul3A_18 : i32
        "tpu.region"() ({
          %run_scoped3A_21 = tpu.sem_alloc : memref<!tpu.dma_semaphore, #tpu.memory_space<semaphore_mem>>
          %dma_start3A = arith.constant 0 : i32
          %dma_start3A_22 = tpu.memref_slice %arg2[%mul3A_19, %dma_start3A] : memref<32000x128xf32, #tpu.memory_space<hbm>> -> memref<128x128xf32, #tpu.memory_space<hbm>>
          %dma_start3A_23 = arith.constant 0 : i32
          %dma_start3A_24 = tpu.memref_slice %arg2[%mul3A_19, %dma_start3A_23] : memref<32000x128xf32, #tpu.memory_space<hbm>> -> memref<128x128xf32, #tpu.memory_space<hbm>>
          tpu.enqueue_dma source(%dma_start3A_24 : memref<128x128xf32, #tpu.memory_space<hbm>>) target(%arg7 : memref<128x128xf32, #tpu.memory_space<vmem>>) target_semaphore(%run_scoped3A_21 : memref<!tpu.dma_semaphore, #tpu.memory_space<semaphore_mem>>)
          %dma_wait3A = arith.constant 0 : i32
          %dma_wait3A_25 = tpu.memref_slice %arg2[%mul3A_19, %dma_wait3A] : memref<32000x128xf32, #tpu.memory_space<hbm>> -> memref<128x128xf32, #tpu.memory_space<hbm>>
          %dma_wait3A_26 = arith.constant 0 : i32
          %dma_wait3A_27 = tpu.memref_slice %arg2[%mul3A_19, %dma_wait3A_26] : memref<32000x128xf32, #tpu.memory_space<hbm>> -> memref<128x128xf32, #tpu.memory_space<hbm>>
          tpu.wait_dma2 semaphore(%run_scoped3A_21 : memref<!tpu.dma_semaphore, #tpu.memory_space<semaphore_mem>>) src(%dma_wait3A_27 : memref<128x128xf32, #tpu.memory_space<hbm>>) dst(%arg7 : memref<128x128xf32, #tpu.memory_space<vmem>>)
          tpu.yield
        }) : () -> ()
        %run_scoped3A_20 = arith.constant 0 : i32
        "tpu.region"() ({
          %run_scoped3A_21 = tpu.sem_alloc : memref<!tpu.dma_semaphore, #tpu.memory_space<semaphore_mem>>
          %dma_start3A = arith.constant 0 : i32
          %dma_start3A_22 = tpu.memref_slice %arg6[%run_scoped3A_20, %dma_start3A] : memref<1x128xi32, #tpu.memory_space<vmem>> -> memref<1x128xi32, #tpu.memory_space<vmem>>
          %dma_start3A_23 = tpu.memref_squeeze %dma_start3A_22 : memref<1x128xi32, #tpu.memory_space<vmem>> -> memref<128xi32, #tpu.memory_space<vmem>>
          %dma_start3A_24 = arith.constant 0 : i32
          %dma_start3A_25 = arith.constant 0 : i32
          %dma_start3A_26 = tpu.memref_slice %arg8[%dma_start3A_24, %dma_start3A_25] : memref<10240x128xf32, #tpu.memory_space<vmem_shared>> -> memref<10240x128xf32, #tpu.memory_space<vmem_shared>>
          tpu.enqueue_indirect_dma source(%arg7 : memref<128x128xf32, #tpu.memory_space<vmem>>) target(%dma_start3A_26 : memref<10240x128xf32, #tpu.memory_space<vmem_shared>>) offsets(%dma_start3A_23 : memref<128xi32, #tpu.memory_space<vmem>>) semaphore(%run_scoped3A_21 : memref<!tpu.dma_semaphore, #tpu.memory_space<semaphore_mem>>) {add = true}
          %dma_wait3A = arith.constant 0 : i32
          %dma_wait3A_27 = tpu.memref_slice %arg6[%run_scoped3A_20, %dma_wait3A] : memref<1x128xi32, #tpu.memory_space<vmem>> -> memref<1x128xi32, #tpu.memory_space<vmem>>
          %dma_wait3A_28 = tpu.memref_squeeze %dma_wait3A_27 : memref<1x128xi32, #tpu.memory_space<vmem>> -> memref<128xi32, #tpu.memory_space<vmem>>
          %dma_wait3A_29 = arith.constant 0 : i32
          %dma_wait3A_30 = arith.constant 0 : i32
          %dma_wait3A_31 = tpu.memref_slice %arg8[%dma_wait3A_29, %dma_wait3A_30] : memref<10240x128xf32, #tpu.memory_space<vmem_shared>> -> memref<10240x128xf32, #tpu.memory_space<vmem_shared>>
          tpu.wait_indirect_dma semaphore(%run_scoped3A_21 : memref<!tpu.dma_semaphore, #tpu.memory_space<semaphore_mem>>) src(%arg7 : memref<128x128xf32, #tpu.memory_space<vmem>>) dst(%dma_wait3A_31 : memref<10240x128xf32, #tpu.memory_space<vmem_shared>>)
          tpu.yield
        }) : () -> ()
      } else {
      }
    }
    %scan3A_9 = arith.constant 8 : i32
    %barrier3A_10 = arith.constant 0 : index
    tpu.barrier barrier_id(%barrier3A_10)
    "tpu.region"() ({
      %run_scoped3A = tpu.sem_alloc : memref<!tpu.dma_semaphore, #tpu.memory_space<semaphore_mem>>
      %dma_start3A = arith.constant 0 : i32
      %dma_start3A_11 = tpu.memref_slice %arg5[%arg0, %mul3A_0, %dma_start3A] : memref<2x10240x128xf32, #tpu.memory_space<hbm>> -> memref<1x640x128xf32, #tpu.memory_space<hbm>>
      %dma_start3A_12 = tpu.memref_squeeze %dma_start3A_11 : memref<1x640x128xf32, #tpu.memory_space<hbm>> -> memref<640x128xf32, #tpu.memory_space<hbm>>
      %dma_start3A_13 = arith.constant 0 : i32
      %dma_start3A_14 = tpu.memref_slice %arg8[%mul3A_0, %dma_start3A_13] : memref<10240x128xf32, #tpu.memory_space<vmem_shared>> -> memref<640x128xf32, #tpu.memory_space<vmem_shared>>
      tpu.enqueue_dma source(%dma_start3A_14 : memref<640x128xf32, #tpu.memory_space<vmem_shared>>) target(%dma_start3A_12 : memref<640x128xf32, #tpu.memory_space<hbm>>) target_semaphore(%run_scoped3A : memref<!tpu.dma_semaphore, #tpu.memory_space<semaphore_mem>>)
      %dma_wait3A = arith.constant 0 : i32
      %dma_wait3A_15 = tpu.memref_slice %arg5[%arg0, %mul3A_0, %dma_wait3A] : memref<2x10240x128xf32, #tpu.memory_space<hbm>> -> memref<1x640x128xf32, #tpu.memory_space<hbm>>
      %dma_wait3A_16 = tpu.memref_squeeze %dma_wait3A_15 : memref<1x640x128xf32, #tpu.memory_space<hbm>> -> memref<640x128xf32, #tpu.memory_space<hbm>>
      %dma_wait3A_17 = arith.constant 0 : i32
      %dma_wait3A_18 = tpu.memref_slice %arg8[%mul3A_0, %dma_wait3A_17] : memref<10240x128xf32, #tpu.memory_space<vmem_shared>> -> memref<640x128xf32, #tpu.memory_space<vmem_shared>>
      tpu.wait_dma2 semaphore(%run_scoped3A : memref<!tpu.dma_semaphore, #tpu.memory_space<semaphore_mem>>) src(%dma_wait3A_18 : memref<640x128xf32, #tpu.memory_space<vmem_shared>>) dst(%dma_wait3A_16 : memref<640x128xf32, #tpu.memory_space<hbm>>)
      tpu.yield
    }) : () -> ()
    return
  }
}

module attributes {stable_mosaic.version = 14 : i64} {
  func.func @_tc_msg_body(%arg0: i32, %arg1: memref<1600x5xbf16, #tpu.memory_space<vmem>>, %arg2: memref<1600x128xf32, #tpu.memory_space<vmem>>, %arg3: memref<5x4096xbf16, #tpu.memory_space<vmem>>, %arg4: memref<4096x128xbf16, #tpu.memory_space<vmem>>, %arg5: memref<1600x128xf32, #tpu.memory_space<vmem>>) attributes {dimension_semantics = [#tpu.dimension_semantics<parallel>], iteration_bounds = array<i64: 20>, scalar_prefetch = 0 : i64, scratch_operands = 0 : i64, tpu.core_type = #tpu.core_type<tc>, window_params = [{transform_indices = @transform_0, window_bounds = array<i64: 1600, 5>}, {transform_indices = @transform_1, window_bounds = array<i64: 1600, 128>}, {pipeline_mode = #tpu.pipeline_mode<synchronous>, transform_indices = @transform_2, window_bounds = array<i64: 5, 4096>}, {pipeline_mode = #tpu.pipeline_mode<synchronous>, transform_indices = @transform_3, window_bounds = array<i64: 4096, 128>}, {transform_indices = @transform_4, window_bounds = array<i64: 1600, 128>}]} {
    %get3A = arith.constant 0 : index
    %get3A_0 = arith.constant 0 : index
    %get3A_1 = vector.load %arg3[%get3A, %get3A_0] : memref<5x4096xbf16, #tpu.memory_space<vmem>>, vector<5x4096xbf16>
    %get3A_2 = arith.constant 0 : index
    %get3A_3 = arith.constant 0 : index
    %get3A_4 = vector.load %arg4[%get3A_2, %get3A_3] : memref<4096x128xbf16, #tpu.memory_space<vmem>>, vector<4096x128xbf16>
    %iota3A = tpu.iota {dimensions = array<i32: 1>} : vector<1x128xi32>
    %eq3A = arith.constant 32 : i32
    %eq3A_5 = vector.broadcast %eq3A : i32 to vector<1x128xi32>
    %eq3A_6 = arith.cmpi eq, %iota3A, %eq3A_5 : vector<1x128xi32>
    %convert_element_type3A = arith.extui %eq3A_6 : vector<1x128xi1> to vector<1x128xi32>
    %convert_element_type3A_7 = arith.sitofp %convert_element_type3A : vector<1x128xi32> to vector<1x128xf32>
    %get3A_8 = arith.constant 0 : index
    %get3A_9 = arith.constant 0 : index
    %get3A_10 = vector.load %arg1[%get3A_8, %get3A_9] : memref<1600x5xbf16, #tpu.memory_space<vmem>>, vector<800x5xbf16>
    %get3A_11 = arith.constant 0 : index
    %get3A_12 = arith.constant 0 : index
    %get3A_13 = vector.load %arg2[%get3A_11, %get3A_12] : memref<1600x128xf32, #tpu.memory_space<vmem>>, vector<800x128xf32>
    %convert_element_type3A_14 = arith.truncf %get3A_13 : vector<800x128xf32> to vector<800x128xbf16>
    %dot_general3A = arith.constant dense<0.000000e+00> : vector<800x4096xf32>
    %dot_general3A_15 = tpu.matmul %get3A_10, %get3A_1, %dot_general3A {dimension_numbers = #tpu.dot_dimension_numbers<[1], [0], [0], [1], [0, 0, 1, 1], [], []>, transpose_lhs_hint = false} : vector<800x5xbf16>, vector<5x4096xbf16>, vector<800x4096xf32> -> vector<800x4096xf32>
    %convert_element_type3A_16 = arith.truncf %dot_general3A_15 : vector<800x4096xf32> to vector<800x4096xbf16>
    %slice3A = vector.extract_strided_slice %convert_element_type3A_16 {offsets = [0, 0], sizes = [800, 128], strides = [1, 1]} : vector<800x4096xbf16> to vector<800x128xbf16>
    %max3A = arith.constant 0.000000e+00 : bf16
    %max3A_17 = vector.broadcast %max3A : bf16 to vector<800x128xbf16>
    %max3A_18 = arith.maximumf %slice3A, %max3A_17 : vector<800x128xbf16>
    %mul3A = arith.mulf %max3A_18, %convert_element_type3A_14 : vector<800x128xbf16>
    %slice3A_19 = vector.extract_strided_slice %convert_element_type3A_16 {offsets = [0, 128], sizes = [800, 128], strides = [1, 1]} : vector<800x4096xbf16> to vector<800x128xbf16>
    %max3A_20 = arith.constant 0.000000e+00 : bf16
    %max3A_21 = vector.broadcast %max3A_20 : bf16 to vector<800x128xbf16>
    %max3A_22 = arith.maximumf %slice3A_19, %max3A_21 : vector<800x128xbf16>
    %mul3A_23 = arith.mulf %max3A_22, %convert_element_type3A_14 : vector<800x128xbf16>
    %slice3A_24 = vector.extract_strided_slice %convert_element_type3A_16 {offsets = [0, 256], sizes = [800, 128], strides = [1, 1]} : vector<800x4096xbf16> to vector<800x128xbf16>
    %max3A_25 = arith.constant 0.000000e+00 : bf16
    %max3A_26 = vector.broadcast %max3A_25 : bf16 to vector<800x128xbf16>
    %max3A_27 = arith.maximumf %slice3A_24, %max3A_26 : vector<800x128xbf16>
    %mul3A_28 = arith.mulf %max3A_27, %convert_element_type3A_14 : vector<800x128xbf16>
    %slice3A_29 = vector.extract_strided_slice %convert_element_type3A_16 {offsets = [0, 384], sizes = [800, 128], strides = [1, 1]} : vector<800x4096xbf16> to vector<800x128xbf16>
    %max3A_30 = arith.constant 0.000000e+00 : bf16
    %max3A_31 = vector.broadcast %max3A_30 : bf16 to vector<800x128xbf16>
    %max3A_32 = arith.maximumf %slice3A_29, %max3A_31 : vector<800x128xbf16>
    %mul3A_33 = arith.mulf %max3A_32, %convert_element_type3A_14 : vector<800x128xbf16>
    %slice3A_34 = vector.extract_strided_slice %convert_element_type3A_16 {offsets = [0, 512], sizes = [800, 128], strides = [1, 1]} : vector<800x4096xbf16> to vector<800x128xbf16>
    %max3A_35 = arith.constant 0.000000e+00 : bf16
    %max3A_36 = vector.broadcast %max3A_35 : bf16 to vector<800x128xbf16>
    %max3A_37 = arith.maximumf %slice3A_34, %max3A_36 : vector<800x128xbf16>
    %mul3A_38 = arith.mulf %max3A_37, %convert_element_type3A_14 : vector<800x128xbf16>
    %slice3A_39 = vector.extract_strided_slice %convert_element_type3A_16 {offsets = [0, 640], sizes = [800, 128], strides = [1, 1]} : vector<800x4096xbf16> to vector<800x128xbf16>
    %max3A_40 = arith.constant 0.000000e+00 : bf16
    %max3A_41 = vector.broadcast %max3A_40 : bf16 to vector<800x128xbf16>
    %max3A_42 = arith.maximumf %slice3A_39, %max3A_41 : vector<800x128xbf16>
    %mul3A_43 = arith.mulf %max3A_42, %convert_element_type3A_14 : vector<800x128xbf16>
    %slice3A_44 = vector.extract_strided_slice %convert_element_type3A_16 {offsets = [0, 768], sizes = [800, 128], strides = [1, 1]} : vector<800x4096xbf16> to vector<800x128xbf16>
    %max3A_45 = arith.constant 0.000000e+00 : bf16
    %max3A_46 = vector.broadcast %max3A_45 : bf16 to vector<800x128xbf16>
    %max3A_47 = arith.maximumf %slice3A_44, %max3A_46 : vector<800x128xbf16>
    %mul3A_48 = arith.mulf %max3A_47, %convert_element_type3A_14 : vector<800x128xbf16>
    %slice3A_49 = vector.extract_strided_slice %convert_element_type3A_16 {offsets = [0, 896], sizes = [800, 128], strides = [1, 1]} : vector<800x4096xbf16> to vector<800x128xbf16>
    %max3A_50 = arith.constant 0.000000e+00 : bf16
    %max3A_51 = vector.broadcast %max3A_50 : bf16 to vector<800x128xbf16>
    %max3A_52 = arith.maximumf %slice3A_49, %max3A_51 : vector<800x128xbf16>
    %mul3A_53 = arith.mulf %max3A_52, %convert_element_type3A_14 : vector<800x128xbf16>
    %slice3A_54 = vector.extract_strided_slice %convert_element_type3A_16 {offsets = [0, 1024], sizes = [800, 128], strides = [1, 1]} : vector<800x4096xbf16> to vector<800x128xbf16>
    %max3A_55 = arith.constant 0.000000e+00 : bf16
    %max3A_56 = vector.broadcast %max3A_55 : bf16 to vector<800x128xbf16>
    %max3A_57 = arith.maximumf %slice3A_54, %max3A_56 : vector<800x128xbf16>
    %mul3A_58 = arith.mulf %max3A_57, %convert_element_type3A_14 : vector<800x128xbf16>
    %slice3A_59 = vector.extract_strided_slice %convert_element_type3A_16 {offsets = [0, 1152], sizes = [800, 128], strides = [1, 1]} : vector<800x4096xbf16> to vector<800x128xbf16>
    %max3A_60 = arith.constant 0.000000e+00 : bf16
    %max3A_61 = vector.broadcast %max3A_60 : bf16 to vector<800x128xbf16>
    %max3A_62 = arith.maximumf %slice3A_59, %max3A_61 : vector<800x128xbf16>
    %mul3A_63 = arith.mulf %max3A_62, %convert_element_type3A_14 : vector<800x128xbf16>
    %slice3A_64 = vector.extract_strided_slice %convert_element_type3A_16 {offsets = [0, 1280], sizes = [800, 128], strides = [1, 1]} : vector<800x4096xbf16> to vector<800x128xbf16>
    %max3A_65 = arith.constant 0.000000e+00 : bf16
    %max3A_66 = vector.broadcast %max3A_65 : bf16 to vector<800x128xbf16>
    %max3A_67 = arith.maximumf %slice3A_64, %max3A_66 : vector<800x128xbf16>
    %mul3A_68 = arith.mulf %max3A_67, %convert_element_type3A_14 : vector<800x128xbf16>
    %slice3A_69 = vector.extract_strided_slice %convert_element_type3A_16 {offsets = [0, 1408], sizes = [800, 128], strides = [1, 1]} : vector<800x4096xbf16> to vector<800x128xbf16>
    %max3A_70 = arith.constant 0.000000e+00 : bf16
    %max3A_71 = vector.broadcast %max3A_70 : bf16 to vector<800x128xbf16>
    %max3A_72 = arith.maximumf %slice3A_69, %max3A_71 : vector<800x128xbf16>
    %mul3A_73 = arith.mulf %max3A_72, %convert_element_type3A_14 : vector<800x128xbf16>
    %slice3A_74 = vector.extract_strided_slice %convert_element_type3A_16 {offsets = [0, 1536], sizes = [800, 128], strides = [1, 1]} : vector<800x4096xbf16> to vector<800x128xbf16>
    %max3A_75 = arith.constant 0.000000e+00 : bf16
    %max3A_76 = vector.broadcast %max3A_75 : bf16 to vector<800x128xbf16>
    %max3A_77 = arith.maximumf %slice3A_74, %max3A_76 : vector<800x128xbf16>
    %mul3A_78 = arith.mulf %max3A_77, %convert_element_type3A_14 : vector<800x128xbf16>
    %slice3A_79 = vector.extract_strided_slice %convert_element_type3A_16 {offsets = [0, 1664], sizes = [800, 128], strides = [1, 1]} : vector<800x4096xbf16> to vector<800x128xbf16>
    %max3A_80 = arith.constant 0.000000e+00 : bf16
    %max3A_81 = vector.broadcast %max3A_80 : bf16 to vector<800x128xbf16>
    %max3A_82 = arith.maximumf %slice3A_79, %max3A_81 : vector<800x128xbf16>
    %mul3A_83 = arith.mulf %max3A_82, %convert_element_type3A_14 : vector<800x128xbf16>
    %slice3A_84 = vector.extract_strided_slice %convert_element_type3A_16 {offsets = [0, 1792], sizes = [800, 128], strides = [1, 1]} : vector<800x4096xbf16> to vector<800x128xbf16>
    %max3A_85 = arith.constant 0.000000e+00 : bf16
    %max3A_86 = vector.broadcast %max3A_85 : bf16 to vector<800x128xbf16>
    %max3A_87 = arith.maximumf %slice3A_84, %max3A_86 : vector<800x128xbf16>
    %mul3A_88 = arith.mulf %max3A_87, %convert_element_type3A_14 : vector<800x128xbf16>
    %slice3A_89 = vector.extract_strided_slice %convert_element_type3A_16 {offsets = [0, 1920], sizes = [800, 128], strides = [1, 1]} : vector<800x4096xbf16> to vector<800x128xbf16>
    %max3A_90 = arith.constant 0.000000e+00 : bf16
    %max3A_91 = vector.broadcast %max3A_90 : bf16 to vector<800x128xbf16>
    %max3A_92 = arith.maximumf %slice3A_89, %max3A_91 : vector<800x128xbf16>
    %mul3A_93 = arith.mulf %max3A_92, %convert_element_type3A_14 : vector<800x128xbf16>
    %slice3A_94 = vector.extract_strided_slice %convert_element_type3A_16 {offsets = [0, 2048], sizes = [800, 128], strides = [1, 1]} : vector<800x4096xbf16> to vector<800x128xbf16>
    %max3A_95 = arith.constant 0.000000e+00 : bf16
    %max3A_96 = vector.broadcast %max3A_95 : bf16 to vector<800x128xbf16>
    %max3A_97 = arith.maximumf %slice3A_94, %max3A_96 : vector<800x128xbf16>
    %mul3A_98 = arith.mulf %max3A_97, %convert_element_type3A_14 : vector<800x128xbf16>
    %slice3A_99 = vector.extract_strided_slice %convert_element_type3A_16 {offsets = [0, 2176], sizes = [800, 128], strides = [1, 1]} : vector<800x4096xbf16> to vector<800x128xbf16>
    %max3A_100 = arith.constant 0.000000e+00 : bf16
    %max3A_101 = vector.broadcast %max3A_100 : bf16 to vector<800x128xbf16>
    %max3A_102 = arith.maximumf %slice3A_99, %max3A_101 : vector<800x128xbf16>
    %mul3A_103 = arith.mulf %max3A_102, %convert_element_type3A_14 : vector<800x128xbf16>
    %slice3A_104 = vector.extract_strided_slice %convert_element_type3A_16 {offsets = [0, 2304], sizes = [800, 128], strides = [1, 1]} : vector<800x4096xbf16> to vector<800x128xbf16>
    %max3A_105 = arith.constant 0.000000e+00 : bf16
    %max3A_106 = vector.broadcast %max3A_105 : bf16 to vector<800x128xbf16>
    %max3A_107 = arith.maximumf %slice3A_104, %max3A_106 : vector<800x128xbf16>
    %mul3A_108 = arith.mulf %max3A_107, %convert_element_type3A_14 : vector<800x128xbf16>
    %slice3A_109 = vector.extract_strided_slice %convert_element_type3A_16 {offsets = [0, 2432], sizes = [800, 128], strides = [1, 1]} : vector<800x4096xbf16> to vector<800x128xbf16>
    %max3A_110 = arith.constant 0.000000e+00 : bf16
    %max3A_111 = vector.broadcast %max3A_110 : bf16 to vector<800x128xbf16>
    %max3A_112 = arith.maximumf %slice3A_109, %max3A_111 : vector<800x128xbf16>
    %mul3A_113 = arith.mulf %max3A_112, %convert_element_type3A_14 : vector<800x128xbf16>
    %slice3A_114 = vector.extract_strided_slice %convert_element_type3A_16 {offsets = [0, 2560], sizes = [800, 128], strides = [1, 1]} : vector<800x4096xbf16> to vector<800x128xbf16>
    %max3A_115 = arith.constant 0.000000e+00 : bf16
    %max3A_116 = vector.broadcast %max3A_115 : bf16 to vector<800x128xbf16>
    %max3A_117 = arith.maximumf %slice3A_114, %max3A_116 : vector<800x128xbf16>
    %mul3A_118 = arith.mulf %max3A_117, %convert_element_type3A_14 : vector<800x128xbf16>
    %slice3A_119 = vector.extract_strided_slice %convert_element_type3A_16 {offsets = [0, 2688], sizes = [800, 128], strides = [1, 1]} : vector<800x4096xbf16> to vector<800x128xbf16>
    %max3A_120 = arith.constant 0.000000e+00 : bf16
    %max3A_121 = vector.broadcast %max3A_120 : bf16 to vector<800x128xbf16>
    %max3A_122 = arith.maximumf %slice3A_119, %max3A_121 : vector<800x128xbf16>
    %mul3A_123 = arith.mulf %max3A_122, %convert_element_type3A_14 : vector<800x128xbf16>
    %slice3A_124 = vector.extract_strided_slice %convert_element_type3A_16 {offsets = [0, 2816], sizes = [800, 128], strides = [1, 1]} : vector<800x4096xbf16> to vector<800x128xbf16>
    %max3A_125 = arith.constant 0.000000e+00 : bf16
    %max3A_126 = vector.broadcast %max3A_125 : bf16 to vector<800x128xbf16>
    %max3A_127 = arith.maximumf %slice3A_124, %max3A_126 : vector<800x128xbf16>
    %mul3A_128 = arith.mulf %max3A_127, %convert_element_type3A_14 : vector<800x128xbf16>
    %slice3A_129 = vector.extract_strided_slice %convert_element_type3A_16 {offsets = [0, 2944], sizes = [800, 128], strides = [1, 1]} : vector<800x4096xbf16> to vector<800x128xbf16>
    %max3A_130 = arith.constant 0.000000e+00 : bf16
    %max3A_131 = vector.broadcast %max3A_130 : bf16 to vector<800x128xbf16>
    %max3A_132 = arith.maximumf %slice3A_129, %max3A_131 : vector<800x128xbf16>
    %mul3A_133 = arith.mulf %max3A_132, %convert_element_type3A_14 : vector<800x128xbf16>
    %slice3A_134 = vector.extract_strided_slice %convert_element_type3A_16 {offsets = [0, 3072], sizes = [800, 128], strides = [1, 1]} : vector<800x4096xbf16> to vector<800x128xbf16>
    %max3A_135 = arith.constant 0.000000e+00 : bf16
    %max3A_136 = vector.broadcast %max3A_135 : bf16 to vector<800x128xbf16>
    %max3A_137 = arith.maximumf %slice3A_134, %max3A_136 : vector<800x128xbf16>
    %mul3A_138 = arith.mulf %max3A_137, %convert_element_type3A_14 : vector<800x128xbf16>
    %slice3A_139 = vector.extract_strided_slice %convert_element_type3A_16 {offsets = [0, 3200], sizes = [800, 128], strides = [1, 1]} : vector<800x4096xbf16> to vector<800x128xbf16>
    %max3A_140 = arith.constant 0.000000e+00 : bf16
    %max3A_141 = vector.broadcast %max3A_140 : bf16 to vector<800x128xbf16>
    %max3A_142 = arith.maximumf %slice3A_139, %max3A_141 : vector<800x128xbf16>
    %mul3A_143 = arith.mulf %max3A_142, %convert_element_type3A_14 : vector<800x128xbf16>
    %slice3A_144 = vector.extract_strided_slice %convert_element_type3A_16 {offsets = [0, 3328], sizes = [800, 128], strides = [1, 1]} : vector<800x4096xbf16> to vector<800x128xbf16>
    %max3A_145 = arith.constant 0.000000e+00 : bf16
    %max3A_146 = vector.broadcast %max3A_145 : bf16 to vector<800x128xbf16>
    %max3A_147 = arith.maximumf %slice3A_144, %max3A_146 : vector<800x128xbf16>
    %mul3A_148 = arith.mulf %max3A_147, %convert_element_type3A_14 : vector<800x128xbf16>
    %slice3A_149 = vector.extract_strided_slice %convert_element_type3A_16 {offsets = [0, 3456], sizes = [800, 128], strides = [1, 1]} : vector<800x4096xbf16> to vector<800x128xbf16>
    %max3A_150 = arith.constant 0.000000e+00 : bf16
    %max3A_151 = vector.broadcast %max3A_150 : bf16 to vector<800x128xbf16>
    %max3A_152 = arith.maximumf %slice3A_149, %max3A_151 : vector<800x128xbf16>
    %mul3A_153 = arith.mulf %max3A_152, %convert_element_type3A_14 : vector<800x128xbf16>
    %slice3A_154 = vector.extract_strided_slice %convert_element_type3A_16 {offsets = [0, 3584], sizes = [800, 128], strides = [1, 1]} : vector<800x4096xbf16> to vector<800x128xbf16>
    %max3A_155 = arith.constant 0.000000e+00 : bf16
    %max3A_156 = vector.broadcast %max3A_155 : bf16 to vector<800x128xbf16>
    %max3A_157 = arith.maximumf %slice3A_154, %max3A_156 : vector<800x128xbf16>
    %mul3A_158 = arith.mulf %max3A_157, %convert_element_type3A_14 : vector<800x128xbf16>
    %slice3A_159 = vector.extract_strided_slice %convert_element_type3A_16 {offsets = [0, 3712], sizes = [800, 128], strides = [1, 1]} : vector<800x4096xbf16> to vector<800x128xbf16>
    %max3A_160 = arith.constant 0.000000e+00 : bf16
    %max3A_161 = vector.broadcast %max3A_160 : bf16 to vector<800x128xbf16>
    %max3A_162 = arith.maximumf %slice3A_159, %max3A_161 : vector<800x128xbf16>
    %mul3A_163 = arith.mulf %max3A_162, %convert_element_type3A_14 : vector<800x128xbf16>
    %slice3A_164 = vector.extract_strided_slice %convert_element_type3A_16 {offsets = [0, 3840], sizes = [800, 128], strides = [1, 1]} : vector<800x4096xbf16> to vector<800x128xbf16>
    %max3A_165 = arith.constant 0.000000e+00 : bf16
    %max3A_166 = vector.broadcast %max3A_165 : bf16 to vector<800x128xbf16>
    %max3A_167 = arith.maximumf %slice3A_164, %max3A_166 : vector<800x128xbf16>
    %mul3A_168 = arith.mulf %max3A_167, %convert_element_type3A_14 : vector<800x128xbf16>
    %slice3A_169 = vector.extract_strided_slice %convert_element_type3A_16 {offsets = [0, 3968], sizes = [800, 128], strides = [1, 1]} : vector<800x4096xbf16> to vector<800x128xbf16>
    %max3A_170 = arith.constant 0.000000e+00 : bf16
    %max3A_171 = vector.broadcast %max3A_170 : bf16 to vector<800x128xbf16>
    %max3A_172 = arith.maximumf %slice3A_169, %max3A_171 : vector<800x128xbf16>
    %mul3A_173 = arith.mulf %max3A_172, %convert_element_type3A_14 : vector<800x128xbf16>
    %concatenate3A = tpu.concatenate %mul3A, %mul3A_23, %mul3A_28, %mul3A_33, %mul3A_38, %mul3A_43, %mul3A_48, %mul3A_53, %mul3A_58, %mul3A_63, %mul3A_68, %mul3A_73, %mul3A_78, %mul3A_83, %mul3A_88, %mul3A_93, %mul3A_98, %mul3A_103, %mul3A_108, %mul3A_113, %mul3A_118, %mul3A_123, %mul3A_128, %mul3A_133, %mul3A_138, %mul3A_143, %mul3A_148, %mul3A_153, %mul3A_158, %mul3A_163, %mul3A_168, %mul3A_173 in 1 : vector<800x128xbf16>, vector<800x128xbf16>, vector<800x128xbf16>, vector<800x128xbf16>, vector<800x128xbf16>, vector<800x128xbf16>, vector<800x128xbf16>, vector<800x128xbf16>, vector<800x128xbf16>, vector<800x128xbf16>, vector<800x128xbf16>, vector<800x128xbf16>, vector<800x128xbf16>, vector<800x128xbf16>, vector<800x128xbf16>, vector<800x128xbf16>, vector<800x128xbf16>, vector<800x128xbf16>, vector<800x128xbf16>, vector<800x128xbf16>, vector<800x128xbf16>, vector<800x128xbf16>, vector<800x128xbf16>, vector<800x128xbf16>, vector<800x128xbf16>, vector<800x128xbf16>, vector<800x128xbf16>, vector<800x128xbf16>, vector<800x128xbf16>, vector<800x128xbf16>, vector<800x128xbf16>, vector<800x128xbf16> -> vector<800x4096xbf16>
    %dot_general3A_174 = arith.constant dense<0.000000e+00> : vector<800x128xf32>
    %dot_general3A_175 = tpu.matmul %concatenate3A, %get3A_4, %dot_general3A_174 {dimension_numbers = #tpu.dot_dimension_numbers<[1], [0], [0], [1], [0, 0, 1, 1], [], []>, transpose_lhs_hint = false} : vector<800x4096xbf16>, vector<4096x128xbf16>, vector<800x128xf32> -> vector<800x128xf32>
    %add3A = vector.broadcast %convert_element_type3A_7 : vector<1x128xf32> to vector<800x128xf32>
    %add3A_176 = arith.addf %dot_general3A_175, %add3A : vector<800x128xf32>
    %swap3A = arith.constant 0 : index
    %swap3A_177 = arith.constant 0 : index
    %swap3A_178 = vector.load %arg5[%swap3A, %swap3A_177] : memref<1600x128xf32, #tpu.memory_space<vmem>>, vector<800x128xf32>
    tpu.vector_store %arg5[%swap3A, %swap3A_177], %add3A_176 {strides = array<i32>} : memref<1600x128xf32, #tpu.memory_space<vmem>>, vector<800x128xf32>,
    %get3A_179 = arith.constant 800 : index
    %get3A_180 = arith.constant 0 : index
    %get3A_181 = vector.load %arg1[%get3A_179, %get3A_180] : memref<1600x5xbf16, #tpu.memory_space<vmem>>, vector<800x5xbf16>
    %get3A_182 = arith.constant 800 : index
    %get3A_183 = arith.constant 0 : index
    %get3A_184 = vector.load %arg2[%get3A_182, %get3A_183] : memref<1600x128xf32, #tpu.memory_space<vmem>>, vector<800x128xf32>
    %convert_element_type3A_185 = arith.truncf %get3A_184 : vector<800x128xf32> to vector<800x128xbf16>
    %dot_general3A_186 = arith.constant dense<0.000000e+00> : vector<800x4096xf32>
    %dot_general3A_187 = tpu.matmul %get3A_181, %get3A_1, %dot_general3A_186 {dimension_numbers = #tpu.dot_dimension_numbers<[1], [0], [0], [1], [0, 0, 1, 1], [], []>, transpose_lhs_hint = false} : vector<800x5xbf16>, vector<5x4096xbf16>, vector<800x4096xf32> -> vector<800x4096xf32>
    %convert_element_type3A_188 = arith.truncf %dot_general3A_187 : vector<800x4096xf32> to vector<800x4096xbf16>
    %slice3A_189 = vector.extract_strided_slice %convert_element_type3A_188 {offsets = [0, 0], sizes = [800, 128], strides = [1, 1]} : vector<800x4096xbf16> to vector<800x128xbf16>
    %max3A_190 = arith.constant 0.000000e+00 : bf16
    %max3A_191 = vector.broadcast %max3A_190 : bf16 to vector<800x128xbf16>
    %max3A_192 = arith.maximumf %slice3A_189, %max3A_191 : vector<800x128xbf16>
    %mul3A_193 = arith.mulf %max3A_192, %convert_element_type3A_185 : vector<800x128xbf16>
    %slice3A_194 = vector.extract_strided_slice %convert_element_type3A_188 {offsets = [0, 128], sizes = [800, 128], strides = [1, 1]} : vector<800x4096xbf16> to vector<800x128xbf16>
    %max3A_195 = arith.constant 0.000000e+00 : bf16
    %max3A_196 = vector.broadcast %max3A_195 : bf16 to vector<800x128xbf16>
    %max3A_197 = arith.maximumf %slice3A_194, %max3A_196 : vector<800x128xbf16>
    %mul3A_198 = arith.mulf %max3A_197, %convert_element_type3A_185 : vector<800x128xbf16>
    %slice3A_199 = vector.extract_strided_slice %convert_element_type3A_188 {offsets = [0, 256], sizes = [800, 128], strides = [1, 1]} : vector<800x4096xbf16> to vector<800x128xbf16>
    %max3A_200 = arith.constant 0.000000e+00 : bf16
    %max3A_201 = vector.broadcast %max3A_200 : bf16 to vector<800x128xbf16>
    %max3A_202 = arith.maximumf %slice3A_199, %max3A_201 : vector<800x128xbf16>
    %mul3A_203 = arith.mulf %max3A_202, %convert_element_type3A_185 : vector<800x128xbf16>
    %slice3A_204 = vector.extract_strided_slice %convert_element_type3A_188 {offsets = [0, 384], sizes = [800, 128], strides = [1, 1]} : vector<800x4096xbf16> to vector<800x128xbf16>
    %max3A_205 = arith.constant 0.000000e+00 : bf16
    %max3A_206 = vector.broadcast %max3A_205 : bf16 to vector<800x128xbf16>
    %max3A_207 = arith.maximumf %slice3A_204, %max3A_206 : vector<800x128xbf16>
    %mul3A_208 = arith.mulf %max3A_207, %convert_element_type3A_185 : vector<800x128xbf16>
    %slice3A_209 = vector.extract_strided_slice %convert_element_type3A_188 {offsets = [0, 512], sizes = [800, 128], strides = [1, 1]} : vector<800x4096xbf16> to vector<800x128xbf16>
    %max3A_210 = arith.constant 0.000000e+00 : bf16
    %max3A_211 = vector.broadcast %max3A_210 : bf16 to vector<800x128xbf16>
    %max3A_212 = arith.maximumf %slice3A_209, %max3A_211 : vector<800x128xbf16>
    %mul3A_213 = arith.mulf %max3A_212, %convert_element_type3A_185 : vector<800x128xbf16>
    %slice3A_214 = vector.extract_strided_slice %convert_element_type3A_188 {offsets = [0, 640], sizes = [800, 128], strides = [1, 1]} : vector<800x4096xbf16> to vector<800x128xbf16>
    %max3A_215 = arith.constant 0.000000e+00 : bf16
    %max3A_216 = vector.broadcast %max3A_215 : bf16 to vector<800x128xbf16>
    %max3A_217 = arith.maximumf %slice3A_214, %max3A_216 : vector<800x128xbf16>
    %mul3A_218 = arith.mulf %max3A_217, %convert_element_type3A_185 : vector<800x128xbf16>
    %slice3A_219 = vector.extract_strided_slice %convert_element_type3A_188 {offsets = [0, 768], sizes = [800, 128], strides = [1, 1]} : vector<800x4096xbf16> to vector<800x128xbf16>
    %max3A_220 = arith.constant 0.000000e+00 : bf16
    %max3A_221 = vector.broadcast %max3A_220 : bf16 to vector<800x128xbf16>
    %max3A_222 = arith.maximumf %slice3A_219, %max3A_221 : vector<800x128xbf16>
    %mul3A_223 = arith.mulf %max3A_222, %convert_element_type3A_185 : vector<800x128xbf16>
    %slice3A_224 = vector.extract_strided_slice %convert_element_type3A_188 {offsets = [0, 896], sizes = [800, 128], strides = [1, 1]} : vector<800x4096xbf16> to vector<800x128xbf16>
    %max3A_225 = arith.constant 0.000000e+00 : bf16
    %max3A_226 = vector.broadcast %max3A_225 : bf16 to vector<800x128xbf16>
    %max3A_227 = arith.maximumf %slice3A_224, %max3A_226 : vector<800x128xbf16>
    %mul3A_228 = arith.mulf %max3A_227, %convert_element_type3A_185 : vector<800x128xbf16>
    %slice3A_229 = vector.extract_strided_slice %convert_element_type3A_188 {offsets = [0, 1024], sizes = [800, 128], strides = [1, 1]} : vector<800x4096xbf16> to vector<800x128xbf16>
    %max3A_230 = arith.constant 0.000000e+00 : bf16
    %max3A_231 = vector.broadcast %max3A_230 : bf16 to vector<800x128xbf16>
    %max3A_232 = arith.maximumf %slice3A_229, %max3A_231 : vector<800x128xbf16>
    %mul3A_233 = arith.mulf %max3A_232, %convert_element_type3A_185 : vector<800x128xbf16>
    %slice3A_234 = vector.extract_strided_slice %convert_element_type3A_188 {offsets = [0, 1152], sizes = [800, 128], strides = [1, 1]} : vector<800x4096xbf16> to vector<800x128xbf16>
    %max3A_235 = arith.constant 0.000000e+00 : bf16
    %max3A_236 = vector.broadcast %max3A_235 : bf16 to vector<800x128xbf16>
    %max3A_237 = arith.maximumf %slice3A_234, %max3A_236 : vector<800x128xbf16>
    %mul3A_238 = arith.mulf %max3A_237, %convert_element_type3A_185 : vector<800x128xbf16>
    %slice3A_239 = vector.extract_strided_slice %convert_element_type3A_188 {offsets = [0, 1280], sizes = [800, 128], strides = [1, 1]} : vector<800x4096xbf16> to vector<800x128xbf16>
    %max3A_240 = arith.constant 0.000000e+00 : bf16
    %max3A_241 = vector.broadcast %max3A_240 : bf16 to vector<800x128xbf16>
    %max3A_242 = arith.maximumf %slice3A_239, %max3A_241 : vector<800x128xbf16>
    %mul3A_243 = arith.mulf %max3A_242, %convert_element_type3A_185 : vector<800x128xbf16>
    %slice3A_244 = vector.extract_strided_slice %convert_element_type3A_188 {offsets = [0, 1408], sizes = [800, 128], strides = [1, 1]} : vector<800x4096xbf16> to vector<800x128xbf16>
    %max3A_245 = arith.constant 0.000000e+00 : bf16
    %max3A_246 = vector.broadcast %max3A_245 : bf16 to vector<800x128xbf16>
    %max3A_247 = arith.maximumf %slice3A_244, %max3A_246 : vector<800x128xbf16>
    %mul3A_248 = arith.mulf %max3A_247, %convert_element_type3A_185 : vector<800x128xbf16>
    %slice3A_249 = vector.extract_strided_slice %convert_element_type3A_188 {offsets = [0, 1536], sizes = [800, 128], strides = [1, 1]} : vector<800x4096xbf16> to vector<800x128xbf16>
    %max3A_250 = arith.constant 0.000000e+00 : bf16
    %max3A_251 = vector.broadcast %max3A_250 : bf16 to vector<800x128xbf16>
    %max3A_252 = arith.maximumf %slice3A_249, %max3A_251 : vector<800x128xbf16>
    %mul3A_253 = arith.mulf %max3A_252, %convert_element_type3A_185 : vector<800x128xbf16>
    %slice3A_254 = vector.extract_strided_slice %convert_element_type3A_188 {offsets = [0, 1664], sizes = [800, 128], strides = [1, 1]} : vector<800x4096xbf16> to vector<800x128xbf16>
    %max3A_255 = arith.constant 0.000000e+00 : bf16
    %max3A_256 = vector.broadcast %max3A_255 : bf16 to vector<800x128xbf16>
    %max3A_257 = arith.maximumf %slice3A_254, %max3A_256 : vector<800x128xbf16>
    %mul3A_258 = arith.mulf %max3A_257, %convert_element_type3A_185 : vector<800x128xbf16>
    %slice3A_259 = vector.extract_strided_slice %convert_element_type3A_188 {offsets = [0, 1792], sizes = [800, 128], strides = [1, 1]} : vector<800x4096xbf16> to vector<800x128xbf16>
    %max3A_260 = arith.constant 0.000000e+00 : bf16
    %max3A_261 = vector.broadcast %max3A_260 : bf16 to vector<800x128xbf16>
    %max3A_262 = arith.maximumf %slice3A_259, %max3A_261 : vector<800x128xbf16>
    %mul3A_263 = arith.mulf %max3A_262, %convert_element_type3A_185 : vector<800x128xbf16>
    %slice3A_264 = vector.extract_strided_slice %convert_element_type3A_188 {offsets = [0, 1920], sizes = [800, 128], strides = [1, 1]} : vector<800x4096xbf16> to vector<800x128xbf16>
    %max3A_265 = arith.constant 0.000000e+00 : bf16
    %max3A_266 = vector.broadcast %max3A_265 : bf16 to vector<800x128xbf16>
    %max3A_267 = arith.maximumf %slice3A_264, %max3A_266 : vector<800x128xbf16>
    %mul3A_268 = arith.mulf %max3A_267, %convert_element_type3A_185 : vector<800x128xbf16>
    %slice3A_269 = vector.extract_strided_slice %convert_element_type3A_188 {offsets = [0, 2048], sizes = [800, 128], strides = [1, 1]} : vector<800x4096xbf16> to vector<800x128xbf16>
    %max3A_270 = arith.constant 0.000000e+00 : bf16
    %max3A_271 = vector.broadcast %max3A_270 : bf16 to vector<800x128xbf16>
    %max3A_272 = arith.maximumf %slice3A_269, %max3A_271 : vector<800x128xbf16>
    %mul3A_273 = arith.mulf %max3A_272, %convert_element_type3A_185 : vector<800x128xbf16>
    %slice3A_274 = vector.extract_strided_slice %convert_element_type3A_188 {offsets = [0, 2176], sizes = [800, 128], strides = [1, 1]} : vector<800x4096xbf16> to vector<800x128xbf16>
    %max3A_275 = arith.constant 0.000000e+00 : bf16
    %max3A_276 = vector.broadcast %max3A_275 : bf16 to vector<800x128xbf16>
    %max3A_277 = arith.maximumf %slice3A_274, %max3A_276 : vector<800x128xbf16>
    %mul3A_278 = arith.mulf %max3A_277, %convert_element_type3A_185 : vector<800x128xbf16>
    %slice3A_279 = vector.extract_strided_slice %convert_element_type3A_188 {offsets = [0, 2304], sizes = [800, 128], strides = [1, 1]} : vector<800x4096xbf16> to vector<800x128xbf16>
    %max3A_280 = arith.constant 0.000000e+00 : bf16
    %max3A_281 = vector.broadcast %max3A_280 : bf16 to vector<800x128xbf16>
    %max3A_282 = arith.maximumf %slice3A_279, %max3A_281 : vector<800x128xbf16>
    %mul3A_283 = arith.mulf %max3A_282, %convert_element_type3A_185 : vector<800x128xbf16>
    %slice3A_284 = vector.extract_strided_slice %convert_element_type3A_188 {offsets = [0, 2432], sizes = [800, 128], strides = [1, 1]} : vector<800x4096xbf16> to vector<800x128xbf16>
    %max3A_285 = arith.constant 0.000000e+00 : bf16
    %max3A_286 = vector.broadcast %max3A_285 : bf16 to vector<800x128xbf16>
    %max3A_287 = arith.maximumf %slice3A_284, %max3A_286 : vector<800x128xbf16>
    %mul3A_288 = arith.mulf %max3A_287, %convert_element_type3A_185 : vector<800x128xbf16>
    %slice3A_289 = vector.extract_strided_slice %convert_element_type3A_188 {offsets = [0, 2560], sizes = [800, 128], strides = [1, 1]} : vector<800x4096xbf16> to vector<800x128xbf16>
    %max3A_290 = arith.constant 0.000000e+00 : bf16
    %max3A_291 = vector.broadcast %max3A_290 : bf16 to vector<800x128xbf16>
    %max3A_292 = arith.maximumf %slice3A_289, %max3A_291 : vector<800x128xbf16>
    %mul3A_293 = arith.mulf %max3A_292, %convert_element_type3A_185 : vector<800x128xbf16>
    %slice3A_294 = vector.extract_strided_slice %convert_element_type3A_188 {offsets = [0, 2688], sizes = [800, 128], strides = [1, 1]} : vector<800x4096xbf16> to vector<800x128xbf16>
    %max3A_295 = arith.constant 0.000000e+00 : bf16
    %max3A_296 = vector.broadcast %max3A_295 : bf16 to vector<800x128xbf16>
    %max3A_297 = arith.maximumf %slice3A_294, %max3A_296 : vector<800x128xbf16>
    %mul3A_298 = arith.mulf %max3A_297, %convert_element_type3A_185 : vector<800x128xbf16>
    %slice3A_299 = vector.extract_strided_slice %convert_element_type3A_188 {offsets = [0, 2816], sizes = [800, 128], strides = [1, 1]} : vector<800x4096xbf16> to vector<800x128xbf16>
    %max3A_300 = arith.constant 0.000000e+00 : bf16
    %max3A_301 = vector.broadcast %max3A_300 : bf16 to vector<800x128xbf16>
    %max3A_302 = arith.maximumf %slice3A_299, %max3A_301 : vector<800x128xbf16>
    %mul3A_303 = arith.mulf %max3A_302, %convert_element_type3A_185 : vector<800x128xbf16>
    %slice3A_304 = vector.extract_strided_slice %convert_element_type3A_188 {offsets = [0, 2944], sizes = [800, 128], strides = [1, 1]} : vector<800x4096xbf16> to vector<800x128xbf16>
    %max3A_305 = arith.constant 0.000000e+00 : bf16
    %max3A_306 = vector.broadcast %max3A_305 : bf16 to vector<800x128xbf16>
    %max3A_307 = arith.maximumf %slice3A_304, %max3A_306 : vector<800x128xbf16>
    %mul3A_308 = arith.mulf %max3A_307, %convert_element_type3A_185 : vector<800x128xbf16>
    %slice3A_309 = vector.extract_strided_slice %convert_element_type3A_188 {offsets = [0, 3072], sizes = [800, 128], strides = [1, 1]} : vector<800x4096xbf16> to vector<800x128xbf16>
    %max3A_310 = arith.constant 0.000000e+00 : bf16
    %max3A_311 = vector.broadcast %max3A_310 : bf16 to vector<800x128xbf16>
    %max3A_312 = arith.maximumf %slice3A_309, %max3A_311 : vector<800x128xbf16>
    %mul3A_313 = arith.mulf %max3A_312, %convert_element_type3A_185 : vector<800x128xbf16>
    %slice3A_314 = vector.extract_strided_slice %convert_element_type3A_188 {offsets = [0, 3200], sizes = [800, 128], strides = [1, 1]} : vector<800x4096xbf16> to vector<800x128xbf16>
    %max3A_315 = arith.constant 0.000000e+00 : bf16
    %max3A_316 = vector.broadcast %max3A_315 : bf16 to vector<800x128xbf16>
    %max3A_317 = arith.maximumf %slice3A_314, %max3A_316 : vector<800x128xbf16>
    %mul3A_318 = arith.mulf %max3A_317, %convert_element_type3A_185 : vector<800x128xbf16>
    %slice3A_319 = vector.extract_strided_slice %convert_element_type3A_188 {offsets = [0, 3328], sizes = [800, 128], strides = [1, 1]} : vector<800x4096xbf16> to vector<800x128xbf16>
    %max3A_320 = arith.constant 0.000000e+00 : bf16
    %max3A_321 = vector.broadcast %max3A_320 : bf16 to vector<800x128xbf16>
    %max3A_322 = arith.maximumf %slice3A_319, %max3A_321 : vector<800x128xbf16>
    %mul3A_323 = arith.mulf %max3A_322, %convert_element_type3A_185 : vector<800x128xbf16>
    %slice3A_324 = vector.extract_strided_slice %convert_element_type3A_188 {offsets = [0, 3456], sizes = [800, 128], strides = [1, 1]} : vector<800x4096xbf16> to vector<800x128xbf16>
    %max3A_325 = arith.constant 0.000000e+00 : bf16
    %max3A_326 = vector.broadcast %max3A_325 : bf16 to vector<800x128xbf16>
    %max3A_327 = arith.maximumf %slice3A_324, %max3A_326 : vector<800x128xbf16>
    %mul3A_328 = arith.mulf %max3A_327, %convert_element_type3A_185 : vector<800x128xbf16>
    %slice3A_329 = vector.extract_strided_slice %convert_element_type3A_188 {offsets = [0, 3584], sizes = [800, 128], strides = [1, 1]} : vector<800x4096xbf16> to vector<800x128xbf16>
    %max3A_330 = arith.constant 0.000000e+00 : bf16
    %max3A_331 = vector.broadcast %max3A_330 : bf16 to vector<800x128xbf16>
    %max3A_332 = arith.maximumf %slice3A_329, %max3A_331 : vector<800x128xbf16>
    %mul3A_333 = arith.mulf %max3A_332, %convert_element_type3A_185 : vector<800x128xbf16>
    %slice3A_334 = vector.extract_strided_slice %convert_element_type3A_188 {offsets = [0, 3712], sizes = [800, 128], strides = [1, 1]} : vector<800x4096xbf16> to vector<800x128xbf16>
    %max3A_335 = arith.constant 0.000000e+00 : bf16
    %max3A_336 = vector.broadcast %max3A_335 : bf16 to vector<800x128xbf16>
    %max3A_337 = arith.maximumf %slice3A_334, %max3A_336 : vector<800x128xbf16>
    %mul3A_338 = arith.mulf %max3A_337, %convert_element_type3A_185 : vector<800x128xbf16>
    %slice3A_339 = vector.extract_strided_slice %convert_element_type3A_188 {offsets = [0, 3840], sizes = [800, 128], strides = [1, 1]} : vector<800x4096xbf16> to vector<800x128xbf16>
    %max3A_340 = arith.constant 0.000000e+00 : bf16
    %max3A_341 = vector.broadcast %max3A_340 : bf16 to vector<800x128xbf16>
    %max3A_342 = arith.maximumf %slice3A_339, %max3A_341 : vector<800x128xbf16>
    %mul3A_343 = arith.mulf %max3A_342, %convert_element_type3A_185 : vector<800x128xbf16>
    %slice3A_344 = vector.extract_strided_slice %convert_element_type3A_188 {offsets = [0, 3968], sizes = [800, 128], strides = [1, 1]} : vector<800x4096xbf16> to vector<800x128xbf16>
    %max3A_345 = arith.constant 0.000000e+00 : bf16
    %max3A_346 = vector.broadcast %max3A_345 : bf16 to vector<800x128xbf16>
    %max3A_347 = arith.maximumf %slice3A_344, %max3A_346 : vector<800x128xbf16>
    %mul3A_348 = arith.mulf %max3A_347, %convert_element_type3A_185 : vector<800x128xbf16>
    %concatenate3A_349 = tpu.concatenate %mul3A_193, %mul3A_198, %mul3A_203, %mul3A_208, %mul3A_213, %mul3A_218, %mul3A_223, %mul3A_228, %mul3A_233, %mul3A_238, %mul3A_243, %mul3A_248, %mul3A_253, %mul3A_258, %mul3A_263, %mul3A_268, %mul3A_273, %mul3A_278, %mul3A_283, %mul3A_288, %mul3A_293, %mul3A_298, %mul3A_303, %mul3A_308, %mul3A_313, %mul3A_318, %mul3A_323, %mul3A_328, %mul3A_333, %mul3A_338, %mul3A_343, %mul3A_348 in 1 : vector<800x128xbf16>, vector<800x128xbf16>, vector<800x128xbf16>, vector<800x128xbf16>, vector<800x128xbf16>, vector<800x128xbf16>, vector<800x128xbf16>, vector<800x128xbf16>, vector<800x128xbf16>, vector<800x128xbf16>, vector<800x128xbf16>, vector<800x128xbf16>, vector<800x128xbf16>, vector<800x128xbf16>, vector<800x128xbf16>, vector<800x128xbf16>, vector<800x128xbf16>, vector<800x128xbf16>, vector<800x128xbf16>, vector<800x128xbf16>, vector<800x128xbf16>, vector<800x128xbf16>, vector<800x128xbf16>, vector<800x128xbf16>, vector<800x128xbf16>, vector<800x128xbf16>, vector<800x128xbf16>, vector<800x128xbf16>, vector<800x128xbf16>, vector<800x128xbf16>, vector<800x128xbf16>, vector<800x128xbf16> -> vector<800x4096xbf16>
    %dot_general3A_350 = arith.constant dense<0.000000e+00> : vector<800x128xf32>
    %dot_general3A_351 = tpu.matmul %concatenate3A_349, %get3A_4, %dot_general3A_350 {dimension_numbers = #tpu.dot_dimension_numbers<[1], [0], [0], [1], [0, 0, 1, 1], [], []>, transpose_lhs_hint = false} : vector<800x4096xbf16>, vector<4096x128xbf16>, vector<800x128xf32> -> vector<800x128xf32>
    %add3A_352 = vector.broadcast %convert_element_type3A_7 : vector<1x128xf32> to vector<800x128xf32>
    %add3A_353 = arith.addf %dot_general3A_351, %add3A_352 : vector<800x128xf32>
    %swap3A_354 = arith.constant 800 : index
    %swap3A_355 = arith.constant 0 : index
    %swap3A_356 = vector.load %arg5[%swap3A_354, %swap3A_355] : memref<1600x128xf32, #tpu.memory_space<vmem>>, vector<800x128xf32>
    tpu.vector_store %arg5[%swap3A_354, %swap3A_355], %add3A_353 {strides = array<i32>} : memref<1600x128xf32, #tpu.memory_space<vmem>>, vector<800x128xf32>,
    return
  }
  func.func @transform_0(%arg0: i32) -> (i32, i32) {
    %c0_i32 = arith.constant 0 : i32
    %c0_i32_0 = arith.constant 0 : i32
    return %arg0, %c0_i32 : i32, i32
  }
  func.func @transform_1(%arg0: i32) -> (i32, i32) {
    %c0_i32 = arith.constant 0 : i32
    %c0_i32_0 = arith.constant 0 : i32
    return %arg0, %c0_i32 : i32, i32
  }
  func.func @transform_2(%arg0: i32) -> (i32, i32) {
    %c0_i32 = arith.constant 0 : i32
    %c0_i32_0 = arith.constant 0 : i32
    %c0_i32_1 = arith.constant 0 : i32
    return %c0_i32, %c0_i32_0 : i32, i32
  }
  func.func @transform_3(%arg0: i32) -> (i32, i32) {
    %c0_i32 = arith.constant 0 : i32
    %c0_i32_0 = arith.constant 0 : i32
    %c0_i32_1 = arith.constant 0 : i32
    return %c0_i32, %c0_i32_0 : i32, i32
  }
  func.func @transform_4(%arg0: i32) -> (i32, i32) {
    %c0_i32 = arith.constant 0 : i32
    %c0_i32_0 = arith.constant 0 : i32
    return %arg0, %c0_i32 : i32, i32
  }
}

module attributes {stable_mosaic.version = 14 : i64} {
  func.func @_tc_final_body(%arg0: i32, %arg1: memref<2000x128xf32, #tpu.memory_space<vmem>>, %arg2: memref<128x32xf32, #tpu.memory_space<vmem>>, %arg3: memref<1x32xf32, #tpu.memory_space<vmem>>, %arg4: memref<2x2000x128xf32, #tpu.memory_space<vmem>>, %arg5: memref<2x2000x128xf32, #tpu.memory_space<vmem>>, %arg6: memref<2x2000x128xf32, #tpu.memory_space<vmem>>, %arg7: memref<2x2000x128xf32, #tpu.memory_space<vmem>>, %arg8: memref<2x2000x128xf32, #tpu.memory_space<vmem>>, %arg9: memref<2000x32xf32, #tpu.memory_space<vmem>>) attributes {dimension_semantics = [#tpu.dimension_semantics<arbitrary>], iteration_bounds = array<i64: 5>, scalar_prefetch = 0 : i64, scratch_operands = 0 : i64, tpu.core_type = #tpu.core_type<tc>, window_params = [{transform_indices = @transform_0, window_bounds = array<i64: 2000, 128>}, {pipeline_mode = #tpu.pipeline_mode<synchronous>, transform_indices = @transform_1, window_bounds = array<i64: 128, 32>}, {pipeline_mode = #tpu.pipeline_mode<synchronous>, transform_indices = @transform_2, window_bounds = array<i64: 1, 32>}, {transform_indices = @transform_3, window_bounds = array<i64: 2, 2000, 128>}, {transform_indices = @transform_4, window_bounds = array<i64: 2, 2000, 128>}, {transform_indices = @transform_5, window_bounds = array<i64: 2, 2000, 128>}, {transform_indices = @transform_6, window_bounds = array<i64: 2, 2000, 128>}, {transform_indices = @transform_7, window_bounds = array<i64: 2, 2000, 128>}, {transform_indices = @transform_8, window_bounds = array<i64: 2000, 32>}]} {
    %get3A = arith.constant 0 : index
    %get3A_0 = arith.constant 0 : index
    %get3A_1 = arith.constant 0 : index
    %get3A_2 = vector.load %arg4[%get3A, %get3A_0, %get3A_1] : memref<2x2000x128xf32, #tpu.memory_space<vmem>>, vector<1x2000x128xf32>
    %get3A_3 = vector.shape_cast %get3A_2 : vector<1x2000x128xf32> to vector<2000x128xf32>
    %get3A_4 = arith.constant 1 : index
    %get3A_5 = arith.constant 0 : index
    %get3A_6 = arith.constant 0 : index
    %get3A_7 = vector.load %arg4[%get3A_4, %get3A_5, %get3A_6] : memref<2x2000x128xf32, #tpu.memory_space<vmem>>, vector<1x2000x128xf32>
    %get3A_8 = vector.shape_cast %get3A_7 : vector<1x2000x128xf32> to vector<2000x128xf32>
    %add3A = arith.addf %get3A_3, %get3A_8 : vector<2000x128xf32>
    %get3A_9 = arith.constant 0 : index
    %get3A_10 = arith.constant 0 : index
    %get3A_11 = arith.constant 0 : index
    %get3A_12 = vector.load %arg5[%get3A_9, %get3A_10, %get3A_11] : memref<2x2000x128xf32, #tpu.memory_space<vmem>>, vector<1x2000x128xf32>
    %get3A_13 = vector.shape_cast %get3A_12 : vector<1x2000x128xf32> to vector<2000x128xf32>
    %add3A_14 = arith.addf %add3A, %get3A_13 : vector<2000x128xf32>
    %get3A_15 = arith.constant 1 : index
    %get3A_16 = arith.constant 0 : index
    %get3A_17 = arith.constant 0 : index
    %get3A_18 = vector.load %arg5[%get3A_15, %get3A_16, %get3A_17] : memref<2x2000x128xf32, #tpu.memory_space<vmem>>, vector<1x2000x128xf32>
    %get3A_19 = vector.shape_cast %get3A_18 : vector<1x2000x128xf32> to vector<2000x128xf32>
    %add3A_20 = arith.addf %add3A_14, %get3A_19 : vector<2000x128xf32>
    %get3A_21 = arith.constant 0 : index
    %get3A_22 = arith.constant 0 : index
    %get3A_23 = arith.constant 0 : index
    %get3A_24 = vector.load %arg6[%get3A_21, %get3A_22, %get3A_23] : memref<2x2000x128xf32, #tpu.memory_space<vmem>>, vector<1x2000x128xf32>
    %get3A_25 = vector.shape_cast %get3A_24 : vector<1x2000x128xf32> to vector<2000x128xf32>
    %add3A_26 = arith.addf %add3A_20, %get3A_25 : vector<2000x128xf32>
    %get3A_27 = arith.constant 1 : index
    %get3A_28 = arith.constant 0 : index
    %get3A_29 = arith.constant 0 : index
    %get3A_30 = vector.load %arg6[%get3A_27, %get3A_28, %get3A_29] : memref<2x2000x128xf32, #tpu.memory_space<vmem>>, vector<1x2000x128xf32>
    %get3A_31 = vector.shape_cast %get3A_30 : vector<1x2000x128xf32> to vector<2000x128xf32>
    %add3A_32 = arith.addf %add3A_26, %get3A_31 : vector<2000x128xf32>
    %get3A_33 = arith.constant 0 : index
    %get3A_34 = arith.constant 0 : index
    %get3A_35 = arith.constant 0 : index
    %get3A_36 = vector.load %arg7[%get3A_33, %get3A_34, %get3A_35] : memref<2x2000x128xf32, #tpu.memory_space<vmem>>, vector<1x2000x128xf32>
    %get3A_37 = vector.shape_cast %get3A_36 : vector<1x2000x128xf32> to vector<2000x128xf32>
    %add3A_38 = arith.addf %add3A_32, %get3A_37 : vector<2000x128xf32>
    %get3A_39 = arith.constant 1 : index
    %get3A_40 = arith.constant 0 : index
    %get3A_41 = arith.constant 0 : index
    %get3A_42 = vector.load %arg7[%get3A_39, %get3A_40, %get3A_41] : memref<2x2000x128xf32, #tpu.memory_space<vmem>>, vector<1x2000x128xf32>
    %get3A_43 = vector.shape_cast %get3A_42 : vector<1x2000x128xf32> to vector<2000x128xf32>
    %add3A_44 = arith.addf %add3A_38, %get3A_43 : vector<2000x128xf32>
    %get3A_45 = arith.constant 0 : index
    %get3A_46 = arith.constant 0 : index
    %get3A_47 = arith.constant 0 : index
    %get3A_48 = vector.load %arg8[%get3A_45, %get3A_46, %get3A_47] : memref<2x2000x128xf32, #tpu.memory_space<vmem>>, vector<1x2000x128xf32>
    %get3A_49 = vector.shape_cast %get3A_48 : vector<1x2000x128xf32> to vector<2000x128xf32>
    %add3A_50 = arith.addf %add3A_44, %get3A_49 : vector<2000x128xf32>
    %get3A_51 = arith.constant 1 : index
    %get3A_52 = arith.constant 0 : index
    %get3A_53 = arith.constant 0 : index
    %get3A_54 = vector.load %arg8[%get3A_51, %get3A_52, %get3A_53] : memref<2x2000x128xf32, #tpu.memory_space<vmem>>, vector<1x2000x128xf32>
    %get3A_55 = vector.shape_cast %get3A_54 : vector<1x2000x128xf32> to vector<2000x128xf32>
    %add3A_56 = arith.addf %add3A_50, %get3A_55 : vector<2000x128xf32>
    %slice3A = vector.extract_strided_slice %add3A_56 {offsets = [0, 0], sizes = [2000, 32], strides = [1, 1]} : vector<2000x128xf32> to vector<2000x32xf32>
    %slice3A_57 = vector.extract_strided_slice %add3A_56 {offsets = [0, 32], sizes = [2000, 1], strides = [1, 1]} : vector<2000x128xf32> to vector<2000x1xf32>
    %max3A = arith.constant 1.000000e+00 : f32
    %max3A_58 = vector.broadcast %max3A : f32 to vector<2000x1xf32>
    %max3A_59 = arith.maximumf %slice3A_57, %max3A_58 : vector<2000x1xf32>
    %div3A = arith.constant 1.000000e+00 : f32
    %div3A_60 = vector.broadcast %div3A : f32 to vector<2000x1xf32>
    %div3A_61 = arith.divf %div3A_60, %max3A_59 : vector<2000x1xf32>
    %mul3A = vector.broadcast %div3A_61 : vector<2000x1xf32> to vector<2000x32xf32>
    %mul3A_62 = arith.mulf %slice3A, %mul3A : vector<2000x32xf32>
    %get3A_63 = arith.constant 0 : index
    %get3A_64 = arith.constant 0 : index
    %get3A_65 = vector.load %arg1[%get3A_63, %get3A_64] : memref<2000x128xf32, #tpu.memory_space<vmem>>, vector<2000x128xf32>
    %get3A_66 = arith.constant 0 : index
    %get3A_67 = arith.constant 0 : index
    %get3A_68 = vector.load %arg2[%get3A_66, %get3A_67] : memref<128x32xf32, #tpu.memory_space<vmem>>, vector<128x32xf32>
    %dot_general3A = arith.constant dense<0.000000e+00> : vector<2000x32xf32>
    %dot_general3A_69 = tpu.matmul %get3A_65, %get3A_68, %dot_general3A {dimension_numbers = #tpu.dot_dimension_numbers<[1], [0], [0], [1], [0, 0, 1, 1], [], []>, transpose_lhs_hint = false} : vector<2000x128xf32>, vector<128x32xf32>, vector<2000x32xf32> -> vector<2000x32xf32>
    %add3A_70 = arith.addf %mul3A_62, %dot_general3A_69 : vector<2000x32xf32>
    %get3A_71 = arith.constant 0 : index
    %get3A_72 = arith.constant 0 : index
    %get3A_73 = vector.load %arg3[%get3A_71, %get3A_72] : memref<1x32xf32, #tpu.memory_space<vmem>>, vector<1x32xf32>
    %add3A_74 = vector.broadcast %get3A_73 : vector<1x32xf32> to vector<2000x32xf32>
    %add3A_75 = arith.addf %add3A_70, %add3A_74 : vector<2000x32xf32>
    %swap3A = arith.constant 0 : index
    %swap3A_76 = arith.constant 0 : index
    %swap3A_77 = vector.load %arg9[%swap3A, %swap3A_76] : memref<2000x32xf32, #tpu.memory_space<vmem>>, vector<2000x32xf32>
    tpu.vector_store %arg9[%swap3A, %swap3A_76], %add3A_75 {strides = array<i32>} : memref<2000x32xf32, #tpu.memory_space<vmem>>, vector<2000x32xf32>,
    return
  }
  func.func @transform_0(%arg0: i32) -> (i32, i32) {
    %c0_i32 = arith.constant 0 : i32
    %c0_i32_0 = arith.constant 0 : i32
    return %arg0, %c0_i32 : i32, i32
  }
  func.func @transform_1(%arg0: i32) -> (i32, i32) {
    %c0_i32 = arith.constant 0 : i32
    %c0_i32_0 = arith.constant 0 : i32
    %c0_i32_1 = arith.constant 0 : i32
    return %c0_i32, %c0_i32_0 : i32, i32
  }
  func.func @transform_2(%arg0: i32) -> (i32, i32) {
    %c0_i32 = arith.constant 0 : i32
    %c0_i32_0 = arith.constant 0 : i32
    %c0_i32_1 = arith.constant 0 : i32
    return %c0_i32, %c0_i32_0 : i32, i32
  }
  func.func @transform_3(%arg0: i32) -> (i32, i32, i32) {
    %c0_i32 = arith.constant 0 : i32
    %c0_i32_0 = arith.constant 0 : i32
    %c0_i32_1 = arith.constant 0 : i32
    return %c0_i32, %arg0, %c0_i32_0 : i32, i32, i32
  }
  func.func @transform_4(%arg0: i32) -> (i32, i32, i32) {
    %c0_i32 = arith.constant 0 : i32
    %c0_i32_0 = arith.constant 0 : i32
    %c0_i32_1 = arith.constant 0 : i32
    return %c0_i32, %arg0, %c0_i32_0 : i32, i32, i32
  }
  func.func @transform_5(%arg0: i32) -> (i32, i32, i32) {
    %c0_i32 = arith.constant 0 : i32
    %c0_i32_0 = arith.constant 0 : i32
    %c0_i32_1 = arith.constant 0 : i32
    return %c0_i32, %arg0, %c0_i32_0 : i32, i32, i32
  }
  func.func @transform_6(%arg0: i32) -> (i32, i32, i32) {
    %c0_i32 = arith.constant 0 : i32
    %c0_i32_0 = arith.constant 0 : i32
    %c0_i32_1 = arith.constant 0 : i32
    return %c0_i32, %arg0, %c0_i32_0 : i32, i32, i32
  }
  func.func @transform_7(%arg0: i32) -> (i32, i32, i32) {
    %c0_i32 = arith.constant 0 : i32
    %c0_i32_0 = arith.constant 0 : i32
    %c0_i32_1 = arith.constant 0 : i32
    return %c0_i32, %arg0, %c0_i32_0 : i32, i32, i32
  }
  func.func @transform_8(%arg0: i32) -> (i32, i32) {
    %c0_i32 = arith.constant 0 : i32
    %c0_i32_0 = arith.constant 0 : i32
    return %arg0, %c0_i32 : i32, i32
  }
}

</mosaic_0001>

<sc_bundles>
// kernel: kernel.18.cloned.1.call-start
scs
__scs_entry_jumppad:
0x0: {  	(pc) =	sbr.rel $0x88, $3  }
0x1: {  	(tag) =	ssettag $0x0;
	lr =	simm.s32 $0x1  }
0x2: {  	[smem:$0x3F9A] =	sst lr;
	_ =	strace $0xD0000000  }
0x3: {  	_ = 	snop  }
0x4: {  	_ = 	snop  }
0x5: {  	_ = 	snop  }
0x6: {  	_ = 	snop  }
0x7: {  	_ = 	snop  }
__scs_overlays_trampoline_lowered:
0x8: {  	[smem:$0x3FA9] =	sst s0  }
0x9: {  	[smem:$0x3FAA] =	sst s1  }
0xa: {  	[smem:$0x3FAB] =	sst s2  }
0xb: {  	[smem:$0x3FAC] =	sst s3  }
0xc: {  	[smem:$0x3FAD] =	sst s4  }
0xd: {  	[smem:$0x3FAE] =	sst s5  }
0xe: {  	[smem:$0x3FAF] =	sst s6  }
0xf: {  	[smem:$0x3FB0] =	sst s7  }
0x10: {  	[smem:$0x3FB1] =	sst s8  }
0x11: {  	[smem:$0x3FB2] =	sst s9;
	s0 =	simm.s32 @!p0 $0x0  }
0x12: {  	s1 =	sld [smem:$0x3F98];
	s0 =	simm.s32 @p0 $0x1  }
0x13: {  	[smem:$0x3FB3] =	sst s0;
	s0 =	simm.s32 @!p1 $0x0  }
0x14: {  	s2 =	sld [smem:$0x3F97];
	s0 =	simm.s32 @p1 $0x1  }
0x15: {  	[smem:$0x3FB4] =	sst s0;
	s0 =	simm.s32 @!p2 $0x0  }
0x16: {  	s3 =	sld [smem:$0x3FDB];
	s0 =	simm.s32 @p2 $0x1  }
0x17: {  	s4 =	simm.s32 $0x1BF5;
	[smem:$0x3FB6] =	sst s0  }
0x18: {  	s0 =	sld [smem:$0x3F99];
	_ =	swait.ge [sflag:s4], $0x0  }
0x19: {  	s7 =	sld [smem:$0x3F9A]  }
0x1a: {  	s8 =	sadd.s32 $0xFFFFE003, lr  }
0x1b: {  	s9 =	sadd.s32 $0xFFFFFEF7, lr;
	s5 =	simm.s32 $0xFFFFFFFF;
	p2 =	slt.u32 s8, $0xFFFFF086  }
0x1c: {  	p1 =	slt.u32 s9, $0xF7A;
	s5 =	simm.s32 @!p2 $0x0  }
0x1d: {  	s5 =	simm.s32 @p1 $0x1;
	p0 =	seq.s32 s7, s2  }
0x1e: {  	s7 =	smul.u32 @!p0 $0xF7A, s2;
	p2 =	seq.s32 @!p0 s5, $0x0  }
0x1f: {  	s9 =	smul.u32 $0xF7A, s1;
	s8 =	simm.s32 @!p0 $0x1BF5;
	p2 =	por !p2, p0  }
0x20: {  	[sflag:s8] =	ssyncset.s32 @!p0 $0xFFFFF086;
	s6 =	sadd.s32 @!p0 s3, s7;
	s7 =	simm.s32 @!p0 $0x108  }
0x21: {  	s3 =	sadd.s32 s3, s9;
	s6 =	sadd.s32 @!p0 $0x88, s6;
	s7 =	simm.s32 @p2 $0x1082  }
0x22: {  	[simem:s7], [sflag:s8] =	dma.local @!p0 [hbm:s6], $0xF7A  }
0x23: {  	s9 =	sor.u32 $0xD0000000, s2;
	s6 =	simm.s32 $0x108;
	_ =	swait.ge @!p0 [sflag:s8], $0x0  }
0x24: {  	s3 =	sadd.s32 $0x88, s3;
	s6 =	simm.s32 @!p1 $0x1082;
	[sflag:s4] =	ssyncset.s32 $0xFFFFF086  }
0x25: {  	[simem:s6], [sflag:s4] =	dma.local [hbm:s3], $0xF7A  }
0x26: {  	[smem:$0x3F9A] =	sst s1;
	(tag) =	ssettag s2;
	_ =	strace s9  }
0x27: {  	s1 =	sld [smem:$0x3FAA]  }
0x28: {  	s2 =	sld [smem:$0x3FAB]  }
0x29: {  	s4 =	sld [smem:$0x3FAD]  }
0x2a: {  	p0 =	seq.s32 s5, $0x0;
	s5 =	sld [smem:$0x3FAE]  }
0x2b: {  	s6 =	sld [smem:$0x3FAF]  }
0x2c: {  	s7 =	sld [smem:$0x3FB0]  }
0x2d: {  	s3 =	simm.s32 $0x108;
	s8 =	sld [smem:$0x3FB1]  }
0x2e: {  	s3 =	simm.s32 @!p0 $0x1082;
	s9 =	sld [smem:$0x3FB2]  }
0x2f: {  	lr =	sadd.s32 s0, s3;
	s0 =	sld [smem:$0x3FA9]  }
0x30: {  	s3 =	sld [smem:$0x3FAC]  }
0x31: {  	[smem:$0x3FB5] =	sst s10  }
0x32: {  	s10 =	sld [smem:$0x3FB3];
	_ =	sdelay $0x3  }
0x33: {  	p0 =	seq.s32 s10, $0x1;
	s10 =	sld [smem:$0x3FB5];
	_ =	sdelay $0x3  }
0x34: {  	[smem:$0x3FB5] =	sst s10  }
0x35: {  	s10 =	sld [smem:$0x3FB4];
	_ =	sdelay $0x3  }
0x36: {  	p1 =	seq.s32 s10, $0x1;
	s10 =	sld [smem:$0x3FB5];
	_ =	sdelay $0x3  }
0x37: {  	[smem:$0x3FB5] =	sst s10  }
0x38: {  	s10 =	sld [smem:$0x3FB6]  }
0x39: {  	_ = 	snop;
	(pc) =	sbr.ind lr, $3  }
0x3a: {  	_ = 	snop  }
0x3b: {  	_ = 	snop  }
0x3c: {  	p2 =	seq.s32 s10, $0x1;
	s10 =	sld [smem:$0x3FB5]  }
0x3d: {  	_ =	shalt  }
0x3e: {  	_ =	shalt  }
0x3f: {  	_ =	shalt  }
0x40: {  	_ =	shalt  }
0x41: {  	_ =	shalt  }
0x42: {  	_ =	shalt  }
0x43: {  	_ =	shalt  }
0x44: {  	_ =	shalt  }
0x45: {  	_ =	shalt  }
0x46: {  	_ =	shalt  }
0x47: {  	_ =	shalt  }
0x48: {  	_ =	shalt  }
0x49: {  	_ =	shalt  }
0x4a: {  	_ =	shalt  }
0x4b: {  	_ =	shalt  }
0x4c: {  	_ =	shalt  }
0x4d: {  	_ =	shalt  }
0x4e: {  	_ =	shalt  }
0x4f: {  	_ =	shalt  }
0x50: {  	_ =	shalt  }
0x51: {  	_ =	shalt  }
0x52: {  	_ =	shalt  }
0x53: {  	_ =	shalt  }
0x54: {  	_ =	shalt  }
0x55: {  	_ =	shalt  }
0x56: {  	_ =	shalt  }
0x57: {  	_ =	shalt  }
0x58: {  	_ =	shalt  }
0x59: {  	_ =	shalt  }
0x5a: {  	_ =	shalt  }
0x5b: {  	_ =	shalt  }
0x5c: {  	_ =	shalt  }
0x5d: {  	_ =	shalt  }
0x5e: {  	_ =	shalt  }
0x5f: {  	_ =	shalt  }
0x60: {  	_ =	shalt  }
0x61: {  	_ =	shalt  }
0x62: {  	_ =	shalt  }
0x63: {  	_ =	shalt  }
0x64: {  	_ =	shalt  }
0x65: {  	_ =	shalt  }
0x66: {  	_ =	shalt  }
0x67: {  	_ =	shalt  }
0x68: {  	_ =	shalt  }
0x69: {  	_ =	shalt  }
0x6a: {  	_ =	shalt  }
0x6b: {  	_ =	shalt  }
0x6c: {  	_ =	shalt  }
0x6d: {  	_ =	shalt  }
0x6e: {  	_ =	shalt  }
0x6f: {  	_ =	shalt  }
0x70: {  	_ =	shalt  }
0x71: {  	_ =	shalt  }
0x72: {  	_ =	shalt  }
0x73: {  	_ =	shalt  }
0x74: {  	_ =	shalt  }
0x75: {  	_ =	shalt  }
0x76: {  	_ =	shalt  }
0x77: {  	_ =	shalt  }
0x78: {  	_ =	shalt  }
0x79: {  	_ =	shalt  }
0x7a: {  	_ =	shalt  }
0x7b: {  	_ =	shalt  }
0x7c: {  	_ =	shalt  }
0x7d: {  	_ =	shalt  }
0x7e: {  	_ =	shalt  }
0x7f: {  	_ =	shalt  }
0x80: {  	_ =	shalt  }
0x81: {  	_ =	shalt  }
0x82: {  	_ =	shalt  }
0x83: {  	_ =	shalt  }
0x84: {  	_ =	shalt  }
0x85: {  	_ =	shalt  }
0x86: {  	_ =	shalt  }
0x87: {  	_ =	shalt  }
.Lfunc_end0:
.L_simem_size_0:
called_computation_lowered:
.L_overlay_start_0:
0x88: {  	s2 =	sld [smem:$0x3FD9]  }
0x89: {  	s3 =	sld [smem:$0x3FFE];
	_ =	sdelay $0x1  }
0x8a: {  	s1 =	srdreg.scid  }
0x8b: {  	s0 =	sand.u32 $0x1, s1  }
0x8c: {  	s17 =	sshll.u32 s0, $0xA;
	s2 =	sadd.s32 s3, s2  }
0x8d: {  	s2 =	sadd.s32 s2, s17  }
0x8e: {  	[smem:$0x3FC1] =	sst s2  }
0x8f: {  	_ = 	snop  }
0x90: {  	s2 =	sld [smem:$0x3FC9]  }
0x91: {  	s18 =	sld [smem:$0x3FD0];
	(tm) =	ssettm $0x1  }
0x92: {  	s4 =	sld [smem:$0x3FFB];
	_ =	sdelay $0x3  }
0x93: {  	_ =	strace s4  }
0x94: {  	s4 =	sld [smem:$0x3FFC];
	_ =	sdelay $0x3  }
0x95: {  	_ =	strace s4  }
0x96: {  	s4 =	sld [smem:$0x3FFD];
	_ =	sdelay $0x3  }
0x97: {  	_ =	strace s4  }
0x98: {  	_ =	strace $0x8FFFFFFF  }
0x99: {  	s19 =	sld [smem:$0x3FDB];
	_ =	sdelay $0x1  }
0x9a: {  	s5 =	simm.s32 $_scs_section_size  }
0x9b: {  	s6 =	simm.s32 $_size__tile_overlayer_lowered;
	s7 =	simm.s32 $_tile_overlayer_lowered  }
0x9c: {  	s22 =	simm.s32 $0x1BFF;
	s21 =	sshll.u32 s7, $0x1;
	s4 =	sadd.s32 s5, s19  }
0x9d: {  	s8 =	simm.s32 $0x0;
	s20 =	sshll.u32 s6, $0x1;
	s6 =	sadd.s32 s21, s4  }
0x9e: {  	[timem:s8], [sflag:s22] =	dma.local [hbm:s6], s20  }
0x9f: {  	_ =	swait.ge [sflag:s22], s20  }
0xa0: {  	s5 =	ssub.s32 $0x0, s20;
	[sflag:s22] =	ssyncset.done $0x0  }
0xa1: {  	[sflag:s22] =	ssyncadd.s32 s5;
	_ =	sdelay $0x1  }
0xa2: {  	s23 =	simm.s32 $0x1B8B  }
0xa3: {  	_ =	swait.ge [sflag:s23], $0x1  }
0xa4: {  	[sflag:s23] =	ssyncset.done $0x0  }
0xa5: {  	s25 =	simm.s32 $0x1B8E;
	s24 =	sld [smem:$0x3FFE];
	[sflag:s23] =	ssyncadd.s32 $0xFFFFFFFF  }
0xa6: {  	s26 =	simm.s32 $execute0_lowered;
	[smem:$0x3FD2] =	sst s25  }
0xa7: {  	s6 =	sshll.u32 s26, $0x1;
	_ =	strace $0x80000046;
	[dreg:$0x1] =	wrdreg $0xFFFFFFFF  }
0xa8: {  	s28 =	simm.s32 $_size_execute0_lowered;
	s4 =	sadd.s32 s4, s6;
	[dreg:$0x0] =	wrdreg $0x0  }
0xa9: {  	s6 =	sshll.u32 s28, $0x1;
	[dreg:$0x2] =	wrdreg s4  }
0xaa: {  	[dreg:$0x3] =	wrdreg s6  }
0xab: {  	[dreg:$0x4] =	wrdreg $0xC0  }
0xac: {  	_ =	task [dreg:s8], $0x5FFFF  }
0xad: {  	[dreg:$0x1] =	wrdreg $0xFFFFFFFF  }
0xae: {  	[dreg:$0x0] =	wrdreg $0x60  }
0xaf: {  	[dreg:$0x2] =	wrdreg s2  }
0xb0: {  	[dreg:$0x3] =	wrdreg s18  }
0xb1: {  	[dreg:$0x4] =	wrdreg s24  }
0xb2: {  	[dreg:$0x5] =	wrdreg $0xA  }
0xb3: {  	_ =	task.clear_ibuf [dreg:s8], $0x6FFFF;
	_ =	strace $0x90000046  }
0xb4: {  	s29 =	simm.s32 $0xA;
	_ =	strace $0x80000048  }
0xb5: {  	_ =	swait.ge [sflag:s29], $0x1  }
0xb6: {  	[sflag:s29] =	ssyncadd.s32 $0xFFFFFFFF  }
0xb7: {  	_ =	strace $0x90000048  }
0xb8: {  	_ =	sfence  }
0xb9: {  	s30 =	sld [smem:$0x0];
	_ =	sdelay $0x2  }
0xba: {  	s31 =	sshll.u32 s1, $0xD;
	s1 =	sshrl.u32 s1, $0x2  }
0xbb: {  	s3 =	sand.u32 $0x4000, s31;
	s1 =	sadd.s32 s1, s30  }
0xbc: {  	s0 =	sor.u32 s3, s0;
	s1 =	sshll.u32 s1, $0x11  }
0xbd: {  	s0 =	sor.u32 s1, s0  }
0xbe: {  	s0 =	sadd.s32 $0x8F2B, s0  }
0xbf: {  	[sflag:s0] =	ssyncadd.remote.s32 $0x1  }
0xc0: {  	_ =	sfence.sel $0xFFFF  }
0xc1: {  	[dreg:$0x0] =	wrdreg $0xFFFFFFFF;
	(pc) =	sbr.abs _section_cstart, $3  }
0xc2: {  	[dreg:$0x1] =	wrdreg $0xFFFFFFFF  }
0xc3: {  	_ =	task.clear_ibuf [dreg:s8], $0x2FFFF;
	_ =	strace $0x9FFFFFFF  }
0xc4: {  	(tm) =	ssettm $0x7FFFFFFF  }
0xc5: {  	_ =	shalt  }
tec
execute0_lowered:
.L_overlay_start_1:
0x0: {  	(tag) =	ssettag $0x1  }
0x1: {  	s1 =	rddreg [dreg:$0x0]  }
0x2: {  	s5 =	rddreg [dreg:$0x1]  }
0x3: {  	s4 =	rddreg [dreg:$0x2]  }
0x4: {  	s0 =	rddreg [dreg:$0x3];
	s3 =	simm.s32 $0x0;
	s6 =	srdreg.scid  }
0x5: {  	s2 =	stileid.u32;
	[smem:$0x7FF] =	sst s3;
	s6 =	sand.u32 $0x1, s6  }
0x6: {  	s7 =	sshll.u32 s2, $0xC;
	s31 =	sshll.u32 s2, $0x5;
	_ =	strace $0x80000047  }
0x7: {  	s8 =	ssub.s32 $0x2, s6;
	s4 =	sadd.s32 s7, s4;
	s9 =	sshll.u32 s6, $0xB  }
0x8: {  	s10 =	sshll.u32 s6, $0x4;
	s29 =	sshrl.u32 s8, $0x1;
	s30 =	sadd.s32 s9, s4  }
0x9: {  	s4 =	sshll.u32 s2, $0x1;
	s9 =	sadd.s32 s31, s5;
	s7 =	ssub.s32 s8, s29  }
0xa: {  	s6 =	sadd.s32 $0x4A00, s30;
	s5 =	smax.u32 s7, $0x1;
	s7 =	sadd.s32 s10, s9  }
.LBB2_1:
0xb: {  	s8 =	sadd.s32 $0x0, s4  }
0xc: {  	p0 =	sgt.u32 s8, $0xF9  }
0xd: {  	s8 =	simm.s32 @!p0 $0x0;
	s9 =	simm.s32 @!p0 $0x3  }
0xe: {  	[tilespmem:s8], [sflag:$0x3] =	stream.linear.gather @!p0 [hbm4b:s7+s8], $0x80, $0x38;
	[tilespmem:$0x4080] =	vst v63  }
0xf: {  	_ =	swait.ge @!p0 [sflag:s9], $0x80  }
0x10: {  	[sflag:s9] =	ssyncset.done @!p0 $0x0;
	p0 =	por p0, p0  }
0x11: {  	[sflag:s9] =	ssyncadd.s32 @!p0 $0xFFFFFF80;
	s10 =	simm.s32 @!p0 $0x80;
	s11 =	simm.s32 @!p0 $0x1  }
0x12: {  	[tilespmem:s10], [sflag:$0x1] =	stream.indirect.gather @!p0 [hbm4b:s1+s10], $0x80, s8, s10, $0xb8;
	[tilespmem:$0x4080] =	vst v63  }
0x13: {  	_ =	swait.ge @!p0 [sflag:s11], $0x4000  }
0x14: {  	[sflag:s11] =	ssyncset.done @!p0 $0x0  }
0x15: {  	s31 =	sadd.s32 $0x20, s4;
	[sflag:s11] =	ssyncadd.s32 @!p0 $0xFFFFC000;
	s11 =	simm.s32 @!p0 $0x2  }
0x16: {  	[hbm4b:s6+s8] =	stream.linear.scatter @!p0 [tilespmem:s10], [sflag:$0x2], $0x4000, $0x38;
	[tilespmem:$0x4080] =	vst v63  }
0x17: {  	p1 =	sgt.u32 s31, $0xF9;
	s9 =	simm.s32 $0x40;
	_ =	swait.ge @!p0 [sflag:s11], $0x4000  }
0x18: {  	s10 =	sadd.s32 $0x200, s7;
	s8 =	sadd.s32 $0x10000, s6;
	[sflag:s11] =	ssyncset.done @!p0 $0x0  }
.LBB2_2:
0x19: {  	s12 =	simm.s32 @!p1 $0x0;
	s13 =	simm.s32 @!p1 $0x3;
	[sflag:s11] =	ssyncadd.s32 @!p0 $0xFFFFC000  }
0x1a: {  	[tilespmem:s12], [sflag:$0x3] =	stream.linear.gather @!p1 [hbm4b:s10+s12], $0x80, $0x38;
	[tilespmem:$0x4080] =	vst v63  }
0x1b: {  	s14 =	smov.u32 s9;
	s9 =	sadd.s32 $0x20, s9;
	_ =	swait.ge @!p1 [sflag:s13], $0x80  }
0x1c: {  	p0 =	por p1, p1;
	p2 =	sne.s32 s9, $0x100;
	[sflag:s13] =	ssyncset.done @!p1 $0x0  }
0x1d: {  	s11 =	simm.s32 @!p0 $0x1;
	[sflag:s13] =	ssyncadd.s32 @!p0 $0xFFFFFF80;
	s13 =	simm.s32 @!p0 $0x80  }
0x1e: {  	[tilespmem:s13], [sflag:$0x1] =	stream.indirect.gather @!p0 [hbm4b:s1+s13], $0x80, s12, s13, $0xb8;
	[tilespmem:$0x4080] =	vst v63  }
0x1f: {  	_ =	swait.ge @!p0 [sflag:s11], $0x4000  }
.Ltmp0:
0x20: {  	[sflag:s11] =	ssyncset.done @!p0 $0x0;
	(pc) =	sbr.rel @p2 .LBB2_2-.Ltmp0, $4  }
0x21: {  	[sflag:s11] =	ssyncadd.s32 @!p0 $0xFFFFC000;
	s11 =	simm.s32 @!p0 $0x2  }
0x22: {  	[hbm4b:s8+s12] =	stream.linear.scatter @!p0 [tilespmem:s13], [sflag:$0x2], $0x4000, $0x38;
	[tilespmem:$0x4080] =	vst v63  }
0x23: {  	s10 =	sadd.s32 $0x200, s10;
	s12 =	sadd.s32 s14, s4;
	_ =	swait.ge @!p0 [sflag:s11], $0x4000  }
0x24: {  	s8 =	sadd.s32 $0x10000, s8;
	p1 =	sgt.u32 s12, $0xF9;
	[sflag:s11] =	ssyncset.done @!p0 $0x0  }
0x25: {  	s9 =	simm.s32 @!p1 $0x0;
	s12 =	simm.s32 @!p1 $0x3;
	[sflag:s11] =	ssyncadd.s32 @!p0 $0xFFFFC000  }
0x26: {  	[tilespmem:s9], [sflag:$0x3] =	stream.linear.gather @!p1 [hbm4b:s10+s9], $0x80, $0x38;
	[tilespmem:$0x4080] =	vst v63  }
0x27: {  	_ =	swait.ge @!p1 [sflag:s12], $0x80  }
0x28: {  	p0 =	por p1, p1;
	[sflag:s12] =	ssyncset.done @!p1 $0x0  }
0x29: {  	s10 =	simm.s32 @!p0 $0x80;
	s11 =	simm.s32 @!p0 $0x1;
	[sflag:s12] =	ssyncadd.s32 @!p0 $0xFFFFFF80  }
0x2a: {  	[tilespmem:s10], [sflag:$0x1] =	stream.indirect.gather @!p0 [hbm4b:s1+s10], $0x80, s9, s10, $0xb8;
	[tilespmem:$0x4080] =	vst v63  }
0x2b: {  	s3 =	sadd.s32 $0x1, s3;
	_ =	swait.ge @!p0 [sflag:s11], $0x4000  }
0x2c: {  	p1 =	sne.s32 s3, s5;
	[sflag:s11] =	ssyncset.done @!p0 $0x0  }
.Ltmp1:
0x2d: {  	[sflag:s11] =	ssyncadd.s32 @!p0 $0xFFFFC000;
	s11 =	simm.s32 @!p0 $0x2;
	(pc) =	sbr.rel @p1 .LBB2_1-.Ltmp1, $4  }
0x2e: {  	[hbm4b:s8+s9] =	stream.linear.scatter @!p0 [tilespmem:s10], [sflag:$0x2], $0x4000, $0x38;
	[tilespmem:$0x4080] =	vst v63  }
0x2f: {  	_ =	swait.ge @!p0 [sflag:s11], $0x4000  }
0x30: {  	[sflag:s11] =	ssyncset.done @!p0 $0x0  }
0x31: {  	[sflag:s11] =	ssyncadd.s32 @!p0 $0xFFFFC000  }
0x32: {  	_ =	sfence.sel $0x180000  }
0x33: {  	[bflag:$0x0] =	sbarrier.arrive $0xFFFF  }
0x34: {  	p0 =	sne.s32 s2, $0x0;
	_ =	strace $0x90000047  }
0x35: {  	s0 =	sadd.s32 @!p0 $0x100000, s0;
	[bflag:$0x2] =	sbarrier.arrive $0xFFFF  }
0x36: {  	[sflag:s0] =	ssyncadd.tile.s32 @!p0 $0x1;
	_ =	shalt  }
.Lfunc_end2:
_tile_overlayer_lowered:
.L_overlay_start_2:
0x37: {  	(tag) =	ssettag $0x2  }
0x38: {  	s0 =	rddreg [dreg:$0x0];
	s2 =	stileid.u32  }
0x39: {  	s1 =	rddreg [dreg:$0x1];
	p0 =	sne.s32 s2, $0x0  }
0x3a: {  	s3 =	rddreg [dreg:$0x2];
	[bflag:$0x3] =	sbarrier.arrive $0xFFFF;
	s2 =	simm.s32 @!p0 $0x1C02  }
0x3b: {  	[timem:s3], [sflag:s2] =	dma.local @!p0 [hbm:s0], s1  }
0x3c: {  	s0 =	simm.s32 @!p0 $0x2  }
0x3d: {  	_ =	swait.ge @!p0 [sflag:s0], s1  }
0x3e: {  	s1 =	ssub.s32 @!p0 $0x0, s1;
	[sflag:s0] =	ssyncset.done @!p0 $0x0  }
0x3f: {  	[sflag:s0] =	ssyncadd.s32 @!p0 s1  }
0x40: {  	[bflag:$0x3] =	sbarrier.arrive $0xFFFF  }
0x41: {  	_ =	shalt  }

// kernel: kernel.21.cloned.1.call-start
scs
__scs_entry_jumppad:
0x0: {  	(pc) =	sbr.rel $0x88, $3  }
0x1: {  	(tag) =	ssettag $0x0;
	lr =	simm.s32 $0x1  }
0x2: {  	[smem:$0x3F9A] =	sst lr;
	_ =	strace $0xD0000000  }
0x3: {  	_ = 	snop  }
0x4: {  	_ = 	snop  }
0x5: {  	_ = 	snop  }
0x6: {  	_ = 	snop  }
0x7: {  	_ = 	snop  }
__scs_overlays_trampoline_lowered:
0x8: {  	[smem:$0x3FA9] =	sst s0  }
0x9: {  	[smem:$0x3FAA] =	sst s1  }
0xa: {  	[smem:$0x3FAB] =	sst s2  }
0xb: {  	[smem:$0x3FAC] =	sst s3  }
0xc: {  	[smem:$0x3FAD] =	sst s4  }
0xd: {  	[smem:$0x3FAE] =	sst s5  }
0xe: {  	[smem:$0x3FAF] =	sst s6  }
0xf: {  	[smem:$0x3FB0] =	sst s7  }
0x10: {  	[smem:$0x3FB1] =	sst s8  }
0x11: {  	[smem:$0x3FB2] =	sst s9;
	s0 =	simm.s32 @!p0 $0x0  }
0x12: {  	s1 =	sld [smem:$0x3F98];
	s0 =	simm.s32 @p0 $0x1  }
0x13: {  	[smem:$0x3FB3] =	sst s0;
	s0 =	simm.s32 @!p1 $0x0  }
0x14: {  	s2 =	sld [smem:$0x3F97];
	s0 =	simm.s32 @p1 $0x1  }
0x15: {  	[smem:$0x3FB4] =	sst s0;
	s0 =	simm.s32 @!p2 $0x0  }
0x16: {  	s3 =	sld [smem:$0x3FDB];
	s0 =	simm.s32 @p2 $0x1  }
0x17: {  	s4 =	simm.s32 $0x1BF5;
	[smem:$0x3FB6] =	sst s0  }
0x18: {  	s0 =	sld [smem:$0x3F99];
	_ =	swait.ge [sflag:s4], $0x0  }
0x19: {  	s7 =	sld [smem:$0x3F9A]  }
0x1a: {  	s8 =	sadd.s32 $0xFFFFE003, lr  }
0x1b: {  	s9 =	sadd.s32 $0xFFFFFEF7, lr;
	s5 =	simm.s32 $0xFFFFFFFF;
	p2 =	slt.u32 s8, $0xFFFFF086  }
0x1c: {  	p1 =	slt.u32 s9, $0xF7A;
	s5 =	simm.s32 @!p2 $0x0  }
0x1d: {  	s5 =	simm.s32 @p1 $0x1;
	p0 =	seq.s32 s7, s2  }
0x1e: {  	s7 =	smul.u32 @!p0 $0xF7A, s2;
	p2 =	seq.s32 @!p0 s5, $0x0  }
0x1f: {  	s9 =	smul.u32 $0xF7A, s1;
	s8 =	simm.s32 @!p0 $0x1BF5;
	p2 =	por !p2, p0  }
0x20: {  	[sflag:s8] =	ssyncset.s32 @!p0 $0xFFFFF086;
	s6 =	sadd.s32 @!p0 s3, s7;
	s7 =	simm.s32 @!p0 $0x108  }
0x21: {  	s3 =	sadd.s32 s3, s9;
	s6 =	sadd.s32 @!p0 $0x88, s6;
	s7 =	simm.s32 @p2 $0x1082  }
0x22: {  	[simem:s7], [sflag:s8] =	dma.local @!p0 [hbm:s6], $0xF7A  }
0x23: {  	s9 =	sor.u32 $0xD0000000, s2;
	s6 =	simm.s32 $0x108;
	_ =	swait.ge @!p0 [sflag:s8], $0x0  }
0x24: {  	s3 =	sadd.s32 $0x88, s3;
	s6 =	simm.s32 @!p1 $0x1082;
	[sflag:s4] =	ssyncset.s32 $0xFFFFF086  }
0x25: {  	[simem:s6], [sflag:s4] =	dma.local [hbm:s3], $0xF7A  }
0x26: {  	[smem:$0x3F9A] =	sst s1;
	(tag) =	ssettag s2;
	_ =	strace s9  }
0x27: {  	s1 =	sld [smem:$0x3FAA]  }
0x28: {  	s2 =	sld [smem:$0x3FAB]  }
0x29: {  	s4 =	sld [smem:$0x3FAD]  }
0x2a: {  	p0 =	seq.s32 s5, $0x0;
	s5 =	sld [smem:$0x3FAE]  }
0x2b: {  	s6 =	sld [smem:$0x3FAF]  }
0x2c: {  	s7 =	sld [smem:$0x3FB0]  }
0x2d: {  	s3 =	simm.s32 $0x108;
	s8 =	sld [smem:$0x3FB1]  }
0x2e: {  	s3 =	simm.s32 @!p0 $0x1082;
	s9 =	sld [smem:$0x3FB2]  }
0x2f: {  	lr =	sadd.s32 s0, s3;
	s0 =	sld [smem:$0x3FA9]  }
0x30: {  	s3 =	sld [smem:$0x3FAC]  }
0x31: {  	[smem:$0x3FB5] =	sst s10  }
0x32: {  	s10 =	sld [smem:$0x3FB3];
	_ =	sdelay $0x3  }
0x33: {  	p0 =	seq.s32 s10, $0x1;
	s10 =	sld [smem:$0x3FB5];
	_ =	sdelay $0x3  }
0x34: {  	[smem:$0x3FB5] =	sst s10  }
0x35: {  	s10 =	sld [smem:$0x3FB4];
	_ =	sdelay $0x3  }
0x36: {  	p1 =	seq.s32 s10, $0x1;
	s10 =	sld [smem:$0x3FB5];
	_ =	sdelay $0x3  }
0x37: {  	[smem:$0x3FB5] =	sst s10  }
0x38: {  	s10 =	sld [smem:$0x3FB6]  }
0x39: {  	_ = 	snop;
	(pc) =	sbr.ind lr, $3  }
0x3a: {  	_ = 	snop  }
0x3b: {  	_ = 	snop  }
0x3c: {  	p2 =	seq.s32 s10, $0x1;
	s10 =	sld [smem:$0x3FB5]  }
0x3d: {  	_ =	shalt  }
0x3e: {  	_ =	shalt  }
0x3f: {  	_ =	shalt  }
0x40: {  	_ =	shalt  }
0x41: {  	_ =	shalt  }
0x42: {  	_ =	shalt  }
0x43: {  	_ =	shalt  }
0x44: {  	_ =	shalt  }
0x45: {  	_ =	shalt  }
0x46: {  	_ =	shalt  }
0x47: {  	_ =	shalt  }
0x48: {  	_ =	shalt  }
0x49: {  	_ =	shalt  }
0x4a: {  	_ =	shalt  }
0x4b: {  	_ =	shalt  }
0x4c: {  	_ =	shalt  }
0x4d: {  	_ =	shalt  }
0x4e: {  	_ =	shalt  }
0x4f: {  	_ =	shalt  }
0x50: {  	_ =	shalt  }
0x51: {  	_ =	shalt  }
0x52: {  	_ =	shalt  }
0x53: {  	_ =	shalt  }
0x54: {  	_ =	shalt  }
0x55: {  	_ =	shalt  }
0x56: {  	_ =	shalt  }
0x57: {  	_ =	shalt  }
0x58: {  	_ =	shalt  }
0x59: {  	_ =	shalt  }
0x5a: {  	_ =	shalt  }
0x5b: {  	_ =	shalt  }
0x5c: {  	_ =	shalt  }
0x5d: {  	_ =	shalt  }
0x5e: {  	_ =	shalt  }
0x5f: {  	_ =	shalt  }
0x60: {  	_ =	shalt  }
0x61: {  	_ =	shalt  }
0x62: {  	_ =	shalt  }
0x63: {  	_ =	shalt  }
0x64: {  	_ =	shalt  }
0x65: {  	_ =	shalt  }
0x66: {  	_ =	shalt  }
0x67: {  	_ =	shalt  }
0x68: {  	_ =	shalt  }
0x69: {  	_ =	shalt  }
0x6a: {  	_ =	shalt  }
0x6b: {  	_ =	shalt  }
0x6c: {  	_ =	shalt  }
0x6d: {  	_ =	shalt  }
0x6e: {  	_ =	shalt  }
0x6f: {  	_ =	shalt  }
0x70: {  	_ =	shalt  }
0x71: {  	_ =	shalt  }
0x72: {  	_ =	shalt  }
0x73: {  	_ =	shalt  }
0x74: {  	_ =	shalt  }
0x75: {  	_ =	shalt  }
0x76: {  	_ =	shalt  }
0x77: {  	_ =	shalt  }
0x78: {  	_ =	shalt  }
0x79: {  	_ =	shalt  }
0x7a: {  	_ =	shalt  }
0x7b: {  	_ =	shalt  }
0x7c: {  	_ =	shalt  }
0x7d: {  	_ =	shalt  }
0x7e: {  	_ =	shalt  }
0x7f: {  	_ =	shalt  }
0x80: {  	_ =	shalt  }
0x81: {  	_ =	shalt  }
0x82: {  	_ =	shalt  }
0x83: {  	_ =	shalt  }
0x84: {  	_ =	shalt  }
0x85: {  	_ =	shalt  }
0x86: {  	_ =	shalt  }
0x87: {  	_ =	shalt  }
.Lfunc_end0:
.L_simem_size_0:
called_computation.1_lowered:
.L_overlay_start_0:
0x88: {  	s2 =	sld [smem:$0x3FD9]  }
0x89: {  	s3 =	sld [smem:$0x3FFE];
	_ =	sdelay $0x1  }
0x8a: {  	s1 =	srdreg.scid  }
0x8b: {  	s0 =	sand.u32 $0x1, s1  }
0x8c: {  	s17 =	sshll.u32 s0, $0xA;
	s2 =	sadd.s32 s3, s2  }
0x8d: {  	s2 =	sadd.s32 s2, s17  }
0x8e: {  	[smem:$0x3FC1] =	sst s2  }
0x8f: {  	_ = 	snop  }
0x90: {  	s18 =	sld [smem:$0x3FC9];
	(tm) =	ssettm $0x1  }
0x91: {  	s19 =	sld [smem:$0x3FFB];
	_ =	sdelay $0x3  }
0x92: {  	_ =	strace s19  }
0x93: {  	s2 =	sld [smem:$0x3FFC];
	_ =	sdelay $0x3  }
0x94: {  	_ =	strace s2  }
0x95: {  	s2 =	sld [smem:$0x3FFD];
	_ =	sdelay $0x3  }
0x96: {  	_ =	strace s2  }
0x97: {  	_ =	strace $0x8FFFFFFF  }
0x98: {  	s20 =	sld [smem:$0x3FDB];
	_ =	sdelay $0x1  }
0x99: {  	s4 =	simm.s32 $_scs_section_size  }
0x9a: {  	s5 =	simm.s32 $_size__tile_overlayer_lowered;
	s6 =	simm.s32 $_tile_overlayer_lowered  }
0x9b: {  	s7 =	simm.s32 $0x1BFF;
	s21 =	sshll.u32 s6, $0x1;
	s4 =	sadd.s32 s4, s20  }
0x9c: {  	s22 =	simm.s32 $0x0;
	s5 =	sshll.u32 s5, $0x1;
	s6 =	sadd.s32 s21, s4  }
0x9d: {  	[timem:s22], [sflag:s7] =	dma.local [hbm:s6], s5  }
0x9e: {  	_ =	swait.ge [sflag:s7], s5  }
0x9f: {  	s5 =	ssub.s32 $0x0, s5;
	[sflag:s7] =	ssyncset.done $0x0  }
0xa0: {  	[sflag:s7] =	ssyncadd.s32 s5;
	_ =	sdelay $0x1  }
0xa1: {  	s23 =	simm.s32 $0x1B8B  }
0xa2: {  	_ =	swait.ge [sflag:s23], $0x1  }
0xa3: {  	[sflag:s23] =	ssyncset.done $0x0  }
0xa4: {  	[sflag:s23] =	ssyncadd.s32 $0xFFFFFFFF  }
0xa5: {  	s5 =	sld [smem:$0x0]  }
0xa6: {  	s6 =	sand.u32 $0xFFFFFFFE, s1  }
0xa7: {  	p0 =	sne.s32 s1, s6  }
0xa8: {  	s6 =	sshll.u32 @p0 s6, $0xE  }
0xa9: {  	s6 =	sadd.s32 @p0 $0x11B8D, s6;
	s7 =	sshll.u32 @p0 s5, $0x11  }
0xaa: {  	s6 =	sor.u32 @p0 s7, s6  }
0xab: {  	[sflag:s6] =	ssyncadd.remote.s32 @p0 $0x1;
	_ =	sdelay $0x1  }
0xac: {  	s6 =	simm.s32 @p0 $0x1B8D  }
0xad: {  	_ =	swait.eq @p0 [sflag:s6], $0x1  }
0xae: {  	[sflag:s6] =	ssyncadd.s32 @p0 $0xFFFFFFFF  }
0xaf: {  	s7 =	sshll.u32 @!p0 s1, $0xE  }
0xb0: {  	s7 =	sor.u32 @!p0 $0x4000, s7;
	s6 =	simm.s32 @!p0 $0x1B8D  }
0xb1: {  	s5 =	sshll.u32 @!p0 s5, $0x11;
	s7 =	sadd.s32 @!p0 $0x11B8D, s7;
	_ =	swait.eq @!p0 [sflag:s6], $0x1  }
0xb2: {  	s5 =	sor.u32 @!p0 s5, s7;
	[sflag:s6] =	ssyncadd.s32 @!p0 $0xFFFFFFFF  }
0xb3: {  	s25 =	simm.s32 $0x1B8E;
	s24 =	sld [smem:$0x3FFE];
	[sflag:s5] =	ssyncadd.remote.s32 @!p0 $0x1  }
0xb4: {  	s26 =	simm.s32 $execute0_lowered;
	[smem:$0x3FD2] =	sst s25  }
0xb5: {  	s6 =	sshll.u32 s26, $0x1;
	_ =	strace $0x80000049;
	[dreg:$0x1] =	wrdreg $0xFFFFFFFF  }
0xb6: {  	s28 =	simm.s32 $_size_execute0_lowered;
	s4 =	sadd.s32 s4, s6;
	[dreg:$0x0] =	wrdreg $0x0  }
0xb7: {  	s6 =	sshll.u32 s28, $0x1;
	[dreg:$0x2] =	wrdreg s4  }
0xb8: {  	[dreg:$0x3] =	wrdreg s6  }
0xb9: {  	[dreg:$0x4] =	wrdreg $0xC0  }
0xba: {  	_ =	task [dreg:s22], $0x5FFFF  }
0xbb: {  	[dreg:$0x1] =	wrdreg $0xFFFFFFFF  }
0xbc: {  	[dreg:$0x0] =	wrdreg $0x60  }
0xbd: {  	[dreg:$0x2] =	wrdreg s18  }
0xbe: {  	[dreg:$0x3] =	wrdreg s24  }
0xbf: {  	[dreg:$0x4] =	wrdreg $0xC  }
0xc0: {  	_ =	task.clear_ibuf [dreg:s22], $0x5FFFF;
	_ =	strace $0x90000049  }
0xc1: {  	s29 =	simm.s32 $0xC;
	_ =	strace $0x8000004B  }
0xc2: {  	_ =	swait.ge [sflag:s29], $0x1  }
0xc3: {  	[sflag:s29] =	ssyncadd.s32 $0xFFFFFFFF  }
0xc4: {  	_ =	strace $0x9000004B  }
0xc5: {  	_ =	sfence  }
0xc6: {  	s30 =	sld [smem:$0x0];
	_ =	sdelay $0x2  }
0xc7: {  	s31 =	sshll.u32 s1, $0xD;
	s1 =	sshrl.u32 s1, $0x2  }
0xc8: {  	s4 =	sand.u32 $0x4000, s31;
	s1 =	sadd.s32 s1, s30  }
0xc9: {  	s0 =	sor.u32 s4, s0;
	s1 =	sshll.u32 s1, $0x11  }
0xca: {  	s0 =	sor.u32 s1, s0  }
0xcb: {  	s0 =	sadd.s32 $0x8F2B, s0  }
0xcc: {  	[sflag:s0] =	ssyncadd.remote.s32 $0x1  }
0xcd: {  	_ =	sfence.sel $0xFFFF  }
0xce: {  	[dreg:$0x0] =	wrdreg $0xFFFFFFFF;
	(pc) =	sbr.abs _section_cstart, $3  }
0xcf: {  	[dreg:$0x1] =	wrdreg $0xFFFFFFFF  }
0xd0: {  	_ =	task.clear_ibuf [dreg:s22], $0x2FFFF;
	_ =	strace $0x9FFFFFFF  }
0xd1: {  	(tm) =	ssettm $0x7FFFFFFF  }
tec
execute0_lowered:
.L_overlay_start_1:
0x0: {  	(tag) =	ssettag $0x1  }
0x1: {  	s1 =	rddreg [dreg:$0x0]  }
0x2: {  	s4 =	rddreg [dreg:$0x1]  }
0x3: {  	s0 =	rddreg [dreg:$0x2]  }
0x4: {  	s3 =	simm.s32 $0x0;
	s5 =	srdreg.scid;
	s2 =	stileid.u32  }
0x5: {  	[smem:$0x7FF] =	sst s3;
	s5 =	sand.u32 $0x1, s5;
	s6 =	sshll.u32 s2, $0x5  }
0x6: {  	s7 =	sshll.u32 s2, $0xC;
	_ =	strace $0x8000004A;
	s8 =	ssub.s32 $0x2, s5  }
0x7: {  	s6 =	sadd.s32 s6, s4;
	s7 =	sadd.s32 s7, s4;
	s9 =	sshll.u32 s5, $0xB  }
0x8: {  	s5 =	sshll.u32 s5, $0x4;
	s4 =	sshll.u32 s2, $0x1;
	s30 =	sshrl.u32 s8, $0x1  }
0x9: {  	s7 =	sadd.s32 s9, s7;
	s31 =	sadd.s32 s5, s6;
	s8 =	ssub.s32 s8, s30  }
0xa: {  	s6 =	sadd.s32 $0x89A00, s7;
	s7 =	sadd.s32 $0x81A00, s31;
	s5 =	smax.u32 s8, $0x1  }
.LBB2_1:
0xb: {  	s8 =	sadd.s32 $0x0, s4  }
0xc: {  	p0 =	sgt.u32 s8, $0xF9  }
0xd: {  	s8 =	simm.s32 @!p0 $0x0;
	s9 =	simm.s32 @!p0 $0x3  }
0xe: {  	[tilespmem:s8], [sflag:$0x3] =	stream.linear.gather @!p0 [hbm4b:s7+s8], $0x80, $0x38;
	[tilespmem:$0x4080] =	vst v63  }
0xf: {  	_ =	swait.ge @!p0 [sflag:s9], $0x80  }
0x10: {  	[sflag:s9] =	ssyncset.done @!p0 $0x0;
	p0 =	por p0, p0  }
0x11: {  	[sflag:s9] =	ssyncadd.s32 @!p0 $0xFFFFFF80;
	s10 =	simm.s32 @!p0 $0x80;
	s11 =	simm.s32 @!p0 $0x1  }
0x12: {  	[tilespmem:s10], [sflag:$0x1] =	stream.indirect.gather @!p0 [hbm4b:s1+s10], $0x80, s8, s10, $0xb8;
	[tilespmem:$0x4080] =	vst v63  }
0x13: {  	_ =	swait.ge @!p0 [sflag:s11], $0x4000  }
0x14: {  	[sflag:s11] =	ssyncset.done @!p0 $0x0  }
0x15: {  	s31 =	sadd.s32 $0x20, s4;
	[sflag:s11] =	ssyncadd.s32 @!p0 $0xFFFFC000;
	s11 =	simm.s32 @!p0 $0x2  }
0x16: {  	[hbm4b:s6+s8] =	stream.linear.scatter @!p0 [tilespmem:s10], [sflag:$0x2], $0x4000, $0x38;
	[tilespmem:$0x4080] =	vst v63  }
0x17: {  	p1 =	sgt.u32 s31, $0xF9;
	s9 =	simm.s32 $0x40;
	_ =	swait.ge @!p0 [sflag:s11], $0x4000  }
0x18: {  	s10 =	sadd.s32 $0x200, s7;
	s8 =	sadd.s32 $0x10000, s6;
	[sflag:s11] =	ssyncset.done @!p0 $0x0  }
.LBB2_2:
0x19: {  	s12 =	simm.s32 @!p1 $0x0;
	s13 =	simm.s32 @!p1 $0x3;
	[sflag:s11] =	ssyncadd.s32 @!p0 $0xFFFFC000  }
0x1a: {  	[tilespmem:s12], [sflag:$0x3] =	stream.linear.gather @!p1 [hbm4b:s10+s12], $0x80, $0x38;
	[tilespmem:$0x4080] =	vst v63  }
0x1b: {  	s14 =	smov.u32 s9;
	s9 =	sadd.s32 $0x20, s9;
	_ =	swait.ge @!p1 [sflag:s13], $0x80  }
0x1c: {  	p0 =	por p1, p1;
	p2 =	sne.s32 s9, $0x100;
	[sflag:s13] =	ssyncset.done @!p1 $0x0  }
0x1d: {  	s11 =	simm.s32 @!p0 $0x1;
	[sflag:s13] =	ssyncadd.s32 @!p0 $0xFFFFFF80;
	s13 =	simm.s32 @!p0 $0x80  }
0x1e: {  	[tilespmem:s13], [sflag:$0x1] =	stream.indirect.gather @!p0 [hbm4b:s1+s13], $0x80, s12, s13, $0xb8;
	[tilespmem:$0x4080] =	vst v63  }
0x1f: {  	_ =	swait.ge @!p0 [sflag:s11], $0x4000  }
.Ltmp0:
0x20: {  	[sflag:s11] =	ssyncset.done @!p0 $0x0;
	(pc) =	sbr.rel @p2 .LBB2_2-.Ltmp0, $4  }
0x21: {  	[sflag:s11] =	ssyncadd.s32 @!p0 $0xFFFFC000;
	s11 =	simm.s32 @!p0 $0x2  }
0x22: {  	[hbm4b:s8+s12] =	stream.linear.scatter @!p0 [tilespmem:s13], [sflag:$0x2], $0x4000, $0x38;
	[tilespmem:$0x4080] =	vst v63  }
0x23: {  	s10 =	sadd.s32 $0x200, s10;
	s12 =	sadd.s32 s14, s4;
	_ =	swait.ge @!p0 [sflag:s11], $0x4000  }
0x24: {  	s8 =	sadd.s32 $0x10000, s8;
	p1 =	sgt.u32 s12, $0xF9;
	[sflag:s11] =	ssyncset.done @!p0 $0x0  }
0x25: {  	s9 =	simm.s32 @!p1 $0x0;
	s12 =	simm.s32 @!p1 $0x3;
	[sflag:s11] =	ssyncadd.s32 @!p0 $0xFFFFC000  }
0x26: {  	[tilespmem:s9], [sflag:$0x3] =	stream.linear.gather @!p1 [hbm4b:s10+s9], $0x80, $0x38;
	[tilespmem:$0x4080] =	vst v63  }
0x27: {  	_ =	swait.ge @!p1 [sflag:s12], $0x80  }
0x28: {  	p0 =	por p1, p1;
	[sflag:s12] =	ssyncset.done @!p1 $0x0  }
0x29: {  	s10 =	simm.s32 @!p0 $0x80;
	s11 =	simm.s32 @!p0 $0x1;
	[sflag:s12] =	ssyncadd.s32 @!p0 $0xFFFFFF80  }
0x2a: {  	[tilespmem:s10], [sflag:$0x1] =	stream.indirect.gather @!p0 [hbm4b:s1+s10], $0x80, s9, s10, $0xb8;
	[tilespmem:$0x4080] =	vst v63  }
0x2b: {  	s3 =	sadd.s32 $0x1, s3;
	_ =	swait.ge @!p0 [sflag:s11], $0x4000  }
0x2c: {  	p1 =	sne.s32 s3, s5;
	[sflag:s11] =	ssyncset.done @!p0 $0x0  }
.Ltmp1:
0x2d: {  	[sflag:s11] =	ssyncadd.s32 @!p0 $0xFFFFC000;
	s11 =	simm.s32 @!p0 $0x2;
	(pc) =	sbr.rel @p1 .LBB2_1-.Ltmp1, $4  }
0x2e: {  	[hbm4b:s8+s9] =	stream.linear.scatter @!p0 [tilespmem:s10], [sflag:$0x2], $0x4000, $0x38;
	[tilespmem:$0x4080] =	vst v63  }
0x2f: {  	_ =	swait.ge @!p0 [sflag:s11], $0x4000  }
0x30: {  	[sflag:s11] =	ssyncset.done @!p0 $0x0  }
0x31: {  	[sflag:s11] =	ssyncadd.s32 @!p0 $0xFFFFC000  }
0x32: {  	_ =	sfence.sel $0x180000  }
0x33: {  	[bflag:$0x0] =	sbarrier.arrive $0xFFFF  }
0x34: {  	p0 =	sne.s32 s2, $0x0;
	_ =	strace $0x9000004A  }
0x35: {  	s0 =	sadd.s32 @!p0 $0x100000, s0;
	[bflag:$0x2] =	sbarrier.arrive $0xFFFF  }
0x36: {  	[sflag:s0] =	ssyncadd.tile.s32 @!p0 $0x1;
	_ =	shalt  }
.Lfunc_end2:
_tile_overlayer_lowered:
.L_overlay_start_2:
0x37: {  	(tag) =	ssettag $0x2  }
0x38: {  	s0 =	rddreg [dreg:$0x0];
	s2 =	stileid.u32  }
0x39: {  	s1 =	rddreg [dreg:$0x1];
	p0 =	sne.s32 s2, $0x0  }
0x3a: {  	s3 =	rddreg [dreg:$0x2];
	[bflag:$0x3] =	sbarrier.arrive $0xFFFF;
	s2 =	simm.s32 @!p0 $0x1C02  }
0x3b: {  	[timem:s3], [sflag:s2] =	dma.local @!p0 [hbm:s0], s1  }
0x3c: {  	s0 =	simm.s32 @!p0 $0x2  }
0x3d: {  	_ =	swait.ge @!p0 [sflag:s0], s1  }
0x3e: {  	s1 =	ssub.s32 @!p0 $0x0, s1;
	[sflag:s0] =	ssyncset.done @!p0 $0x0  }
0x3f: {  	[sflag:s0] =	ssyncadd.s32 @!p0 s1  }
0x40: {  	[bflag:$0x3] =	sbarrier.arrive $0xFFFF  }
0x41: {  	_ =	shalt  }

// kernel: kernel.24.cloned.1.call-start
scs
__scs_entry_jumppad:
0x0: {  	(pc) =	sbr.rel $0x88, $3  }
0x1: {  	(tag) =	ssettag $0x0;
	lr =	simm.s32 $0x1  }
0x2: {  	[smem:$0x3F9A] =	sst lr;
	_ =	strace $0xD0000000  }
0x3: {  	_ = 	snop  }
0x4: {  	_ = 	snop  }
0x5: {  	_ = 	snop  }
0x6: {  	_ = 	snop  }
0x7: {  	_ = 	snop  }
__scs_overlays_trampoline_lowered:
0x8: {  	[smem:$0x3FA9] =	sst s0  }
0x9: {  	[smem:$0x3FAA] =	sst s1  }
0xa: {  	[smem:$0x3FAB] =	sst s2  }
0xb: {  	[smem:$0x3FAC] =	sst s3  }
0xc: {  	[smem:$0x3FAD] =	sst s4  }
0xd: {  	[smem:$0x3FAE] =	sst s5  }
0xe: {  	[smem:$0x3FAF] =	sst s6  }
0xf: {  	[smem:$0x3FB0] =	sst s7  }
0x10: {  	[smem:$0x3FB1] =	sst s8  }
0x11: {  	[smem:$0x3FB2] =	sst s9;
	s0 =	simm.s32 @!p0 $0x0  }
0x12: {  	s1 =	sld [smem:$0x3F98];
	s0 =	simm.s32 @p0 $0x1  }
0x13: {  	[smem:$0x3FB3] =	sst s0;
	s0 =	simm.s32 @!p1 $0x0  }
0x14: {  	s2 =	sld [smem:$0x3F97];
	s0 =	simm.s32 @p1 $0x1  }
0x15: {  	[smem:$0x3FB4] =	sst s0;
	s0 =	simm.s32 @!p2 $0x0  }
0x16: {  	s3 =	sld [smem:$0x3FDB];
	s0 =	simm.s32 @p2 $0x1  }
0x17: {  	s4 =	simm.s32 $0x1BF5;
	[smem:$0x3FB6] =	sst s0  }
0x18: {  	s0 =	sld [smem:$0x3F99];
	_ =	swait.ge [sflag:s4], $0x0  }
0x19: {  	s7 =	sld [smem:$0x3F9A]  }
0x1a: {  	s8 =	sadd.s32 $0xFFFFE003, lr  }
0x1b: {  	s9 =	sadd.s32 $0xFFFFFEF7, lr;
	s5 =	simm.s32 $0xFFFFFFFF;
	p2 =	slt.u32 s8, $0xFFFFF086  }
0x1c: {  	p1 =	slt.u32 s9, $0xF7A;
	s5 =	simm.s32 @!p2 $0x0  }
0x1d: {  	s5 =	simm.s32 @p1 $0x1;
	p0 =	seq.s32 s7, s2  }
0x1e: {  	s7 =	smul.u32 @!p0 $0xF7A, s2;
	p2 =	seq.s32 @!p0 s5, $0x0  }
0x1f: {  	s9 =	smul.u32 $0xF7A, s1;
	s8 =	simm.s32 @!p0 $0x1BF5;
	p2 =	por !p2, p0  }
0x20: {  	[sflag:s8] =	ssyncset.s32 @!p0 $0xFFFFF086;
	s6 =	sadd.s32 @!p0 s3, s7;
	s7 =	simm.s32 @!p0 $0x108  }
0x21: {  	s3 =	sadd.s32 s3, s9;
	s6 =	sadd.s32 @!p0 $0x88, s6;
	s7 =	simm.s32 @p2 $0x1082  }
0x22: {  	[simem:s7], [sflag:s8] =	dma.local @!p0 [hbm:s6], $0xF7A  }
0x23: {  	s9 =	sor.u32 $0xD0000000, s2;
	s6 =	simm.s32 $0x108;
	_ =	swait.ge @!p0 [sflag:s8], $0x0  }
0x24: {  	s3 =	sadd.s32 $0x88, s3;
	s6 =	simm.s32 @!p1 $0x1082;
	[sflag:s4] =	ssyncset.s32 $0xFFFFF086  }
0x25: {  	[simem:s6], [sflag:s4] =	dma.local [hbm:s3], $0xF7A  }
0x26: {  	[smem:$0x3F9A] =	sst s1;
	(tag) =	ssettag s2;
	_ =	strace s9  }
0x27: {  	s1 =	sld [smem:$0x3FAA]  }
0x28: {  	s2 =	sld [smem:$0x3FAB]  }
0x29: {  	s4 =	sld [smem:$0x3FAD]  }
0x2a: {  	p0 =	seq.s32 s5, $0x0;
	s5 =	sld [smem:$0x3FAE]  }
0x2b: {  	s6 =	sld [smem:$0x3FAF]  }
0x2c: {  	s7 =	sld [smem:$0x3FB0]  }
0x2d: {  	s3 =	simm.s32 $0x108;
	s8 =	sld [smem:$0x3FB1]  }
0x2e: {  	s3 =	simm.s32 @!p0 $0x1082;
	s9 =	sld [smem:$0x3FB2]  }
0x2f: {  	lr =	sadd.s32 s0, s3;
	s0 =	sld [smem:$0x3FA9]  }
0x30: {  	s3 =	sld [smem:$0x3FAC]  }
0x31: {  	[smem:$0x3FB5] =	sst s10  }
0x32: {  	s10 =	sld [smem:$0x3FB3];
	_ =	sdelay $0x3  }
0x33: {  	p0 =	seq.s32 s10, $0x1;
	s10 =	sld [smem:$0x3FB5];
	_ =	sdelay $0x3  }
0x34: {  	[smem:$0x3FB5] =	sst s10  }
0x35: {  	s10 =	sld [smem:$0x3FB4];
	_ =	sdelay $0x3  }
0x36: {  	p1 =	seq.s32 s10, $0x1;
	s10 =	sld [smem:$0x3FB5];
	_ =	sdelay $0x3  }
0x37: {  	[smem:$0x3FB5] =	sst s10  }
0x38: {  	s10 =	sld [smem:$0x3FB6]  }
0x39: {  	_ = 	snop;
	(pc) =	sbr.ind lr, $3  }
0x3a: {  	_ = 	snop  }
0x3b: {  	_ = 	snop  }
0x3c: {  	p2 =	seq.s32 s10, $0x1;
	s10 =	sld [smem:$0x3FB5]  }
0x3d: {  	_ =	shalt  }
0x3e: {  	_ =	shalt  }
0x3f: {  	_ =	shalt  }
0x40: {  	_ =	shalt  }
0x41: {  	_ =	shalt  }
0x42: {  	_ =	shalt  }
0x43: {  	_ =	shalt  }
0x44: {  	_ =	shalt  }
0x45: {  	_ =	shalt  }
0x46: {  	_ =	shalt  }
0x47: {  	_ =	shalt  }
0x48: {  	_ =	shalt  }
0x49: {  	_ =	shalt  }
0x4a: {  	_ =	shalt  }
0x4b: {  	_ =	shalt  }
0x4c: {  	_ =	shalt  }
0x4d: {  	_ =	shalt  }
0x4e: {  	_ =	shalt  }
0x4f: {  	_ =	shalt  }
0x50: {  	_ =	shalt  }
0x51: {  	_ =	shalt  }
0x52: {  	_ =	shalt  }
0x53: {  	_ =	shalt  }
0x54: {  	_ =	shalt  }
0x55: {  	_ =	shalt  }
0x56: {  	_ =	shalt  }
0x57: {  	_ =	shalt  }
0x58: {  	_ =	shalt  }
0x59: {  	_ =	shalt  }
0x5a: {  	_ =	shalt  }
0x5b: {  	_ =	shalt  }
0x5c: {  	_ =	shalt  }
0x5d: {  	_ =	shalt  }
0x5e: {  	_ =	shalt  }
0x5f: {  	_ =	shalt  }
0x60: {  	_ =	shalt  }
0x61: {  	_ =	shalt  }
0x62: {  	_ =	shalt  }
0x63: {  	_ =	shalt  }
0x64: {  	_ =	shalt  }
0x65: {  	_ =	shalt  }
0x66: {  	_ =	shalt  }
0x67: {  	_ =	shalt  }
0x68: {  	_ =	shalt  }
0x69: {  	_ =	shalt  }
0x6a: {  	_ =	shalt  }
0x6b: {  	_ =	shalt  }
0x6c: {  	_ =	shalt  }
0x6d: {  	_ =	shalt  }
0x6e: {  	_ =	shalt  }
0x6f: {  	_ =	shalt  }
0x70: {  	_ =	shalt  }
0x71: {  	_ =	shalt  }
0x72: {  	_ =	shalt  }
0x73: {  	_ =	shalt  }
0x74: {  	_ =	shalt  }
0x75: {  	_ =	shalt  }
0x76: {  	_ =	shalt  }
0x77: {  	_ =	shalt  }
0x78: {  	_ =	shalt  }
0x79: {  	_ =	shalt  }
0x7a: {  	_ =	shalt  }
0x7b: {  	_ =	shalt  }
0x7c: {  	_ =	shalt  }
0x7d: {  	_ =	shalt  }
0x7e: {  	_ =	shalt  }
0x7f: {  	_ =	shalt  }
0x80: {  	_ =	shalt  }
0x81: {  	_ =	shalt  }
0x82: {  	_ =	shalt  }
0x83: {  	_ =	shalt  }
0x84: {  	_ =	shalt  }
0x85: {  	_ =	shalt  }
0x86: {  	_ =	shalt  }
0x87: {  	_ =	shalt  }
.Lfunc_end0:
.L_simem_size_0:
called_computation.2_lowered:
.L_overlay_start_0:
0x88: {  	s2 =	sld [smem:$0x3FD9]  }
0x89: {  	s3 =	sld [smem:$0x3FFE];
	_ =	sdelay $0x1  }
0x8a: {  	s1 =	srdreg.scid  }
0x8b: {  	s0 =	sand.u32 $0x1, s1  }
0x8c: {  	s17 =	sshll.u32 s0, $0xA;
	s2 =	sadd.s32 s3, s2  }
0x8d: {  	s2 =	sadd.s32 s2, s17  }
0x8e: {  	[smem:$0x3FC1] =	sst s2  }
0x8f: {  	_ = 	snop  }
0x90: {  	s18 =	sld [smem:$0x3FC9];
	(tm) =	ssettm $0x1  }
0x91: {  	s19 =	sld [smem:$0x3FFB];
	_ =	sdelay $0x3  }
0x92: {  	_ =	strace s19  }
0x93: {  	s2 =	sld [smem:$0x3FFC];
	_ =	sdelay $0x3  }
0x94: {  	_ =	strace s2  }
0x95: {  	s2 =	sld [smem:$0x3FFD];
	_ =	sdelay $0x3  }
0x96: {  	_ =	strace s2  }
0x97: {  	_ =	strace $0x8FFFFFFF  }
0x98: {  	s20 =	sld [smem:$0x3FDB];
	_ =	sdelay $0x1  }
0x99: {  	s4 =	simm.s32 $_scs_section_size  }
0x9a: {  	s5 =	simm.s32 $_size__tile_overlayer_lowered;
	s6 =	simm.s32 $_tile_overlayer_lowered  }
0x9b: {  	s7 =	simm.s32 $0x1BFF;
	s21 =	sshll.u32 s6, $0x1;
	s4 =	sadd.s32 s4, s20  }
0x9c: {  	s22 =	simm.s32 $0x0;
	s5 =	sshll.u32 s5, $0x1;
	s6 =	sadd.s32 s21, s4  }
0x9d: {  	[timem:s22], [sflag:s7] =	dma.local [hbm:s6], s5  }
0x9e: {  	_ =	swait.ge [sflag:s7], s5  }
0x9f: {  	s5 =	ssub.s32 $0x0, s5;
	[sflag:s7] =	ssyncset.done $0x0  }
0xa0: {  	[sflag:s7] =	ssyncadd.s32 s5;
	_ =	sdelay $0x1  }
0xa1: {  	s23 =	simm.s32 $0x1B8B  }
0xa2: {  	_ =	swait.ge [sflag:s23], $0x1  }
0xa3: {  	[sflag:s23] =	ssyncset.done $0x0  }
0xa4: {  	[sflag:s23] =	ssyncadd.s32 $0xFFFFFFFF  }
0xa5: {  	s5 =	sld [smem:$0x0]  }
0xa6: {  	s6 =	sand.u32 $0xFFFFFFFE, s1  }
0xa7: {  	p0 =	sne.s32 s1, s6  }
0xa8: {  	s6 =	sshll.u32 @p0 s6, $0xE  }
0xa9: {  	s6 =	sadd.s32 @p0 $0x11B8D, s6;
	s7 =	sshll.u32 @p0 s5, $0x11  }
0xaa: {  	s6 =	sor.u32 @p0 s7, s6  }
0xab: {  	[sflag:s6] =	ssyncadd.remote.s32 @p0 $0x1;
	_ =	sdelay $0x1  }
0xac: {  	s6 =	simm.s32 @p0 $0x1B8D  }
0xad: {  	_ =	swait.eq @p0 [sflag:s6], $0x1  }
0xae: {  	[sflag:s6] =	ssyncadd.s32 @p0 $0xFFFFFFFF  }
0xaf: {  	s7 =	sshll.u32 @!p0 s1, $0xE  }
0xb0: {  	s7 =	sor.u32 @!p0 $0x4000, s7;
	s6 =	simm.s32 @!p0 $0x1B8D  }
0xb1: {  	s5 =	sshll.u32 @!p0 s5, $0x11;
	s7 =	sadd.s32 @!p0 $0x11B8D, s7;
	_ =	swait.eq @!p0 [sflag:s6], $0x1  }
0xb2: {  	s5 =	sor.u32 @!p0 s5, s7;
	[sflag:s6] =	ssyncadd.s32 @!p0 $0xFFFFFFFF  }
0xb3: {  	s25 =	simm.s32 $0x1B8E;
	s24 =	sld [smem:$0x3FFE];
	[sflag:s5] =	ssyncadd.remote.s32 @!p0 $0x1  }
0xb4: {  	s26 =	simm.s32 $execute0_lowered;
	[smem:$0x3FD2] =	sst s25  }
0xb5: {  	s6 =	sshll.u32 s26, $0x1;
	_ =	strace $0x8000004C;
	[dreg:$0x1] =	wrdreg $0xFFFFFFFF  }
0xb6: {  	s28 =	simm.s32 $_size_execute0_lowered;
	s4 =	sadd.s32 s4, s6;
	[dreg:$0x0] =	wrdreg $0x0  }
0xb7: {  	s6 =	sshll.u32 s28, $0x1;
	[dreg:$0x2] =	wrdreg s4  }
0xb8: {  	[dreg:$0x3] =	wrdreg s6  }
0xb9: {  	[dreg:$0x4] =	wrdreg $0xC0  }
0xba: {  	_ =	task [dreg:s22], $0x5FFFF  }
0xbb: {  	[dreg:$0x1] =	wrdreg $0xFFFFFFFF  }
0xbc: {  	[dreg:$0x0] =	wrdreg $0x60  }
0xbd: {  	[dreg:$0x2] =	wrdreg s18  }
0xbe: {  	[dreg:$0x3] =	wrdreg s24  }
0xbf: {  	[dreg:$0x4] =	wrdreg $0xD  }
0xc0: {  	_ =	task.clear_ibuf [dreg:s22], $0x5FFFF;
	_ =	strace $0x9000004C  }
0xc1: {  	s29 =	simm.s32 $0xD;
	_ =	strace $0x8000004E  }
0xc2: {  	_ =	swait.ge [sflag:s29], $0x1  }
0xc3: {  	[sflag:s29] =	ssyncadd.s32 $0xFFFFFFFF  }
0xc4: {  	_ =	strace $0x9000004E  }
0xc5: {  	_ =	sfence  }
0xc6: {  	s30 =	sld [smem:$0x0];
	_ =	sdelay $0x2  }
0xc7: {  	s31 =	sshll.u32 s1, $0xD;
	s1 =	sshrl.u32 s1, $0x2  }
0xc8: {  	s4 =	sand.u32 $0x4000, s31;
	s1 =	sadd.s32 s1, s30  }
0xc9: {  	s0 =	sor.u32 s4, s0;
	s1 =	sshll.u32 s1, $0x11  }
0xca: {  	s0 =	sor.u32 s1, s0  }
0xcb: {  	s0 =	sadd.s32 $0x8F2B, s0  }
0xcc: {  	[sflag:s0] =	ssyncadd.remote.s32 $0x1  }
0xcd: {  	_ =	sfence.sel $0xFFFF  }
0xce: {  	[dreg:$0x0] =	wrdreg $0xFFFFFFFF;
	(pc) =	sbr.abs _section_cstart, $3  }
0xcf: {  	[dreg:$0x1] =	wrdreg $0xFFFFFFFF  }
0xd0: {  	_ =	task.clear_ibuf [dreg:s22], $0x2FFFF;
	_ =	strace $0x9FFFFFFF  }
0xd1: {  	(tm) =	ssettm $0x7FFFFFFF  }
tec
execute0_lowered:
.L_overlay_start_1:
0x0: {  	(tag) =	ssettag $0x1  }
0x1: {  	s1 =	rddreg [dreg:$0x0]  }
0x2: {  	s4 =	rddreg [dreg:$0x1]  }
0x3: {  	s0 =	rddreg [dreg:$0x2]  }
0x4: {  	s3 =	simm.s32 $0x0;
	s5 =	srdreg.scid;
	s2 =	stileid.u32  }
0x5: {  	[smem:$0x7FF] =	sst s3;
	s5 =	sand.u32 $0x1, s5;
	s6 =	sshll.u32 s2, $0x5  }
0x6: {  	s7 =	sshll.u32 s2, $0xC;
	_ =	strace $0x8000004D;
	s8 =	ssub.s32 $0x2, s5  }
0x7: {  	s6 =	sadd.s32 s6, s4;
	s7 =	sadd.s32 s7, s4;
	s9 =	sshll.u32 s5, $0xB  }
0x8: {  	s5 =	sshll.u32 s5, $0x4;
	s4 =	sshll.u32 s2, $0x1;
	s30 =	sshrl.u32 s8, $0x1  }
0x9: {  	s7 =	sadd.s32 s9, s7;
	s31 =	sadd.s32 s5, s6;
	s8 =	ssub.s32 s8, s30  }
0xa: {  	s6 =	sadd.s32 $0x106A00, s7;
	s7 =	sadd.s32 $0x82A00, s31;
	s5 =	smax.u32 s8, $0x1  }
.LBB2_1:
0xb: {  	s8 =	sadd.s32 $0x0, s4  }
0xc: {  	p0 =	sgt.u32 s8, $0xF9  }
0xd: {  	s8 =	simm.s32 @!p0 $0x0;
	s9 =	simm.s32 @!p0 $0x3  }
0xe: {  	[tilespmem:s8], [sflag:$0x3] =	stream.linear.gather @!p0 [hbm4b:s7+s8], $0x80, $0x38;
	[tilespmem:$0x4080] =	vst v63  }
0xf: {  	_ =	swait.ge @!p0 [sflag:s9], $0x80  }
0x10: {  	[sflag:s9] =	ssyncset.done @!p0 $0x0;
	p0 =	por p0, p0  }
0x11: {  	[sflag:s9] =	ssyncadd.s32 @!p0 $0xFFFFFF80;
	s10 =	simm.s32 @!p0 $0x80;
	s11 =	simm.s32 @!p0 $0x1  }
0x12: {  	[tilespmem:s10], [sflag:$0x1] =	stream.indirect.gather @!p0 [hbm4b:s1+s10], $0x80, s8, s10, $0xb8;
	[tilespmem:$0x4080] =	vst v63  }
0x13: {  	_ =	swait.ge @!p0 [sflag:s11], $0x4000  }
0x14: {  	[sflag:s11] =	ssyncset.done @!p0 $0x0  }
0x15: {  	s31 =	sadd.s32 $0x20, s4;
	[sflag:s11] =	ssyncadd.s32 @!p0 $0xFFFFC000;
	s11 =	simm.s32 @!p0 $0x2  }
0x16: {  	[hbm4b:s6+s8] =	stream.linear.scatter @!p0 [tilespmem:s10], [sflag:$0x2], $0x4000, $0x38;
	[tilespmem:$0x4080] =	vst v63  }
0x17: {  	p1 =	sgt.u32 s31, $0xF9;
	s9 =	simm.s32 $0x40;
	_ =	swait.ge @!p0 [sflag:s11], $0x4000  }
0x18: {  	s10 =	sadd.s32 $0x200, s7;
	s8 =	sadd.s32 $0x10000, s6;
	[sflag:s11] =	ssyncset.done @!p0 $0x0  }
.LBB2_2:
0x19: {  	s12 =	simm.s32 @!p1 $0x0;
	s13 =	simm.s32 @!p1 $0x3;
	[sflag:s11] =	ssyncadd.s32 @!p0 $0xFFFFC000  }
0x1a: {  	[tilespmem:s12], [sflag:$0x3] =	stream.linear.gather @!p1 [hbm4b:s10+s12], $0x80, $0x38;
	[tilespmem:$0x4080] =	vst v63  }
0x1b: {  	s14 =	smov.u32 s9;
	s9 =	sadd.s32 $0x20, s9;
	_ =	swait.ge @!p1 [sflag:s13], $0x80  }
0x1c: {  	p0 =	por p1, p1;
	p2 =	sne.s32 s9, $0x100;
	[sflag:s13] =	ssyncset.done @!p1 $0x0  }
0x1d: {  	s11 =	simm.s32 @!p0 $0x1;
	[sflag:s13] =	ssyncadd.s32 @!p0 $0xFFFFFF80;
	s13 =	simm.s32 @!p0 $0x80  }
0x1e: {  	[tilespmem:s13], [sflag:$0x1] =	stream.indirect.gather @!p0 [hbm4b:s1+s13], $0x80, s12, s13, $0xb8;
	[tilespmem:$0x4080] =	vst v63  }
0x1f: {  	_ =	swait.ge @!p0 [sflag:s11], $0x4000  }
.Ltmp0:
0x20: {  	[sflag:s11] =	ssyncset.done @!p0 $0x0;
	(pc) =	sbr.rel @p2 .LBB2_2-.Ltmp0, $4  }
0x21: {  	[sflag:s11] =	ssyncadd.s32 @!p0 $0xFFFFC000;
	s11 =	simm.s32 @!p0 $0x2  }
0x22: {  	[hbm4b:s8+s12] =	stream.linear.scatter @!p0 [tilespmem:s13], [sflag:$0x2], $0x4000, $0x38;
	[tilespmem:$0x4080] =	vst v63  }
0x23: {  	s10 =	sadd.s32 $0x200, s10;
	s12 =	sadd.s32 s14, s4;
	_ =	swait.ge @!p0 [sflag:s11], $0x4000  }
0x24: {  	s8 =	sadd.s32 $0x10000, s8;
	p1 =	sgt.u32 s12, $0xF9;
	[sflag:s11] =	ssyncset.done @!p0 $0x0  }
0x25: {  	s9 =	simm.s32 @!p1 $0x0;
	s12 =	simm.s32 @!p1 $0x3;
	[sflag:s11] =	ssyncadd.s32 @!p0 $0xFFFFC000  }
0x26: {  	[tilespmem:s9], [sflag:$0x3] =	stream.linear.gather @!p1 [hbm4b:s10+s9], $0x80, $0x38;
	[tilespmem:$0x4080] =	vst v63  }
0x27: {  	_ =	swait.ge @!p1 [sflag:s12], $0x80  }
0x28: {  	p0 =	por p1, p1;
	[sflag:s12] =	ssyncset.done @!p1 $0x0  }
0x29: {  	s10 =	simm.s32 @!p0 $0x80;
	s11 =	simm.s32 @!p0 $0x1;
	[sflag:s12] =	ssyncadd.s32 @!p0 $0xFFFFFF80  }
0x2a: {  	[tilespmem:s10], [sflag:$0x1] =	stream.indirect.gather @!p0 [hbm4b:s1+s10], $0x80, s9, s10, $0xb8;
	[tilespmem:$0x4080] =	vst v63  }
0x2b: {  	s3 =	sadd.s32 $0x1, s3;
	_ =	swait.ge @!p0 [sflag:s11], $0x4000  }
0x2c: {  	p1 =	sne.s32 s3, s5;
	[sflag:s11] =	ssyncset.done @!p0 $0x0  }
.Ltmp1:
0x2d: {  	[sflag:s11] =	ssyncadd.s32 @!p0 $0xFFFFC000;
	s11 =	simm.s32 @!p0 $0x2;
	(pc) =	sbr.rel @p1 .LBB2_1-.Ltmp1, $4  }
0x2e: {  	[hbm4b:s8+s9] =	stream.linear.scatter @!p0 [tilespmem:s10], [sflag:$0x2], $0x4000, $0x38;
	[tilespmem:$0x4080] =	vst v63  }
0x2f: {  	_ =	swait.ge @!p0 [sflag:s11], $0x4000  }
0x30: {  	[sflag:s11] =	ssyncset.done @!p0 $0x0  }
0x31: {  	[sflag:s11] =	ssyncadd.s32 @!p0 $0xFFFFC000  }
0x32: {  	_ =	sfence.sel $0x180000  }
0x33: {  	[bflag:$0x0] =	sbarrier.arrive $0xFFFF  }
0x34: {  	p0 =	sne.s32 s2, $0x0;
	_ =	strace $0x9000004D  }
0x35: {  	s0 =	sadd.s32 @!p0 $0x100000, s0;
	[bflag:$0x2] =	sbarrier.arrive $0xFFFF  }
0x36: {  	[sflag:s0] =	ssyncadd.tile.s32 @!p0 $0x1;
	_ =	shalt  }
.Lfunc_end2:
_tile_overlayer_lowered:
.L_overlay_start_2:
0x37: {  	(tag) =	ssettag $0x2  }
0x38: {  	s0 =	rddreg [dreg:$0x0];
	s2 =	stileid.u32  }
0x39: {  	s1 =	rddreg [dreg:$0x1];
	p0 =	sne.s32 s2, $0x0  }
0x3a: {  	s3 =	rddreg [dreg:$0x2];
	[bflag:$0x3] =	sbarrier.arrive $0xFFFF;
	s2 =	simm.s32 @!p0 $0x1C02  }
0x3b: {  	[timem:s3], [sflag:s2] =	dma.local @!p0 [hbm:s0], s1  }
0x3c: {  	s0 =	simm.s32 @!p0 $0x2  }
0x3d: {  	_ =	swait.ge @!p0 [sflag:s0], s1  }
0x3e: {  	s1 =	ssub.s32 @!p0 $0x0, s1;
	[sflag:s0] =	ssyncset.done @!p0 $0x0  }
0x3f: {  	[sflag:s0] =	ssyncadd.s32 @!p0 s1  }
0x40: {  	[bflag:$0x3] =	sbarrier.arrive $0xFFFF  }
0x41: {  	_ =	shalt  }

// kernel: kernel.27.cloned.1.call-start
scs
__scs_entry_jumppad:
0x0: {  	(pc) =	sbr.rel $0x88, $3  }
0x1: {  	(tag) =	ssettag $0x0;
	lr =	simm.s32 $0x1  }
0x2: {  	[smem:$0x3F9A] =	sst lr;
	_ =	strace $0xD0000000  }
0x3: {  	_ = 	snop  }
0x4: {  	_ = 	snop  }
0x5: {  	_ = 	snop  }
0x6: {  	_ = 	snop  }
0x7: {  	_ = 	snop  }
__scs_overlays_trampoline_lowered:
0x8: {  	[smem:$0x3FA9] =	sst s0  }
0x9: {  	[smem:$0x3FAA] =	sst s1  }
0xa: {  	[smem:$0x3FAB] =	sst s2  }
0xb: {  	[smem:$0x3FAC] =	sst s3  }
0xc: {  	[smem:$0x3FAD] =	sst s4  }
0xd: {  	[smem:$0x3FAE] =	sst s5  }
0xe: {  	[smem:$0x3FAF] =	sst s6  }
0xf: {  	[smem:$0x3FB0] =	sst s7  }
0x10: {  	[smem:$0x3FB1] =	sst s8  }
0x11: {  	[smem:$0x3FB2] =	sst s9;
	s0 =	simm.s32 @!p0 $0x0  }
0x12: {  	s1 =	sld [smem:$0x3F98];
	s0 =	simm.s32 @p0 $0x1  }
0x13: {  	[smem:$0x3FB3] =	sst s0;
	s0 =	simm.s32 @!p1 $0x0  }
0x14: {  	s2 =	sld [smem:$0x3F97];
	s0 =	simm.s32 @p1 $0x1  }
0x15: {  	[smem:$0x3FB4] =	sst s0;
	s0 =	simm.s32 @!p2 $0x0  }
0x16: {  	s3 =	sld [smem:$0x3FDB];
	s0 =	simm.s32 @p2 $0x1  }
0x17: {  	s4 =	simm.s32 $0x1BF5;
	[smem:$0x3FB6] =	sst s0  }
0x18: {  	s0 =	sld [smem:$0x3F99];
	_ =	swait.ge [sflag:s4], $0x0  }
0x19: {  	s7 =	sld [smem:$0x3F9A]  }
0x1a: {  	s8 =	sadd.s32 $0xFFFFE003, lr  }
0x1b: {  	s9 =	sadd.s32 $0xFFFFFEF7, lr;
	s5 =	simm.s32 $0xFFFFFFFF;
	p2 =	slt.u32 s8, $0xFFFFF086  }
0x1c: {  	p1 =	slt.u32 s9, $0xF7A;
	s5 =	simm.s32 @!p2 $0x0  }
0x1d: {  	s5 =	simm.s32 @p1 $0x1;
	p0 =	seq.s32 s7, s2  }
0x1e: {  	s7 =	smul.u32 @!p0 $0xF7A, s2;
	p2 =	seq.s32 @!p0 s5, $0x0  }
0x1f: {  	s9 =	smul.u32 $0xF7A, s1;
	s8 =	simm.s32 @!p0 $0x1BF5;
	p2 =	por !p2, p0  }
0x20: {  	[sflag:s8] =	ssyncset.s32 @!p0 $0xFFFFF086;
	s6 =	sadd.s32 @!p0 s3, s7;
	s7 =	simm.s32 @!p0 $0x108  }
0x21: {  	s3 =	sadd.s32 s3, s9;
	s6 =	sadd.s32 @!p0 $0x88, s6;
	s7 =	simm.s32 @p2 $0x1082  }
0x22: {  	[simem:s7], [sflag:s8] =	dma.local @!p0 [hbm:s6], $0xF7A  }
0x23: {  	s9 =	sor.u32 $0xD0000000, s2;
	s6 =	simm.s32 $0x108;
	_ =	swait.ge @!p0 [sflag:s8], $0x0  }
0x24: {  	s3 =	sadd.s32 $0x88, s3;
	s6 =	simm.s32 @!p1 $0x1082;
	[sflag:s4] =	ssyncset.s32 $0xFFFFF086  }
0x25: {  	[simem:s6], [sflag:s4] =	dma.local [hbm:s3], $0xF7A  }
0x26: {  	[smem:$0x3F9A] =	sst s1;
	(tag) =	ssettag s2;
	_ =	strace s9  }
0x27: {  	s1 =	sld [smem:$0x3FAA]  }
0x28: {  	s2 =	sld [smem:$0x3FAB]  }
0x29: {  	s4 =	sld [smem:$0x3FAD]  }
0x2a: {  	p0 =	seq.s32 s5, $0x0;
	s5 =	sld [smem:$0x3FAE]  }
0x2b: {  	s6 =	sld [smem:$0x3FAF]  }
0x2c: {  	s7 =	sld [smem:$0x3FB0]  }
0x2d: {  	s3 =	simm.s32 $0x108;
	s8 =	sld [smem:$0x3FB1]  }
0x2e: {  	s3 =	simm.s32 @!p0 $0x1082;
	s9 =	sld [smem:$0x3FB2]  }
0x2f: {  	lr =	sadd.s32 s0, s3;
	s0 =	sld [smem:$0x3FA9]  }
0x30: {  	s3 =	sld [smem:$0x3FAC]  }
0x31: {  	[smem:$0x3FB5] =	sst s10  }
0x32: {  	s10 =	sld [smem:$0x3FB3];
	_ =	sdelay $0x3  }
0x33: {  	p0 =	seq.s32 s10, $0x1;
	s10 =	sld [smem:$0x3FB5];
	_ =	sdelay $0x3  }
0x34: {  	[smem:$0x3FB5] =	sst s10  }
0x35: {  	s10 =	sld [smem:$0x3FB4];
	_ =	sdelay $0x3  }
0x36: {  	p1 =	seq.s32 s10, $0x1;
	s10 =	sld [smem:$0x3FB5];
	_ =	sdelay $0x3  }
0x37: {  	[smem:$0x3FB5] =	sst s10  }
0x38: {  	s10 =	sld [smem:$0x3FB6]  }
0x39: {  	_ = 	snop;
	(pc) =	sbr.ind lr, $3  }
0x3a: {  	_ = 	snop  }
0x3b: {  	_ = 	snop  }
0x3c: {  	p2 =	seq.s32 s10, $0x1;
	s10 =	sld [smem:$0x3FB5]  }
0x3d: {  	_ =	shalt  }
0x3e: {  	_ =	shalt  }
0x3f: {  	_ =	shalt  }
0x40: {  	_ =	shalt  }
0x41: {  	_ =	shalt  }
0x42: {  	_ =	shalt  }
0x43: {  	_ =	shalt  }
0x44: {  	_ =	shalt  }
0x45: {  	_ =	shalt  }
0x46: {  	_ =	shalt  }
0x47: {  	_ =	shalt  }
0x48: {  	_ =	shalt  }
0x49: {  	_ =	shalt  }
0x4a: {  	_ =	shalt  }
0x4b: {  	_ =	shalt  }
0x4c: {  	_ =	shalt  }
0x4d: {  	_ =	shalt  }
0x4e: {  	_ =	shalt  }
0x4f: {  	_ =	shalt  }
0x50: {  	_ =	shalt  }
0x51: {  	_ =	shalt  }
0x52: {  	_ =	shalt  }
0x53: {  	_ =	shalt  }
0x54: {  	_ =	shalt  }
0x55: {  	_ =	shalt  }
0x56: {  	_ =	shalt  }
0x57: {  	_ =	shalt  }
0x58: {  	_ =	shalt  }
0x59: {  	_ =	shalt  }
0x5a: {  	_ =	shalt  }
0x5b: {  	_ =	shalt  }
0x5c: {  	_ =	shalt  }
0x5d: {  	_ =	shalt  }
0x5e: {  	_ =	shalt  }
0x5f: {  	_ =	shalt  }
0x60: {  	_ =	shalt  }
0x61: {  	_ =	shalt  }
0x62: {  	_ =	shalt  }
0x63: {  	_ =	shalt  }
0x64: {  	_ =	shalt  }
0x65: {  	_ =	shalt  }
0x66: {  	_ =	shalt  }
0x67: {  	_ =	shalt  }
0x68: {  	_ =	shalt  }
0x69: {  	_ =	shalt  }
0x6a: {  	_ =	shalt  }
0x6b: {  	_ =	shalt  }
0x6c: {  	_ =	shalt  }
0x6d: {  	_ =	shalt  }
0x6e: {  	_ =	shalt  }
0x6f: {  	_ =	shalt  }
0x70: {  	_ =	shalt  }
0x71: {  	_ =	shalt  }
0x72: {  	_ =	shalt  }
0x73: {  	_ =	shalt  }
0x74: {  	_ =	shalt  }
0x75: {  	_ =	shalt  }
0x76: {  	_ =	shalt  }
0x77: {  	_ =	shalt  }
0x78: {  	_ =	shalt  }
0x79: {  	_ =	shalt  }
0x7a: {  	_ =	shalt  }
0x7b: {  	_ =	shalt  }
0x7c: {  	_ =	shalt  }
0x7d: {  	_ =	shalt  }
0x7e: {  	_ =	shalt  }
0x7f: {  	_ =	shalt  }
0x80: {  	_ =	shalt  }
0x81: {  	_ =	shalt  }
0x82: {  	_ =	shalt  }
0x83: {  	_ =	shalt  }
0x84: {  	_ =	shalt  }
0x85: {  	_ =	shalt  }
0x86: {  	_ =	shalt  }
0x87: {  	_ =	shalt  }
.Lfunc_end0:
.L_simem_size_0:
called_computation.3_lowered:
.L_overlay_start_0:
0x88: {  	s2 =	sld [smem:$0x3FD9]  }
0x89: {  	s3 =	sld [smem:$0x3FFE];
	_ =	sdelay $0x1  }
0x8a: {  	s1 =	srdreg.scid  }
0x8b: {  	s0 =	sand.u32 $0x1, s1  }
0x8c: {  	s17 =	sshll.u32 s0, $0xA;
	s2 =	sadd.s32 s3, s2  }
0x8d: {  	s2 =	sadd.s32 s2, s17  }
0x8e: {  	[smem:$0x3FC1] =	sst s2  }
0x8f: {  	_ = 	snop  }
0x90: {  	s18 =	sld [smem:$0x3FC9];
	(tm) =	ssettm $0x1  }
0x91: {  	s19 =	sld [smem:$0x3FFB];
	_ =	sdelay $0x3  }
0x92: {  	_ =	strace s19  }
0x93: {  	s2 =	sld [smem:$0x3FFC];
	_ =	sdelay $0x3  }
0x94: {  	_ =	strace s2  }
0x95: {  	s2 =	sld [smem:$0x3FFD];
	_ =	sdelay $0x3  }
0x96: {  	_ =	strace s2  }
0x97: {  	_ =	strace $0x8FFFFFFF  }
0x98: {  	s20 =	sld [smem:$0x3FDB];
	_ =	sdelay $0x1  }
0x99: {  	s4 =	simm.s32 $_scs_section_size  }
0x9a: {  	s5 =	simm.s32 $_size__tile_overlayer_lowered;
	s6 =	simm.s32 $_tile_overlayer_lowered  }
0x9b: {  	s7 =	simm.s32 $0x1BFF;
	s21 =	sshll.u32 s6, $0x1;
	s4 =	sadd.s32 s4, s20  }
0x9c: {  	s22 =	simm.s32 $0x0;
	s5 =	sshll.u32 s5, $0x1;
	s6 =	sadd.s32 s21, s4  }
0x9d: {  	[timem:s22], [sflag:s7] =	dma.local [hbm:s6], s5  }
0x9e: {  	_ =	swait.ge [sflag:s7], s5  }
0x9f: {  	s5 =	ssub.s32 $0x0, s5;
	[sflag:s7] =	ssyncset.done $0x0  }
0xa0: {  	[sflag:s7] =	ssyncadd.s32 s5;
	_ =	sdelay $0x1  }
0xa1: {  	s23 =	simm.s32 $0x1B8B  }
0xa2: {  	_ =	swait.ge [sflag:s23], $0x1  }
0xa3: {  	[sflag:s23] =	ssyncset.done $0x0  }
0xa4: {  	[sflag:s23] =	ssyncadd.s32 $0xFFFFFFFF  }
0xa5: {  	s5 =	sld [smem:$0x0]  }
0xa6: {  	s6 =	sand.u32 $0xFFFFFFFE, s1  }
0xa7: {  	p0 =	sne.s32 s1, s6  }
0xa8: {  	s6 =	sshll.u32 @p0 s6, $0xE  }
0xa9: {  	s6 =	sadd.s32 @p0 $0x11B8D, s6;
	s7 =	sshll.u32 @p0 s5, $0x11  }
0xaa: {  	s6 =	sor.u32 @p0 s7, s6  }
0xab: {  	[sflag:s6] =	ssyncadd.remote.s32 @p0 $0x1;
	_ =	sdelay $0x1  }
0xac: {  	s6 =	simm.s32 @p0 $0x1B8D  }
0xad: {  	_ =	swait.eq @p0 [sflag:s6], $0x1  }
0xae: {  	[sflag:s6] =	ssyncadd.s32 @p0 $0xFFFFFFFF  }
0xaf: {  	s7 =	sshll.u32 @!p0 s1, $0xE  }
0xb0: {  	s7 =	sor.u32 @!p0 $0x4000, s7;
	s6 =	simm.s32 @!p0 $0x1B8D  }
0xb1: {  	s5 =	sshll.u32 @!p0 s5, $0x11;
	s7 =	sadd.s32 @!p0 $0x11B8D, s7;
	_ =	swait.eq @!p0 [sflag:s6], $0x1  }
0xb2: {  	s5 =	sor.u32 @!p0 s5, s7;
	[sflag:s6] =	ssyncadd.s32 @!p0 $0xFFFFFFFF  }
0xb3: {  	s25 =	simm.s32 $0x1B8E;
	s24 =	sld [smem:$0x3FFE];
	[sflag:s5] =	ssyncadd.remote.s32 @!p0 $0x1  }
0xb4: {  	s26 =	simm.s32 $execute0_lowered;
	[smem:$0x3FD2] =	sst s25  }
0xb5: {  	s6 =	sshll.u32 s26, $0x1;
	_ =	strace $0x8000004F;
	[dreg:$0x1] =	wrdreg $0xFFFFFFFF  }
0xb6: {  	s28 =	simm.s32 $_size_execute0_lowered;
	s4 =	sadd.s32 s4, s6;
	[dreg:$0x0] =	wrdreg $0x0  }
0xb7: {  	s6 =	sshll.u32 s28, $0x1;
	[dreg:$0x2] =	wrdreg s4  }
0xb8: {  	[dreg:$0x3] =	wrdreg s6  }
0xb9: {  	[dreg:$0x4] =	wrdreg $0xC0  }
0xba: {  	_ =	task [dreg:s22], $0x5FFFF  }
0xbb: {  	[dreg:$0x1] =	wrdreg $0xFFFFFFFF  }
0xbc: {  	[dreg:$0x0] =	wrdreg $0x60  }
0xbd: {  	[dreg:$0x2] =	wrdreg s18  }
0xbe: {  	[dreg:$0x3] =	wrdreg s24  }
0xbf: {  	[dreg:$0x4] =	wrdreg $0xB  }
0xc0: {  	_ =	task.clear_ibuf [dreg:s22], $0x5FFFF;
	_ =	strace $0x9000004F  }
0xc1: {  	s29 =	simm.s32 $0xB;
	_ =	strace $0x80000051  }
0xc2: {  	_ =	swait.ge [sflag:s29], $0x1  }
0xc3: {  	[sflag:s29] =	ssyncadd.s32 $0xFFFFFFFF  }
0xc4: {  	_ =	strace $0x90000051  }
0xc5: {  	_ =	sfence  }
0xc6: {  	s30 =	sld [smem:$0x0];
	_ =	sdelay $0x2  }
0xc7: {  	s31 =	sshll.u32 s1, $0xD;
	s1 =	sshrl.u32 s1, $0x2  }
0xc8: {  	s4 =	sand.u32 $0x4000, s31;
	s1 =	sadd.s32 s1, s30  }
0xc9: {  	s0 =	sor.u32 s4, s0;
	s1 =	sshll.u32 s1, $0x11  }
0xca: {  	s0 =	sor.u32 s1, s0  }
0xcb: {  	s0 =	sadd.s32 $0x8F2B, s0  }
0xcc: {  	[sflag:s0] =	ssyncadd.remote.s32 $0x1  }
0xcd: {  	_ =	sfence.sel $0xFFFF  }
0xce: {  	[dreg:$0x0] =	wrdreg $0xFFFFFFFF;
	(pc) =	sbr.abs _section_cstart, $3  }
0xcf: {  	[dreg:$0x1] =	wrdreg $0xFFFFFFFF  }
0xd0: {  	_ =	task.clear_ibuf [dreg:s22], $0x2FFFF;
	_ =	strace $0x9FFFFFFF  }
0xd1: {  	(tm) =	ssettm $0x7FFFFFFF  }
tec
execute0_lowered:
.L_overlay_start_1:
0x0: {  	(tag) =	ssettag $0x1  }
0x1: {  	s1 =	rddreg [dreg:$0x0]  }
0x2: {  	s4 =	rddreg [dreg:$0x1]  }
0x3: {  	s0 =	rddreg [dreg:$0x2]  }
0x4: {  	s3 =	simm.s32 $0x0;
	s5 =	srdreg.scid;
	s2 =	stileid.u32  }
0x5: {  	[smem:$0x7FF] =	sst s3;
	s5 =	sand.u32 $0x1, s5;
	s6 =	sshll.u32 s2, $0x5  }
0x6: {  	s7 =	sshll.u32 s2, $0xC;
	_ =	strace $0x80000050;
	s8 =	ssub.s32 $0x2, s5  }
0x7: {  	s6 =	sadd.s32 s6, s4;
	s7 =	sadd.s32 s7, s4;
	s9 =	sshll.u32 s5, $0xB  }
0x8: {  	s5 =	sshll.u32 s5, $0x4;
	s4 =	sshll.u32 s2, $0x1;
	s30 =	sshrl.u32 s8, $0x1  }
0x9: {  	s7 =	sadd.s32 s9, s7;
	s31 =	sadd.s32 s5, s6;
	s8 =	ssub.s32 s8, s30  }
0xa: {  	s6 =	sadd.s32 $0x183A00, s7;
	s7 =	sadd.s32 $0x83A00, s31;
	s5 =	smax.u32 s8, $0x1  }
.LBB2_1:
0xb: {  	s8 =	sadd.s32 $0x0, s4  }
0xc: {  	p0 =	sgt.u32 s8, $0xF9  }
0xd: {  	s8 =	simm.s32 @!p0 $0x0;
	s9 =	simm.s32 @!p0 $0x3  }
0xe: {  	[tilespmem:s8], [sflag:$0x3] =	stream.linear.gather @!p0 [hbm4b:s7+s8], $0x80, $0x38;
	[tilespmem:$0x4080] =	vst v63  }
0xf: {  	_ =	swait.ge @!p0 [sflag:s9], $0x80  }
0x10: {  	[sflag:s9] =	ssyncset.done @!p0 $0x0;
	p0 =	por p0, p0  }
0x11: {  	[sflag:s9] =	ssyncadd.s32 @!p0 $0xFFFFFF80;
	s10 =	simm.s32 @!p0 $0x80;
	s11 =	simm.s32 @!p0 $0x1  }
0x12: {  	[tilespmem:s10], [sflag:$0x1] =	stream.indirect.gather @!p0 [hbm4b:s1+s10], $0x80, s8, s10, $0xb8;
	[tilespmem:$0x4080] =	vst v63  }
0x13: {  	_ =	swait.ge @!p0 [sflag:s11], $0x4000  }
0x14: {  	[sflag:s11] =	ssyncset.done @!p0 $0x0  }
0x15: {  	s31 =	sadd.s32 $0x20, s4;
	[sflag:s11] =	ssyncadd.s32 @!p0 $0xFFFFC000;
	s11 =	simm.s32 @!p0 $0x2  }
0x16: {  	[hbm4b:s6+s8] =	stream.linear.scatter @!p0 [tilespmem:s10], [sflag:$0x2], $0x4000, $0x38;
	[tilespmem:$0x4080] =	vst v63  }
0x17: {  	p1 =	sgt.u32 s31, $0xF9;
	s9 =	simm.s32 $0x40;
	_ =	swait.ge @!p0 [sflag:s11], $0x4000  }
0x18: {  	s10 =	sadd.s32 $0x200, s7;
	s8 =	sadd.s32 $0x10000, s6;
	[sflag:s11] =	ssyncset.done @!p0 $0x0  }
.LBB2_2:
0x19: {  	s12 =	simm.s32 @!p1 $0x0;
	s13 =	simm.s32 @!p1 $0x3;
	[sflag:s11] =	ssyncadd.s32 @!p0 $0xFFFFC000  }
0x1a: {  	[tilespmem:s12], [sflag:$0x3] =	stream.linear.gather @!p1 [hbm4b:s10+s12], $0x80, $0x38;
	[tilespmem:$0x4080] =	vst v63  }
0x1b: {  	s14 =	smov.u32 s9;
	s9 =	sadd.s32 $0x20, s9;
	_ =	swait.ge @!p1 [sflag:s13], $0x80  }
0x1c: {  	p0 =	por p1, p1;
	p2 =	sne.s32 s9, $0x100;
	[sflag:s13] =	ssyncset.done @!p1 $0x0  }
0x1d: {  	s11 =	simm.s32 @!p0 $0x1;
	[sflag:s13] =	ssyncadd.s32 @!p0 $0xFFFFFF80;
	s13 =	simm.s32 @!p0 $0x80  }
0x1e: {  	[tilespmem:s13], [sflag:$0x1] =	stream.indirect.gather @!p0 [hbm4b:s1+s13], $0x80, s12, s13, $0xb8;
	[tilespmem:$0x4080] =	vst v63  }
0x1f: {  	_ =	swait.ge @!p0 [sflag:s11], $0x4000  }
.Ltmp0:
0x20: {  	[sflag:s11] =	ssyncset.done @!p0 $0x0;
	(pc) =	sbr.rel @p2 .LBB2_2-.Ltmp0, $4  }
0x21: {  	[sflag:s11] =	ssyncadd.s32 @!p0 $0xFFFFC000;
	s11 =	simm.s32 @!p0 $0x2  }
0x22: {  	[hbm4b:s8+s12] =	stream.linear.scatter @!p0 [tilespmem:s13], [sflag:$0x2], $0x4000, $0x38;
	[tilespmem:$0x4080] =	vst v63  }
0x23: {  	s10 =	sadd.s32 $0x200, s10;
	s12 =	sadd.s32 s14, s4;
	_ =	swait.ge @!p0 [sflag:s11], $0x4000  }
0x24: {  	s8 =	sadd.s32 $0x10000, s8;
	p1 =	sgt.u32 s12, $0xF9;
	[sflag:s11] =	ssyncset.done @!p0 $0x0  }
0x25: {  	s9 =	simm.s32 @!p1 $0x0;
	s12 =	simm.s32 @!p1 $0x3;
	[sflag:s11] =	ssyncadd.s32 @!p0 $0xFFFFC000  }
0x26: {  	[tilespmem:s9], [sflag:$0x3] =	stream.linear.gather @!p1 [hbm4b:s10+s9], $0x80, $0x38;
	[tilespmem:$0x4080] =	vst v63  }
0x27: {  	_ =	swait.ge @!p1 [sflag:s12], $0x80  }
0x28: {  	p0 =	por p1, p1;
	[sflag:s12] =	ssyncset.done @!p1 $0x0  }
0x29: {  	s10 =	simm.s32 @!p0 $0x80;
	s11 =	simm.s32 @!p0 $0x1;
	[sflag:s12] =	ssyncadd.s32 @!p0 $0xFFFFFF80  }
0x2a: {  	[tilespmem:s10], [sflag:$0x1] =	stream.indirect.gather @!p0 [hbm4b:s1+s10], $0x80, s9, s10, $0xb8;
	[tilespmem:$0x4080] =	vst v63  }
0x2b: {  	s3 =	sadd.s32 $0x1, s3;
	_ =	swait.ge @!p0 [sflag:s11], $0x4000  }
0x2c: {  	p1 =	sne.s32 s3, s5;
	[sflag:s11] =	ssyncset.done @!p0 $0x0  }
.Ltmp1:
0x2d: {  	[sflag:s11] =	ssyncadd.s32 @!p0 $0xFFFFC000;
	s11 =	simm.s32 @!p0 $0x2;
	(pc) =	sbr.rel @p1 .LBB2_1-.Ltmp1, $4  }
0x2e: {  	[hbm4b:s8+s9] =	stream.linear.scatter @!p0 [tilespmem:s10], [sflag:$0x2], $0x4000, $0x38;
	[tilespmem:$0x4080] =	vst v63  }
0x2f: {  	_ =	swait.ge @!p0 [sflag:s11], $0x4000  }
0x30: {  	[sflag:s11] =	ssyncset.done @!p0 $0x0  }
0x31: {  	[sflag:s11] =	ssyncadd.s32 @!p0 $0xFFFFC000  }
0x32: {  	_ =	sfence.sel $0x180000  }
0x33: {  	[bflag:$0x0] =	sbarrier.arrive $0xFFFF  }
0x34: {  	p0 =	sne.s32 s2, $0x0;
	_ =	strace $0x90000050  }
0x35: {  	s0 =	sadd.s32 @!p0 $0x100000, s0;
	[bflag:$0x2] =	sbarrier.arrive $0xFFFF  }
0x36: {  	[sflag:s0] =	ssyncadd.tile.s32 @!p0 $0x1;
	_ =	shalt  }
.Lfunc_end2:
_tile_overlayer_lowered:
.L_overlay_start_2:
0x37: {  	(tag) =	ssettag $0x2  }
0x38: {  	s0 =	rddreg [dreg:$0x0];
	s2 =	stileid.u32  }
0x39: {  	s1 =	rddreg [dreg:$0x1];
	p0 =	sne.s32 s2, $0x0  }
0x3a: {  	s3 =	rddreg [dreg:$0x2];
	[bflag:$0x3] =	sbarrier.arrive $0xFFFF;
	s2 =	simm.s32 @!p0 $0x1C02  }
0x3b: {  	[timem:s3], [sflag:s2] =	dma.local @!p0 [hbm:s0], s1  }
0x3c: {  	s0 =	simm.s32 @!p0 $0x2  }
0x3d: {  	_ =	swait.ge @!p0 [sflag:s0], s1  }
0x3e: {  	s1 =	ssub.s32 @!p0 $0x0, s1;
	[sflag:s0] =	ssyncset.done @!p0 $0x0  }
0x3f: {  	[sflag:s0] =	ssyncadd.s32 @!p0 s1  }
0x40: {  	[bflag:$0x3] =	sbarrier.arrive $0xFFFF  }
0x41: {  	_ =	shalt  }

// kernel: kernel.30.cloned.1.call-start
scs
__scs_entry_jumppad:
0x0: {  	(pc) =	sbr.rel $0x88, $3  }
0x1: {  	(tag) =	ssettag $0x0;
	lr =	simm.s32 $0x1  }
0x2: {  	[smem:$0x3F9A] =	sst lr;
	_ =	strace $0xD0000000  }
0x3: {  	_ = 	snop  }
0x4: {  	_ = 	snop  }
0x5: {  	_ = 	snop  }
0x6: {  	_ = 	snop  }
0x7: {  	_ = 	snop  }
__scs_overlays_trampoline_lowered:
0x8: {  	[smem:$0x3FA9] =	sst s0  }
0x9: {  	[smem:$0x3FAA] =	sst s1  }
0xa: {  	[smem:$0x3FAB] =	sst s2  }
0xb: {  	[smem:$0x3FAC] =	sst s3  }
0xc: {  	[smem:$0x3FAD] =	sst s4  }
0xd: {  	[smem:$0x3FAE] =	sst s5  }
0xe: {  	[smem:$0x3FAF] =	sst s6  }
0xf: {  	[smem:$0x3FB0] =	sst s7  }
0x10: {  	[smem:$0x3FB1] =	sst s8  }
0x11: {  	[smem:$0x3FB2] =	sst s9;
	s0 =	simm.s32 @!p0 $0x0  }
0x12: {  	s1 =	sld [smem:$0x3F98];
	s0 =	simm.s32 @p0 $0x1  }
0x13: {  	[smem:$0x3FB3] =	sst s0;
	s0 =	simm.s32 @!p1 $0x0  }
0x14: {  	s2 =	sld [smem:$0x3F97];
	s0 =	simm.s32 @p1 $0x1  }
0x15: {  	[smem:$0x3FB4] =	sst s0;
	s0 =	simm.s32 @!p2 $0x0  }
0x16: {  	s3 =	sld [smem:$0x3FDB];
	s0 =	simm.s32 @p2 $0x1  }
0x17: {  	s4 =	simm.s32 $0x1BF5;
	[smem:$0x3FB6] =	sst s0  }
0x18: {  	s0 =	sld [smem:$0x3F99];
	_ =	swait.ge [sflag:s4], $0x0  }
0x19: {  	s7 =	sld [smem:$0x3F9A]  }
0x1a: {  	s8 =	sadd.s32 $0xFFFFE003, lr  }
0x1b: {  	s9 =	sadd.s32 $0xFFFFFEF7, lr;
	s5 =	simm.s32 $0xFFFFFFFF;
	p2 =	slt.u32 s8, $0xFFFFF086  }
0x1c: {  	p1 =	slt.u32 s9, $0xF7A;
	s5 =	simm.s32 @!p2 $0x0  }
0x1d: {  	s5 =	simm.s32 @p1 $0x1;
	p0 =	seq.s32 s7, s2  }
0x1e: {  	s7 =	smul.u32 @!p0 $0xF7A, s2;
	p2 =	seq.s32 @!p0 s5, $0x0  }
0x1f: {  	s9 =	smul.u32 $0xF7A, s1;
	s8 =	simm.s32 @!p0 $0x1BF5;
	p2 =	por !p2, p0  }
0x20: {  	[sflag:s8] =	ssyncset.s32 @!p0 $0xFFFFF086;
	s6 =	sadd.s32 @!p0 s3, s7;
	s7 =	simm.s32 @!p0 $0x108  }
0x21: {  	s3 =	sadd.s32 s3, s9;
	s6 =	sadd.s32 @!p0 $0x88, s6;
	s7 =	simm.s32 @p2 $0x1082  }
0x22: {  	[simem:s7], [sflag:s8] =	dma.local @!p0 [hbm:s6], $0xF7A  }
0x23: {  	s9 =	sor.u32 $0xD0000000, s2;
	s6 =	simm.s32 $0x108;
	_ =	swait.ge @!p0 [sflag:s8], $0x0  }
0x24: {  	s3 =	sadd.s32 $0x88, s3;
	s6 =	simm.s32 @!p1 $0x1082;
	[sflag:s4] =	ssyncset.s32 $0xFFFFF086  }
0x25: {  	[simem:s6], [sflag:s4] =	dma.local [hbm:s3], $0xF7A  }
0x26: {  	[smem:$0x3F9A] =	sst s1;
	(tag) =	ssettag s2;
	_ =	strace s9  }
0x27: {  	s1 =	sld [smem:$0x3FAA]  }
0x28: {  	s2 =	sld [smem:$0x3FAB]  }
0x29: {  	s4 =	sld [smem:$0x3FAD]  }
0x2a: {  	p0 =	seq.s32 s5, $0x0;
	s5 =	sld [smem:$0x3FAE]  }
0x2b: {  	s6 =	sld [smem:$0x3FAF]  }
0x2c: {  	s7 =	sld [smem:$0x3FB0]  }
0x2d: {  	s3 =	simm.s32 $0x108;
	s8 =	sld [smem:$0x3FB1]  }
0x2e: {  	s3 =	simm.s32 @!p0 $0x1082;
	s9 =	sld [smem:$0x3FB2]  }
0x2f: {  	lr =	sadd.s32 s0, s3;
	s0 =	sld [smem:$0x3FA9]  }
0x30: {  	s3 =	sld [smem:$0x3FAC]  }
0x31: {  	[smem:$0x3FB5] =	sst s10  }
0x32: {  	s10 =	sld [smem:$0x3FB3];
	_ =	sdelay $0x3  }
0x33: {  	p0 =	seq.s32 s10, $0x1;
	s10 =	sld [smem:$0x3FB5];
	_ =	sdelay $0x3  }
0x34: {  	[smem:$0x3FB5] =	sst s10  }
0x35: {  	s10 =	sld [smem:$0x3FB4];
	_ =	sdelay $0x3  }
0x36: {  	p1 =	seq.s32 s10, $0x1;
	s10 =	sld [smem:$0x3FB5];
	_ =	sdelay $0x3  }
0x37: {  	[smem:$0x3FB5] =	sst s10  }
0x38: {  	s10 =	sld [smem:$0x3FB6]  }
0x39: {  	_ = 	snop;
	(pc) =	sbr.ind lr, $3  }
0x3a: {  	_ = 	snop  }
0x3b: {  	_ = 	snop  }
0x3c: {  	p2 =	seq.s32 s10, $0x1;
	s10 =	sld [smem:$0x3FB5]  }
0x3d: {  	_ =	shalt  }
0x3e: {  	_ =	shalt  }
0x3f: {  	_ =	shalt  }
0x40: {  	_ =	shalt  }
0x41: {  	_ =	shalt  }
0x42: {  	_ =	shalt  }
0x43: {  	_ =	shalt  }
0x44: {  	_ =	shalt  }
0x45: {  	_ =	shalt  }
0x46: {  	_ =	shalt  }
0x47: {  	_ =	shalt  }
0x48: {  	_ =	shalt  }
0x49: {  	_ =	shalt  }
0x4a: {  	_ =	shalt  }
0x4b: {  	_ =	shalt  }
0x4c: {  	_ =	shalt  }
0x4d: {  	_ =	shalt  }
0x4e: {  	_ =	shalt  }
0x4f: {  	_ =	shalt  }
0x50: {  	_ =	shalt  }
0x51: {  	_ =	shalt  }
0x52: {  	_ =	shalt  }
0x53: {  	_ =	shalt  }
0x54: {  	_ =	shalt  }
0x55: {  	_ =	shalt  }
0x56: {  	_ =	shalt  }
0x57: {  	_ =	shalt  }
0x58: {  	_ =	shalt  }
0x59: {  	_ =	shalt  }
0x5a: {  	_ =	shalt  }
0x5b: {  	_ =	shalt  }
0x5c: {  	_ =	shalt  }
0x5d: {  	_ =	shalt  }
0x5e: {  	_ =	shalt  }
0x5f: {  	_ =	shalt  }
0x60: {  	_ =	shalt  }
0x61: {  	_ =	shalt  }
0x62: {  	_ =	shalt  }
0x63: {  	_ =	shalt  }
0x64: {  	_ =	shalt  }
0x65: {  	_ =	shalt  }
0x66: {  	_ =	shalt  }
0x67: {  	_ =	shalt  }
0x68: {  	_ =	shalt  }
0x69: {  	_ =	shalt  }
0x6a: {  	_ =	shalt  }
0x6b: {  	_ =	shalt  }
0x6c: {  	_ =	shalt  }
0x6d: {  	_ =	shalt  }
0x6e: {  	_ =	shalt  }
0x6f: {  	_ =	shalt  }
0x70: {  	_ =	shalt  }
0x71: {  	_ =	shalt  }
0x72: {  	_ =	shalt  }
0x73: {  	_ =	shalt  }
0x74: {  	_ =	shalt  }
0x75: {  	_ =	shalt  }
0x76: {  	_ =	shalt  }
0x77: {  	_ =	shalt  }
0x78: {  	_ =	shalt  }
0x79: {  	_ =	shalt  }
0x7a: {  	_ =	shalt  }
0x7b: {  	_ =	shalt  }
0x7c: {  	_ =	shalt  }
0x7d: {  	_ =	shalt  }
0x7e: {  	_ =	shalt  }
0x7f: {  	_ =	shalt  }
0x80: {  	_ =	shalt  }
0x81: {  	_ =	shalt  }
0x82: {  	_ =	shalt  }
0x83: {  	_ =	shalt  }
0x84: {  	_ =	shalt  }
0x85: {  	_ =	shalt  }
0x86: {  	_ =	shalt  }
0x87: {  	_ =	shalt  }
.Lfunc_end0:
.L_simem_size_0:
called_computation.4_lowered:
.L_overlay_start_0:
0x88: {  	s2 =	sld [smem:$0x3FD9]  }
0x89: {  	s3 =	sld [smem:$0x3FFE];
	_ =	sdelay $0x1  }
0x8a: {  	s1 =	srdreg.scid  }
0x8b: {  	s0 =	sand.u32 $0x1, s1  }
0x8c: {  	s17 =	sshll.u32 s0, $0xA;
	s2 =	sadd.s32 s3, s2  }
0x8d: {  	s2 =	sadd.s32 s2, s17  }
0x8e: {  	[smem:$0x3FC1] =	sst s2  }
0x8f: {  	_ = 	snop  }
0x90: {  	s18 =	sld [smem:$0x3FC9];
	(tm) =	ssettm $0x1  }
0x91: {  	s19 =	sld [smem:$0x3FFB];
	_ =	sdelay $0x3  }
0x92: {  	_ =	strace s19  }
0x93: {  	s2 =	sld [smem:$0x3FFC];
	_ =	sdelay $0x3  }
0x94: {  	_ =	strace s2  }
0x95: {  	s2 =	sld [smem:$0x3FFD];
	_ =	sdelay $0x3  }
0x96: {  	_ =	strace s2  }
0x97: {  	_ =	strace $0x8FFFFFFF  }
0x98: {  	s20 =	sld [smem:$0x3FDB];
	_ =	sdelay $0x1  }
0x99: {  	s4 =	simm.s32 $_scs_section_size  }
0x9a: {  	s5 =	simm.s32 $_size__tile_overlayer_lowered;
	s6 =	simm.s32 $_tile_overlayer_lowered  }
0x9b: {  	s7 =	simm.s32 $0x1BFF;
	s21 =	sshll.u32 s6, $0x1;
	s4 =	sadd.s32 s4, s20  }
0x9c: {  	s22 =	simm.s32 $0x0;
	s5 =	sshll.u32 s5, $0x1;
	s6 =	sadd.s32 s21, s4  }
0x9d: {  	[timem:s22], [sflag:s7] =	dma.local [hbm:s6], s5  }
0x9e: {  	_ =	swait.ge [sflag:s7], s5  }
0x9f: {  	s5 =	ssub.s32 $0x0, s5;
	[sflag:s7] =	ssyncset.done $0x0  }
0xa0: {  	[sflag:s7] =	ssyncadd.s32 s5;
	_ =	sdelay $0x1  }
0xa1: {  	s23 =	simm.s32 $0x1B8B  }
0xa2: {  	_ =	swait.ge [sflag:s23], $0x1  }
0xa3: {  	[sflag:s23] =	ssyncset.done $0x0  }
0xa4: {  	[sflag:s23] =	ssyncadd.s32 $0xFFFFFFFF  }
0xa5: {  	s5 =	sld [smem:$0x0]  }
0xa6: {  	s6 =	sand.u32 $0xFFFFFFFE, s1  }
0xa7: {  	p0 =	sne.s32 s1, s6  }
0xa8: {  	s6 =	sshll.u32 @p0 s6, $0xE  }
0xa9: {  	s6 =	sadd.s32 @p0 $0x11B8D, s6;
	s7 =	sshll.u32 @p0 s5, $0x11  }
0xaa: {  	s6 =	sor.u32 @p0 s7, s6  }
0xab: {  	[sflag:s6] =	ssyncadd.remote.s32 @p0 $0x1;
	_ =	sdelay $0x1  }
0xac: {  	s6 =	simm.s32 @p0 $0x1B8D  }
0xad: {  	_ =	swait.eq @p0 [sflag:s6], $0x1  }
0xae: {  	[sflag:s6] =	ssyncadd.s32 @p0 $0xFFFFFFFF  }
0xaf: {  	s7 =	sshll.u32 @!p0 s1, $0xE  }
0xb0: {  	s7 =	sor.u32 @!p0 $0x4000, s7;
	s6 =	simm.s32 @!p0 $0x1B8D  }
0xb1: {  	s5 =	sshll.u32 @!p0 s5, $0x11;
	s7 =	sadd.s32 @!p0 $0x11B8D, s7;
	_ =	swait.eq @!p0 [sflag:s6], $0x1  }
0xb2: {  	s5 =	sor.u32 @!p0 s5, s7;
	[sflag:s6] =	ssyncadd.s32 @!p0 $0xFFFFFFFF  }
0xb3: {  	s25 =	simm.s32 $0x1B8E;
	s24 =	sld [smem:$0x3FFE];
	[sflag:s5] =	ssyncadd.remote.s32 @!p0 $0x1  }
0xb4: {  	s26 =	simm.s32 $execute0_lowered;
	[smem:$0x3FD2] =	sst s25  }
0xb5: {  	s6 =	sshll.u32 s26, $0x1;
	_ =	strace $0x80000052;
	[dreg:$0x1] =	wrdreg $0xFFFFFFFF  }
0xb6: {  	s28 =	simm.s32 $_size_execute0_lowered;
	s4 =	sadd.s32 s4, s6;
	[dreg:$0x0] =	wrdreg $0x0  }
0xb7: {  	s6 =	sshll.u32 s28, $0x1;
	[dreg:$0x2] =	wrdreg s4  }
0xb8: {  	[dreg:$0x3] =	wrdreg s6  }
0xb9: {  	[dreg:$0x4] =	wrdreg $0xC0  }
0xba: {  	_ =	task [dreg:s22], $0x5FFFF  }
0xbb: {  	[dreg:$0x1] =	wrdreg $0xFFFFFFFF  }
0xbc: {  	[dreg:$0x0] =	wrdreg $0x60  }
0xbd: {  	[dreg:$0x2] =	wrdreg s18  }
0xbe: {  	[dreg:$0x3] =	wrdreg s24  }
0xbf: {  	[dreg:$0x4] =	wrdreg $0x9  }
0xc0: {  	_ =	task.clear_ibuf [dreg:s22], $0x5FFFF;
	_ =	strace $0x90000052  }
0xc1: {  	s29 =	simm.s32 $0x9;
	_ =	strace $0x80000054  }
0xc2: {  	_ =	swait.ge [sflag:s29], $0x1  }
0xc3: {  	[sflag:s29] =	ssyncadd.s32 $0xFFFFFFFF  }
0xc4: {  	_ =	strace $0x90000054  }
0xc5: {  	_ =	sfence  }
0xc6: {  	s30 =	sld [smem:$0x0];
	_ =	sdelay $0x2  }
0xc7: {  	s31 =	sshll.u32 s1, $0xD;
	s1 =	sshrl.u32 s1, $0x2  }
0xc8: {  	s4 =	sand.u32 $0x4000, s31;
	s1 =	sadd.s32 s1, s30  }
0xc9: {  	s0 =	sor.u32 s4, s0;
	s1 =	sshll.u32 s1, $0x11  }
0xca: {  	s0 =	sor.u32 s1, s0  }
0xcb: {  	s0 =	sadd.s32 $0x8F2B, s0  }
0xcc: {  	[sflag:s0] =	ssyncadd.remote.s32 $0x1  }
0xcd: {  	_ =	sfence.sel $0xFFFF  }
0xce: {  	[dreg:$0x0] =	wrdreg $0xFFFFFFFF;
	(pc) =	sbr.abs _section_cstart, $3  }
0xcf: {  	[dreg:$0x1] =	wrdreg $0xFFFFFFFF  }
0xd0: {  	_ =	task.clear_ibuf [dreg:s22], $0x2FFFF;
	_ =	strace $0x9FFFFFFF  }
0xd1: {  	(tm) =	ssettm $0x7FFFFFFF  }
tec
execute0_lowered:
.L_overlay_start_1:
0x0: {  	(tag) =	ssettag $0x1  }
0x1: {  	s1 =	rddreg [dreg:$0x0]  }
0x2: {  	s4 =	rddreg [dreg:$0x1]  }
0x3: {  	s0 =	rddreg [dreg:$0x2]  }
0x4: {  	s3 =	simm.s32 $0x0;
	s5 =	srdreg.scid;
	s2 =	stileid.u32  }
0x5: {  	[smem:$0x7FF] =	sst s3;
	s5 =	sand.u32 $0x1, s5;
	s6 =	sshll.u32 s2, $0x5  }
0x6: {  	s7 =	sshll.u32 s2, $0xC;
	_ =	strace $0x80000053;
	s8 =	ssub.s32 $0x2, s5  }
0x7: {  	s6 =	sadd.s32 s6, s4;
	s7 =	sadd.s32 s7, s4;
	s9 =	sshll.u32 s5, $0xB  }
0x8: {  	s5 =	sshll.u32 s5, $0x4;
	s4 =	sshll.u32 s2, $0x1;
	s30 =	sshrl.u32 s8, $0x1  }
0x9: {  	s7 =	sadd.s32 s9, s7;
	s31 =	sadd.s32 s5, s6;
	s8 =	ssub.s32 s8, s30  }
0xa: {  	s6 =	sadd.s32 $0x200A00, s7;
	s7 =	sadd.s32 $0x84A00, s31;
	s5 =	smax.u32 s8, $0x1  }
.LBB2_1:
0xb: {  	s8 =	sadd.s32 $0x0, s4  }
0xc: {  	p0 =	sgt.u32 s8, $0xF9  }
0xd: {  	s8 =	simm.s32 @!p0 $0x0;
	s9 =	simm.s32 @!p0 $0x3  }
0xe: {  	[tilespmem:s8], [sflag:$0x3] =	stream.linear.gather @!p0 [hbm4b:s7+s8], $0x80, $0x38;
	[tilespmem:$0x4080] =	vst v63  }
0xf: {  	_ =	swait.ge @!p0 [sflag:s9], $0x80  }
0x10: {  	[sflag:s9] =	ssyncset.done @!p0 $0x0;
	p0 =	por p0, p0  }
0x11: {  	[sflag:s9] =	ssyncadd.s32 @!p0 $0xFFFFFF80;
	s10 =	simm.s32 @!p0 $0x80;
	s11 =	simm.s32 @!p0 $0x1  }
0x12: {  	[tilespmem:s10], [sflag:$0x1] =	stream.indirect.gather @!p0 [hbm4b:s1+s10], $0x80, s8, s10, $0xb8;
	[tilespmem:$0x4080] =	vst v63  }
0x13: {  	_ =	swait.ge @!p0 [sflag:s11], $0x4000  }
0x14: {  	[sflag:s11] =	ssyncset.done @!p0 $0x0  }
0x15: {  	s31 =	sadd.s32 $0x20, s4;
	[sflag:s11] =	ssyncadd.s32 @!p0 $0xFFFFC000;
	s11 =	simm.s32 @!p0 $0x2  }
0x16: {  	[hbm4b:s6+s8] =	stream.linear.scatter @!p0 [tilespmem:s10], [sflag:$0x2], $0x4000, $0x38;
	[tilespmem:$0x4080] =	vst v63  }
0x17: {  	p1 =	sgt.u32 s31, $0xF9;
	s9 =	simm.s32 $0x40;
	_ =	swait.ge @!p0 [sflag:s11], $0x4000  }
0x18: {  	s10 =	sadd.s32 $0x200, s7;
	s8 =	sadd.s32 $0x10000, s6;
	[sflag:s11] =	ssyncset.done @!p0 $0x0  }
.LBB2_2:
0x19: {  	s12 =	simm.s32 @!p1 $0x0;
	s13 =	simm.s32 @!p1 $0x3;
	[sflag:s11] =	ssyncadd.s32 @!p0 $0xFFFFC000  }
0x1a: {  	[tilespmem:s12], [sflag:$0x3] =	stream.linear.gather @!p1 [hbm4b:s10+s12], $0x80, $0x38;
	[tilespmem:$0x4080] =	vst v63  }
0x1b: {  	s14 =	smov.u32 s9;
	s9 =	sadd.s32 $0x20, s9;
	_ =	swait.ge @!p1 [sflag:s13], $0x80  }
0x1c: {  	p0 =	por p1, p1;
	p2 =	sne.s32 s9, $0x100;
	[sflag:s13] =	ssyncset.done @!p1 $0x0  }
0x1d: {  	s11 =	simm.s32 @!p0 $0x1;
	[sflag:s13] =	ssyncadd.s32 @!p0 $0xFFFFFF80;
	s13 =	simm.s32 @!p0 $0x80  }
0x1e: {  	[tilespmem:s13], [sflag:$0x1] =	stream.indirect.gather @!p0 [hbm4b:s1+s13], $0x80, s12, s13, $0xb8;
	[tilespmem:$0x4080] =	vst v63  }
0x1f: {  	_ =	swait.ge @!p0 [sflag:s11], $0x4000  }
.Ltmp0:
0x20: {  	[sflag:s11] =	ssyncset.done @!p0 $0x0;
	(pc) =	sbr.rel @p2 .LBB2_2-.Ltmp0, $4  }
0x21: {  	[sflag:s11] =	ssyncadd.s32 @!p0 $0xFFFFC000;
	s11 =	simm.s32 @!p0 $0x2  }
0x22: {  	[hbm4b:s8+s12] =	stream.linear.scatter @!p0 [tilespmem:s13], [sflag:$0x2], $0x4000, $0x38;
	[tilespmem:$0x4080] =	vst v63  }
0x23: {  	s10 =	sadd.s32 $0x200, s10;
	s12 =	sadd.s32 s14, s4;
	_ =	swait.ge @!p0 [sflag:s11], $0x4000  }
0x24: {  	s8 =	sadd.s32 $0x10000, s8;
	p1 =	sgt.u32 s12, $0xF9;
	[sflag:s11] =	ssyncset.done @!p0 $0x0  }
0x25: {  	s9 =	simm.s32 @!p1 $0x0;
	s12 =	simm.s32 @!p1 $0x3;
	[sflag:s11] =	ssyncadd.s32 @!p0 $0xFFFFC000  }
0x26: {  	[tilespmem:s9], [sflag:$0x3] =	stream.linear.gather @!p1 [hbm4b:s10+s9], $0x80, $0x38;
	[tilespmem:$0x4080] =	vst v63  }
0x27: {  	_ =	swait.ge @!p1 [sflag:s12], $0x80  }
0x28: {  	p0 =	por p1, p1;
	[sflag:s12] =	ssyncset.done @!p1 $0x0  }
0x29: {  	s10 =	simm.s32 @!p0 $0x80;
	s11 =	simm.s32 @!p0 $0x1;
	[sflag:s12] =	ssyncadd.s32 @!p0 $0xFFFFFF80  }
0x2a: {  	[tilespmem:s10], [sflag:$0x1] =	stream.indirect.gather @!p0 [hbm4b:s1+s10], $0x80, s9, s10, $0xb8;
	[tilespmem:$0x4080] =	vst v63  }
0x2b: {  	s3 =	sadd.s32 $0x1, s3;
	_ =	swait.ge @!p0 [sflag:s11], $0x4000  }
0x2c: {  	p1 =	sne.s32 s3, s5;
	[sflag:s11] =	ssyncset.done @!p0 $0x0  }
.Ltmp1:
0x2d: {  	[sflag:s11] =	ssyncadd.s32 @!p0 $0xFFFFC000;
	s11 =	simm.s32 @!p0 $0x2;
	(pc) =	sbr.rel @p1 .LBB2_1-.Ltmp1, $4  }
0x2e: {  	[hbm4b:s8+s9] =	stream.linear.scatter @!p0 [tilespmem:s10], [sflag:$0x2], $0x4000, $0x38;
	[tilespmem:$0x4080] =	vst v63  }
0x2f: {  	_ =	swait.ge @!p0 [sflag:s11], $0x4000  }
0x30: {  	[sflag:s11] =	ssyncset.done @!p0 $0x0  }
0x31: {  	[sflag:s11] =	ssyncadd.s32 @!p0 $0xFFFFC000  }
0x32: {  	_ =	sfence.sel $0x180000  }
0x33: {  	[bflag:$0x0] =	sbarrier.arrive $0xFFFF  }
0x34: {  	p0 =	sne.s32 s2, $0x0;
	_ =	strace $0x90000053  }
0x35: {  	s0 =	sadd.s32 @!p0 $0x100000, s0;
	[bflag:$0x2] =	sbarrier.arrive $0xFFFF  }
0x36: {  	[sflag:s0] =	ssyncadd.tile.s32 @!p0 $0x1;
	_ =	shalt  }
.Lfunc_end2:
_tile_overlayer_lowered:
.L_overlay_start_2:
0x37: {  	(tag) =	ssettag $0x2  }
0x38: {  	s0 =	rddreg [dreg:$0x0];
	s2 =	stileid.u32  }
0x39: {  	s1 =	rddreg [dreg:$0x1];
	p0 =	sne.s32 s2, $0x0  }
0x3a: {  	s3 =	rddreg [dreg:$0x2];
	[bflag:$0x3] =	sbarrier.arrive $0xFFFF;
	s2 =	simm.s32 @!p0 $0x1C02  }
0x3b: {  	[timem:s3], [sflag:s2] =	dma.local @!p0 [hbm:s0], s1  }
0x3c: {  	s0 =	simm.s32 @!p0 $0x2  }
0x3d: {  	_ =	swait.ge @!p0 [sflag:s0], s1  }
0x3e: {  	s1 =	ssub.s32 @!p0 $0x0, s1;
	[sflag:s0] =	ssyncset.done @!p0 $0x0  }
0x3f: {  	[sflag:s0] =	ssyncadd.s32 @!p0 s1  }
0x40: {  	[bflag:$0x3] =	sbarrier.arrive $0xFFFF  }
0x41: {  	_ =	shalt  }

// kernel: kernel.33.cloned.1.call-start
scs
__scs_entry_jumppad:
0x0: {  	(pc) =	sbr.rel $0x88, $3  }
0x1: {  	(tag) =	ssettag $0x0;
	lr =	simm.s32 $0x1  }
0x2: {  	[smem:$0x3F9A] =	sst lr;
	_ =	strace $0xD0000000  }
0x3: {  	_ = 	snop  }
0x4: {  	_ = 	snop  }
0x5: {  	_ = 	snop  }
0x6: {  	_ = 	snop  }
0x7: {  	_ = 	snop  }
__scs_overlays_trampoline_lowered:
0x8: {  	[smem:$0x3FA9] =	sst s0  }
0x9: {  	[smem:$0x3FAA] =	sst s1  }
0xa: {  	[smem:$0x3FAB] =	sst s2  }
0xb: {  	[smem:$0x3FAC] =	sst s3  }
0xc: {  	[smem:$0x3FAD] =	sst s4  }
0xd: {  	[smem:$0x3FAE] =	sst s5  }
0xe: {  	[smem:$0x3FAF] =	sst s6  }
0xf: {  	[smem:$0x3FB0] =	sst s7  }
0x10: {  	[smem:$0x3FB1] =	sst s8  }
0x11: {  	[smem:$0x3FB2] =	sst s9;
	s0 =	simm.s32 @!p0 $0x0  }
0x12: {  	s1 =	sld [smem:$0x3F98];
	s0 =	simm.s32 @p0 $0x1  }
0x13: {  	[smem:$0x3FB3] =	sst s0;
	s0 =	simm.s32 @!p1 $0x0  }
0x14: {  	s2 =	sld [smem:$0x3F97];
	s0 =	simm.s32 @p1 $0x1  }
0x15: {  	[smem:$0x3FB4] =	sst s0;
	s0 =	simm.s32 @!p2 $0x0  }
0x16: {  	s3 =	sld [smem:$0x3FDB];
	s0 =	simm.s32 @p2 $0x1  }
0x17: {  	s4 =	simm.s32 $0x1BF5;
	[smem:$0x3FB6] =	sst s0  }
0x18: {  	s0 =	sld [smem:$0x3F99];
	_ =	swait.ge [sflag:s4], $0x0  }
0x19: {  	s7 =	sld [smem:$0x3F9A]  }
0x1a: {  	s8 =	sadd.s32 $0xFFFFE003, lr  }
0x1b: {  	s9 =	sadd.s32 $0xFFFFFEF7, lr;
	s5 =	simm.s32 $0xFFFFFFFF;
	p2 =	slt.u32 s8, $0xFFFFF086  }
0x1c: {  	p1 =	slt.u32 s9, $0xF7A;
	s5 =	simm.s32 @!p2 $0x0  }
0x1d: {  	s5 =	simm.s32 @p1 $0x1;
	p0 =	seq.s32 s7, s2  }
0x1e: {  	s7 =	smul.u32 @!p0 $0xF7A, s2;
	p2 =	seq.s32 @!p0 s5, $0x0  }
0x1f: {  	s9 =	smul.u32 $0xF7A, s1;
	s8 =	simm.s32 @!p0 $0x1BF5;
	p2 =	por !p2, p0  }
0x20: {  	[sflag:s8] =	ssyncset.s32 @!p0 $0xFFFFF086;
	s6 =	sadd.s32 @!p0 s3, s7;
	s7 =	simm.s32 @!p0 $0x108  }
0x21: {  	s3 =	sadd.s32 s3, s9;
	s6 =	sadd.s32 @!p0 $0x88, s6;
	s7 =	simm.s32 @p2 $0x1082  }
0x22: {  	[simem:s7], [sflag:s8] =	dma.local @!p0 [hbm:s6], $0xF7A  }
0x23: {  	s9 =	sor.u32 $0xD0000000, s2;
	s6 =	simm.s32 $0x108;
	_ =	swait.ge @!p0 [sflag:s8], $0x0  }
0x24: {  	s3 =	sadd.s32 $0x88, s3;
	s6 =	simm.s32 @!p1 $0x1082;
	[sflag:s4] =	ssyncset.s32 $0xFFFFF086  }
0x25: {  	[simem:s6], [sflag:s4] =	dma.local [hbm:s3], $0xF7A  }
0x26: {  	[smem:$0x3F9A] =	sst s1;
	(tag) =	ssettag s2;
	_ =	strace s9  }
0x27: {  	s1 =	sld [smem:$0x3FAA]  }
0x28: {  	s2 =	sld [smem:$0x3FAB]  }
0x29: {  	s4 =	sld [smem:$0x3FAD]  }
0x2a: {  	p0 =	seq.s32 s5, $0x0;
	s5 =	sld [smem:$0x3FAE]  }
0x2b: {  	s6 =	sld [smem:$0x3FAF]  }
0x2c: {  	s7 =	sld [smem:$0x3FB0]  }
0x2d: {  	s3 =	simm.s32 $0x108;
	s8 =	sld [smem:$0x3FB1]  }
0x2e: {  	s3 =	simm.s32 @!p0 $0x1082;
	s9 =	sld [smem:$0x3FB2]  }
0x2f: {  	lr =	sadd.s32 s0, s3;
	s0 =	sld [smem:$0x3FA9]  }
0x30: {  	s3 =	sld [smem:$0x3FAC]  }
0x31: {  	[smem:$0x3FB5] =	sst s10  }
0x32: {  	s10 =	sld [smem:$0x3FB3];
	_ =	sdelay $0x3  }
0x33: {  	p0 =	seq.s32 s10, $0x1;
	s10 =	sld [smem:$0x3FB5];
	_ =	sdelay $0x3  }
0x34: {  	[smem:$0x3FB5] =	sst s10  }
0x35: {  	s10 =	sld [smem:$0x3FB4];
	_ =	sdelay $0x3  }
0x36: {  	p1 =	seq.s32 s10, $0x1;
	s10 =	sld [smem:$0x3FB5];
	_ =	sdelay $0x3  }
0x37: {  	[smem:$0x3FB5] =	sst s10  }
0x38: {  	s10 =	sld [smem:$0x3FB6]  }
0x39: {  	_ = 	snop;
	(pc) =	sbr.ind lr, $3  }
0x3a: {  	_ = 	snop  }
0x3b: {  	_ = 	snop  }
0x3c: {  	p2 =	seq.s32 s10, $0x1;
	s10 =	sld [smem:$0x3FB5]  }
0x3d: {  	_ =	shalt  }
0x3e: {  	_ =	shalt  }
0x3f: {  	_ =	shalt  }
0x40: {  	_ =	shalt  }
0x41: {  	_ =	shalt  }
0x42: {  	_ =	shalt  }
0x43: {  	_ =	shalt  }
0x44: {  	_ =	shalt  }
0x45: {  	_ =	shalt  }
0x46: {  	_ =	shalt  }
0x47: {  	_ =	shalt  }
0x48: {  	_ =	shalt  }
0x49: {  	_ =	shalt  }
0x4a: {  	_ =	shalt  }
0x4b: {  	_ =	shalt  }
0x4c: {  	_ =	shalt  }
0x4d: {  	_ =	shalt  }
0x4e: {  	_ =	shalt  }
0x4f: {  	_ =	shalt  }
0x50: {  	_ =	shalt  }
0x51: {  	_ =	shalt  }
0x52: {  	_ =	shalt  }
0x53: {  	_ =	shalt  }
0x54: {  	_ =	shalt  }
0x55: {  	_ =	shalt  }
0x56: {  	_ =	shalt  }
0x57: {  	_ =	shalt  }
0x58: {  	_ =	shalt  }
0x59: {  	_ =	shalt  }
0x5a: {  	_ =	shalt  }
0x5b: {  	_ =	shalt  }
0x5c: {  	_ =	shalt  }
0x5d: {  	_ =	shalt  }
0x5e: {  	_ =	shalt  }
0x5f: {  	_ =	shalt  }
0x60: {  	_ =	shalt  }
0x61: {  	_ =	shalt  }
0x62: {  	_ =	shalt  }
0x63: {  	_ =	shalt  }
0x64: {  	_ =	shalt  }
0x65: {  	_ =	shalt  }
0x66: {  	_ =	shalt  }
0x67: {  	_ =	shalt  }
0x68: {  	_ =	shalt  }
0x69: {  	_ =	shalt  }
0x6a: {  	_ =	shalt  }
0x6b: {  	_ =	shalt  }
0x6c: {  	_ =	shalt  }
0x6d: {  	_ =	shalt  }
0x6e: {  	_ =	shalt  }
0x6f: {  	_ =	shalt  }
0x70: {  	_ =	shalt  }
0x71: {  	_ =	shalt  }
0x72: {  	_ =	shalt  }
0x73: {  	_ =	shalt  }
0x74: {  	_ =	shalt  }
0x75: {  	_ =	shalt  }
0x76: {  	_ =	shalt  }
0x77: {  	_ =	shalt  }
0x78: {  	_ =	shalt  }
0x79: {  	_ =	shalt  }
0x7a: {  	_ =	shalt  }
0x7b: {  	_ =	shalt  }
0x7c: {  	_ =	shalt  }
0x7d: {  	_ =	shalt  }
0x7e: {  	_ =	shalt  }
0x7f: {  	_ =	shalt  }
0x80: {  	_ =	shalt  }
0x81: {  	_ =	shalt  }
0x82: {  	_ =	shalt  }
0x83: {  	_ =	shalt  }
0x84: {  	_ =	shalt  }
0x85: {  	_ =	shalt  }
0x86: {  	_ =	shalt  }
0x87: {  	_ =	shalt  }
.Lfunc_end0:
.L_simem_size_0:
called_computation.5_lowered:
.L_overlay_start_0:
0x88: {  	s2 =	sld [smem:$0x3FD9]  }
0x89: {  	s3 =	sld [smem:$0x3FFE];
	_ =	sdelay $0x1  }
0x8a: {  	s1 =	srdreg.scid  }
0x8b: {  	s0 =	sand.u32 $0x1, s1  }
0x8c: {  	s17 =	sshll.u32 s0, $0xA;
	s2 =	sadd.s32 s3, s2  }
0x8d: {  	s2 =	sadd.s32 s2, s17  }
0x8e: {  	[smem:$0x3FC1] =	sst s2  }
0x8f: {  	_ = 	snop  }
0x90: {  	s18 =	sld [smem:$0x3FD0];
	(tm) =	ssettm $0x1  }
0x91: {  	s19 =	sld [smem:$0x3FFB];
	_ =	sdelay $0x3  }
0x92: {  	_ =	strace s19  }
0x93: {  	s2 =	sld [smem:$0x3FFC];
	_ =	sdelay $0x3  }
0x94: {  	_ =	strace s2  }
0x95: {  	s2 =	sld [smem:$0x3FFD];
	_ =	sdelay $0x3  }
0x96: {  	_ =	strace s2  }
0x97: {  	_ =	strace $0x8FFFFFFF  }
0x98: {  	s20 =	sld [smem:$0x3FDB];
	_ =	sdelay $0x1  }
0x99: {  	s4 =	simm.s32 $_scs_section_size  }
0x9a: {  	s5 =	simm.s32 $_size__tile_overlayer_lowered;
	s6 =	simm.s32 $_tile_overlayer_lowered  }
0x9b: {  	s7 =	simm.s32 $0x1BFF;
	s21 =	sshll.u32 s6, $0x1;
	s4 =	sadd.s32 s4, s20  }
0x9c: {  	s22 =	simm.s32 $0x0;
	s5 =	sshll.u32 s5, $0x1;
	s6 =	sadd.s32 s21, s4  }
0x9d: {  	[timem:s22], [sflag:s7] =	dma.local [hbm:s6], s5  }
0x9e: {  	_ =	swait.ge [sflag:s7], s5  }
0x9f: {  	s5 =	ssub.s32 $0x0, s5;
	[sflag:s7] =	ssyncset.done $0x0  }
0xa0: {  	[sflag:s7] =	ssyncadd.s32 s5;
	_ =	sdelay $0x1  }
0xa1: {  	s23 =	simm.s32 $0x1B8B  }
0xa2: {  	_ =	swait.ge [sflag:s23], $0x1  }
0xa3: {  	[sflag:s23] =	ssyncset.done $0x0  }
0xa4: {  	[sflag:s23] =	ssyncadd.s32 $0xFFFFFFFF  }
0xa5: {  	s5 =	sld [smem:$0x0]  }
0xa6: {  	s6 =	sand.u32 $0xFFFFFFFE, s1  }
0xa7: {  	p0 =	sne.s32 s1, s6  }
0xa8: {  	s6 =	sshll.u32 @p0 s6, $0xE  }
0xa9: {  	s6 =	sadd.s32 @p0 $0x11B8D, s6;
	s7 =	sshll.u32 @p0 s5, $0x11  }
0xaa: {  	s6 =	sor.u32 @p0 s7, s6  }
0xab: {  	[sflag:s6] =	ssyncadd.remote.s32 @p0 $0x1;
	_ =	sdelay $0x1  }
0xac: {  	s6 =	simm.s32 @p0 $0x1B8D  }
0xad: {  	_ =	swait.eq @p0 [sflag:s6], $0x1  }
0xae: {  	[sflag:s6] =	ssyncadd.s32 @p0 $0xFFFFFFFF  }
0xaf: {  	s7 =	sshll.u32 @!p0 s1, $0xE  }
0xb0: {  	s7 =	sor.u32 @!p0 $0x4000, s7;
	s6 =	simm.s32 @!p0 $0x1B8D  }
0xb1: {  	s5 =	sshll.u32 @!p0 s5, $0x11;
	s7 =	sadd.s32 @!p0 $0x11B8D, s7;
	_ =	swait.eq @!p0 [sflag:s6], $0x1  }
0xb2: {  	s5 =	sor.u32 @!p0 s5, s7;
	[sflag:s6] =	ssyncadd.s32 @!p0 $0xFFFFFFFF  }
0xb3: {  	s25 =	simm.s32 $0x1B8E;
	s24 =	sld [smem:$0x3FFE];
	[sflag:s5] =	ssyncadd.remote.s32 @!p0 $0x1  }
0xb4: {  	s26 =	simm.s32 $execute0_lowered;
	[smem:$0x3FD2] =	sst s25  }
0xb5: {  	s6 =	sshll.u32 s26, $0x1;
	_ =	strace $0x80000055;
	[dreg:$0x1] =	wrdreg $0xFFFFFFFF  }
0xb6: {  	s28 =	simm.s32 $_size_execute0_lowered;
	s4 =	sadd.s32 s4, s6;
	[dreg:$0x0] =	wrdreg $0x0  }
0xb7: {  	s6 =	sshll.u32 s28, $0x1;
	[dreg:$0x2] =	wrdreg s4  }
0xb8: {  	[dreg:$0x3] =	wrdreg s6  }
0xb9: {  	[dreg:$0x4] =	wrdreg $0xC0  }
0xba: {  	_ =	task [dreg:s22], $0x5FFFF  }
0xbb: {  	[dreg:$0x1] =	wrdreg $0xFFFFFFFF  }
0xbc: {  	[dreg:$0x0] =	wrdreg $0x60  }
0xbd: {  	[dreg:$0x2] =	wrdreg s24  }
0xbe: {  	[dreg:$0x3] =	wrdreg s18  }
0xbf: {  	[dreg:$0x4] =	wrdreg $0x40800  }
0xc0: {  	[dreg:$0x5] =	wrdreg $0xA  }
0xc1: {  	_ =	task.clear_ibuf [dreg:s22], $0x6FFFF;
	_ =	strace $0x90000055  }
0xc2: {  	s29 =	simm.s32 $0xA;
	_ =	strace $0x80000057  }
0xc3: {  	_ =	swait.ge [sflag:s29], $0x1  }
0xc4: {  	[sflag:s29] =	ssyncadd.s32 $0xFFFFFFFF  }
0xc5: {  	_ =	strace $0x90000057  }
0xc6: {  	_ =	sfence  }
0xc7: {  	s30 =	sld [smem:$0x0];
	_ =	sdelay $0x2  }
0xc8: {  	s31 =	sshll.u32 s1, $0xD;
	s1 =	sshrl.u32 s1, $0x2  }
0xc9: {  	s4 =	sand.u32 $0x4000, s31;
	s1 =	sadd.s32 s1, s30  }
0xca: {  	s0 =	sor.u32 s4, s0;
	s1 =	sshll.u32 s1, $0x11  }
0xcb: {  	s0 =	sor.u32 s1, s0  }
0xcc: {  	s0 =	sadd.s32 $0x8F2B, s0  }
0xcd: {  	[sflag:s0] =	ssyncadd.remote.s32 $0x1  }
0xce: {  	_ =	sfence.sel $0xFFFF  }
0xcf: {  	[dreg:$0x0] =	wrdreg $0xFFFFFFFF;
	(pc) =	sbr.abs _section_cstart, $3  }
0xd0: {  	[dreg:$0x1] =	wrdreg $0xFFFFFFFF  }
0xd1: {  	_ =	task.clear_ibuf [dreg:s22], $0x2FFFF;
	_ =	strace $0x9FFFFFFF  }
0xd2: {  	(tm) =	ssettm $0x7FFFFFFF  }
0xd3: {  	_ =	shalt  }
tec
execute0_lowered:
.L_overlay_start_1:
0x0: {  	(tag) =	ssettag $0x1  }
0x1: {  	s5 =	rddreg [dreg:$0x0]  }
0x2: {  	s1 =	rddreg [dreg:$0x1]  }
0x3: {  	s0 =	srdreg.scid;
	s3 =	stileid.u32  }
0x4: {  	s2 =	rddreg [dreg:$0x2];
	s4 =	simm.s32 $0x0;
	s9 =	smul.u32 $0x14000, s3  }
0x5: {  	s6 =	sand.u32 $0x1, s0;
	s0 =	rddreg [dreg:$0x3];
	s24 =	smul.u32 $0x50000, s3  }
0x6: {  	[smem:$0x7FF] =	sst s4;
	s28 =	sshll.u32 s3, $0x6;
	s7 =	smul.u32 $0x3E800, s6  }
0x7: {  	s29 =	sshll.u32 s3, $0xB;
	s31 =	sshll.u32 s3, $0x4;
	s8 =	smul.u32 $0x140000, s6  }
0x8: {  	_ =	strace $0x80000056;
	s10 =	smul.u32 $0x7D0, s6;
	s6 =	ssub.s32 $0x2, s6  }
0x9: {  	s25 =	sshrl.u32 s6, $0x1;
	s26 =	sshrl.u32 s24, $0x2;
	s7 =	sadd.s32 s7, s5  }
0xa: {  	s8 =	sadd.s32 s9, s8;
	s10 =	sadd.s32 s10, s5;
	s11 =	ssub.s32 s6, s25  }
0xb: {  	s12 =	sadd.s32 s26, s2;
	s8 =	sshrl.u32 s8, $0x3;
	s30 =	sadd.s32 s29, s7  }
0xc: {  	s7 =	smax.u32 s11, $0x1;
	s9 =	sadd.s32 s31, s10;
	s10 =	sshrl.u32 s12, $0x3  }
0xd: {  	s11 =	simm.s32 $0x1;
	s8 =	sadd.s32 s8, s5;
	s5 =	sor.u32 $0x1C01, s28  }
0xe: {  	s9 =	sadd.s32 $0x3A00, s9;
	s6 =	sadd.s32 $0x4A00, s8;
	s8 =	sadd.s32 $0x27DA00, s30  }
.LBB2_1:
0xf: {  	[spmem:s10], [sflag:s5] =	dma.local [hbm:s1], $0x2800  }
0x10: {  	_ =	swait.ge [sflag:s11], $0x2800  }
0x11: {  	s12 =	sadd.s32 $0x0, s3;
	[sflag:s11] =	ssyncset.done $0x0  }
0x12: {  	p0 =	sgt.u32 s12, $0x7C;
	[sflag:s11] =	ssyncadd.s32 $0xFFFFD800  }
0x13: {  	s12 =	simm.s32 @!p0 $0x0;
	s14 =	simm.s32 @!p0 $0x2;
	[bflag:$0x0] =	sbarrier.arrive $0xFFFF  }
0x14: {  	[tilespmem:s12], [sflag:$0x2] =	stream.linear.gather @!p0 [hbm4b:s9+s12], $0x80, $0x38;
	[tilespmem:$0x18080] =	vst v63  }
0x15: {  	_ =	swait.ge @!p0 [sflag:s14], $0x80  }
0x16: {  	[sflag:s14] =	ssyncset.done @!p0 $0x0;
	p0 =	por p0, p0  }
0x17: {  	[sflag:s14] =	ssyncadd.s32 @!p0 $0xFFFFFF80;
	s16 =	simm.s32 @!p0 $0x80  }
0x18: {  	[tilespmem:s16], [sflag:$0x2] =	stream.linear.gather @!p0 [hbm4b:s8+s12], $0x4000, $0x38;
	[tilespmem:$0x18080] =	vst v63  }
0x19: {  	_ =	swait.ge @!p0 [sflag:s14], $0x4000  }
0x1a: {  	[sflag:s14] =	ssyncset.done @!p0 $0x0  }
0x1b: {  	s31 =	sadd.s32 $0x10, s3;
	s15 =	simm.s32 @!p0 $0x1;
	[sflag:s14] =	ssyncadd.s32 @!p0 $0xFFFFC000  }
0x1c: {  	[spmem:s2] =	stream.indirect.scatter.add.f32 @!p0 [tilespmem:s16], [sflag:$0x1], $0x80, s12, s16, $0xb8;
	[tilespmem:$0x18080] =	vst v63  }
0x1d: {  	s13 =	simm.s32 $0x20;
	p1 =	sgt.u32 s31, $0x7C;
	_ =	swait.ge @!p0 [sflag:s15], $0x4000  }
0x1e: {  	s14 =	sadd.s32 $0x100, s9;
	s12 =	sadd.s32 $0x8000, s8;
	[sflag:s15] =	ssyncset.done @!p0 $0x0  }
.LBB2_2:
0x1f: {  	s16 =	simm.s32 @!p1 $0x0;
	s17 =	simm.s32 @!p1 $0x2;
	[sflag:s15] =	ssyncadd.s32 @!p0 $0xFFFFC000  }
0x20: {  	[tilespmem:s16], [sflag:$0x2] =	stream.linear.gather @!p1 [hbm4b:s14+s16], $0x80, $0x38;
	[tilespmem:$0x18080] =	vst v63  }
0x21: {  	s18 =	smov.u32 s13;
	s13 =	sadd.s32 $0x10, s13;
	_ =	swait.ge @!p1 [sflag:s17], $0x80  }
0x22: {  	p0 =	por p1, p1;
	p2 =	sne.s32 s13, $0x80;
	[sflag:s17] =	ssyncset.done @!p1 $0x0  }
0x23: {  	s19 =	simm.s32 @!p0 $0x80;
	[sflag:s17] =	ssyncadd.s32 @!p0 $0xFFFFFF80  }
0x24: {  	[tilespmem:s19], [sflag:$0x2] =	stream.linear.gather @!p0 [hbm4b:s12+s16], $0x4000, $0x38;
	[tilespmem:$0x18080] =	vst v63  }
0x25: {  	_ =	swait.ge @!p0 [sflag:s17], $0x4000  }
.Ltmp0:
0x26: {  	[sflag:s17] =	ssyncset.done @!p0 $0x0;
	(pc) =	sbr.rel @p2 .LBB2_2-.Ltmp0, $4  }
0x27: {  	s15 =	simm.s32 @!p0 $0x1;
	[sflag:s17] =	ssyncadd.s32 @!p0 $0xFFFFC000  }
0x28: {  	[spmem:s2] =	stream.indirect.scatter.add.f32 @!p0 [tilespmem:s19], [sflag:$0x1], $0x80, s16, s19, $0xb8;
	[tilespmem:$0x18080] =	vst v63  }
0x29: {  	s14 =	sadd.s32 $0x100, s14;
	s16 =	sadd.s32 s18, s3;
	_ =	swait.ge @!p0 [sflag:s15], $0x4000  }
0x2a: {  	s12 =	sadd.s32 $0x8000, s12;
	p1 =	sgt.u32 s16, $0x7C;
	[sflag:s15] =	ssyncset.done @!p0 $0x0  }
0x2b: {  	s13 =	simm.s32 @!p1 $0x0;
	s16 =	simm.s32 @!p1 $0x2;
	[sflag:s15] =	ssyncadd.s32 @!p0 $0xFFFFC000  }
0x2c: {  	[tilespmem:s13], [sflag:$0x2] =	stream.linear.gather @!p1 [hbm4b:s14+s13], $0x80, $0x38;
	[tilespmem:$0x18080] =	vst v63  }
0x2d: {  	_ =	swait.ge @!p1 [sflag:s16], $0x80  }
0x2e: {  	p0 =	por p1, p1;
	[sflag:s16] =	ssyncset.done @!p1 $0x0  }
0x2f: {  	s14 =	simm.s32 @!p0 $0x80;
	[sflag:s16] =	ssyncadd.s32 @!p0 $0xFFFFFF80  }
0x30: {  	[tilespmem:s14], [sflag:$0x2] =	stream.linear.gather @!p0 [hbm4b:s12+s13], $0x4000, $0x38;
	[tilespmem:$0x18080] =	vst v63  }
0x31: {  	_ =	swait.ge @!p0 [sflag:s16], $0x4000  }
0x32: {  	[sflag:s16] =	ssyncset.done @!p0 $0x0  }
0x33: {  	s12 =	simm.s32 @!p0 $0x1;
	[sflag:s16] =	ssyncadd.s32 @!p0 $0xFFFFC000  }
0x34: {  	[spmem:s2] =	stream.indirect.scatter.add.f32 @!p0 [tilespmem:s14], [sflag:$0x1], $0x80, s13, s14, $0xb8;
	[tilespmem:$0x18080] =	vst v63  }
0x35: {  	_ =	swait.ge @!p0 [sflag:s12], $0x4000  }
0x36: {  	s4 =	sadd.s32 $0x1, s4;
	[sflag:s12] =	ssyncset.done @!p0 $0x0  }
0x37: {  	[sflag:s12] =	ssyncadd.s32 @!p0 $0xFFFFC000;
	p0 =	sne.s32 s4, s7  }
.Ltmp1:
0x38: {  	[bflag:$0x0] =	sbarrier.arrive $0xFFFF;
	(pc) =	sbr.rel @p0 .LBB2_1-.Ltmp1, $4  }
0x39: {  	[hbm:s6], [sflag:s5] =	dma.local [spmem:s10], $0x2800  }
0x3a: {  	_ =	swait.ge [sflag:s11], $0x2800  }
0x3b: {  	[sflag:s11] =	ssyncset.done $0x0  }
0x3c: {  	[sflag:s11] =	ssyncadd.s32 $0xFFFFD800  }
0x3d: {  	_ =	sfence.sel $0x180000  }
0x3e: {  	[bflag:$0x0] =	sbarrier.arrive $0xFFFF  }
0x3f: {  	p0 =	sne.s32 s3, $0x0;
	_ =	strace $0x90000056  }
0x40: {  	s0 =	sadd.s32 @!p0 $0x100000, s0;
	[bflag:$0x2] =	sbarrier.arrive $0xFFFF  }
0x41: {  	[sflag:s0] =	ssyncadd.tile.s32 @!p0 $0x1;
	_ =	shalt  }
.Lfunc_end2:
_tile_overlayer_lowered:
.L_overlay_start_2:
0x42: {  	(tag) =	ssettag $0x2  }
0x43: {  	s0 =	rddreg [dreg:$0x0];
	s2 =	stileid.u32  }
0x44: {  	s1 =	rddreg [dreg:$0x1];
	p0 =	sne.s32 s2, $0x0  }
0x45: {  	s3 =	rddreg [dreg:$0x2];
	[bflag:$0x3] =	sbarrier.arrive $0xFFFF;
	s2 =	simm.s32 @!p0 $0x1C01  }
0x46: {  	[timem:s3], [sflag:s2] =	dma.local @!p0 [hbm:s0], s1  }
0x47: {  	s0 =	simm.s32 @!p0 $0x1  }
0x48: {  	_ =	swait.ge @!p0 [sflag:s0], s1  }
0x49: {  	s1 =	ssub.s32 @!p0 $0x0, s1;
	[sflag:s0] =	ssyncset.done @!p0 $0x0  }
0x4a: {  	[sflag:s0] =	ssyncadd.s32 @!p0 s1  }
0x4b: {  	[bflag:$0x3] =	sbarrier.arrive $0xFFFF  }
0x4c: {  	_ =	shalt  }

// kernel: kernel.36.cloned.1.call-start
scs
__scs_entry_jumppad:
0x0: {  	(pc) =	sbr.rel $0x88, $3  }
0x1: {  	(tag) =	ssettag $0x0;
	lr =	simm.s32 $0x1  }
0x2: {  	[smem:$0x3F9A] =	sst lr;
	_ =	strace $0xD0000000  }
0x3: {  	_ = 	snop  }
0x4: {  	_ = 	snop  }
0x5: {  	_ = 	snop  }
0x6: {  	_ = 	snop  }
0x7: {  	_ = 	snop  }
__scs_overlays_trampoline_lowered:
0x8: {  	[smem:$0x3FA9] =	sst s0  }
0x9: {  	[smem:$0x3FAA] =	sst s1  }
0xa: {  	[smem:$0x3FAB] =	sst s2  }
0xb: {  	[smem:$0x3FAC] =	sst s3  }
0xc: {  	[smem:$0x3FAD] =	sst s4  }
0xd: {  	[smem:$0x3FAE] =	sst s5  }
0xe: {  	[smem:$0x3FAF] =	sst s6  }
0xf: {  	[smem:$0x3FB0] =	sst s7  }
0x10: {  	[smem:$0x3FB1] =	sst s8  }
0x11: {  	[smem:$0x3FB2] =	sst s9;
	s0 =	simm.s32 @!p0 $0x0  }
0x12: {  	s1 =	sld [smem:$0x3F98];
	s0 =	simm.s32 @p0 $0x1  }
0x13: {  	[smem:$0x3FB3] =	sst s0;
	s0 =	simm.s32 @!p1 $0x0  }
0x14: {  	s2 =	sld [smem:$0x3F97];
	s0 =	simm.s32 @p1 $0x1  }
0x15: {  	[smem:$0x3FB4] =	sst s0;
	s0 =	simm.s32 @!p2 $0x0  }
0x16: {  	s3 =	sld [smem:$0x3FDB];
	s0 =	simm.s32 @p2 $0x1  }
0x17: {  	s4 =	simm.s32 $0x1BF5;
	[smem:$0x3FB6] =	sst s0  }
0x18: {  	s0 =	sld [smem:$0x3F99];
	_ =	swait.ge [sflag:s4], $0x0  }
0x19: {  	s7 =	sld [smem:$0x3F9A]  }
0x1a: {  	s8 =	sadd.s32 $0xFFFFE003, lr  }
0x1b: {  	s9 =	sadd.s32 $0xFFFFFEF7, lr;
	s5 =	simm.s32 $0xFFFFFFFF;
	p2 =	slt.u32 s8, $0xFFFFF086  }
0x1c: {  	p1 =	slt.u32 s9, $0xF7A;
	s5 =	simm.s32 @!p2 $0x0  }
0x1d: {  	s5 =	simm.s32 @p1 $0x1;
	p0 =	seq.s32 s7, s2  }
0x1e: {  	s7 =	smul.u32 @!p0 $0xF7A, s2;
	p2 =	seq.s32 @!p0 s5, $0x0  }
0x1f: {  	s9 =	smul.u32 $0xF7A, s1;
	s8 =	simm.s32 @!p0 $0x1BF5;
	p2 =	por !p2, p0  }
0x20: {  	[sflag:s8] =	ssyncset.s32 @!p0 $0xFFFFF086;
	s6 =	sadd.s32 @!p0 s3, s7;
	s7 =	simm.s32 @!p0 $0x108  }
0x21: {  	s3 =	sadd.s32 s3, s9;
	s6 =	sadd.s32 @!p0 $0x88, s6;
	s7 =	simm.s32 @p2 $0x1082  }
0x22: {  	[simem:s7], [sflag:s8] =	dma.local @!p0 [hbm:s6], $0xF7A  }
0x23: {  	s9 =	sor.u32 $0xD0000000, s2;
	s6 =	simm.s32 $0x108;
	_ =	swait.ge @!p0 [sflag:s8], $0x0  }
0x24: {  	s3 =	sadd.s32 $0x88, s3;
	s6 =	simm.s32 @!p1 $0x1082;
	[sflag:s4] =	ssyncset.s32 $0xFFFFF086  }
0x25: {  	[simem:s6], [sflag:s4] =	dma.local [hbm:s3], $0xF7A  }
0x26: {  	[smem:$0x3F9A] =	sst s1;
	(tag) =	ssettag s2;
	_ =	strace s9  }
0x27: {  	s1 =	sld [smem:$0x3FAA]  }
0x28: {  	s2 =	sld [smem:$0x3FAB]  }
0x29: {  	s4 =	sld [smem:$0x3FAD]  }
0x2a: {  	p0 =	seq.s32 s5, $0x0;
	s5 =	sld [smem:$0x3FAE]  }
0x2b: {  	s6 =	sld [smem:$0x3FAF]  }
0x2c: {  	s7 =	sld [smem:$0x3FB0]  }
0x2d: {  	s3 =	simm.s32 $0x108;
	s8 =	sld [smem:$0x3FB1]  }
0x2e: {  	s3 =	simm.s32 @!p0 $0x1082;
	s9 =	sld [smem:$0x3FB2]  }
0x2f: {  	lr =	sadd.s32 s0, s3;
	s0 =	sld [smem:$0x3FA9]  }
0x30: {  	s3 =	sld [smem:$0x3FAC]  }
0x31: {  	[smem:$0x3FB5] =	sst s10  }
0x32: {  	s10 =	sld [smem:$0x3FB3];
	_ =	sdelay $0x3  }
0x33: {  	p0 =	seq.s32 s10, $0x1;
	s10 =	sld [smem:$0x3FB5];
	_ =	sdelay $0x3  }
0x34: {  	[smem:$0x3FB5] =	sst s10  }
0x35: {  	s10 =	sld [smem:$0x3FB4];
	_ =	sdelay $0x3  }
0x36: {  	p1 =	seq.s32 s10, $0x1;
	s10 =	sld [smem:$0x3FB5];
	_ =	sdelay $0x3  }
0x37: {  	[smem:$0x3FB5] =	sst s10  }
0x38: {  	s10 =	sld [smem:$0x3FB6]  }
0x39: {  	_ = 	snop;
	(pc) =	sbr.ind lr, $3  }
0x3a: {  	_ = 	snop  }
0x3b: {  	_ = 	snop  }
0x3c: {  	p2 =	seq.s32 s10, $0x1;
	s10 =	sld [smem:$0x3FB5]  }
0x3d: {  	_ =	shalt  }
0x3e: {  	_ =	shalt  }
0x3f: {  	_ =	shalt  }
0x40: {  	_ =	shalt  }
0x41: {  	_ =	shalt  }
0x42: {  	_ =	shalt  }
0x43: {  	_ =	shalt  }
0x44: {  	_ =	shalt  }
0x45: {  	_ =	shalt  }
0x46: {  	_ =	shalt  }
0x47: {  	_ =	shalt  }
0x48: {  	_ =	shalt  }
0x49: {  	_ =	shalt  }
0x4a: {  	_ =	shalt  }
0x4b: {  	_ =	shalt  }
0x4c: {  	_ =	shalt  }
0x4d: {  	_ =	shalt  }
0x4e: {  	_ =	shalt  }
0x4f: {  	_ =	shalt  }
0x50: {  	_ =	shalt  }
0x51: {  	_ =	shalt  }
0x52: {  	_ =	shalt  }
0x53: {  	_ =	shalt  }
0x54: {  	_ =	shalt  }
0x55: {  	_ =	shalt  }
0x56: {  	_ =	shalt  }
0x57: {  	_ =	shalt  }
0x58: {  	_ =	shalt  }
0x59: {  	_ =	shalt  }
0x5a: {  	_ =	shalt  }
0x5b: {  	_ =	shalt  }
0x5c: {  	_ =	shalt  }
0x5d: {  	_ =	shalt  }
0x5e: {  	_ =	shalt  }
0x5f: {  	_ =	shalt  }
0x60: {  	_ =	shalt  }
0x61: {  	_ =	shalt  }
0x62: {  	_ =	shalt  }
0x63: {  	_ =	shalt  }
0x64: {  	_ =	shalt  }
0x65: {  	_ =	shalt  }
0x66: {  	_ =	shalt  }
0x67: {  	_ =	shalt  }
0x68: {  	_ =	shalt  }
0x69: {  	_ =	shalt  }
0x6a: {  	_ =	shalt  }
0x6b: {  	_ =	shalt  }
0x6c: {  	_ =	shalt  }
0x6d: {  	_ =	shalt  }
0x6e: {  	_ =	shalt  }
0x6f: {  	_ =	shalt  }
0x70: {  	_ =	shalt  }
0x71: {  	_ =	shalt  }
0x72: {  	_ =	shalt  }
0x73: {  	_ =	shalt  }
0x74: {  	_ =	shalt  }
0x75: {  	_ =	shalt  }
0x76: {  	_ =	shalt  }
0x77: {  	_ =	shalt  }
0x78: {  	_ =	shalt  }
0x79: {  	_ =	shalt  }
0x7a: {  	_ =	shalt  }
0x7b: {  	_ =	shalt  }
0x7c: {  	_ =	shalt  }
0x7d: {  	_ =	shalt  }
0x7e: {  	_ =	shalt  }
0x7f: {  	_ =	shalt  }
0x80: {  	_ =	shalt  }
0x81: {  	_ =	shalt  }
0x82: {  	_ =	shalt  }
0x83: {  	_ =	shalt  }
0x84: {  	_ =	shalt  }
0x85: {  	_ =	shalt  }
0x86: {  	_ =	shalt  }
0x87: {  	_ =	shalt  }
.Lfunc_end0:
.L_simem_size_0:
called_computation.6_lowered:
.L_overlay_start_0:
0x88: {  	s2 =	sld [smem:$0x3FD9]  }
0x89: {  	s3 =	sld [smem:$0x3FFE];
	_ =	sdelay $0x1  }
0x8a: {  	s1 =	srdreg.scid  }
0x8b: {  	s0 =	sand.u32 $0x1, s1  }
0x8c: {  	s17 =	sshll.u32 s0, $0xA;
	s2 =	sadd.s32 s3, s2  }
0x8d: {  	s2 =	sadd.s32 s2, s17  }
0x8e: {  	[smem:$0x3FC1] =	sst s2  }
0x8f: {  	_ = 	snop  }
0x90: {  	s18 =	sld [smem:$0x3FD0];
	(tm) =	ssettm $0x1  }
0x91: {  	s19 =	sld [smem:$0x3FFB];
	_ =	sdelay $0x3  }
0x92: {  	_ =	strace s19  }
0x93: {  	s2 =	sld [smem:$0x3FFC];
	_ =	sdelay $0x3  }
0x94: {  	_ =	strace s2  }
0x95: {  	s2 =	sld [smem:$0x3FFD];
	_ =	sdelay $0x3  }
0x96: {  	_ =	strace s2  }
0x97: {  	_ =	strace $0x8FFFFFFF  }
0x98: {  	s20 =	sld [smem:$0x3FDB];
	_ =	sdelay $0x1  }
0x99: {  	s4 =	simm.s32 $_scs_section_size  }
0x9a: {  	s5 =	simm.s32 $_size__tile_overlayer_lowered;
	s6 =	simm.s32 $_tile_overlayer_lowered  }
0x9b: {  	s7 =	simm.s32 $0x1BFF;
	s21 =	sshll.u32 s6, $0x1;
	s4 =	sadd.s32 s4, s20  }
0x9c: {  	s22 =	simm.s32 $0x0;
	s5 =	sshll.u32 s5, $0x1;
	s6 =	sadd.s32 s21, s4  }
0x9d: {  	[timem:s22], [sflag:s7] =	dma.local [hbm:s6], s5  }
0x9e: {  	_ =	swait.ge [sflag:s7], s5  }
0x9f: {  	s5 =	ssub.s32 $0x0, s5;
	[sflag:s7] =	ssyncset.done $0x0  }
0xa0: {  	[sflag:s7] =	ssyncadd.s32 s5;
	_ =	sdelay $0x1  }
0xa1: {  	s23 =	simm.s32 $0x1B8B  }
0xa2: {  	_ =	swait.ge [sflag:s23], $0x1  }
0xa3: {  	[sflag:s23] =	ssyncset.done $0x0  }
0xa4: {  	[sflag:s23] =	ssyncadd.s32 $0xFFFFFFFF  }
0xa5: {  	s5 =	sld [smem:$0x0]  }
0xa6: {  	s6 =	sand.u32 $0xFFFFFFFE, s1  }
0xa7: {  	p0 =	sne.s32 s1, s6  }
0xa8: {  	s6 =	sshll.u32 @p0 s6, $0xE  }
0xa9: {  	s6 =	sadd.s32 @p0 $0x11B8D, s6;
	s7 =	sshll.u32 @p0 s5, $0x11  }
0xaa: {  	s6 =	sor.u32 @p0 s7, s6  }
0xab: {  	[sflag:s6] =	ssyncadd.remote.s32 @p0 $0x1;
	_ =	sdelay $0x1  }
0xac: {  	s6 =	simm.s32 @p0 $0x1B8D  }
0xad: {  	_ =	swait.eq @p0 [sflag:s6], $0x1  }
0xae: {  	[sflag:s6] =	ssyncadd.s32 @p0 $0xFFFFFFFF  }
0xaf: {  	s7 =	sshll.u32 @!p0 s1, $0xE  }
0xb0: {  	s7 =	sor.u32 @!p0 $0x4000, s7;
	s6 =	simm.s32 @!p0 $0x1B8D  }
0xb1: {  	s5 =	sshll.u32 @!p0 s5, $0x11;
	s7 =	sadd.s32 @!p0 $0x11B8D, s7;
	_ =	swait.eq @!p0 [sflag:s6], $0x1  }
0xb2: {  	s5 =	sor.u32 @!p0 s5, s7;
	[sflag:s6] =	ssyncadd.s32 @!p0 $0xFFFFFFFF  }
0xb3: {  	s25 =	simm.s32 $0x1B8E;
	s24 =	sld [smem:$0x3FFE];
	[sflag:s5] =	ssyncadd.remote.s32 @!p0 $0x1  }
0xb4: {  	s26 =	simm.s32 $execute0_lowered;
	[smem:$0x3FD2] =	sst s25  }
0xb5: {  	s6 =	sshll.u32 s26, $0x1;
	_ =	strace $0x80000058;
	[dreg:$0x1] =	wrdreg $0xFFFFFFFF  }
0xb6: {  	s28 =	simm.s32 $_size_execute0_lowered;
	s4 =	sadd.s32 s4, s6;
	[dreg:$0x0] =	wrdreg $0x0  }
0xb7: {  	s6 =	sshll.u32 s28, $0x1;
	[dreg:$0x2] =	wrdreg s4  }
0xb8: {  	[dreg:$0x3] =	wrdreg s6  }
0xb9: {  	[dreg:$0x4] =	wrdreg $0xC0  }
0xba: {  	_ =	task [dreg:s22], $0x5FFFF  }
0xbb: {  	[dreg:$0x1] =	wrdreg $0xFFFFFFFF  }
0xbc: {  	[dreg:$0x0] =	wrdreg $0x60  }
0xbd: {  	[dreg:$0x2] =	wrdreg s24  }
0xbe: {  	[dreg:$0x3] =	wrdreg s18  }
0xbf: {  	[dreg:$0x4] =	wrdreg $0x40800  }
0xc0: {  	[dreg:$0x5] =	wrdreg $0xC  }
0xc1: {  	_ =	task.clear_ibuf [dreg:s22], $0x6FFFF;
	_ =	strace $0x90000058  }
0xc2: {  	s29 =	simm.s32 $0xC;
	_ =	strace $0x8000005A  }
0xc3: {  	_ =	swait.ge [sflag:s29], $0x1  }
0xc4: {  	[sflag:s29] =	ssyncadd.s32 $0xFFFFFFFF  }
0xc5: {  	_ =	strace $0x9000005A  }
0xc6: {  	_ =	sfence  }
0xc7: {  	s30 =	sld [smem:$0x0];
	_ =	sdelay $0x2  }
0xc8: {  	s31 =	sshll.u32 s1, $0xD;
	s1 =	sshrl.u32 s1, $0x2  }
0xc9: {  	s4 =	sand.u32 $0x4000, s31;
	s1 =	sadd.s32 s1, s30  }
0xca: {  	s0 =	sor.u32 s4, s0;
	s1 =	sshll.u32 s1, $0x11  }
0xcb: {  	s0 =	sor.u32 s1, s0  }
0xcc: {  	s0 =	sadd.s32 $0x8F2B, s0  }
0xcd: {  	[sflag:s0] =	ssyncadd.remote.s32 $0x1  }
0xce: {  	_ =	sfence.sel $0xFFFF  }
0xcf: {  	[dreg:$0x0] =	wrdreg $0xFFFFFFFF;
	(pc) =	sbr.abs _section_cstart, $3  }
0xd0: {  	[dreg:$0x1] =	wrdreg $0xFFFFFFFF  }
0xd1: {  	_ =	task.clear_ibuf [dreg:s22], $0x2FFFF;
	_ =	strace $0x9FFFFFFF  }
0xd2: {  	(tm) =	ssettm $0x7FFFFFFF  }
0xd3: {  	_ =	shalt  }
tec
execute0_lowered:
.L_overlay_start_1:
0x0: {  	(tag) =	ssettag $0x1  }
0x1: {  	s5 =	rddreg [dreg:$0x0]  }
0x2: {  	s1 =	rddreg [dreg:$0x1]  }
0x3: {  	s0 =	srdreg.scid;
	s3 =	stileid.u32  }
0x4: {  	s2 =	rddreg [dreg:$0x2];
	s4 =	simm.s32 $0x0;
	s9 =	smul.u32 $0x14000, s3  }
0x5: {  	s6 =	sand.u32 $0x1, s0;
	s0 =	rddreg [dreg:$0x3];
	s24 =	smul.u32 $0x50000, s3  }
0x6: {  	[smem:$0x7FF] =	sst s4;
	s28 =	sshll.u32 s3, $0x6;
	s7 =	smul.u32 $0x3E800, s6  }
0x7: {  	s29 =	sshll.u32 s3, $0xB;
	s31 =	sshll.u32 s3, $0x4;
	s8 =	smul.u32 $0x140000, s6  }
0x8: {  	_ =	strace $0x80000059;
	s10 =	smul.u32 $0x7D0, s6;
	s6 =	ssub.s32 $0x2, s6  }
0x9: {  	s25 =	sshrl.u32 s6, $0x1;
	s26 =	sshrl.u32 s24, $0x2;
	s7 =	sadd.s32 s7, s5  }
0xa: {  	s8 =	sadd.s32 s9, s8;
	s10 =	sadd.s32 s10, s5;
	s11 =	ssub.s32 s6, s25  }
0xb: {  	s12 =	sadd.s32 s26, s2;
	s8 =	sshrl.u32 s8, $0x3;
	s30 =	sadd.s32 s29, s7  }
0xc: {  	s7 =	smax.u32 s11, $0x1;
	s9 =	sadd.s32 s31, s10;
	s10 =	sshrl.u32 s12, $0x3  }
0xd: {  	s11 =	simm.s32 $0x1;
	s8 =	sadd.s32 s8, s5;
	s5 =	sor.u32 $0x1C01, s28  }
0xe: {  	s9 =	sadd.s32 $0x85A00, s9;
	s6 =	sadd.s32 $0x89A00, s8;
	s8 =	sadd.s32 $0x2FAA00, s30  }
.LBB2_1:
0xf: {  	[spmem:s10], [sflag:s5] =	dma.local [hbm:s1], $0x2800  }
0x10: {  	_ =	swait.ge [sflag:s11], $0x2800  }
0x11: {  	s12 =	sadd.s32 $0x0, s3;
	[sflag:s11] =	ssyncset.done $0x0  }
0x12: {  	p0 =	sgt.u32 s12, $0x7C;
	[sflag:s11] =	ssyncadd.s32 $0xFFFFD800  }
0x13: {  	s12 =	simm.s32 @!p0 $0x0;
	s14 =	simm.s32 @!p0 $0x2;
	[bflag:$0x0] =	sbarrier.arrive $0xFFFF  }
0x14: {  	[tilespmem:s12], [sflag:$0x2] =	stream.linear.gather @!p0 [hbm4b:s9+s12], $0x80, $0x38;
	[tilespmem:$0x18080] =	vst v63  }
0x15: {  	_ =	swait.ge @!p0 [sflag:s14], $0x80  }
0x16: {  	[sflag:s14] =	ssyncset.done @!p0 $0x0;
	p0 =	por p0, p0  }
0x17: {  	[sflag:s14] =	ssyncadd.s32 @!p0 $0xFFFFFF80;
	s16 =	simm.s32 @!p0 $0x80  }
0x18: {  	[tilespmem:s16], [sflag:$0x2] =	stream.linear.gather @!p0 [hbm4b:s8+s12], $0x4000, $0x38;
	[tilespmem:$0x18080] =	vst v63  }
0x19: {  	_ =	swait.ge @!p0 [sflag:s14], $0x4000  }
0x1a: {  	[sflag:s14] =	ssyncset.done @!p0 $0x0  }
0x1b: {  	s31 =	sadd.s32 $0x10, s3;
	s15 =	simm.s32 @!p0 $0x1;
	[sflag:s14] =	ssyncadd.s32 @!p0 $0xFFFFC000  }
0x1c: {  	[spmem:s2] =	stream.indirect.scatter.add.f32 @!p0 [tilespmem:s16], [sflag:$0x1], $0x80, s12, s16, $0xb8;
	[tilespmem:$0x18080] =	vst v63  }
0x1d: {  	s13 =	simm.s32 $0x20;
	p1 =	sgt.u32 s31, $0x7C;
	_ =	swait.ge @!p0 [sflag:s15], $0x4000  }
0x1e: {  	s14 =	sadd.s32 $0x100, s9;
	s12 =	sadd.s32 $0x8000, s8;
	[sflag:s15] =	ssyncset.done @!p0 $0x0  }
.LBB2_2:
0x1f: {  	s16 =	simm.s32 @!p1 $0x0;
	s17 =	simm.s32 @!p1 $0x2;
	[sflag:s15] =	ssyncadd.s32 @!p0 $0xFFFFC000  }
0x20: {  	[tilespmem:s16], [sflag:$0x2] =	stream.linear.gather @!p1 [hbm4b:s14+s16], $0x80, $0x38;
	[tilespmem:$0x18080] =	vst v63  }
0x21: {  	s18 =	smov.u32 s13;
	s13 =	sadd.s32 $0x10, s13;
	_ =	swait.ge @!p1 [sflag:s17], $0x80  }
0x22: {  	p0 =	por p1, p1;
	p2 =	sne.s32 s13, $0x80;
	[sflag:s17] =	ssyncset.done @!p1 $0x0  }
0x23: {  	s19 =	simm.s32 @!p0 $0x80;
	[sflag:s17] =	ssyncadd.s32 @!p0 $0xFFFFFF80  }
0x24: {  	[tilespmem:s19], [sflag:$0x2] =	stream.linear.gather @!p0 [hbm4b:s12+s16], $0x4000, $0x38;
	[tilespmem:$0x18080] =	vst v63  }
0x25: {  	_ =	swait.ge @!p0 [sflag:s17], $0x4000  }
.Ltmp0:
0x26: {  	[sflag:s17] =	ssyncset.done @!p0 $0x0;
	(pc) =	sbr.rel @p2 .LBB2_2-.Ltmp0, $4  }
0x27: {  	s15 =	simm.s32 @!p0 $0x1;
	[sflag:s17] =	ssyncadd.s32 @!p0 $0xFFFFC000  }
0x28: {  	[spmem:s2] =	stream.indirect.scatter.add.f32 @!p0 [tilespmem:s19], [sflag:$0x1], $0x80, s16, s19, $0xb8;
	[tilespmem:$0x18080] =	vst v63  }
0x29: {  	s14 =	sadd.s32 $0x100, s14;
	s16 =	sadd.s32 s18, s3;
	_ =	swait.ge @!p0 [sflag:s15], $0x4000  }
0x2a: {  	s12 =	sadd.s32 $0x8000, s12;
	p1 =	sgt.u32 s16, $0x7C;
	[sflag:s15] =	ssyncset.done @!p0 $0x0  }
0x2b: {  	s13 =	simm.s32 @!p1 $0x0;
	s16 =	simm.s32 @!p1 $0x2;
	[sflag:s15] =	ssyncadd.s32 @!p0 $0xFFFFC000  }
0x2c: {  	[tilespmem:s13], [sflag:$0x2] =	stream.linear.gather @!p1 [hbm4b:s14+s13], $0x80, $0x38;
	[tilespmem:$0x18080] =	vst v63  }
0x2d: {  	_ =	swait.ge @!p1 [sflag:s16], $0x80  }
0x2e: {  	p0 =	por p1, p1;
	[sflag:s16] =	ssyncset.done @!p1 $0x0  }
0x2f: {  	s14 =	simm.s32 @!p0 $0x80;
	[sflag:s16] =	ssyncadd.s32 @!p0 $0xFFFFFF80  }
0x30: {  	[tilespmem:s14], [sflag:$0x2] =	stream.linear.gather @!p0 [hbm4b:s12+s13], $0x4000, $0x38;
	[tilespmem:$0x18080] =	vst v63  }
0x31: {  	_ =	swait.ge @!p0 [sflag:s16], $0x4000  }
0x32: {  	[sflag:s16] =	ssyncset.done @!p0 $0x0  }
0x33: {  	s12 =	simm.s32 @!p0 $0x1;
	[sflag:s16] =	ssyncadd.s32 @!p0 $0xFFFFC000  }
0x34: {  	[spmem:s2] =	stream.indirect.scatter.add.f32 @!p0 [tilespmem:s14], [sflag:$0x1], $0x80, s13, s14, $0xb8;
	[tilespmem:$0x18080] =	vst v63  }
0x35: {  	_ =	swait.ge @!p0 [sflag:s12], $0x4000  }
0x36: {  	s4 =	sadd.s32 $0x1, s4;
	[sflag:s12] =	ssyncset.done @!p0 $0x0  }
0x37: {  	[sflag:s12] =	ssyncadd.s32 @!p0 $0xFFFFC000;
	p0 =	sne.s32 s4, s7  }
.Ltmp1:
0x38: {  	[bflag:$0x0] =	sbarrier.arrive $0xFFFF;
	(pc) =	sbr.rel @p0 .LBB2_1-.Ltmp1, $4  }
0x39: {  	[hbm:s6], [sflag:s5] =	dma.local [spmem:s10], $0x2800  }
0x3a: {  	_ =	swait.ge [sflag:s11], $0x2800  }
0x3b: {  	[sflag:s11] =	ssyncset.done $0x0  }
0x3c: {  	[sflag:s11] =	ssyncadd.s32 $0xFFFFD800  }
0x3d: {  	_ =	sfence.sel $0x180000  }
0x3e: {  	[bflag:$0x0] =	sbarrier.arrive $0xFFFF  }
0x3f: {  	p0 =	sne.s32 s3, $0x0;
	_ =	strace $0x90000059  }
0x40: {  	s0 =	sadd.s32 @!p0 $0x100000, s0;
	[bflag:$0x2] =	sbarrier.arrive $0xFFFF  }
0x41: {  	[sflag:s0] =	ssyncadd.tile.s32 @!p0 $0x1;
	_ =	shalt  }
.Lfunc_end2:
_tile_overlayer_lowered:
.L_overlay_start_2:
0x42: {  	(tag) =	ssettag $0x2  }
0x43: {  	s0 =	rddreg [dreg:$0x0];
	s2 =	stileid.u32  }
0x44: {  	s1 =	rddreg [dreg:$0x1];
	p0 =	sne.s32 s2, $0x0  }
0x45: {  	s3 =	rddreg [dreg:$0x2];
	[bflag:$0x3] =	sbarrier.arrive $0xFFFF;
	s2 =	simm.s32 @!p0 $0x1C01  }
0x46: {  	[timem:s3], [sflag:s2] =	dma.local @!p0 [hbm:s0], s1  }
0x47: {  	s0 =	simm.s32 @!p0 $0x1  }
0x48: {  	_ =	swait.ge @!p0 [sflag:s0], s1  }
0x49: {  	s1 =	ssub.s32 @!p0 $0x0, s1;
	[sflag:s0] =	ssyncset.done @!p0 $0x0  }
0x4a: {  	[sflag:s0] =	ssyncadd.s32 @!p0 s1  }
0x4b: {  	[bflag:$0x3] =	sbarrier.arrive $0xFFFF  }
0x4c: {  	_ =	shalt  }

// kernel: kernel.39.cloned.1.call-start
scs
__scs_entry_jumppad:
0x0: {  	(pc) =	sbr.rel $0x88, $3  }
0x1: {  	(tag) =	ssettag $0x0;
	lr =	simm.s32 $0x1  }
0x2: {  	[smem:$0x3F9A] =	sst lr;
	_ =	strace $0xD0000000  }
0x3: {  	_ = 	snop  }
0x4: {  	_ = 	snop  }
0x5: {  	_ = 	snop  }
0x6: {  	_ = 	snop  }
0x7: {  	_ = 	snop  }
__scs_overlays_trampoline_lowered:
0x8: {  	[smem:$0x3FA9] =	sst s0  }
0x9: {  	[smem:$0x3FAA] =	sst s1  }
0xa: {  	[smem:$0x3FAB] =	sst s2  }
0xb: {  	[smem:$0x3FAC] =	sst s3  }
0xc: {  	[smem:$0x3FAD] =	sst s4  }
0xd: {  	[smem:$0x3FAE] =	sst s5  }
0xe: {  	[smem:$0x3FAF] =	sst s6  }
0xf: {  	[smem:$0x3FB0] =	sst s7  }
0x10: {  	[smem:$0x3FB1] =	sst s8  }
0x11: {  	[smem:$0x3FB2] =	sst s9;
	s0 =	simm.s32 @!p0 $0x0  }
0x12: {  	s1 =	sld [smem:$0x3F98];
	s0 =	simm.s32 @p0 $0x1  }
0x13: {  	[smem:$0x3FB3] =	sst s0;
	s0 =	simm.s32 @!p1 $0x0  }
0x14: {  	s2 =	sld [smem:$0x3F97];
	s0 =	simm.s32 @p1 $0x1  }
0x15: {  	[smem:$0x3FB4] =	sst s0;
	s0 =	simm.s32 @!p2 $0x0  }
0x16: {  	s3 =	sld [smem:$0x3FDB];
	s0 =	simm.s32 @p2 $0x1  }
0x17: {  	s4 =	simm.s32 $0x1BF5;
	[smem:$0x3FB6] =	sst s0  }
0x18: {  	s0 =	sld [smem:$0x3F99];
	_ =	swait.ge [sflag:s4], $0x0  }
0x19: {  	s7 =	sld [smem:$0x3F9A]  }
0x1a: {  	s8 =	sadd.s32 $0xFFFFE003, lr  }
0x1b: {  	s9 =	sadd.s32 $0xFFFFFEF7, lr;
	s5 =	simm.s32 $0xFFFFFFFF;
	p2 =	slt.u32 s8, $0xFFFFF086  }
0x1c: {  	p1 =	slt.u32 s9, $0xF7A;
	s5 =	simm.s32 @!p2 $0x0  }
0x1d: {  	s5 =	simm.s32 @p1 $0x1;
	p0 =	seq.s32 s7, s2  }
0x1e: {  	s7 =	smul.u32 @!p0 $0xF7A, s2;
	p2 =	seq.s32 @!p0 s5, $0x0  }
0x1f: {  	s9 =	smul.u32 $0xF7A, s1;
	s8 =	simm.s32 @!p0 $0x1BF5;
	p2 =	por !p2, p0  }
0x20: {  	[sflag:s8] =	ssyncset.s32 @!p0 $0xFFFFF086;
	s6 =	sadd.s32 @!p0 s3, s7;
	s7 =	simm.s32 @!p0 $0x108  }
0x21: {  	s3 =	sadd.s32 s3, s9;
	s6 =	sadd.s32 @!p0 $0x88, s6;
	s7 =	simm.s32 @p2 $0x1082  }
0x22: {  	[simem:s7], [sflag:s8] =	dma.local @!p0 [hbm:s6], $0xF7A  }
0x23: {  	s9 =	sor.u32 $0xD0000000, s2;
	s6 =	simm.s32 $0x108;
	_ =	swait.ge @!p0 [sflag:s8], $0x0  }
0x24: {  	s3 =	sadd.s32 $0x88, s3;
	s6 =	simm.s32 @!p1 $0x1082;
	[sflag:s4] =	ssyncset.s32 $0xFFFFF086  }
0x25: {  	[simem:s6], [sflag:s4] =	dma.local [hbm:s3], $0xF7A  }
0x26: {  	[smem:$0x3F9A] =	sst s1;
	(tag) =	ssettag s2;
	_ =	strace s9  }
0x27: {  	s1 =	sld [smem:$0x3FAA]  }
0x28: {  	s2 =	sld [smem:$0x3FAB]  }
0x29: {  	s4 =	sld [smem:$0x3FAD]  }
0x2a: {  	p0 =	seq.s32 s5, $0x0;
	s5 =	sld [smem:$0x3FAE]  }
0x2b: {  	s6 =	sld [smem:$0x3FAF]  }
0x2c: {  	s7 =	sld [smem:$0x3FB0]  }
0x2d: {  	s3 =	simm.s32 $0x108;
	s8 =	sld [smem:$0x3FB1]  }
0x2e: {  	s3 =	simm.s32 @!p0 $0x1082;
	s9 =	sld [smem:$0x3FB2]  }
0x2f: {  	lr =	sadd.s32 s0, s3;
	s0 =	sld [smem:$0x3FA9]  }
0x30: {  	s3 =	sld [smem:$0x3FAC]  }
0x31: {  	[smem:$0x3FB5] =	sst s10  }
0x32: {  	s10 =	sld [smem:$0x3FB3];
	_ =	sdelay $0x3  }
0x33: {  	p0 =	seq.s32 s10, $0x1;
	s10 =	sld [smem:$0x3FB5];
	_ =	sdelay $0x3  }
0x34: {  	[smem:$0x3FB5] =	sst s10  }
0x35: {  	s10 =	sld [smem:$0x3FB4];
	_ =	sdelay $0x3  }
0x36: {  	p1 =	seq.s32 s10, $0x1;
	s10 =	sld [smem:$0x3FB5];
	_ =	sdelay $0x3  }
0x37: {  	[smem:$0x3FB5] =	sst s10  }
0x38: {  	s10 =	sld [smem:$0x3FB6]  }
0x39: {  	_ = 	snop;
	(pc) =	sbr.ind lr, $3  }
0x3a: {  	_ = 	snop  }
0x3b: {  	_ = 	snop  }
0x3c: {  	p2 =	seq.s32 s10, $0x1;
	s10 =	sld [smem:$0x3FB5]  }
0x3d: {  	_ =	shalt  }
0x3e: {  	_ =	shalt  }
0x3f: {  	_ =	shalt  }
0x40: {  	_ =	shalt  }
0x41: {  	_ =	shalt  }
0x42: {  	_ =	shalt  }
0x43: {  	_ =	shalt  }
0x44: {  	_ =	shalt  }
0x45: {  	_ =	shalt  }
0x46: {  	_ =	shalt  }
0x47: {  	_ =	shalt  }
0x48: {  	_ =	shalt  }
0x49: {  	_ =	shalt  }
0x4a: {  	_ =	shalt  }
0x4b: {  	_ =	shalt  }
0x4c: {  	_ =	shalt  }
0x4d: {  	_ =	shalt  }
0x4e: {  	_ =	shalt  }
0x4f: {  	_ =	shalt  }
0x50: {  	_ =	shalt  }
0x51: {  	_ =	shalt  }
0x52: {  	_ =	shalt  }
0x53: {  	_ =	shalt  }
0x54: {  	_ =	shalt  }
0x55: {  	_ =	shalt  }
0x56: {  	_ =	shalt  }
0x57: {  	_ =	shalt  }
0x58: {  	_ =	shalt  }
0x59: {  	_ =	shalt  }
0x5a: {  	_ =	shalt  }
0x5b: {  	_ =	shalt  }
0x5c: {  	_ =	shalt  }
0x5d: {  	_ =	shalt  }
0x5e: {  	_ =	shalt  }
0x5f: {  	_ =	shalt  }
0x60: {  	_ =	shalt  }
0x61: {  	_ =	shalt  }
0x62: {  	_ =	shalt  }
0x63: {  	_ =	shalt  }
0x64: {  	_ =	shalt  }
0x65: {  	_ =	shalt  }
0x66: {  	_ =	shalt  }
0x67: {  	_ =	shalt  }
0x68: {  	_ =	shalt  }
0x69: {  	_ =	shalt  }
0x6a: {  	_ =	shalt  }
0x6b: {  	_ =	shalt  }
0x6c: {  	_ =	shalt  }
0x6d: {  	_ =	shalt  }
0x6e: {  	_ =	shalt  }
0x6f: {  	_ =	shalt  }
0x70: {  	_ =	shalt  }
0x71: {  	_ =	shalt  }
0x72: {  	_ =	shalt  }
0x73: {  	_ =	shalt  }
0x74: {  	_ =	shalt  }
0x75: {  	_ =	shalt  }
0x76: {  	_ =	shalt  }
0x77: {  	_ =	shalt  }
0x78: {  	_ =	shalt  }
0x79: {  	_ =	shalt  }
0x7a: {  	_ =	shalt  }
0x7b: {  	_ =	shalt  }
0x7c: {  	_ =	shalt  }
0x7d: {  	_ =	shalt  }
0x7e: {  	_ =	shalt  }
0x7f: {  	_ =	shalt  }
0x80: {  	_ =	shalt  }
0x81: {  	_ =	shalt  }
0x82: {  	_ =	shalt  }
0x83: {  	_ =	shalt  }
0x84: {  	_ =	shalt  }
0x85: {  	_ =	shalt  }
0x86: {  	_ =	shalt  }
0x87: {  	_ =	shalt  }
.Lfunc_end0:
.L_simem_size_0:
called_computation.7_lowered:
.L_overlay_start_0:
0x88: {  	s2 =	sld [smem:$0x3FD9]  }
0x89: {  	s3 =	sld [smem:$0x3FFE];
	_ =	sdelay $0x1  }
0x8a: {  	s1 =	srdreg.scid  }
0x8b: {  	s0 =	sand.u32 $0x1, s1  }
0x8c: {  	s17 =	sshll.u32 s0, $0xA;
	s2 =	sadd.s32 s3, s2  }
0x8d: {  	s2 =	sadd.s32 s2, s17  }
0x8e: {  	[smem:$0x3FC1] =	sst s2  }
0x8f: {  	_ = 	snop  }
0x90: {  	s18 =	sld [smem:$0x3FD0];
	(tm) =	ssettm $0x1  }
0x91: {  	s19 =	sld [smem:$0x3FFB];
	_ =	sdelay $0x3  }
0x92: {  	_ =	strace s19  }
0x93: {  	s2 =	sld [smem:$0x3FFC];
	_ =	sdelay $0x3  }
0x94: {  	_ =	strace s2  }
0x95: {  	s2 =	sld [smem:$0x3FFD];
	_ =	sdelay $0x3  }
0x96: {  	_ =	strace s2  }
0x97: {  	_ =	strace $0x8FFFFFFF  }
0x98: {  	s20 =	sld [smem:$0x3FDB];
	_ =	sdelay $0x1  }
0x99: {  	s4 =	simm.s32 $_scs_section_size  }
0x9a: {  	s5 =	simm.s32 $_size__tile_overlayer_lowered;
	s6 =	simm.s32 $_tile_overlayer_lowered  }
0x9b: {  	s7 =	simm.s32 $0x1BFF;
	s21 =	sshll.u32 s6, $0x1;
	s4 =	sadd.s32 s4, s20  }
0x9c: {  	s22 =	simm.s32 $0x0;
	s5 =	sshll.u32 s5, $0x1;
	s6 =	sadd.s32 s21, s4  }
0x9d: {  	[timem:s22], [sflag:s7] =	dma.local [hbm:s6], s5  }
0x9e: {  	_ =	swait.ge [sflag:s7], s5  }
0x9f: {  	s5 =	ssub.s32 $0x0, s5;
	[sflag:s7] =	ssyncset.done $0x0  }
0xa0: {  	[sflag:s7] =	ssyncadd.s32 s5;
	_ =	sdelay $0x1  }
0xa1: {  	s23 =	simm.s32 $0x1B8B  }
0xa2: {  	_ =	swait.ge [sflag:s23], $0x1  }
0xa3: {  	[sflag:s23] =	ssyncset.done $0x0  }
0xa4: {  	[sflag:s23] =	ssyncadd.s32 $0xFFFFFFFF  }
0xa5: {  	s5 =	sld [smem:$0x0]  }
0xa6: {  	s6 =	sand.u32 $0xFFFFFFFE, s1  }
0xa7: {  	p0 =	sne.s32 s1, s6  }
0xa8: {  	s6 =	sshll.u32 @p0 s6, $0xE  }
0xa9: {  	s6 =	sadd.s32 @p0 $0x11B8D, s6;
	s7 =	sshll.u32 @p0 s5, $0x11  }
0xaa: {  	s6 =	sor.u32 @p0 s7, s6  }
0xab: {  	[sflag:s6] =	ssyncadd.remote.s32 @p0 $0x1;
	_ =	sdelay $0x1  }
0xac: {  	s6 =	simm.s32 @p0 $0x1B8D  }
0xad: {  	_ =	swait.eq @p0 [sflag:s6], $0x1  }
0xae: {  	[sflag:s6] =	ssyncadd.s32 @p0 $0xFFFFFFFF  }
0xaf: {  	s7 =	sshll.u32 @!p0 s1, $0xE  }
0xb0: {  	s7 =	sor.u32 @!p0 $0x4000, s7;
	s6 =	simm.s32 @!p0 $0x1B8D  }
0xb1: {  	s5 =	sshll.u32 @!p0 s5, $0x11;
	s7 =	sadd.s32 @!p0 $0x11B8D, s7;
	_ =	swait.eq @!p0 [sflag:s6], $0x1  }
0xb2: {  	s5 =	sor.u32 @!p0 s5, s7;
	[sflag:s6] =	ssyncadd.s32 @!p0 $0xFFFFFFFF  }
0xb3: {  	s25 =	simm.s32 $0x1B8E;
	s24 =	sld [smem:$0x3FFE];
	[sflag:s5] =	ssyncadd.remote.s32 @!p0 $0x1  }
0xb4: {  	s26 =	simm.s32 $execute0_lowered;
	[smem:$0x3FD2] =	sst s25  }
0xb5: {  	s6 =	sshll.u32 s26, $0x1;
	_ =	strace $0x8000005B;
	[dreg:$0x1] =	wrdreg $0xFFFFFFFF  }
0xb6: {  	s28 =	simm.s32 $_size_execute0_lowered;
	s4 =	sadd.s32 s4, s6;
	[dreg:$0x0] =	wrdreg $0x0  }
0xb7: {  	s6 =	sshll.u32 s28, $0x1;
	[dreg:$0x2] =	wrdreg s4  }
0xb8: {  	[dreg:$0x3] =	wrdreg s6  }
0xb9: {  	[dreg:$0x4] =	wrdreg $0xC0  }
0xba: {  	_ =	task [dreg:s22], $0x5FFFF  }
0xbb: {  	[dreg:$0x1] =	wrdreg $0xFFFFFFFF  }
0xbc: {  	[dreg:$0x0] =	wrdreg $0x60  }
0xbd: {  	[dreg:$0x2] =	wrdreg s24  }
0xbe: {  	[dreg:$0x3] =	wrdreg s18  }
0xbf: {  	[dreg:$0x4] =	wrdreg $0x40800  }
0xc0: {  	[dreg:$0x5] =	wrdreg $0xD  }
0xc1: {  	_ =	task.clear_ibuf [dreg:s22], $0x6FFFF;
	_ =	strace $0x9000005B  }
0xc2: {  	s29 =	simm.s32 $0xD;
	_ =	strace $0x8000005D  }
0xc3: {  	_ =	swait.ge [sflag:s29], $0x1  }
0xc4: {  	[sflag:s29] =	ssyncadd.s32 $0xFFFFFFFF  }
0xc5: {  	_ =	strace $0x9000005D  }
0xc6: {  	_ =	sfence  }
0xc7: {  	s30 =	sld [smem:$0x0];
	_ =	sdelay $0x2  }
0xc8: {  	s31 =	sshll.u32 s1, $0xD;
	s1 =	sshrl.u32 s1, $0x2  }
0xc9: {  	s4 =	sand.u32 $0x4000, s31;
	s1 =	sadd.s32 s1, s30  }
0xca: {  	s0 =	sor.u32 s4, s0;
	s1 =	sshll.u32 s1, $0x11  }
0xcb: {  	s0 =	sor.u32 s1, s0  }
0xcc: {  	s0 =	sadd.s32 $0x8F2B, s0  }
0xcd: {  	[sflag:s0] =	ssyncadd.remote.s32 $0x1  }
0xce: {  	_ =	sfence.sel $0xFFFF  }
0xcf: {  	[dreg:$0x0] =	wrdreg $0xFFFFFFFF;
	(pc) =	sbr.abs _section_cstart, $3  }
0xd0: {  	[dreg:$0x1] =	wrdreg $0xFFFFFFFF  }
0xd1: {  	_ =	task.clear_ibuf [dreg:s22], $0x2FFFF;
	_ =	strace $0x9FFFFFFF  }
0xd2: {  	(tm) =	ssettm $0x7FFFFFFF  }
0xd3: {  	_ =	shalt  }
tec
execute0_lowered:
.L_overlay_start_1:
0x0: {  	(tag) =	ssettag $0x1  }
0x1: {  	s5 =	rddreg [dreg:$0x0]  }
0x2: {  	s1 =	rddreg [dreg:$0x1]  }
0x3: {  	s0 =	srdreg.scid;
	s3 =	stileid.u32  }
0x4: {  	s2 =	rddreg [dreg:$0x2];
	s4 =	simm.s32 $0x0;
	s9 =	smul.u32 $0x14000, s3  }
0x5: {  	s6 =	sand.u32 $0x1, s0;
	s0 =	rddreg [dreg:$0x3];
	s24 =	smul.u32 $0x50000, s3  }
0x6: {  	[smem:$0x7FF] =	sst s4;
	s28 =	sshll.u32 s3, $0x6;
	s7 =	smul.u32 $0x3E800, s6  }
0x7: {  	s29 =	sshll.u32 s3, $0xB;
	s31 =	sshll.u32 s3, $0x4;
	s8 =	smul.u32 $0x140000, s6  }
0x8: {  	_ =	strace $0x8000005C;
	s10 =	smul.u32 $0x7D0, s6;
	s6 =	ssub.s32 $0x2, s6  }
0x9: {  	s25 =	sshrl.u32 s6, $0x1;
	s26 =	sshrl.u32 s24, $0x2;
	s7 =	sadd.s32 s7, s5  }
0xa: {  	s8 =	sadd.s32 s9, s8;
	s10 =	sadd.s32 s10, s5;
	s11 =	ssub.s32 s6, s25  }
0xb: {  	s12 =	sadd.s32 s26, s2;
	s8 =	sshrl.u32 s8, $0x3;
	s30 =	sadd.s32 s29, s7  }
0xc: {  	s7 =	smax.u32 s11, $0x1;
	s9 =	sadd.s32 s31, s10;
	s10 =	sshrl.u32 s12, $0x3  }
0xd: {  	s11 =	simm.s32 $0x1;
	s8 =	sadd.s32 s8, s5;
	s5 =	sor.u32 $0x1C01, s28  }
0xe: {  	s9 =	sadd.s32 $0x86A00, s9;
	s6 =	sadd.s32 $0xD9A00, s8;
	s8 =	sadd.s32 $0x377A00, s30  }
.LBB2_1:
0xf: {  	[spmem:s10], [sflag:s5] =	dma.local [hbm:s1], $0x2800  }
0x10: {  	_ =	swait.ge [sflag:s11], $0x2800  }
0x11: {  	s12 =	sadd.s32 $0x0, s3;
	[sflag:s11] =	ssyncset.done $0x0  }
0x12: {  	p0 =	sgt.u32 s12, $0x7C;
	[sflag:s11] =	ssyncadd.s32 $0xFFFFD800  }
0x13: {  	s12 =	simm.s32 @!p0 $0x0;
	s14 =	simm.s32 @!p0 $0x2;
	[bflag:$0x0] =	sbarrier.arrive $0xFFFF  }
0x14: {  	[tilespmem:s12], [sflag:$0x2] =	stream.linear.gather @!p0 [hbm4b:s9+s12], $0x80, $0x38;
	[tilespmem:$0x18080] =	vst v63  }
0x15: {  	_ =	swait.ge @!p0 [sflag:s14], $0x80  }
0x16: {  	[sflag:s14] =	ssyncset.done @!p0 $0x0;
	p0 =	por p0, p0  }
0x17: {  	[sflag:s14] =	ssyncadd.s32 @!p0 $0xFFFFFF80;
	s16 =	simm.s32 @!p0 $0x80  }
0x18: {  	[tilespmem:s16], [sflag:$0x2] =	stream.linear.gather @!p0 [hbm4b:s8+s12], $0x4000, $0x38;
	[tilespmem:$0x18080] =	vst v63  }
0x19: {  	_ =	swait.ge @!p0 [sflag:s14], $0x4000  }
0x1a: {  	[sflag:s14] =	ssyncset.done @!p0 $0x0  }
0x1b: {  	s31 =	sadd.s32 $0x10, s3;
	s15 =	simm.s32 @!p0 $0x1;
	[sflag:s14] =	ssyncadd.s32 @!p0 $0xFFFFC000  }
0x1c: {  	[spmem:s2] =	stream.indirect.scatter.add.f32 @!p0 [tilespmem:s16], [sflag:$0x1], $0x80, s12, s16, $0xb8;
	[tilespmem:$0x18080] =	vst v63  }
0x1d: {  	s13 =	simm.s32 $0x20;
	p1 =	sgt.u32 s31, $0x7C;
	_ =	swait.ge @!p0 [sflag:s15], $0x4000  }
0x1e: {  	s14 =	sadd.s32 $0x100, s9;
	s12 =	sadd.s32 $0x8000, s8;
	[sflag:s15] =	ssyncset.done @!p0 $0x0  }
.LBB2_2:
0x1f: {  	s16 =	simm.s32 @!p1 $0x0;
	s17 =	simm.s32 @!p1 $0x2;
	[sflag:s15] =	ssyncadd.s32 @!p0 $0xFFFFC000  }
0x20: {  	[tilespmem:s16], [sflag:$0x2] =	stream.linear.gather @!p1 [hbm4b:s14+s16], $0x80, $0x38;
	[tilespmem:$0x18080] =	vst v63  }
0x21: {  	s18 =	smov.u32 s13;
	s13 =	sadd.s32 $0x10, s13;
	_ =	swait.ge @!p1 [sflag:s17], $0x80  }
0x22: {  	p0 =	por p1, p1;
	p2 =	sne.s32 s13, $0x80;
	[sflag:s17] =	ssyncset.done @!p1 $0x0  }
0x23: {  	s19 =	simm.s32 @!p0 $0x80;
	[sflag:s17] =	ssyncadd.s32 @!p0 $0xFFFFFF80  }
0x24: {  	[tilespmem:s19], [sflag:$0x2] =	stream.linear.gather @!p0 [hbm4b:s12+s16], $0x4000, $0x38;
	[tilespmem:$0x18080] =	vst v63  }
0x25: {  	_ =	swait.ge @!p0 [sflag:s17], $0x4000  }
.Ltmp0:
0x26: {  	[sflag:s17] =	ssyncset.done @!p0 $0x0;
	(pc) =	sbr.rel @p2 .LBB2_2-.Ltmp0, $4  }
0x27: {  	s15 =	simm.s32 @!p0 $0x1;
	[sflag:s17] =	ssyncadd.s32 @!p0 $0xFFFFC000  }
0x28: {  	[spmem:s2] =	stream.indirect.scatter.add.f32 @!p0 [tilespmem:s19], [sflag:$0x1], $0x80, s16, s19, $0xb8;
	[tilespmem:$0x18080] =	vst v63  }
0x29: {  	s14 =	sadd.s32 $0x100, s14;
	s16 =	sadd.s32 s18, s3;
	_ =	swait.ge @!p0 [sflag:s15], $0x4000  }
0x2a: {  	s12 =	sadd.s32 $0x8000, s12;
	p1 =	sgt.u32 s16, $0x7C;
	[sflag:s15] =	ssyncset.done @!p0 $0x0  }
0x2b: {  	s13 =	simm.s32 @!p1 $0x0;
	s16 =	simm.s32 @!p1 $0x2;
	[sflag:s15] =	ssyncadd.s32 @!p0 $0xFFFFC000  }
0x2c: {  	[tilespmem:s13], [sflag:$0x2] =	stream.linear.gather @!p1 [hbm4b:s14+s13], $0x80, $0x38;
	[tilespmem:$0x18080] =	vst v63  }
0x2d: {  	_ =	swait.ge @!p1 [sflag:s16], $0x80  }
0x2e: {  	p0 =	por p1, p1;
	[sflag:s16] =	ssyncset.done @!p1 $0x0  }
0x2f: {  	s14 =	simm.s32 @!p0 $0x80;
	[sflag:s16] =	ssyncadd.s32 @!p0 $0xFFFFFF80  }
0x30: {  	[tilespmem:s14], [sflag:$0x2] =	stream.linear.gather @!p0 [hbm4b:s12+s13], $0x4000, $0x38;
	[tilespmem:$0x18080] =	vst v63  }
0x31: {  	_ =	swait.ge @!p0 [sflag:s16], $0x4000  }
0x32: {  	[sflag:s16] =	ssyncset.done @!p0 $0x0  }
0x33: {  	s12 =	simm.s32 @!p0 $0x1;
	[sflag:s16] =	ssyncadd.s32 @!p0 $0xFFFFC000  }
0x34: {  	[spmem:s2] =	stream.indirect.scatter.add.f32 @!p0 [tilespmem:s14], [sflag:$0x1], $0x80, s13, s14, $0xb8;
	[tilespmem:$0x18080] =	vst v63  }
0x35: {  	_ =	swait.ge @!p0 [sflag:s12], $0x4000  }
0x36: {  	s4 =	sadd.s32 $0x1, s4;
	[sflag:s12] =	ssyncset.done @!p0 $0x0  }
0x37: {  	[sflag:s12] =	ssyncadd.s32 @!p0 $0xFFFFC000;
	p0 =	sne.s32 s4, s7  }
.Ltmp1:
0x38: {  	[bflag:$0x0] =	sbarrier.arrive $0xFFFF;
	(pc) =	sbr.rel @p0 .LBB2_1-.Ltmp1, $4  }
0x39: {  	[hbm:s6], [sflag:s5] =	dma.local [spmem:s10], $0x2800  }
0x3a: {  	_ =	swait.ge [sflag:s11], $0x2800  }
0x3b: {  	[sflag:s11] =	ssyncset.done $0x0  }
0x3c: {  	[sflag:s11] =	ssyncadd.s32 $0xFFFFD800  }
0x3d: {  	_ =	sfence.sel $0x180000  }
0x3e: {  	[bflag:$0x0] =	sbarrier.arrive $0xFFFF  }
0x3f: {  	p0 =	sne.s32 s3, $0x0;
	_ =	strace $0x9000005C  }
0x40: {  	s0 =	sadd.s32 @!p0 $0x100000, s0;
	[bflag:$0x2] =	sbarrier.arrive $0xFFFF  }
0x41: {  	[sflag:s0] =	ssyncadd.tile.s32 @!p0 $0x1;
	_ =	shalt  }
.Lfunc_end2:
_tile_overlayer_lowered:
.L_overlay_start_2:
0x42: {  	(tag) =	ssettag $0x2  }
0x43: {  	s0 =	rddreg [dreg:$0x0];
	s2 =	stileid.u32  }
0x44: {  	s1 =	rddreg [dreg:$0x1];
	p0 =	sne.s32 s2, $0x0  }
0x45: {  	s3 =	rddreg [dreg:$0x2];
	[bflag:$0x3] =	sbarrier.arrive $0xFFFF;
	s2 =	simm.s32 @!p0 $0x1C01  }
0x46: {  	[timem:s3], [sflag:s2] =	dma.local @!p0 [hbm:s0], s1  }
0x47: {  	s0 =	simm.s32 @!p0 $0x1  }
0x48: {  	_ =	swait.ge @!p0 [sflag:s0], s1  }
0x49: {  	s1 =	ssub.s32 @!p0 $0x0, s1;
	[sflag:s0] =	ssyncset.done @!p0 $0x0  }
0x4a: {  	[sflag:s0] =	ssyncadd.s32 @!p0 s1  }
0x4b: {  	[bflag:$0x3] =	sbarrier.arrive $0xFFFF  }
0x4c: {  	_ =	shalt  }

// kernel: kernel.42.cloned.1.call-start
scs
__scs_entry_jumppad:
0x0: {  	(pc) =	sbr.rel $0x88, $3  }
0x1: {  	(tag) =	ssettag $0x0;
	lr =	simm.s32 $0x1  }
0x2: {  	[smem:$0x3F9A] =	sst lr;
	_ =	strace $0xD0000000  }
0x3: {  	_ = 	snop  }
0x4: {  	_ = 	snop  }
0x5: {  	_ = 	snop  }
0x6: {  	_ = 	snop  }
0x7: {  	_ = 	snop  }
__scs_overlays_trampoline_lowered:
0x8: {  	[smem:$0x3FA9] =	sst s0  }
0x9: {  	[smem:$0x3FAA] =	sst s1  }
0xa: {  	[smem:$0x3FAB] =	sst s2  }
0xb: {  	[smem:$0x3FAC] =	sst s3  }
0xc: {  	[smem:$0x3FAD] =	sst s4  }
0xd: {  	[smem:$0x3FAE] =	sst s5  }
0xe: {  	[smem:$0x3FAF] =	sst s6  }
0xf: {  	[smem:$0x3FB0] =	sst s7  }
0x10: {  	[smem:$0x3FB1] =	sst s8  }
0x11: {  	[smem:$0x3FB2] =	sst s9;
	s0 =	simm.s32 @!p0 $0x0  }
0x12: {  	s1 =	sld [smem:$0x3F98];
	s0 =	simm.s32 @p0 $0x1  }
0x13: {  	[smem:$0x3FB3] =	sst s0;
	s0 =	simm.s32 @!p1 $0x0  }
0x14: {  	s2 =	sld [smem:$0x3F97];
	s0 =	simm.s32 @p1 $0x1  }
0x15: {  	[smem:$0x3FB4] =	sst s0;
	s0 =	simm.s32 @!p2 $0x0  }
0x16: {  	s3 =	sld [smem:$0x3FDB];
	s0 =	simm.s32 @p2 $0x1  }
0x17: {  	s4 =	simm.s32 $0x1BF5;
	[smem:$0x3FB6] =	sst s0  }
0x18: {  	s0 =	sld [smem:$0x3F99];
	_ =	swait.ge [sflag:s4], $0x0  }
0x19: {  	s7 =	sld [smem:$0x3F9A]  }
0x1a: {  	s8 =	sadd.s32 $0xFFFFE003, lr  }
0x1b: {  	s9 =	sadd.s32 $0xFFFFFEF7, lr;
	s5 =	simm.s32 $0xFFFFFFFF;
	p2 =	slt.u32 s8, $0xFFFFF086  }
0x1c: {  	p1 =	slt.u32 s9, $0xF7A;
	s5 =	simm.s32 @!p2 $0x0  }
0x1d: {  	s5 =	simm.s32 @p1 $0x1;
	p0 =	seq.s32 s7, s2  }
0x1e: {  	s7 =	smul.u32 @!p0 $0xF7A, s2;
	p2 =	seq.s32 @!p0 s5, $0x0  }
0x1f: {  	s9 =	smul.u32 $0xF7A, s1;
	s8 =	simm.s32 @!p0 $0x1BF5;
	p2 =	por !p2, p0  }
0x20: {  	[sflag:s8] =	ssyncset.s32 @!p0 $0xFFFFF086;
	s6 =	sadd.s32 @!p0 s3, s7;
	s7 =	simm.s32 @!p0 $0x108  }
0x21: {  	s3 =	sadd.s32 s3, s9;
	s6 =	sadd.s32 @!p0 $0x88, s6;
	s7 =	simm.s32 @p2 $0x1082  }
0x22: {  	[simem:s7], [sflag:s8] =	dma.local @!p0 [hbm:s6], $0xF7A  }
0x23: {  	s9 =	sor.u32 $0xD0000000, s2;
	s6 =	simm.s32 $0x108;
	_ =	swait.ge @!p0 [sflag:s8], $0x0  }
0x24: {  	s3 =	sadd.s32 $0x88, s3;
	s6 =	simm.s32 @!p1 $0x1082;
	[sflag:s4] =	ssyncset.s32 $0xFFFFF086  }
0x25: {  	[simem:s6], [sflag:s4] =	dma.local [hbm:s3], $0xF7A  }
0x26: {  	[smem:$0x3F9A] =	sst s1;
	(tag) =	ssettag s2;
	_ =	strace s9  }
0x27: {  	s1 =	sld [smem:$0x3FAA]  }
0x28: {  	s2 =	sld [smem:$0x3FAB]  }
0x29: {  	s4 =	sld [smem:$0x3FAD]  }
0x2a: {  	p0 =	seq.s32 s5, $0x0;
	s5 =	sld [smem:$0x3FAE]  }
0x2b: {  	s6 =	sld [smem:$0x3FAF]  }
0x2c: {  	s7 =	sld [smem:$0x3FB0]  }
0x2d: {  	s3 =	simm.s32 $0x108;
	s8 =	sld [smem:$0x3FB1]  }
0x2e: {  	s3 =	simm.s32 @!p0 $0x1082;
	s9 =	sld [smem:$0x3FB2]  }
0x2f: {  	lr =	sadd.s32 s0, s3;
	s0 =	sld [smem:$0x3FA9]  }
0x30: {  	s3 =	sld [smem:$0x3FAC]  }
0x31: {  	[smem:$0x3FB5] =	sst s10  }
0x32: {  	s10 =	sld [smem:$0x3FB3];
	_ =	sdelay $0x3  }
0x33: {  	p0 =	seq.s32 s10, $0x1;
	s10 =	sld [smem:$0x3FB5];
	_ =	sdelay $0x3  }
0x34: {  	[smem:$0x3FB5] =	sst s10  }
0x35: {  	s10 =	sld [smem:$0x3FB4];
	_ =	sdelay $0x3  }
0x36: {  	p1 =	seq.s32 s10, $0x1;
	s10 =	sld [smem:$0x3FB5];
	_ =	sdelay $0x3  }
0x37: {  	[smem:$0x3FB5] =	sst s10  }
0x38: {  	s10 =	sld [smem:$0x3FB6]  }
0x39: {  	_ = 	snop;
	(pc) =	sbr.ind lr, $3  }
0x3a: {  	_ = 	snop  }
0x3b: {  	_ = 	snop  }
0x3c: {  	p2 =	seq.s32 s10, $0x1;
	s10 =	sld [smem:$0x3FB5]  }
0x3d: {  	_ =	shalt  }
0x3e: {  	_ =	shalt  }
0x3f: {  	_ =	shalt  }
0x40: {  	_ =	shalt  }
0x41: {  	_ =	shalt  }
0x42: {  	_ =	shalt  }
0x43: {  	_ =	shalt  }
0x44: {  	_ =	shalt  }
0x45: {  	_ =	shalt  }
0x46: {  	_ =	shalt  }
0x47: {  	_ =	shalt  }
0x48: {  	_ =	shalt  }
0x49: {  	_ =	shalt  }
0x4a: {  	_ =	shalt  }
0x4b: {  	_ =	shalt  }
0x4c: {  	_ =	shalt  }
0x4d: {  	_ =	shalt  }
0x4e: {  	_ =	shalt  }
0x4f: {  	_ =	shalt  }
0x50: {  	_ =	shalt  }
0x51: {  	_ =	shalt  }
0x52: {  	_ =	shalt  }
0x53: {  	_ =	shalt  }
0x54: {  	_ =	shalt  }
0x55: {  	_ =	shalt  }
0x56: {  	_ =	shalt  }
0x57: {  	_ =	shalt  }
0x58: {  	_ =	shalt  }
0x59: {  	_ =	shalt  }
0x5a: {  	_ =	shalt  }
0x5b: {  	_ =	shalt  }
0x5c: {  	_ =	shalt  }
0x5d: {  	_ =	shalt  }
0x5e: {  	_ =	shalt  }
0x5f: {  	_ =	shalt  }
0x60: {  	_ =	shalt  }
0x61: {  	_ =	shalt  }
0x62: {  	_ =	shalt  }
0x63: {  	_ =	shalt  }
0x64: {  	_ =	shalt  }
0x65: {  	_ =	shalt  }
0x66: {  	_ =	shalt  }
0x67: {  	_ =	shalt  }
0x68: {  	_ =	shalt  }
0x69: {  	_ =	shalt  }
0x6a: {  	_ =	shalt  }
0x6b: {  	_ =	shalt  }
0x6c: {  	_ =	shalt  }
0x6d: {  	_ =	shalt  }
0x6e: {  	_ =	shalt  }
0x6f: {  	_ =	shalt  }
0x70: {  	_ =	shalt  }
0x71: {  	_ =	shalt  }
0x72: {  	_ =	shalt  }
0x73: {  	_ =	shalt  }
0x74: {  	_ =	shalt  }
0x75: {  	_ =	shalt  }
0x76: {  	_ =	shalt  }
0x77: {  	_ =	shalt  }
0x78: {  	_ =	shalt  }
0x79: {  	_ =	shalt  }
0x7a: {  	_ =	shalt  }
0x7b: {  	_ =	shalt  }
0x7c: {  	_ =	shalt  }
0x7d: {  	_ =	shalt  }
0x7e: {  	_ =	shalt  }
0x7f: {  	_ =	shalt  }
0x80: {  	_ =	shalt  }
0x81: {  	_ =	shalt  }
0x82: {  	_ =	shalt  }
0x83: {  	_ =	shalt  }
0x84: {  	_ =	shalt  }
0x85: {  	_ =	shalt  }
0x86: {  	_ =	shalt  }
0x87: {  	_ =	shalt  }
.Lfunc_end0:
.L_simem_size_0:
called_computation.8_lowered:
.L_overlay_start_0:
0x88: {  	s2 =	sld [smem:$0x3FD9]  }
0x89: {  	s3 =	sld [smem:$0x3FFE];
	_ =	sdelay $0x1  }
0x8a: {  	s1 =	srdreg.scid  }
0x8b: {  	s0 =	sand.u32 $0x1, s1  }
0x8c: {  	s17 =	sshll.u32 s0, $0xA;
	s2 =	sadd.s32 s3, s2  }
0x8d: {  	s2 =	sadd.s32 s2, s17  }
0x8e: {  	[smem:$0x3FC1] =	sst s2  }
0x8f: {  	_ = 	snop  }
0x90: {  	s18 =	sld [smem:$0x3FD0];
	(tm) =	ssettm $0x1  }
0x91: {  	s19 =	sld [smem:$0x3FFB];
	_ =	sdelay $0x3  }
0x92: {  	_ =	strace s19  }
0x93: {  	s2 =	sld [smem:$0x3FFC];
	_ =	sdelay $0x3  }
0x94: {  	_ =	strace s2  }
0x95: {  	s2 =	sld [smem:$0x3FFD];
	_ =	sdelay $0x3  }
0x96: {  	_ =	strace s2  }
0x97: {  	_ =	strace $0x8FFFFFFF  }
0x98: {  	s20 =	sld [smem:$0x3FDB];
	_ =	sdelay $0x1  }
0x99: {  	s4 =	simm.s32 $_scs_section_size  }
0x9a: {  	s5 =	simm.s32 $_size__tile_overlayer_lowered;
	s6 =	simm.s32 $_tile_overlayer_lowered  }
0x9b: {  	s7 =	simm.s32 $0x1BFF;
	s21 =	sshll.u32 s6, $0x1;
	s4 =	sadd.s32 s4, s20  }
0x9c: {  	s22 =	simm.s32 $0x0;
	s5 =	sshll.u32 s5, $0x1;
	s6 =	sadd.s32 s21, s4  }
0x9d: {  	[timem:s22], [sflag:s7] =	dma.local [hbm:s6], s5  }
0x9e: {  	_ =	swait.ge [sflag:s7], s5  }
0x9f: {  	s5 =	ssub.s32 $0x0, s5;
	[sflag:s7] =	ssyncset.done $0x0  }
0xa0: {  	[sflag:s7] =	ssyncadd.s32 s5;
	_ =	sdelay $0x1  }
0xa1: {  	s23 =	simm.s32 $0x1B8B  }
0xa2: {  	_ =	swait.ge [sflag:s23], $0x1  }
0xa3: {  	[sflag:s23] =	ssyncset.done $0x0  }
0xa4: {  	[sflag:s23] =	ssyncadd.s32 $0xFFFFFFFF  }
0xa5: {  	s5 =	sld [smem:$0x0]  }
0xa6: {  	s6 =	sand.u32 $0xFFFFFFFE, s1  }
0xa7: {  	p0 =	sne.s32 s1, s6  }
0xa8: {  	s6 =	sshll.u32 @p0 s6, $0xE  }
0xa9: {  	s6 =	sadd.s32 @p0 $0x11B8D, s6;
	s7 =	sshll.u32 @p0 s5, $0x11  }
0xaa: {  	s6 =	sor.u32 @p0 s7, s6  }
0xab: {  	[sflag:s6] =	ssyncadd.remote.s32 @p0 $0x1;
	_ =	sdelay $0x1  }
0xac: {  	s6 =	simm.s32 @p0 $0x1B8D  }
0xad: {  	_ =	swait.eq @p0 [sflag:s6], $0x1  }
0xae: {  	[sflag:s6] =	ssyncadd.s32 @p0 $0xFFFFFFFF  }
0xaf: {  	s7 =	sshll.u32 @!p0 s1, $0xE  }
0xb0: {  	s7 =	sor.u32 @!p0 $0x4000, s7;
	s6 =	simm.s32 @!p0 $0x1B8D  }
0xb1: {  	s5 =	sshll.u32 @!p0 s5, $0x11;
	s7 =	sadd.s32 @!p0 $0x11B8D, s7;
	_ =	swait.eq @!p0 [sflag:s6], $0x1  }
0xb2: {  	s5 =	sor.u32 @!p0 s5, s7;
	[sflag:s6] =	ssyncadd.s32 @!p0 $0xFFFFFFFF  }
0xb3: {  	s25 =	simm.s32 $0x1B8E;
	s24 =	sld [smem:$0x3FFE];
	[sflag:s5] =	ssyncadd.remote.s32 @!p0 $0x1  }
0xb4: {  	s26 =	simm.s32 $execute0_lowered;
	[smem:$0x3FD2] =	sst s25  }
0xb5: {  	s6 =	sshll.u32 s26, $0x1;
	_ =	strace $0x8000005E;
	[dreg:$0x1] =	wrdreg $0xFFFFFFFF  }
0xb6: {  	s28 =	simm.s32 $_size_execute0_lowered;
	s4 =	sadd.s32 s4, s6;
	[dreg:$0x0] =	wrdreg $0x0  }
0xb7: {  	s6 =	sshll.u32 s28, $0x1;
	[dreg:$0x2] =	wrdreg s4  }
0xb8: {  	[dreg:$0x3] =	wrdreg s6  }
0xb9: {  	[dreg:$0x4] =	wrdreg $0xC0  }
0xba: {  	_ =	task [dreg:s22], $0x5FFFF  }
0xbb: {  	[dreg:$0x1] =	wrdreg $0xFFFFFFFF  }
0xbc: {  	[dreg:$0x0] =	wrdreg $0x60  }
0xbd: {  	[dreg:$0x2] =	wrdreg s24  }
0xbe: {  	[dreg:$0x3] =	wrdreg s18  }
0xbf: {  	[dreg:$0x4] =	wrdreg $0x40800  }
0xc0: {  	[dreg:$0x5] =	wrdreg $0xB  }
0xc1: {  	_ =	task.clear_ibuf [dreg:s22], $0x6FFFF;
	_ =	strace $0x9000005E  }
0xc2: {  	s29 =	simm.s32 $0xB;
	_ =	strace $0x80000060  }
0xc3: {  	_ =	swait.ge [sflag:s29], $0x1  }
0xc4: {  	[sflag:s29] =	ssyncadd.s32 $0xFFFFFFFF  }
0xc5: {  	_ =	strace $0x90000060  }
0xc6: {  	_ =	sfence  }
0xc7: {  	s30 =	sld [smem:$0x0];
	_ =	sdelay $0x2  }
0xc8: {  	s31 =	sshll.u32 s1, $0xD;
	s1 =	sshrl.u32 s1, $0x2  }
0xc9: {  	s4 =	sand.u32 $0x4000, s31;
	s1 =	sadd.s32 s1, s30  }
0xca: {  	s0 =	sor.u32 s4, s0;
	s1 =	sshll.u32 s1, $0x11  }
0xcb: {  	s0 =	sor.u32 s1, s0  }
0xcc: {  	s0 =	sadd.s32 $0x8F2B, s0  }
0xcd: {  	[sflag:s0] =	ssyncadd.remote.s32 $0x1  }
0xce: {  	_ =	sfence.sel $0xFFFF  }
0xcf: {  	[dreg:$0x0] =	wrdreg $0xFFFFFFFF;
	(pc) =	sbr.abs _section_cstart, $3  }
0xd0: {  	[dreg:$0x1] =	wrdreg $0xFFFFFFFF  }
0xd1: {  	_ =	task.clear_ibuf [dreg:s22], $0x2FFFF;
	_ =	strace $0x9FFFFFFF  }
0xd2: {  	(tm) =	ssettm $0x7FFFFFFF  }
0xd3: {  	_ =	shalt  }
tec
execute0_lowered:
.L_overlay_start_1:
0x0: {  	(tag) =	ssettag $0x1  }
0x1: {  	s5 =	rddreg [dreg:$0x0]  }
0x2: {  	s1 =	rddreg [dreg:$0x1]  }
0x3: {  	s0 =	srdreg.scid;
	s3 =	stileid.u32  }
0x4: {  	s2 =	rddreg [dreg:$0x2];
	s4 =	simm.s32 $0x0;
	s9 =	smul.u32 $0x14000, s3  }
0x5: {  	s6 =	sand.u32 $0x1, s0;
	s0 =	rddreg [dreg:$0x3];
	s24 =	smul.u32 $0x50000, s3  }
0x6: {  	[smem:$0x7FF] =	sst s4;
	s28 =	sshll.u32 s3, $0x6;
	s7 =	smul.u32 $0x3E800, s6  }
0x7: {  	s29 =	sshll.u32 s3, $0xB;
	s31 =	sshll.u32 s3, $0x4;
	s8 =	smul.u32 $0x140000, s6  }
0x8: {  	_ =	strace $0x8000005F;
	s10 =	smul.u32 $0x7D0, s6;
	s6 =	ssub.s32 $0x2, s6  }
0x9: {  	s25 =	sshrl.u32 s6, $0x1;
	s26 =	sshrl.u32 s24, $0x2;
	s7 =	sadd.s32 s7, s5  }
0xa: {  	s8 =	sadd.s32 s9, s8;
	s10 =	sadd.s32 s10, s5;
	s11 =	ssub.s32 s6, s25  }
0xb: {  	s12 =	sadd.s32 s26, s2;
	s8 =	sshrl.u32 s8, $0x3;
	s30 =	sadd.s32 s29, s7  }
0xc: {  	s7 =	smax.u32 s11, $0x1;
	s9 =	sadd.s32 s31, s10;
	s10 =	sshrl.u32 s12, $0x3  }
0xd: {  	s8 =	sadd.s32 s8, s5;
	s5 =	sor.u32 $0x1C01, s28;
	s9 =	sadd.s32 $0x87A00, s9  }
0xe: {  	s11 =	simm.s32 $0x1;
	s6 =	sadd.s32 $0x129A00, s8;
	s8 =	sadd.s32 $0x433200, s30  }
.LBB2_1:
0xf: {  	[spmem:s10], [sflag:s5] =	dma.local [hbm:s1], $0x2800  }
0x10: {  	_ =	swait.ge [sflag:s11], $0x2800  }
0x11: {  	s12 =	sadd.s32 $0x0, s3;
	[sflag:s11] =	ssyncset.done $0x0  }
0x12: {  	p0 =	sgt.u32 s12, $0x7C;
	[sflag:s11] =	ssyncadd.s32 $0xFFFFD800  }
0x13: {  	s12 =	simm.s32 @!p0 $0x0;
	s14 =	simm.s32 @!p0 $0x2;
	[bflag:$0x0] =	sbarrier.arrive $0xFFFF  }
0x14: {  	[tilespmem:s12], [sflag:$0x2] =	stream.linear.gather @!p0 [hbm4b:s9+s12], $0x80, $0x38;
	[tilespmem:$0x18080] =	vst v63  }
0x15: {  	_ =	swait.ge @!p0 [sflag:s14], $0x80  }
0x16: {  	[sflag:s14] =	ssyncset.done @!p0 $0x0;
	p0 =	por p0, p0  }
0x17: {  	[sflag:s14] =	ssyncadd.s32 @!p0 $0xFFFFFF80;
	s16 =	simm.s32 @!p0 $0x80  }
0x18: {  	[tilespmem:s16], [sflag:$0x2] =	stream.linear.gather @!p0 [hbm4b:s8+s12], $0x4000, $0x38;
	[tilespmem:$0x18080] =	vst v63  }
0x19: {  	_ =	swait.ge @!p0 [sflag:s14], $0x4000  }
0x1a: {  	[sflag:s14] =	ssyncset.done @!p0 $0x0  }
0x1b: {  	s31 =	sadd.s32 $0x10, s3;
	s15 =	simm.s32 @!p0 $0x1;
	[sflag:s14] =	ssyncadd.s32 @!p0 $0xFFFFC000  }
0x1c: {  	[spmem:s2] =	stream.indirect.scatter.add.f32 @!p0 [tilespmem:s16], [sflag:$0x1], $0x80, s12, s16, $0xb8;
	[tilespmem:$0x18080] =	vst v63  }
0x1d: {  	s13 =	simm.s32 $0x20;
	p1 =	sgt.u32 s31, $0x7C;
	_ =	swait.ge @!p0 [sflag:s15], $0x4000  }
0x1e: {  	s14 =	sadd.s32 $0x100, s9;
	s12 =	sadd.s32 $0x8000, s8;
	[sflag:s15] =	ssyncset.done @!p0 $0x0  }
.LBB2_2:
0x1f: {  	s16 =	simm.s32 @!p1 $0x0;
	s17 =	simm.s32 @!p1 $0x2;
	[sflag:s15] =	ssyncadd.s32 @!p0 $0xFFFFC000  }
0x20: {  	[tilespmem:s16], [sflag:$0x2] =	stream.linear.gather @!p1 [hbm4b:s14+s16], $0x80, $0x38;
	[tilespmem:$0x18080] =	vst v63  }
0x21: {  	s18 =	smov.u32 s13;
	s13 =	sadd.s32 $0x10, s13;
	_ =	swait.ge @!p1 [sflag:s17], $0x80  }
0x22: {  	p0 =	por p1, p1;
	p2 =	sne.s32 s13, $0x80;
	[sflag:s17] =	ssyncset.done @!p1 $0x0  }
0x23: {  	s19 =	simm.s32 @!p0 $0x80;
	[sflag:s17] =	ssyncadd.s32 @!p0 $0xFFFFFF80  }
0x24: {  	[tilespmem:s19], [sflag:$0x2] =	stream.linear.gather @!p0 [hbm4b:s12+s16], $0x4000, $0x38;
	[tilespmem:$0x18080] =	vst v63  }
0x25: {  	_ =	swait.ge @!p0 [sflag:s17], $0x4000  }
.Ltmp0:
0x26: {  	[sflag:s17] =	ssyncset.done @!p0 $0x0;
	(pc) =	sbr.rel @p2 .LBB2_2-.Ltmp0, $4  }
0x27: {  	s15 =	simm.s32 @!p0 $0x1;
	[sflag:s17] =	ssyncadd.s32 @!p0 $0xFFFFC000  }
0x28: {  	[spmem:s2] =	stream.indirect.scatter.add.f32 @!p0 [tilespmem:s19], [sflag:$0x1], $0x80, s16, s19, $0xb8;
	[tilespmem:$0x18080] =	vst v63  }
0x29: {  	s14 =	sadd.s32 $0x100, s14;
	s16 =	sadd.s32 s18, s3;
	_ =	swait.ge @!p0 [sflag:s15], $0x4000  }
0x2a: {  	s12 =	sadd.s32 $0x8000, s12;
	p1 =	sgt.u32 s16, $0x7C;
	[sflag:s15] =	ssyncset.done @!p0 $0x0  }
0x2b: {  	s13 =	simm.s32 @!p1 $0x0;
	s16 =	simm.s32 @!p1 $0x2;
	[sflag:s15] =	ssyncadd.s32 @!p0 $0xFFFFC000  }
0x2c: {  	[tilespmem:s13], [sflag:$0x2] =	stream.linear.gather @!p1 [hbm4b:s14+s13], $0x80, $0x38;
	[tilespmem:$0x18080] =	vst v63  }
0x2d: {  	_ =	swait.ge @!p1 [sflag:s16], $0x80  }
0x2e: {  	p0 =	por p1, p1;
	[sflag:s16] =	ssyncset.done @!p1 $0x0  }
0x2f: {  	s14 =	simm.s32 @!p0 $0x80;
	[sflag:s16] =	ssyncadd.s32 @!p0 $0xFFFFFF80  }
0x30: {  	[tilespmem:s14], [sflag:$0x2] =	stream.linear.gather @!p0 [hbm4b:s12+s13], $0x4000, $0x38;
	[tilespmem:$0x18080] =	vst v63  }
0x31: {  	_ =	swait.ge @!p0 [sflag:s16], $0x4000  }
0x32: {  	[sflag:s16] =	ssyncset.done @!p0 $0x0  }
0x33: {  	s12 =	simm.s32 @!p0 $0x1;
	[sflag:s16] =	ssyncadd.s32 @!p0 $0xFFFFC000  }
0x34: {  	[spmem:s2] =	stream.indirect.scatter.add.f32 @!p0 [tilespmem:s14], [sflag:$0x1], $0x80, s13, s14, $0xb8;
	[tilespmem:$0x18080] =	vst v63  }
0x35: {  	_ =	swait.ge @!p0 [sflag:s12], $0x4000  }
0x36: {  	s4 =	sadd.s32 $0x1, s4;
	[sflag:s12] =	ssyncset.done @!p0 $0x0  }
0x37: {  	[sflag:s12] =	ssyncadd.s32 @!p0 $0xFFFFC000;
	p0 =	sne.s32 s4, s7  }
.Ltmp1:
0x38: {  	[bflag:$0x0] =	sbarrier.arrive $0xFFFF;
	(pc) =	sbr.rel @p0 .LBB2_1-.Ltmp1, $4  }
0x39: {  	[hbm:s6], [sflag:s5] =	dma.local [spmem:s10], $0x2800  }
0x3a: {  	_ =	swait.ge [sflag:s11], $0x2800  }
0x3b: {  	[sflag:s11] =	ssyncset.done $0x0  }
0x3c: {  	[sflag:s11] =	ssyncadd.s32 $0xFFFFD800  }
0x3d: {  	_ =	sfence.sel $0x180000  }
0x3e: {  	[bflag:$0x0] =	sbarrier.arrive $0xFFFF  }
0x3f: {  	p0 =	sne.s32 s3, $0x0;
	_ =	strace $0x9000005F  }
0x40: {  	s0 =	sadd.s32 @!p0 $0x100000, s0;
	[bflag:$0x2] =	sbarrier.arrive $0xFFFF  }
0x41: {  	[sflag:s0] =	ssyncadd.tile.s32 @!p0 $0x1;
	_ =	shalt  }
.Lfunc_end2:
_tile_overlayer_lowered:
.L_overlay_start_2:
0x42: {  	(tag) =	ssettag $0x2  }
0x43: {  	s0 =	rddreg [dreg:$0x0];
	s2 =	stileid.u32  }
0x44: {  	s1 =	rddreg [dreg:$0x1];
	p0 =	sne.s32 s2, $0x0  }
0x45: {  	s3 =	rddreg [dreg:$0x2];
	[bflag:$0x3] =	sbarrier.arrive $0xFFFF;
	s2 =	simm.s32 @!p0 $0x1C01  }
0x46: {  	[timem:s3], [sflag:s2] =	dma.local @!p0 [hbm:s0], s1  }
0x47: {  	s0 =	simm.s32 @!p0 $0x1  }
0x48: {  	_ =	swait.ge @!p0 [sflag:s0], s1  }
0x49: {  	s1 =	ssub.s32 @!p0 $0x0, s1;
	[sflag:s0] =	ssyncset.done @!p0 $0x0  }
0x4a: {  	[sflag:s0] =	ssyncadd.s32 @!p0 s1  }
0x4b: {  	[bflag:$0x3] =	sbarrier.arrive $0xFFFF  }
0x4c: {  	_ =	shalt  }

// kernel: kernel.45.cloned.1.call-start
scs
__scs_entry_jumppad:
0x0: {  	(pc) =	sbr.rel $0x88, $3  }
0x1: {  	(tag) =	ssettag $0x0;
	lr =	simm.s32 $0x1  }
0x2: {  	[smem:$0x3F9A] =	sst lr;
	_ =	strace $0xD0000000  }
0x3: {  	_ = 	snop  }
0x4: {  	_ = 	snop  }
0x5: {  	_ = 	snop  }
0x6: {  	_ = 	snop  }
0x7: {  	_ = 	snop  }
__scs_overlays_trampoline_lowered:
0x8: {  	[smem:$0x3FA9] =	sst s0  }
0x9: {  	[smem:$0x3FAA] =	sst s1  }
0xa: {  	[smem:$0x3FAB] =	sst s2  }
0xb: {  	[smem:$0x3FAC] =	sst s3  }
0xc: {  	[smem:$0x3FAD] =	sst s4  }
0xd: {  	[smem:$0x3FAE] =	sst s5  }
0xe: {  	[smem:$0x3FAF] =	sst s6  }
0xf: {  	[smem:$0x3FB0] =	sst s7  }
0x10: {  	[smem:$0x3FB1] =	sst s8  }
0x11: {  	[smem:$0x3FB2] =	sst s9;
	s0 =	simm.s32 @!p0 $0x0  }
0x12: {  	s1 =	sld [smem:$0x3F98];
	s0 =	simm.s32 @p0 $0x1  }
0x13: {  	[smem:$0x3FB3] =	sst s0;
	s0 =	simm.s32 @!p1 $0x0  }
0x14: {  	s2 =	sld [smem:$0x3F97];
	s0 =	simm.s32 @p1 $0x1  }
0x15: {  	[smem:$0x3FB4] =	sst s0;
	s0 =	simm.s32 @!p2 $0x0  }
0x16: {  	s3 =	sld [smem:$0x3FDB];
	s0 =	simm.s32 @p2 $0x1  }
0x17: {  	s4 =	simm.s32 $0x1BF5;
	[smem:$0x3FB6] =	sst s0  }
0x18: {  	s0 =	sld [smem:$0x3F99];
	_ =	swait.ge [sflag:s4], $0x0  }
0x19: {  	s7 =	sld [smem:$0x3F9A]  }
0x1a: {  	s8 =	sadd.s32 $0xFFFFE003, lr  }
0x1b: {  	s9 =	sadd.s32 $0xFFFFFEF7, lr;
	s5 =	simm.s32 $0xFFFFFFFF;
	p2 =	slt.u32 s8, $0xFFFFF086  }
0x1c: {  	p1 =	slt.u32 s9, $0xF7A;
	s5 =	simm.s32 @!p2 $0x0  }
0x1d: {  	s5 =	simm.s32 @p1 $0x1;
	p0 =	seq.s32 s7, s2  }
0x1e: {  	s7 =	smul.u32 @!p0 $0xF7A, s2;
	p2 =	seq.s32 @!p0 s5, $0x0  }
0x1f: {  	s9 =	smul.u32 $0xF7A, s1;
	s8 =	simm.s32 @!p0 $0x1BF5;
	p2 =	por !p2, p0  }
0x20: {  	[sflag:s8] =	ssyncset.s32 @!p0 $0xFFFFF086;
	s6 =	sadd.s32 @!p0 s3, s7;
	s7 =	simm.s32 @!p0 $0x108  }
0x21: {  	s3 =	sadd.s32 s3, s9;
	s6 =	sadd.s32 @!p0 $0x88, s6;
	s7 =	simm.s32 @p2 $0x1082  }
0x22: {  	[simem:s7], [sflag:s8] =	dma.local @!p0 [hbm:s6], $0xF7A  }
0x23: {  	s9 =	sor.u32 $0xD0000000, s2;
	s6 =	simm.s32 $0x108;
	_ =	swait.ge @!p0 [sflag:s8], $0x0  }
0x24: {  	s3 =	sadd.s32 $0x88, s3;
	s6 =	simm.s32 @!p1 $0x1082;
	[sflag:s4] =	ssyncset.s32 $0xFFFFF086  }
0x25: {  	[simem:s6], [sflag:s4] =	dma.local [hbm:s3], $0xF7A  }
0x26: {  	[smem:$0x3F9A] =	sst s1;
	(tag) =	ssettag s2;
	_ =	strace s9  }
0x27: {  	s1 =	sld [smem:$0x3FAA]  }
0x28: {  	s2 =	sld [smem:$0x3FAB]  }
0x29: {  	s4 =	sld [smem:$0x3FAD]  }
0x2a: {  	p0 =	seq.s32 s5, $0x0;
	s5 =	sld [smem:$0x3FAE]  }
0x2b: {  	s6 =	sld [smem:$0x3FAF]  }
0x2c: {  	s7 =	sld [smem:$0x3FB0]  }
0x2d: {  	s3 =	simm.s32 $0x108;
	s8 =	sld [smem:$0x3FB1]  }
0x2e: {  	s3 =	simm.s32 @!p0 $0x1082;
	s9 =	sld [smem:$0x3FB2]  }
0x2f: {  	lr =	sadd.s32 s0, s3;
	s0 =	sld [smem:$0x3FA9]  }
0x30: {  	s3 =	sld [smem:$0x3FAC]  }
0x31: {  	[smem:$0x3FB5] =	sst s10  }
0x32: {  	s10 =	sld [smem:$0x3FB3];
	_ =	sdelay $0x3  }
0x33: {  	p0 =	seq.s32 s10, $0x1;
	s10 =	sld [smem:$0x3FB5];
	_ =	sdelay $0x3  }
0x34: {  	[smem:$0x3FB5] =	sst s10  }
0x35: {  	s10 =	sld [smem:$0x3FB4];
	_ =	sdelay $0x3  }
0x36: {  	p1 =	seq.s32 s10, $0x1;
	s10 =	sld [smem:$0x3FB5];
	_ =	sdelay $0x3  }
0x37: {  	[smem:$0x3FB5] =	sst s10  }
0x38: {  	s10 =	sld [smem:$0x3FB6]  }
0x39: {  	_ = 	snop;
	(pc) =	sbr.ind lr, $3  }
0x3a: {  	_ = 	snop  }
0x3b: {  	_ = 	snop  }
0x3c: {  	p2 =	seq.s32 s10, $0x1;
	s10 =	sld [smem:$0x3FB5]  }
0x3d: {  	_ =	shalt  }
0x3e: {  	_ =	shalt  }
0x3f: {  	_ =	shalt  }
0x40: {  	_ =	shalt  }
0x41: {  	_ =	shalt  }
0x42: {  	_ =	shalt  }
0x43: {  	_ =	shalt  }
0x44: {  	_ =	shalt  }
0x45: {  	_ =	shalt  }
0x46: {  	_ =	shalt  }
0x47: {  	_ =	shalt  }
0x48: {  	_ =	shalt  }
0x49: {  	_ =	shalt  }
0x4a: {  	_ =	shalt  }
0x4b: {  	_ =	shalt  }
0x4c: {  	_ =	shalt  }
0x4d: {  	_ =	shalt  }
0x4e: {  	_ =	shalt  }
0x4f: {  	_ =	shalt  }
0x50: {  	_ =	shalt  }
0x51: {  	_ =	shalt  }
0x52: {  	_ =	shalt  }
0x53: {  	_ =	shalt  }
0x54: {  	_ =	shalt  }
0x55: {  	_ =	shalt  }
0x56: {  	_ =	shalt  }
0x57: {  	_ =	shalt  }
0x58: {  	_ =	shalt  }
0x59: {  	_ =	shalt  }
0x5a: {  	_ =	shalt  }
0x5b: {  	_ =	shalt  }
0x5c: {  	_ =	shalt  }
0x5d: {  	_ =	shalt  }
0x5e: {  	_ =	shalt  }
0x5f: {  	_ =	shalt  }
0x60: {  	_ =	shalt  }
0x61: {  	_ =	shalt  }
0x62: {  	_ =	shalt  }
0x63: {  	_ =	shalt  }
0x64: {  	_ =	shalt  }
0x65: {  	_ =	shalt  }
0x66: {  	_ =	shalt  }
0x67: {  	_ =	shalt  }
0x68: {  	_ =	shalt  }
0x69: {  	_ =	shalt  }
0x6a: {  	_ =	shalt  }
0x6b: {  	_ =	shalt  }
0x6c: {  	_ =	shalt  }
0x6d: {  	_ =	shalt  }
0x6e: {  	_ =	shalt  }
0x6f: {  	_ =	shalt  }
0x70: {  	_ =	shalt  }
0x71: {  	_ =	shalt  }
0x72: {  	_ =	shalt  }
0x73: {  	_ =	shalt  }
0x74: {  	_ =	shalt  }
0x75: {  	_ =	shalt  }
0x76: {  	_ =	shalt  }
0x77: {  	_ =	shalt  }
0x78: {  	_ =	shalt  }
0x79: {  	_ =	shalt  }
0x7a: {  	_ =	shalt  }
0x7b: {  	_ =	shalt  }
0x7c: {  	_ =	shalt  }
0x7d: {  	_ =	shalt  }
0x7e: {  	_ =	shalt  }
0x7f: {  	_ =	shalt  }
0x80: {  	_ =	shalt  }
0x81: {  	_ =	shalt  }
0x82: {  	_ =	shalt  }
0x83: {  	_ =	shalt  }
0x84: {  	_ =	shalt  }
0x85: {  	_ =	shalt  }
0x86: {  	_ =	shalt  }
0x87: {  	_ =	shalt  }
.Lfunc_end0:
.L_simem_size_0:
called_computation.9_lowered:
.L_overlay_start_0:
0x88: {  	s2 =	sld [smem:$0x3FD9]  }
0x89: {  	s3 =	sld [smem:$0x3FFE];
	_ =	sdelay $0x1  }
0x8a: {  	s1 =	srdreg.scid  }
0x8b: {  	s0 =	sand.u32 $0x1, s1  }
0x8c: {  	s17 =	sshll.u32 s0, $0xA;
	s2 =	sadd.s32 s3, s2  }
0x8d: {  	s2 =	sadd.s32 s2, s17  }
0x8e: {  	[smem:$0x3FC1] =	sst s2  }
0x8f: {  	_ = 	snop  }
0x90: {  	s18 =	sld [smem:$0x3FD0];
	(tm) =	ssettm $0x1  }
0x91: {  	s19 =	sld [smem:$0x3FFB];
	_ =	sdelay $0x3  }
0x92: {  	_ =	strace s19  }
0x93: {  	s2 =	sld [smem:$0x3FFC];
	_ =	sdelay $0x3  }
0x94: {  	_ =	strace s2  }
0x95: {  	s2 =	sld [smem:$0x3FFD];
	_ =	sdelay $0x3  }
0x96: {  	_ =	strace s2  }
0x97: {  	_ =	strace $0x8FFFFFFF  }
0x98: {  	s20 =	sld [smem:$0x3FDB];
	_ =	sdelay $0x1  }
0x99: {  	s4 =	simm.s32 $_scs_section_size  }
0x9a: {  	s5 =	simm.s32 $_size__tile_overlayer_lowered;
	s6 =	simm.s32 $_tile_overlayer_lowered  }
0x9b: {  	s7 =	simm.s32 $0x1BFF;
	s21 =	sshll.u32 s6, $0x1;
	s4 =	sadd.s32 s4, s20  }
0x9c: {  	s22 =	simm.s32 $0x0;
	s5 =	sshll.u32 s5, $0x1;
	s6 =	sadd.s32 s21, s4  }
0x9d: {  	[timem:s22], [sflag:s7] =	dma.local [hbm:s6], s5  }
0x9e: {  	_ =	swait.ge [sflag:s7], s5  }
0x9f: {  	s5 =	ssub.s32 $0x0, s5;
	[sflag:s7] =	ssyncset.done $0x0  }
0xa0: {  	[sflag:s7] =	ssyncadd.s32 s5;
	_ =	sdelay $0x1  }
0xa1: {  	s23 =	simm.s32 $0x1B8B  }
0xa2: {  	_ =	swait.ge [sflag:s23], $0x1  }
0xa3: {  	[sflag:s23] =	ssyncset.done $0x0  }
0xa4: {  	[sflag:s23] =	ssyncadd.s32 $0xFFFFFFFF  }
0xa5: {  	s5 =	sld [smem:$0x0]  }
0xa6: {  	s6 =	sand.u32 $0xFFFFFFFE, s1  }
0xa7: {  	p0 =	sne.s32 s1, s6  }
0xa8: {  	s6 =	sshll.u32 @p0 s6, $0xE  }
0xa9: {  	s6 =	sadd.s32 @p0 $0x11B8D, s6;
	s7 =	sshll.u32 @p0 s5, $0x11  }
0xaa: {  	s6 =	sor.u32 @p0 s7, s6  }
0xab: {  	[sflag:s6] =	ssyncadd.remote.s32 @p0 $0x1;
	_ =	sdelay $0x1  }
0xac: {  	s6 =	simm.s32 @p0 $0x1B8D  }
0xad: {  	_ =	swait.eq @p0 [sflag:s6], $0x1  }
0xae: {  	[sflag:s6] =	ssyncadd.s32 @p0 $0xFFFFFFFF  }
0xaf: {  	s7 =	sshll.u32 @!p0 s1, $0xE  }
0xb0: {  	s7 =	sor.u32 @!p0 $0x4000, s7;
	s6 =	simm.s32 @!p0 $0x1B8D  }
0xb1: {  	s5 =	sshll.u32 @!p0 s5, $0x11;
	s7 =	sadd.s32 @!p0 $0x11B8D, s7;
	_ =	swait.eq @!p0 [sflag:s6], $0x1  }
0xb2: {  	s5 =	sor.u32 @!p0 s5, s7;
	[sflag:s6] =	ssyncadd.s32 @!p0 $0xFFFFFFFF  }
0xb3: {  	s25 =	simm.s32 $0x1B8E;
	s24 =	sld [smem:$0x3FFE];
	[sflag:s5] =	ssyncadd.remote.s32 @!p0 $0x1  }
0xb4: {  	s26 =	simm.s32 $execute0_lowered;
	[smem:$0x3FD2] =	sst s25  }
0xb5: {  	s6 =	sshll.u32 s26, $0x1;
	_ =	strace $0x80000061;
	[dreg:$0x1] =	wrdreg $0xFFFFFFFF  }
0xb6: {  	s28 =	simm.s32 $_size_execute0_lowered;
	s4 =	sadd.s32 s4, s6;
	[dreg:$0x0] =	wrdreg $0x0  }
0xb7: {  	s6 =	sshll.u32 s28, $0x1;
	[dreg:$0x2] =	wrdreg s4  }
0xb8: {  	[dreg:$0x3] =	wrdreg s6  }
0xb9: {  	[dreg:$0x4] =	wrdreg $0xC0  }
0xba: {  	_ =	task [dreg:s22], $0x5FFFF  }
0xbb: {  	[dreg:$0x1] =	wrdreg $0xFFFFFFFF  }
0xbc: {  	[dreg:$0x0] =	wrdreg $0x60  }
0xbd: {  	[dreg:$0x2] =	wrdreg s24  }
0xbe: {  	[dreg:$0x3] =	wrdreg s18  }
0xbf: {  	[dreg:$0x4] =	wrdreg $0x40800  }
0xc0: {  	[dreg:$0x5] =	wrdreg $0x9  }
0xc1: {  	_ =	task.clear_ibuf [dreg:s22], $0x6FFFF;
	_ =	strace $0x90000061  }
0xc2: {  	s29 =	simm.s32 $0x9;
	_ =	strace $0x80000063  }
0xc3: {  	_ =	swait.ge [sflag:s29], $0x1  }
0xc4: {  	[sflag:s29] =	ssyncadd.s32 $0xFFFFFFFF  }
0xc5: {  	_ =	strace $0x90000063  }
0xc6: {  	_ =	sfence  }
0xc7: {  	s30 =	sld [smem:$0x0];
	_ =	sdelay $0x2  }
0xc8: {  	s31 =	sshll.u32 s1, $0xD;
	s1 =	sshrl.u32 s1, $0x2  }
0xc9: {  	s4 =	sand.u32 $0x4000, s31;
	s1 =	sadd.s32 s1, s30  }
0xca: {  	s0 =	sor.u32 s4, s0;
	s1 =	sshll.u32 s1, $0x11  }
0xcb: {  	s0 =	sor.u32 s1, s0  }
0xcc: {  	s0 =	sadd.s32 $0x8F2B, s0  }
0xcd: {  	[sflag:s0] =	ssyncadd.remote.s32 $0x1  }
0xce: {  	_ =	sfence.sel $0xFFFF  }
0xcf: {  	[dreg:$0x0] =	wrdreg $0xFFFFFFFF;
	(pc) =	sbr.abs _section_cstart, $3  }
0xd0: {  	[dreg:$0x1] =	wrdreg $0xFFFFFFFF  }
0xd1: {  	_ =	task.clear_ibuf [dreg:s22], $0x2FFFF;
	_ =	strace $0x9FFFFFFF  }
0xd2: {  	(tm) =	ssettm $0x7FFFFFFF  }
0xd3: {  	_ =	shalt  }
tec
execute0_lowered:
.L_overlay_start_1:
0x0: {  	(tag) =	ssettag $0x1  }
0x1: {  	s5 =	rddreg [dreg:$0x0]  }
0x2: {  	s1 =	rddreg [dreg:$0x1]  }
0x3: {  	s0 =	srdreg.scid;
	s3 =	stileid.u32  }
0x4: {  	s2 =	rddreg [dreg:$0x2];
	s4 =	simm.s32 $0x0;
	s9 =	smul.u32 $0x14000, s3  }
0x5: {  	s6 =	sand.u32 $0x1, s0;
	s0 =	rddreg [dreg:$0x3];
	s24 =	smul.u32 $0x50000, s3  }
0x6: {  	[smem:$0x7FF] =	sst s4;
	s28 =	sshll.u32 s3, $0x6;
	s7 =	smul.u32 $0x3E800, s6  }
0x7: {  	s29 =	sshll.u32 s3, $0xB;
	s31 =	sshll.u32 s3, $0x4;
	s8 =	smul.u32 $0x140000, s6  }
0x8: {  	_ =	strace $0x80000062;
	s10 =	smul.u32 $0x7D0, s6;
	s6 =	ssub.s32 $0x2, s6  }
0x9: {  	s25 =	sshrl.u32 s6, $0x1;
	s26 =	sshrl.u32 s24, $0x2;
	s7 =	sadd.s32 s7, s5  }
0xa: {  	s8 =	sadd.s32 s9, s8;
	s10 =	sadd.s32 s10, s5;
	s11 =	ssub.s32 s6, s25  }
0xb: {  	s12 =	sadd.s32 s26, s2;
	s8 =	sshrl.u32 s8, $0x3;
	s30 =	sadd.s32 s29, s7  }
0xc: {  	s7 =	smax.u32 s11, $0x1;
	s9 =	sadd.s32 s31, s10;
	s10 =	sshrl.u32 s12, $0x3  }
0xd: {  	s8 =	sadd.s32 s8, s5;
	s5 =	sor.u32 $0x1C01, s28;
	s9 =	sadd.s32 $0x88A00, s9  }
0xe: {  	s11 =	simm.s32 $0x1;
	s6 =	sadd.s32 $0x1F6A00, s8;
	s8 =	sadd.s32 $0x179A00, s30  }
.LBB2_1:
0xf: {  	[spmem:s10], [sflag:s5] =	dma.local [hbm:s1], $0x2800  }
0x10: {  	_ =	swait.ge [sflag:s11], $0x2800  }
0x11: {  	s12 =	sadd.s32 $0x0, s3;
	[sflag:s11] =	ssyncset.done $0x0  }
0x12: {  	p0 =	sgt.u32 s12, $0x7C;
	[sflag:s11] =	ssyncadd.s32 $0xFFFFD800  }
0x13: {  	s12 =	simm.s32 @!p0 $0x0;
	s14 =	simm.s32 @!p0 $0x2;
	[bflag:$0x0] =	sbarrier.arrive $0xFFFF  }
0x14: {  	[tilespmem:s12], [sflag:$0x2] =	stream.linear.gather @!p0 [hbm4b:s9+s12], $0x80, $0x38;
	[tilespmem:$0x18080] =	vst v63  }
0x15: {  	_ =	swait.ge @!p0 [sflag:s14], $0x80  }
0x16: {  	[sflag:s14] =	ssyncset.done @!p0 $0x0;
	p0 =	por p0, p0  }
0x17: {  	[sflag:s14] =	ssyncadd.s32 @!p0 $0xFFFFFF80;
	s16 =	simm.s32 @!p0 $0x80  }
0x18: {  	[tilespmem:s16], [sflag:$0x2] =	stream.linear.gather @!p0 [hbm4b:s8+s12], $0x4000, $0x38;
	[tilespmem:$0x18080] =	vst v63  }
0x19: {  	_ =	swait.ge @!p0 [sflag:s14], $0x4000  }
0x1a: {  	[sflag:s14] =	ssyncset.done @!p0 $0x0  }
0x1b: {  	s31 =	sadd.s32 $0x10, s3;
	s15 =	simm.s32 @!p0 $0x1;
	[sflag:s14] =	ssyncadd.s32 @!p0 $0xFFFFC000  }
0x1c: {  	[spmem:s2] =	stream.indirect.scatter.add.f32 @!p0 [tilespmem:s16], [sflag:$0x1], $0x80, s12, s16, $0xb8;
	[tilespmem:$0x18080] =	vst v63  }
0x1d: {  	s13 =	simm.s32 $0x20;
	p1 =	sgt.u32 s31, $0x7C;
	_ =	swait.ge @!p0 [sflag:s15], $0x4000  }
0x1e: {  	s14 =	sadd.s32 $0x100, s9;
	s12 =	sadd.s32 $0x8000, s8;
	[sflag:s15] =	ssyncset.done @!p0 $0x0  }
.LBB2_2:
0x1f: {  	s16 =	simm.s32 @!p1 $0x0;
	s17 =	simm.s32 @!p1 $0x2;
	[sflag:s15] =	ssyncadd.s32 @!p0 $0xFFFFC000  }
0x20: {  	[tilespmem:s16], [sflag:$0x2] =	stream.linear.gather @!p1 [hbm4b:s14+s16], $0x80, $0x38;
	[tilespmem:$0x18080] =	vst v63  }
0x21: {  	s18 =	smov.u32 s13;
	s13 =	sadd.s32 $0x10, s13;
	_ =	swait.ge @!p1 [sflag:s17], $0x80  }
0x22: {  	p0 =	por p1, p1;
	p2 =	sne.s32 s13, $0x80;
	[sflag:s17] =	ssyncset.done @!p1 $0x0  }
0x23: {  	s19 =	simm.s32 @!p0 $0x80;
	[sflag:s17] =	ssyncadd.s32 @!p0 $0xFFFFFF80  }
0x24: {  	[tilespmem:s19], [sflag:$0x2] =	stream.linear.gather @!p0 [hbm4b:s12+s16], $0x4000, $0x38;
	[tilespmem:$0x18080] =	vst v63  }
0x25: {  	_ =	swait.ge @!p0 [sflag:s17], $0x4000  }
.Ltmp0:
0x26: {  	[sflag:s17] =	ssyncset.done @!p0 $0x0;
	(pc) =	sbr.rel @p2 .LBB2_2-.Ltmp0, $4  }
0x27: {  	s15 =	simm.s32 @!p0 $0x1;
	[sflag:s17] =	ssyncadd.s32 @!p0 $0xFFFFC000  }
0x28: {  	[spmem:s2] =	stream.indirect.scatter.add.f32 @!p0 [tilespmem:s19], [sflag:$0x1], $0x80, s16, s19, $0xb8;
	[tilespmem:$0x18080] =	vst v63  }
0x29: {  	s14 =	sadd.s32 $0x100, s14;
	s16 =	sadd.s32 s18, s3;
	_ =	swait.ge @!p0 [sflag:s15], $0x4000  }
0x2a: {  	s12 =	sadd.s32 $0x8000, s12;
	p1 =	sgt.u32 s16, $0x7C;
	[sflag:s15] =	ssyncset.done @!p0 $0x0  }
0x2b: {  	s13 =	simm.s32 @!p1 $0x0;
	s16 =	simm.s32 @!p1 $0x2;
	[sflag:s15] =	ssyncadd.s32 @!p0 $0xFFFFC000  }
0x2c: {  	[tilespmem:s13], [sflag:$0x2] =	stream.linear.gather @!p1 [hbm4b:s14+s13], $0x80, $0x38;
	[tilespmem:$0x18080] =	vst v63  }
0x2d: {  	_ =	swait.ge @!p1 [sflag:s16], $0x80  }
0x2e: {  	p0 =	por p1, p1;
	[sflag:s16] =	ssyncset.done @!p1 $0x0  }
0x2f: {  	s14 =	simm.s32 @!p0 $0x80;
	[sflag:s16] =	ssyncadd.s32 @!p0 $0xFFFFFF80  }
0x30: {  	[tilespmem:s14], [sflag:$0x2] =	stream.linear.gather @!p0 [hbm4b:s12+s13], $0x4000, $0x38;
	[tilespmem:$0x18080] =	vst v63  }
0x31: {  	_ =	swait.ge @!p0 [sflag:s16], $0x4000  }
0x32: {  	[sflag:s16] =	ssyncset.done @!p0 $0x0  }
0x33: {  	s12 =	simm.s32 @!p0 $0x1;
	[sflag:s16] =	ssyncadd.s32 @!p0 $0xFFFFC000  }
0x34: {  	[spmem:s2] =	stream.indirect.scatter.add.f32 @!p0 [tilespmem:s14], [sflag:$0x1], $0x80, s13, s14, $0xb8;
	[tilespmem:$0x18080] =	vst v63  }
0x35: {  	_ =	swait.ge @!p0 [sflag:s12], $0x4000  }
0x36: {  	s4 =	sadd.s32 $0x1, s4;
	[sflag:s12] =	ssyncset.done @!p0 $0x0  }
0x37: {  	[sflag:s12] =	ssyncadd.s32 @!p0 $0xFFFFC000;
	p0 =	sne.s32 s4, s7  }
.Ltmp1:
0x38: {  	[bflag:$0x0] =	sbarrier.arrive $0xFFFF;
	(pc) =	sbr.rel @p0 .LBB2_1-.Ltmp1, $4  }
0x39: {  	[hbm:s6], [sflag:s5] =	dma.local [spmem:s10], $0x2800  }
0x3a: {  	_ =	swait.ge [sflag:s11], $0x2800  }
0x3b: {  	[sflag:s11] =	ssyncset.done $0x0  }
0x3c: {  	[sflag:s11] =	ssyncadd.s32 $0xFFFFD800  }
0x3d: {  	_ =	sfence.sel $0x180000  }
0x3e: {  	[bflag:$0x0] =	sbarrier.arrive $0xFFFF  }
0x3f: {  	p0 =	sne.s32 s3, $0x0;
	_ =	strace $0x90000062  }
0x40: {  	s0 =	sadd.s32 @!p0 $0x100000, s0;
	[bflag:$0x2] =	sbarrier.arrive $0xFFFF  }
0x41: {  	[sflag:s0] =	ssyncadd.tile.s32 @!p0 $0x1;
	_ =	shalt  }
.Lfunc_end2:
_tile_overlayer_lowered:
.L_overlay_start_2:
0x42: {  	(tag) =	ssettag $0x2  }
0x43: {  	s0 =	rddreg [dreg:$0x0];
	s2 =	stileid.u32  }
0x44: {  	s1 =	rddreg [dreg:$0x1];
	p0 =	sne.s32 s2, $0x0  }
0x45: {  	s3 =	rddreg [dreg:$0x2];
	[bflag:$0x3] =	sbarrier.arrive $0xFFFF;
	s2 =	simm.s32 @!p0 $0x1C01  }
0x46: {  	[timem:s3], [sflag:s2] =	dma.local @!p0 [hbm:s0], s1  }
0x47: {  	s0 =	simm.s32 @!p0 $0x1  }
0x48: {  	_ =	swait.ge @!p0 [sflag:s0], s1  }
0x49: {  	s1 =	ssub.s32 @!p0 $0x0, s1;
	[sflag:s0] =	ssyncset.done @!p0 $0x0  }
0x4a: {  	[sflag:s0] =	ssyncadd.s32 @!p0 s1  }
0x4b: {  	[bflag:$0x3] =	sbarrier.arrive $0xFFFF  }
0x4c: {  	_ =	shalt  }

</sc_bundles>
